<compile_context>
chip_gen: v7x
topology: tpu7x:2x2x1
jax: 0.10.2.dev20260603
libtpu: 0.0.44.dev20260713+nightly
codegen_flags: <defaults>
</compile_context>

<pallas_src>
import functools

import jax
import jax.numpy as jnp
from jax import lax
from jax.experimental import pallas as pl
from jax.experimental.pallas import tpu as pltpu
from jax.experimental.pallas import tpu_sc as plsc

N = 16384
C = 192
TOPK = 5000
NPAD = 5120
BLK = 128
NBLK = NPAD // BLK
MAXOUT = 512
MIN_SCORE = 0.2
THR = 0.015625
SCALE = 4.0

_MBLK = 2048


def _head_body(f_ref, w_ref, b_ref, out_ref):
    acc = jnp.dot(f_ref[...], w_ref[...],
                  preferred_element_type=jnp.float32) + b_ref[...]
    i = pl.program_id(0) * _MBLK + lax.broadcasted_iota(
        jnp.int32, (_MBLK, 1), 0)
    r = (i // 128).astype(jnp.float32)
    c = (i % 128).astype(jnp.float32)
    loc0 = (r + 0.5) * SCALE + acc[:, 1:2] * SCALE
    loc1 = (c + 0.5) * SCALE + acc[:, 2:3] * SCALE
    out_ref[:, 0:1] = acc[:, 0:1]
    out_ref[:, 1:2] = loc0
    out_ref[:, 2:3] = loc1
    out_ref[:, 3:8] = jnp.zeros((_MBLK, 5), jnp.float32)


def _head(flat, w8, b8):
    return pl.pallas_call(
        _head_body,
        grid=(N // _MBLK,),
        in_specs=[
            pl.BlockSpec((_MBLK, C), lambda k: (k, 0)),
            pl.BlockSpec((C, 8), lambda k: (0, 0)),
            pl.BlockSpec((1, 8), lambda k: (0, 0)),
        ],
        out_specs=pl.BlockSpec((_MBLK, 8), lambda k: (k, 0)),
        out_shape=jax.ShapeDtypeStruct((N, 8), jnp.float32),
    )(flat, w8, b8)


_IBLK = 64


def _rank_body(scol_ref, srow_ref, out_ref):
    si = scol_ref[...]
    sa = srow_ref[...]
    gt = (sa > si).astype(jnp.int32)
    jidx = lax.broadcasted_iota(jnp.int32, (_IBLK, N), 1)
    iidx = (pl.program_id(0) * _IBLK
            + lax.broadcasted_iota(jnp.int32, (_IBLK, N), 0))
    tie = jnp.where((sa == si) & (jidx < iidx), 1, 0)
    out_ref[...] = jnp.sum(gt + tie, axis=1, keepdims=True)


def _ranks(scores):
    return pl.pallas_call(
        _rank_body,
        grid=(N // _IBLK,),
        in_specs=[
            pl.BlockSpec((_IBLK, 1), lambda k: (k, 0)),
            pl.BlockSpec((1, N), lambda k: (0, 0)),
        ],
        out_specs=pl.BlockSpec((_IBLK, 1), lambda k: (k, 0)),
        out_shape=jax.ShapeDtypeStruct((N, 1), jnp.int32),
    )(scores.reshape(N, 1), scores.reshape(1, N))


_NW = 32
_CH = N // _NW
_NJ = _CH // 128


def _scatter_body(rank_hbm, s_hbm, c0_hbm, c1_hbm,
                  out_s, out_c0, out_c1,
                  idx_v, sv, c0v, c1v, sem):
    wid = lax.axis_index("s") * 2 + lax.axis_index("c")
    pltpu.sync_copy(rank_hbm.at[wid], idx_v)
    pltpu.sync_copy(s_hbm.at[wid], sv)
    pltpu.sync_copy(c0_hbm.at[wid], c0v)
    pltpu.sync_copy(c1_hbm.at[wid], c1v)
    copies = []
    for j in range(_NJ):
        copies.append(pltpu.async_copy(sv.at[j], out_s.at[idx_v.at[j]], sem))
        copies.append(pltpu.async_copy(c0v.at[j], out_c0.at[idx_v.at[j]], sem))
        copies.append(pltpu.async_copy(c1v.at[j], out_c1.at[idx_v.at[j]], sem))
    for cp in copies:
        cp.wait()


def _scatter_by_rank(ranks, s, c0, c1):
    mesh = plsc.VectorSubcoreMesh(core_axis_name="c", subcore_axis_name="s")
    f = functools.partial(
        pl.kernel,
        mesh=mesh,
        out_type=[jax.ShapeDtypeStruct((N,), jnp.float32)] * 3,
        scratch_types=[pltpu.VMEM((_NJ, 128), jnp.int32)]
        + [pltpu.VMEM((_NJ, 128), jnp.float32)] * 3
        + [pltpu.SemaphoreType.DMA],
    )(_scatter_body)
    r3 = ranks.reshape(_NW, _NJ, 128)
    return f(r3, s.reshape(_NW, _NJ, 128), c0.reshape(_NW, _NJ, 128),
             c1.reshape(_NW, _NJ, 128))


def _nms_body(s_r, xr, yr, xc, yc, xa, ya, keep_out, supp_ref):
    k = pl.program_id(0)

    @pl.when(k == 0)
    def _():
        supp_ref[...] = jnp.zeros((NBLK, BLK), jnp.float32)

    rowsel = lax.broadcasted_iota(jnp.int32, (NBLK, BLK), 0) == k
    supp_row = jnp.sum(jnp.where(rowsel, supp_ref[...], 0.0), axis=0,
                       keepdims=True)

    s = s_r[0]
    pos_row = (k * BLK
               + lax.broadcasted_iota(jnp.int32, (1, BLK), 1))
    keep0 = ((s > MIN_SCORE) & (pos_row < TOPK)
             & (supp_row <= 0.0)).astype(jnp.float32)

    x_r = xr[0]
    y_r = yr[0]
    x_c = xc[...]
    y_c = yc[...]
    sq_r = x_r * x_r + y_r * y_r
    sq_c = x_c * x_c + y_c * y_c

    lhs = jnp.concatenate([x_c, y_c], axis=1)
    rhs = jnp.concatenate([x_r, y_r], axis=0)
    dot = jnp.dot(lhs, rhs, preferred_element_type=jnp.float32)
    d2 = (sq_c + sq_r) - 2.0 * dot
    jgt = (lax.broadcasted_iota(jnp.int32, (BLK, BLK), 1)
           > lax.broadcasted_iota(jnp.int32, (BLK, BLK), 0))
    skill = ((jnp.maximum(d2, 0.0) * THR < 1.0) & jgt).astype(jnp.float32)
    rowio = lax.broadcasted_iota(jnp.int32, (BLK, BLK), 0)
    oneh = lax.broadcasted_iota(jnp.int32, (1, BLK), 1)

    def body(i, kp):
        ki = jnp.sum(jnp.where(oneh == i, kp, 0.0)) > 0.0
        rowi = jnp.sum(jnp.where(rowio == i, skill, 0.0), axis=0,
                       keepdims=True)
        return jnp.where(ki & (rowi > 0.0), 0.0, kp)

    keep = lax.fori_loop(0, BLK, body, keep0)
    keep_out[0] = keep

    kc = keep.reshape(BLK, 1)
    for m in range(NBLK):
        x_m = xa[m:m + 1, :]
        y_m = ya[m:m + 1, :]
        sq_m = x_m * x_m + y_m * y_m
        rhs_m = jnp.concatenate([x_m, y_m], axis=0)
        dot_m = jnp.dot(lhs, rhs_m, preferred_element_type=jnp.float32)
        d2_m = (sq_c + sq_m) - 2.0 * dot_m
        sup_m = jnp.where(jnp.maximum(d2_m, 0.0) * THR < 1.0, kc, 0.0)
        any_m = jnp.sum(sup_m, axis=0, keepdims=True)
        gate = jnp.where(jnp.int32(m) > k, 1.0, 0.0)
        supp_ref[m:m + 1, :] = jnp.maximum(supp_ref[m:m + 1, :], any_m * gate)


def _nms(ss, xx, yy):
    row3 = lambda a: a.reshape(NBLK, 1, BLK)
    row = lambda a: a.reshape(NBLK, BLK)
    col = lambda a: a.reshape(NPAD, 1)
    out = pl.pallas_call(
        _nms_body,
        grid=(NBLK,),
        in_specs=[
            pl.BlockSpec((1, 1, BLK), lambda k: (k, 0, 0)),
            pl.BlockSpec((1, 1, BLK), lambda k: (k, 0, 0)),
            pl.BlockSpec((1, 1, BLK), lambda k: (k, 0, 0)),
            pl.BlockSpec((BLK, 1), lambda k: (k, 0)),
            pl.BlockSpec((BLK, 1), lambda k: (k, 0)),
            pl.BlockSpec((NBLK, BLK), lambda k: (0, 0)),
            pl.BlockSpec((NBLK, BLK), lambda k: (0, 0)),
        ],
        out_specs=pl.BlockSpec((1, 1, BLK), lambda k: (k, 0, 0)),
        out_shape=jax.ShapeDtypeStruct((NBLK, 1, BLK), jnp.float32),
        scratch_shapes=[pltpu.VMEM((NBLK, BLK), jnp.float32)],
    )(row3(ss), row3(xx), row3(yy), col(xx), col(yy), row(xx), row(yy))
    return out.reshape(NBLK, BLK)


def _select_body(keep_ref, sc_ref, xc_ref, yc_ref, os_ref, ox_ref, oy_ref):
    kp = keep_ref[...]
    lt = (lax.broadcasted_iota(jnp.int32, (BLK, BLK), 0)
          < lax.broadcasted_iota(jnp.int32, (BLK, BLK), 1)).astype(jnp.float32)
    rowcum = jnp.dot(kp, lt, preferred_element_type=jnp.float32)
    rowtot = jnp.sum(kp, axis=1, keepdims=True)
    tri = (lax.broadcasted_iota(jnp.int32, (NBLK, NBLK), 1)
           < lax.broadcasted_iota(jnp.int32, (NBLK, NBLK), 0)).astype(
               jnp.float32)
    rowpref = jnp.dot(tri, rowtot, preferred_element_type=jnp.float32)
    pos = rowpref + rowcum
    sel = (kp > 0.0) & (pos < float(MAXOUT))
    cnt = jnp.sum(kp)
    p_col = lax.broadcasted_iota(jnp.int32, (MAXOUT, 1), 0).astype(jnp.float32)
    acc_s = jnp.zeros((MAXOUT, 1), jnp.float32)
    acc_x = jnp.zeros((MAXOUT, 1), jnp.float32)
    acc_y = jnp.zeros((MAXOUT, 1), jnp.float32)
    for r in range(NBLK):
        oh = jnp.where((pos[r:r + 1, :] == p_col) & sel[r:r + 1, :],
                       1.0, 0.0)
        acc_s = acc_s + jnp.dot(oh, sc_ref[r * BLK:(r + 1) * BLK, :],
                                precision=lax.Precision.HIGHEST,
                                preferred_element_type=jnp.float32)
        acc_x = acc_x + jnp.dot(oh, xc_ref[r * BLK:(r + 1) * BLK, :],
                                precision=lax.Precision.HIGHEST,
                                preferred_element_type=jnp.float32)
        acc_y = acc_y + jnp.dot(oh, yc_ref[r * BLK:(r + 1) * BLK, :],
                                precision=lax.Precision.HIGHEST,
                                preferred_element_type=jnp.float32)
    filled = p_col < cnt
    os_ref[...] = jnp.where(filled, acc_s, -1.0)
    ox_ref[...] = jnp.where(filled, acc_x, -1.0)
    oy_ref[...] = jnp.where(filled, acc_y, -1.0)


def _compact(keep, ss, xx, yy):
    col = lambda a: a.reshape(NPAD, 1)
    outs = pl.pallas_call(
        _select_body,
        out_shape=[jax.ShapeDtypeStruct((MAXOUT, 1), jnp.float32)] * 3,
    )(keep, col(ss), col(xx), col(yy))
    return tuple(o.reshape(MAXOUT) for o in outs)


def kernel(feature, w_logits, b_logits, w_reg, b_reg):
    flat = feature.reshape(N, C)
    w8 = jnp.zeros((C, 8), jnp.float32)
    w8 = w8.at[:, 0:1].set(w_logits).at[:, 1:3].set(w_reg)
    b8 = jnp.zeros((1, 8), jnp.float32)
    b8 = b8.at[0, 0].set(b_logits[0]).at[0, 1:3].set(b_reg)

    head = _head(flat, w8, b8)
    logits = head[:, 0]
    c0 = head[:, 1]
    c1 = head[:, 2]
    scores = jax.nn.sigmoid(logits)

    ranks = _ranks(scores).reshape(N)
    ss, sc0, sc1 = _scatter_by_rank(ranks, scores, c0, c1)

    keep = _nms(ss[:NPAD], sc0[:NPAD], sc1[:NPAD])
    out_s, out_c0, out_c1 = _compact(keep, ss[:NPAD], sc0[:NPAD], sc1[:NPAD])
    return (out_s, jnp.stack([out_c0, out_c1], axis=-1))

# --- scband reference (transcript-rebuilt; emitter-appended) ---
"""Pipeline reference for scband-lpn-34918084116809 (READ-ONLY COPY).

The authoritative reference and input builder live on the scoring server;
editing this copy changes nothing except your own understanding.
"""

import jax, jax.numpy as jnp
import numpy as np

FEATURE_SCALE = 4
NMS_THRESHOLD = 8.0
PRE_NMS_TOPK = 5000
MAX_OUTPUT = 512
MIN_SCORE = 0.2


def setup_inputs(seed: int = 0) -> dict:
    key = jax.random.key(seed)
    k1, k2, k3 = jax.random.split(key, 3)
    H, W, C = 128, 128, 192
    feature = jax.random.normal(k1, (H, W, C), dtype=jnp.float32)
    # 1x1 conv params (equivalent to per-pixel matmul)
    w_logits = jax.random.normal(k2, (C, 1), dtype=jnp.float32) * 0.05
    b_logits = jnp.zeros((1,), dtype=jnp.float32)
    w_reg = jax.random.normal(k3, (C, 2), dtype=jnp.float32) * 0.05
    b_reg = jnp.zeros((2,), dtype=jnp.float32)
    return {"feature": feature, "w_logits": w_logits, "b_logits": b_logits, "w_reg": w_reg, "b_reg": b_reg}


def non_max_suppression(scores, locations, output_size, threshold, score_threshold):
    # Greedy distance-based NMS over score-sorted candidates.
    # threshold = 1/d^2, so suppress j (lower score) if dist(i,j)^2 * threshold < 1 (i.e. dist < d).
    n = scores.shape[0]
    sq = jnp.sum(locations * locations, axis=-1)
    d2 = sq[:, None] + sq[None, :] - 2.0 * (locations @ locations.T)
    d2 = jnp.maximum(d2, 0.0)
    suppress = d2 * threshold < 1.0
    keep = scores > score_threshold
    idxs = jnp.arange(n)

    def body(i, keep):
        ki = keep[i]
        kill = ki & suppress[i] & (idxs > i)
        return keep & (~kill)

    keep = jax.lax.fori_loop(0, n, body, keep)
    return keep


def reference(feature, w_logits, b_logits, w_reg, b_reg):
    H, W, C = feature.shape
    flat = feature.reshape(-1, C)
    logits = (flat @ w_logits + b_logits).reshape(-1)
    regressions = (flat @ w_reg + b_reg).reshape(H, W, 2)
    ref_locs = jnp.moveaxis(jnp.mgrid[:H, :W] + 0.5, 0, -1) * FEATURE_SCALE
    locs = ref_locs + regressions * FEATURE_SCALE
    pred_locs = locs.reshape(-1, 2)

    scores = jax.nn.sigmoid(logits)
    topk = PRE_NMS_TOPK
    if topk <= 0 or topk > scores.size:
        topk = scores.size
    scores_k, indices = jax.lax.top_k(scores, topk)
    locations = pred_locs[indices]
    threshold = 1.0 / NMS_THRESHOLD / NMS_THRESHOLD
    sel = non_max_suppression(scores_k, locations, MAX_OUTPUT, threshold, MIN_SCORE)
    idx_of_selected = jnp.argwhere(sel, size=MAX_OUTPUT, fill_value=-1).squeeze(-1)
    out_scores = jnp.where(idx_of_selected >= 0, scores_k[idx_of_selected], -1.0)
    out_locations = jnp.where(idx_of_selected[:, None] >= 0, locations[idx_of_selected], -1.0)
    return (out_scores, out_locations)

if __name__ == "__main__":
    import jax
    _d = setup_inputs()
    print(jax.jit(kernel)(*tuple(_d.values())))

</pallas_src>

<mosaic_0001>
#map = affine_map<(d0, d1) -> (0, 0, 0)>
#map1 = affine_map<(d0, d1) -> (0)>
module attributes {stable_mosaic.version = 14 : i64} {
  func.func @_scatter_body(%arg0: i32, %arg1: i32, %arg2: memref<32x4x128xi32, #tpu.memory_space<hbm>>, %arg3: memref<32x4x128xf32, #tpu.memory_space<hbm>>, %arg4: memref<32x4x128xf32, #tpu.memory_space<hbm>>, %arg5: memref<32x4x128xf32, #tpu.memory_space<hbm>>, %arg6: memref<16384xf32, #tpu.memory_space<hbm>>, %arg7: memref<16384xf32, #tpu.memory_space<hbm>>, %arg8: memref<16384xf32, #tpu.memory_space<hbm>>, %arg9: memref<4x128xi32, #tpu.memory_space<vmem>>, %arg10: memref<4x128xf32, #tpu.memory_space<vmem>>, %arg11: memref<4x128xf32, #tpu.memory_space<vmem>>, %arg12: memref<4x128xf32, #tpu.memory_space<vmem>>, %arg13: memref<!tpu.dma_semaphore, #tpu.memory_space<semaphore_mem>>) attributes {dimension_semantics = [#tpu.dimension_semantics<core_parallel>, #tpu.dimension_semantics<subcore_parallel>], iteration_bounds = array<i64: 2, 16>, scalar_prefetch = 0 : i64, scratch_operands = 5 : i64, tpu.core_type = #tpu.core_type<sc_vector_subcore>, window_params = [{transform_indices = #map}, {transform_indices = #map}, {transform_indices = #map}, {transform_indices = #map}, {transform_indices = #map1}, {transform_indices = #map1}, {transform_indices = #map1}]} {
    %mul3A = arith.constant 2 : i32
    %mul3A_0 = arith.muli %arg1, %mul3A : i32
    %add3A = arith.addi %mul3A_0, %arg0 : i32
    "tpu.region"() ({
      %run_scoped3A = tpu.sem_alloc : memref<!tpu.dma_semaphore, #tpu.memory_space<semaphore_mem>>
      %dma_start3A_239 = arith.constant 0 : i32
      %dma_start3A_240 = arith.constant 0 : i32
      %dma_start3A_241 = tpu.memref_slice %arg2[%add3A, %dma_start3A_239, %dma_start3A_240] : memref<32x4x128xi32, #tpu.memory_space<hbm>> -> memref<1x4x128xi32, #tpu.memory_space<hbm>>
      %dma_start3A_242 = tpu.memref_squeeze %dma_start3A_241 : memref<1x4x128xi32, #tpu.memory_space<hbm>> -> memref<4x128xi32, #tpu.memory_space<hbm>>
      %dma_start3A_243 = arith.constant 0 : i32
      %dma_start3A_244 = arith.constant 0 : i32
      %dma_start3A_245 = tpu.memref_slice %arg2[%add3A, %dma_start3A_243, %dma_start3A_244] : memref<32x4x128xi32, #tpu.memory_space<hbm>> -> memref<1x4x128xi32, #tpu.memory_space<hbm>>
      %dma_start3A_246 = tpu.memref_squeeze %dma_start3A_245 : memref<1x4x128xi32, #tpu.memory_space<hbm>> -> memref<4x128xi32, #tpu.memory_space<hbm>>
      tpu.enqueue_dma source(%dma_start3A_246 : memref<4x128xi32, #tpu.memory_space<hbm>>) target(%arg9 : memref<4x128xi32, #tpu.memory_space<vmem>>) target_semaphore(%run_scoped3A : memref<!tpu.dma_semaphore, #tpu.memory_space<semaphore_mem>>)
      %dma_wait3A_247 = arith.constant 0 : i32
      %dma_wait3A_248 = arith.constant 0 : i32
      %dma_wait3A_249 = tpu.memref_slice %arg2[%add3A, %dma_wait3A_247, %dma_wait3A_248] : memref<32x4x128xi32, #tpu.memory_space<hbm>> -> memref<1x4x128xi32, #tpu.memory_space<hbm>>
      %dma_wait3A_250 = tpu.memref_squeeze %dma_wait3A_249 : memref<1x4x128xi32, #tpu.memory_space<hbm>> -> memref<4x128xi32, #tpu.memory_space<hbm>>
      %dma_wait3A_251 = arith.constant 0 : i32
      %dma_wait3A_252 = arith.constant 0 : i32
      %dma_wait3A_253 = tpu.memref_slice %arg2[%add3A, %dma_wait3A_251, %dma_wait3A_252] : memref<32x4x128xi32, #tpu.memory_space<hbm>> -> memref<1x4x128xi32, #tpu.memory_space<hbm>>
      %dma_wait3A_254 = tpu.memref_squeeze %dma_wait3A_253 : memref<1x4x128xi32, #tpu.memory_space<hbm>> -> memref<4x128xi32, #tpu.memory_space<hbm>>
      tpu.wait_dma2 semaphore(%run_scoped3A : memref<!tpu.dma_semaphore, #tpu.memory_space<semaphore_mem>>) src(%dma_wait3A_254 : memref<4x128xi32, #tpu.memory_space<hbm>>) dst(%arg9 : memref<4x128xi32, #tpu.memory_space<vmem>>)
      tpu.yield
    }) : () -> ()
    "tpu.region"() ({
      %run_scoped3A = tpu.sem_alloc : memref<!tpu.dma_semaphore, #tpu.memory_space<semaphore_mem>>
      %dma_start3A_239 = arith.constant 0 : i32
      %dma_start3A_240 = arith.constant 0 : i32
      %dma_start3A_241 = tpu.memref_slice %arg3[%add3A, %dma_start3A_239, %dma_start3A_240] : memref<32x4x128xf32, #tpu.memory_space<hbm>> -> memref<1x4x128xf32, #tpu.memory_space<hbm>>
      %dma_start3A_242 = tpu.memref_squeeze %dma_start3A_241 : memref<1x4x128xf32, #tpu.memory_space<hbm>> -> memref<4x128xf32, #tpu.memory_space<hbm>>
      %dma_start3A_243 = arith.constant 0 : i32
      %dma_start3A_244 = arith.constant 0 : i32
      %dma_start3A_245 = tpu.memref_slice %arg3[%add3A, %dma_start3A_243, %dma_start3A_244] : memref<32x4x128xf32, #tpu.memory_space<hbm>> -> memref<1x4x128xf32, #tpu.memory_space<hbm>>
      %dma_start3A_246 = tpu.memref_squeeze %dma_start3A_245 : memref<1x4x128xf32, #tpu.memory_space<hbm>> -> memref<4x128xf32, #tpu.memory_space<hbm>>
      tpu.enqueue_dma source(%dma_start3A_246 : memref<4x128xf32, #tpu.memory_space<hbm>>) target(%arg10 : memref<4x128xf32, #tpu.memory_space<vmem>>) target_semaphore(%run_scoped3A : memref<!tpu.dma_semaphore, #tpu.memory_space<semaphore_mem>>)
      %dma_wait3A_247 = arith.constant 0 : i32
      %dma_wait3A_248 = arith.constant 0 : i32
      %dma_wait3A_249 = tpu.memref_slice %arg3[%add3A, %dma_wait3A_247, %dma_wait3A_248] : memref<32x4x128xf32, #tpu.memory_space<hbm>> -> memref<1x4x128xf32, #tpu.memory_space<hbm>>
      %dma_wait3A_250 = tpu.memref_squeeze %dma_wait3A_249 : memref<1x4x128xf32, #tpu.memory_space<hbm>> -> memref<4x128xf32, #tpu.memory_space<hbm>>
      %dma_wait3A_251 = arith.constant 0 : i32
      %dma_wait3A_252 = arith.constant 0 : i32
      %dma_wait3A_253 = tpu.memref_slice %arg3[%add3A, %dma_wait3A_251, %dma_wait3A_252] : memref<32x4x128xf32, #tpu.memory_space<hbm>> -> memref<1x4x128xf32, #tpu.memory_space<hbm>>
      %dma_wait3A_254 = tpu.memref_squeeze %dma_wait3A_253 : memref<1x4x128xf32, #tpu.memory_space<hbm>> -> memref<4x128xf32, #tpu.memory_space<hbm>>
      tpu.wait_dma2 semaphore(%run_scoped3A : memref<!tpu.dma_semaphore, #tpu.memory_space<semaphore_mem>>) src(%dma_wait3A_254 : memref<4x128xf32, #tpu.memory_space<hbm>>) dst(%arg10 : memref<4x128xf32, #tpu.memory_space<vmem>>)
      tpu.yield
    }) : () -> ()
    "tpu.region"() ({
      %run_scoped3A = tpu.sem_alloc : memref<!tpu.dma_semaphore, #tpu.memory_space<semaphore_mem>>
      %dma_start3A_239 = arith.constant 0 : i32
      %dma_start3A_240 = arith.constant 0 : i32
      %dma_start3A_241 = tpu.memref_slice %arg4[%add3A, %dma_start3A_239, %dma_start3A_240] : memref<32x4x128xf32, #tpu.memory_space<hbm>> -> memref<1x4x128xf32, #tpu.memory_space<hbm>>
      %dma_start3A_242 = tpu.memref_squeeze %dma_start3A_241 : memref<1x4x128xf32, #tpu.memory_space<hbm>> -> memref<4x128xf32, #tpu.memory_space<hbm>>
      %dma_start3A_243 = arith.constant 0 : i32
      %dma_start3A_244 = arith.constant 0 : i32
      %dma_start3A_245 = tpu.memref_slice %arg4[%add3A, %dma_start3A_243, %dma_start3A_244] : memref<32x4x128xf32, #tpu.memory_space<hbm>> -> memref<1x4x128xf32, #tpu.memory_space<hbm>>
      %dma_start3A_246 = tpu.memref_squeeze %dma_start3A_245 : memref<1x4x128xf32, #tpu.memory_space<hbm>> -> memref<4x128xf32, #tpu.memory_space<hbm>>
      tpu.enqueue_dma source(%dma_start3A_246 : memref<4x128xf32, #tpu.memory_space<hbm>>) target(%arg11 : memref<4x128xf32, #tpu.memory_space<vmem>>) target_semaphore(%run_scoped3A : memref<!tpu.dma_semaphore, #tpu.memory_space<semaphore_mem>>)
      %dma_wait3A_247 = arith.constant 0 : i32
      %dma_wait3A_248 = arith.constant 0 : i32
      %dma_wait3A_249 = tpu.memref_slice %arg4[%add3A, %dma_wait3A_247, %dma_wait3A_248] : memref<32x4x128xf32, #tpu.memory_space<hbm>> -> memref<1x4x128xf32, #tpu.memory_space<hbm>>
      %dma_wait3A_250 = tpu.memref_squeeze %dma_wait3A_249 : memref<1x4x128xf32, #tpu.memory_space<hbm>> -> memref<4x128xf32, #tpu.memory_space<hbm>>
      %dma_wait3A_251 = arith.constant 0 : i32
      %dma_wait3A_252 = arith.constant 0 : i32
      %dma_wait3A_253 = tpu.memref_slice %arg4[%add3A, %dma_wait3A_251, %dma_wait3A_252] : memref<32x4x128xf32, #tpu.memory_space<hbm>> -> memref<1x4x128xf32, #tpu.memory_space<hbm>>
      %dma_wait3A_254 = tpu.memref_squeeze %dma_wait3A_253 : memref<1x4x128xf32, #tpu.memory_space<hbm>> -> memref<4x128xf32, #tpu.memory_space<hbm>>
      tpu.wait_dma2 semaphore(%run_scoped3A : memref<!tpu.dma_semaphore, #tpu.memory_space<semaphore_mem>>) src(%dma_wait3A_254 : memref<4x128xf32, #tpu.memory_space<hbm>>) dst(%arg11 : memref<4x128xf32, #tpu.memory_space<vmem>>)
      tpu.yield
    }) : () -> ()
    "tpu.region"() ({
      %run_scoped3A = tpu.sem_alloc : memref<!tpu.dma_semaphore, #tpu.memory_space<semaphore_mem>>
      %dma_start3A_239 = arith.constant 0 : i32
      %dma_start3A_240 = arith.constant 0 : i32
      %dma_start3A_241 = tpu.memref_slice %arg5[%add3A, %dma_start3A_239, %dma_start3A_240] : memref<32x4x128xf32, #tpu.memory_space<hbm>> -> memref<1x4x128xf32, #tpu.memory_space<hbm>>
      %dma_start3A_242 = tpu.memref_squeeze %dma_start3A_241 : memref<1x4x128xf32, #tpu.memory_space<hbm>> -> memref<4x128xf32, #tpu.memory_space<hbm>>
      %dma_start3A_243 = arith.constant 0 : i32
      %dma_start3A_244 = arith.constant 0 : i32
      %dma_start3A_245 = tpu.memref_slice %arg5[%add3A, %dma_start3A_243, %dma_start3A_244] : memref<32x4x128xf32, #tpu.memory_space<hbm>> -> memref<1x4x128xf32, #tpu.memory_space<hbm>>
      %dma_start3A_246 = tpu.memref_squeeze %dma_start3A_245 : memref<1x4x128xf32, #tpu.memory_space<hbm>> -> memref<4x128xf32, #tpu.memory_space<hbm>>
      tpu.enqueue_dma source(%dma_start3A_246 : memref<4x128xf32, #tpu.memory_space<hbm>>) target(%arg12 : memref<4x128xf32, #tpu.memory_space<vmem>>) target_semaphore(%run_scoped3A : memref<!tpu.dma_semaphore, #tpu.memory_space<semaphore_mem>>)
      %dma_wait3A_247 = arith.constant 0 : i32
      %dma_wait3A_248 = arith.constant 0 : i32
      %dma_wait3A_249 = tpu.memref_slice %arg5[%add3A, %dma_wait3A_247, %dma_wait3A_248] : memref<32x4x128xf32, #tpu.memory_space<hbm>> -> memref<1x4x128xf32, #tpu.memory_space<hbm>>
      %dma_wait3A_250 = tpu.memref_squeeze %dma_wait3A_249 : memref<1x4x128xf32, #tpu.memory_space<hbm>> -> memref<4x128xf32, #tpu.memory_space<hbm>>
      %dma_wait3A_251 = arith.constant 0 : i32
      %dma_wait3A_252 = arith.constant 0 : i32
      %dma_wait3A_253 = tpu.memref_slice %arg5[%add3A, %dma_wait3A_251, %dma_wait3A_252] : memref<32x4x128xf32, #tpu.memory_space<hbm>> -> memref<1x4x128xf32, #tpu.memory_space<hbm>>
      %dma_wait3A_254 = tpu.memref_squeeze %dma_wait3A_253 : memref<1x4x128xf32, #tpu.memory_space<hbm>> -> memref<4x128xf32, #tpu.memory_space<hbm>>
      tpu.wait_dma2 semaphore(%run_scoped3A : memref<!tpu.dma_semaphore, #tpu.memory_space<semaphore_mem>>) src(%dma_wait3A_254 : memref<4x128xf32, #tpu.memory_space<hbm>>) dst(%arg12 : memref<4x128xf32, #tpu.memory_space<vmem>>)
      tpu.yield
    }) : () -> ()
    %dma_start3A = arith.constant 0 : i32
    %dma_start3A_1 = arith.constant 0 : i32
    %dma_start3A_2 = arith.constant 0 : i32
    %dma_start3A_3 = tpu.memref_slice %arg10[%dma_start3A, %dma_start3A_2] : memref<4x128xf32, #tpu.memory_space<vmem>> -> memref<1x128xf32, #tpu.memory_space<vmem>>
    %dma_start3A_4 = tpu.memref_squeeze %dma_start3A_3 : memref<1x128xf32, #tpu.memory_space<vmem>> -> memref<128xf32, #tpu.memory_space<vmem>>
    %dma_start3A_5 = arith.constant 0 : i32
    %dma_start3A_6 = tpu.memref_slice %arg9[%dma_start3A_1, %dma_start3A_5] : memref<4x128xi32, #tpu.memory_space<vmem>> -> memref<1x128xi32, #tpu.memory_space<vmem>>
    %dma_start3A_7 = tpu.memref_squeeze %dma_start3A_6 : memref<1x128xi32, #tpu.memory_space<vmem>> -> memref<128xi32, #tpu.memory_space<vmem>>
    %dma_start3A_8 = arith.constant 0 : i32
    %dma_start3A_9 = tpu.memref_slice %arg6[%dma_start3A_8] : memref<16384xf32, #tpu.memory_space<hbm>> -> memref<16384xf32, #tpu.memory_space<hbm>>
    tpu.enqueue_indirect_dma source(%dma_start3A_4 : memref<128xf32, #tpu.memory_space<vmem>>) target(%dma_start3A_9 : memref<16384xf32, #tpu.memory_space<hbm>>) offsets(%dma_start3A_7 : memref<128xi32, #tpu.memory_space<vmem>>) semaphore(%arg13 : memref<!tpu.dma_semaphore, #tpu.memory_space<semaphore_mem>>)
    %dma_start3A_10 = arith.constant 0 : i32
    %dma_start3A_11 = arith.constant 0 : i32
    %dma_start3A_12 = arith.constant 0 : i32
    %dma_start3A_13 = tpu.memref_slice %arg11[%dma_start3A_10, %dma_start3A_12] : memref<4x128xf32, #tpu.memory_space<vmem>> -> memref<1x128xf32, #tpu.memory_space<vmem>>
    %dma_start3A_14 = tpu.memref_squeeze %dma_start3A_13 : memref<1x128xf32, #tpu.memory_space<vmem>> -> memref<128xf32, #tpu.memory_space<vmem>>
    %dma_start3A_15 = arith.constant 0 : i32
    %dma_start3A_16 = tpu.memref_slice %arg9[%dma_start3A_11, %dma_start3A_15] : memref<4x128xi32, #tpu.memory_space<vmem>> -> memref<1x128xi32, #tpu.memory_space<vmem>>
    %dma_start3A_17 = tpu.memref_squeeze %dma_start3A_16 : memref<1x128xi32, #tpu.memory_space<vmem>> -> memref<128xi32, #tpu.memory_space<vmem>>
    %dma_start3A_18 = arith.constant 0 : i32
    %dma_start3A_19 = tpu.memref_slice %arg7[%dma_start3A_18] : memref<16384xf32, #tpu.memory_space<hbm>> -> memref<16384xf32, #tpu.memory_space<hbm>>
    tpu.enqueue_indirect_dma source(%dma_start3A_14 : memref<128xf32, #tpu.memory_space<vmem>>) target(%dma_start3A_19 : memref<16384xf32, #tpu.memory_space<hbm>>) offsets(%dma_start3A_17 : memref<128xi32, #tpu.memory_space<vmem>>) semaphore(%arg13 : memref<!tpu.dma_semaphore, #tpu.memory_space<semaphore_mem>>)
    %dma_start3A_20 = arith.constant 0 : i32
    %dma_start3A_21 = arith.constant 0 : i32
    %dma_start3A_22 = arith.constant 0 : i32
    %dma_start3A_23 = tpu.memref_slice %arg12[%dma_start3A_20, %dma_start3A_22] : memref<4x128xf32, #tpu.memory_space<vmem>> -> memref<1x128xf32, #tpu.memory_space<vmem>>
    %dma_start3A_24 = tpu.memref_squeeze %dma_start3A_23 : memref<1x128xf32, #tpu.memory_space<vmem>> -> memref<128xf32, #tpu.memory_space<vmem>>
    %dma_start3A_25 = arith.constant 0 : i32
    %dma_start3A_26 = tpu.memref_slice %arg9[%dma_start3A_21, %dma_start3A_25] : memref<4x128xi32, #tpu.memory_space<vmem>> -> memref<1x128xi32, #tpu.memory_space<vmem>>
    %dma_start3A_27 = tpu.memref_squeeze %dma_start3A_26 : memref<1x128xi32, #tpu.memory_space<vmem>> -> memref<128xi32, #tpu.memory_space<vmem>>
    %dma_start3A_28 = arith.constant 0 : i32
    %dma_start3A_29 = tpu.memref_slice %arg8[%dma_start3A_28] : memref<16384xf32, #tpu.memory_space<hbm>> -> memref<16384xf32, #tpu.memory_space<hbm>>
    tpu.enqueue_indirect_dma source(%dma_start3A_24 : memref<128xf32, #tpu.memory_space<vmem>>) target(%dma_start3A_29 : memref<16384xf32, #tpu.memory_space<hbm>>) offsets(%dma_start3A_27 : memref<128xi32, #tpu.memory_space<vmem>>) semaphore(%arg13 : memref<!tpu.dma_semaphore, #tpu.memory_space<semaphore_mem>>)
    %dma_start3A_30 = arith.constant 1 : i32
    %dma_start3A_31 = arith.constant 1 : i32
    %dma_start3A_32 = arith.constant 0 : i32
    %dma_start3A_33 = tpu.memref_slice %arg10[%dma_start3A_30, %dma_start3A_32] : memref<4x128xf32, #tpu.memory_space<vmem>> -> memref<1x128xf32, #tpu.memory_space<vmem>>
    %dma_start3A_34 = tpu.memref_squeeze %dma_start3A_33 : memref<1x128xf32, #tpu.memory_space<vmem>> -> memref<128xf32, #tpu.memory_space<vmem>>
    %dma_start3A_35 = arith.constant 0 : i32
    %dma_start3A_36 = tpu.memref_slice %arg9[%dma_start3A_31, %dma_start3A_35] : memref<4x128xi32, #tpu.memory_space<vmem>> -> memref<1x128xi32, #tpu.memory_space<vmem>>
    %dma_start3A_37 = tpu.memref_squeeze %dma_start3A_36 : memref<1x128xi32, #tpu.memory_space<vmem>> -> memref<128xi32, #tpu.memory_space<vmem>>
    %dma_start3A_38 = arith.constant 0 : i32
    %dma_start3A_39 = tpu.memref_slice %arg6[%dma_start3A_38] : memref<16384xf32, #tpu.memory_space<hbm>> -> memref<16384xf32, #tpu.memory_space<hbm>>
    tpu.enqueue_indirect_dma source(%dma_start3A_34 : memref<128xf32, #tpu.memory_space<vmem>>) target(%dma_start3A_39 : memref<16384xf32, #tpu.memory_space<hbm>>) offsets(%dma_start3A_37 : memref<128xi32, #tpu.memory_space<vmem>>) semaphore(%arg13 : memref<!tpu.dma_semaphore, #tpu.memory_space<semaphore_mem>>)
    %dma_start3A_40 = arith.constant 1 : i32
    %dma_start3A_41 = arith.constant 1 : i32
    %dma_start3A_42 = arith.constant 0 : i32
    %dma_start3A_43 = tpu.memref_slice %arg11[%dma_start3A_40, %dma_start3A_42] : memref<4x128xf32, #tpu.memory_space<vmem>> -> memref<1x128xf32, #tpu.memory_space<vmem>>
    %dma_start3A_44 = tpu.memref_squeeze %dma_start3A_43 : memref<1x128xf32, #tpu.memory_space<vmem>> -> memref<128xf32, #tpu.memory_space<vmem>>
    %dma_start3A_45 = arith.constant 0 : i32
    %dma_start3A_46 = tpu.memref_slice %arg9[%dma_start3A_41, %dma_start3A_45] : memref<4x128xi32, #tpu.memory_space<vmem>> -> memref<1x128xi32, #tpu.memory_space<vmem>>
    %dma_start3A_47 = tpu.memref_squeeze %dma_start3A_46 : memref<1x128xi32, #tpu.memory_space<vmem>> -> memref<128xi32, #tpu.memory_space<vmem>>
    %dma_start3A_48 = arith.constant 0 : i32
    %dma_start3A_49 = tpu.memref_slice %arg7[%dma_start3A_48] : memref<16384xf32, #tpu.memory_space<hbm>> -> memref<16384xf32, #tpu.memory_space<hbm>>
    tpu.enqueue_indirect_dma source(%dma_start3A_44 : memref<128xf32, #tpu.memory_space<vmem>>) target(%dma_start3A_49 : memref<16384xf32, #tpu.memory_space<hbm>>) offsets(%dma_start3A_47 : memref<128xi32, #tpu.memory_space<vmem>>) semaphore(%arg13 : memref<!tpu.dma_semaphore, #tpu.memory_space<semaphore_mem>>)
    %dma_start3A_50 = arith.constant 1 : i32
    %dma_start3A_51 = arith.constant 1 : i32
    %dma_start3A_52 = arith.constant 0 : i32
    %dma_start3A_53 = tpu.memref_slice %arg12[%dma_start3A_50, %dma_start3A_52] : memref<4x128xf32, #tpu.memory_space<vmem>> -> memref<1x128xf32, #tpu.memory_space<vmem>>
    %dma_start3A_54 = tpu.memref_squeeze %dma_start3A_53 : memref<1x128xf32, #tpu.memory_space<vmem>> -> memref<128xf32, #tpu.memory_space<vmem>>
    %dma_start3A_55 = arith.constant 0 : i32
    %dma_start3A_56 = tpu.memref_slice %arg9[%dma_start3A_51, %dma_start3A_55] : memref<4x128xi32, #tpu.memory_space<vmem>> -> memref<1x128xi32, #tpu.memory_space<vmem>>
    %dma_start3A_57 = tpu.memref_squeeze %dma_start3A_56 : memref<1x128xi32, #tpu.memory_space<vmem>> -> memref<128xi32, #tpu.memory_space<vmem>>
    %dma_start3A_58 = arith.constant 0 : i32
    %dma_start3A_59 = tpu.memref_slice %arg8[%dma_start3A_58] : memref<16384xf32, #tpu.memory_space<hbm>> -> memref<16384xf32, #tpu.memory_space<hbm>>
    tpu.enqueue_indirect_dma source(%dma_start3A_54 : memref<128xf32, #tpu.memory_space<vmem>>) target(%dma_start3A_59 : memref<16384xf32, #tpu.memory_space<hbm>>) offsets(%dma_start3A_57 : memref<128xi32, #tpu.memory_space<vmem>>) semaphore(%arg13 : memref<!tpu.dma_semaphore, #tpu.memory_space<semaphore_mem>>)
    %dma_start3A_60 = arith.constant 2 : i32
    %dma_start3A_61 = arith.constant 2 : i32
    %dma_start3A_62 = arith.constant 0 : i32
    %dma_start3A_63 = tpu.memref_slice %arg10[%dma_start3A_60, %dma_start3A_62] : memref<4x128xf32, #tpu.memory_space<vmem>> -> memref<1x128xf32, #tpu.memory_space<vmem>>
    %dma_start3A_64 = tpu.memref_squeeze %dma_start3A_63 : memref<1x128xf32, #tpu.memory_space<vmem>> -> memref<128xf32, #tpu.memory_space<vmem>>
    %dma_start3A_65 = arith.constant 0 : i32
    %dma_start3A_66 = tpu.memref_slice %arg9[%dma_start3A_61, %dma_start3A_65] : memref<4x128xi32, #tpu.memory_space<vmem>> -> memref<1x128xi32, #tpu.memory_space<vmem>>
    %dma_start3A_67 = tpu.memref_squeeze %dma_start3A_66 : memref<1x128xi32, #tpu.memory_space<vmem>> -> memref<128xi32, #tpu.memory_space<vmem>>
    %dma_start3A_68 = arith.constant 0 : i32
    %dma_start3A_69 = tpu.memref_slice %arg6[%dma_start3A_68] : memref<16384xf32, #tpu.memory_space<hbm>> -> memref<16384xf32, #tpu.memory_space<hbm>>
    tpu.enqueue_indirect_dma source(%dma_start3A_64 : memref<128xf32, #tpu.memory_space<vmem>>) target(%dma_start3A_69 : memref<16384xf32, #tpu.memory_space<hbm>>) offsets(%dma_start3A_67 : memref<128xi32, #tpu.memory_space<vmem>>) semaphore(%arg13 : memref<!tpu.dma_semaphore, #tpu.memory_space<semaphore_mem>>)
    %dma_start3A_70 = arith.constant 2 : i32
    %dma_start3A_71 = arith.constant 2 : i32
    %dma_start3A_72 = arith.constant 0 : i32
    %dma_start3A_73 = tpu.memref_slice %arg11[%dma_start3A_70, %dma_start3A_72] : memref<4x128xf32, #tpu.memory_space<vmem>> -> memref<1x128xf32, #tpu.memory_space<vmem>>
    %dma_start3A_74 = tpu.memref_squeeze %dma_start3A_73 : memref<1x128xf32, #tpu.memory_space<vmem>> -> memref<128xf32, #tpu.memory_space<vmem>>
    %dma_start3A_75 = arith.constant 0 : i32
    %dma_start3A_76 = tpu.memref_slice %arg9[%dma_start3A_71, %dma_start3A_75] : memref<4x128xi32, #tpu.memory_space<vmem>> -> memref<1x128xi32, #tpu.memory_space<vmem>>
    %dma_start3A_77 = tpu.memref_squeeze %dma_start3A_76 : memref<1x128xi32, #tpu.memory_space<vmem>> -> memref<128xi32, #tpu.memory_space<vmem>>
    %dma_start3A_78 = arith.constant 0 : i32
    %dma_start3A_79 = tpu.memref_slice %arg7[%dma_start3A_78] : memref<16384xf32, #tpu.memory_space<hbm>> -> memref<16384xf32, #tpu.memory_space<hbm>>
    tpu.enqueue_indirect_dma source(%dma_start3A_74 : memref<128xf32, #tpu.memory_space<vmem>>) target(%dma_start3A_79 : memref<16384xf32, #tpu.memory_space<hbm>>) offsets(%dma_start3A_77 : memref<128xi32, #tpu.memory_space<vmem>>) semaphore(%arg13 : memref<!tpu.dma_semaphore, #tpu.memory_space<semaphore_mem>>)
    %dma_start3A_80 = arith.constant 2 : i32
    %dma_start3A_81 = arith.constant 2 : i32
    %dma_start3A_82 = arith.constant 0 : i32
    %dma_start3A_83 = tpu.memref_slice %arg12[%dma_start3A_80, %dma_start3A_82] : memref<4x128xf32, #tpu.memory_space<vmem>> -> memref<1x128xf32, #tpu.memory_space<vmem>>
    %dma_start3A_84 = tpu.memref_squeeze %dma_start3A_83 : memref<1x128xf32, #tpu.memory_space<vmem>> -> memref<128xf32, #tpu.memory_space<vmem>>
    %dma_start3A_85 = arith.constant 0 : i32
    %dma_start3A_86 = tpu.memref_slice %arg9[%dma_start3A_81, %dma_start3A_85] : memref<4x128xi32, #tpu.memory_space<vmem>> -> memref<1x128xi32, #tpu.memory_space<vmem>>
    %dma_start3A_87 = tpu.memref_squeeze %dma_start3A_86 : memref<1x128xi32, #tpu.memory_space<vmem>> -> memref<128xi32, #tpu.memory_space<vmem>>
    %dma_start3A_88 = arith.constant 0 : i32
    %dma_start3A_89 = tpu.memref_slice %arg8[%dma_start3A_88] : memref<16384xf32, #tpu.memory_space<hbm>> -> memref<16384xf32, #tpu.memory_space<hbm>>
    tpu.enqueue_indirect_dma source(%dma_start3A_84 : memref<128xf32, #tpu.memory_space<vmem>>) target(%dma_start3A_89 : memref<16384xf32, #tpu.memory_space<hbm>>) offsets(%dma_start3A_87 : memref<128xi32, #tpu.memory_space<vmem>>) semaphore(%arg13 : memref<!tpu.dma_semaphore, #tpu.memory_space<semaphore_mem>>)
    %dma_start3A_90 = arith.constant 3 : i32
    %dma_start3A_91 = arith.constant 3 : i32
    %dma_start3A_92 = arith.constant 0 : i32
    %dma_start3A_93 = tpu.memref_slice %arg10[%dma_start3A_90, %dma_start3A_92] : memref<4x128xf32, #tpu.memory_space<vmem>> -> memref<1x128xf32, #tpu.memory_space<vmem>>
    %dma_start3A_94 = tpu.memref_squeeze %dma_start3A_93 : memref<1x128xf32, #tpu.memory_space<vmem>> -> memref<128xf32, #tpu.memory_space<vmem>>
    %dma_start3A_95 = arith.constant 0 : i32
    %dma_start3A_96 = tpu.memref_slice %arg9[%dma_start3A_91, %dma_start3A_95] : memref<4x128xi32, #tpu.memory_space<vmem>> -> memref<1x128xi32, #tpu.memory_space<vmem>>
    %dma_start3A_97 = tpu.memref_squeeze %dma_start3A_96 : memref<1x128xi32, #tpu.memory_space<vmem>> -> memref<128xi32, #tpu.memory_space<vmem>>
    %dma_start3A_98 = arith.constant 0 : i32
    %dma_start3A_99 = tpu.memref_slice %arg6[%dma_start3A_98] : memref<16384xf32, #tpu.memory_space<hbm>> -> memref<16384xf32, #tpu.memory_space<hbm>>
    tpu.enqueue_indirect_dma source(%dma_start3A_94 : memref<128xf32, #tpu.memory_space<vmem>>) target(%dma_start3A_99 : memref<16384xf32, #tpu.memory_space<hbm>>) offsets(%dma_start3A_97 : memref<128xi32, #tpu.memory_space<vmem>>) semaphore(%arg13 : memref<!tpu.dma_semaphore, #tpu.memory_space<semaphore_mem>>)
    %dma_start3A_100 = arith.constant 3 : i32
    %dma_start3A_101 = arith.constant 3 : i32
    %dma_start3A_102 = arith.constant 0 : i32
    %dma_start3A_103 = tpu.memref_slice %arg11[%dma_start3A_100, %dma_start3A_102] : memref<4x128xf32, #tpu.memory_space<vmem>> -> memref<1x128xf32, #tpu.memory_space<vmem>>
    %dma_start3A_104 = tpu.memref_squeeze %dma_start3A_103 : memref<1x128xf32, #tpu.memory_space<vmem>> -> memref<128xf32, #tpu.memory_space<vmem>>
    %dma_start3A_105 = arith.constant 0 : i32
    %dma_start3A_106 = tpu.memref_slice %arg9[%dma_start3A_101, %dma_start3A_105] : memref<4x128xi32, #tpu.memory_space<vmem>> -> memref<1x128xi32, #tpu.memory_space<vmem>>
    %dma_start3A_107 = tpu.memref_squeeze %dma_start3A_106 : memref<1x128xi32, #tpu.memory_space<vmem>> -> memref<128xi32, #tpu.memory_space<vmem>>
    %dma_start3A_108 = arith.constant 0 : i32
    %dma_start3A_109 = tpu.memref_slice %arg7[%dma_start3A_108] : memref<16384xf32, #tpu.memory_space<hbm>> -> memref<16384xf32, #tpu.memory_space<hbm>>
    tpu.enqueue_indirect_dma source(%dma_start3A_104 : memref<128xf32, #tpu.memory_space<vmem>>) target(%dma_start3A_109 : memref<16384xf32, #tpu.memory_space<hbm>>) offsets(%dma_start3A_107 : memref<128xi32, #tpu.memory_space<vmem>>) semaphore(%arg13 : memref<!tpu.dma_semaphore, #tpu.memory_space<semaphore_mem>>)
    %dma_start3A_110 = arith.constant 3 : i32
    %dma_start3A_111 = arith.constant 3 : i32
    %dma_start3A_112 = arith.constant 0 : i32
    %dma_start3A_113 = tpu.memref_slice %arg12[%dma_start3A_110, %dma_start3A_112] : memref<4x128xf32, #tpu.memory_space<vmem>> -> memref<1x128xf32, #tpu.memory_space<vmem>>
    %dma_start3A_114 = tpu.memref_squeeze %dma_start3A_113 : memref<1x128xf32, #tpu.memory_space<vmem>> -> memref<128xf32, #tpu.memory_space<vmem>>
    %dma_start3A_115 = arith.constant 0 : i32
    %dma_start3A_116 = tpu.memref_slice %arg9[%dma_start3A_111, %dma_start3A_115] : memref<4x128xi32, #tpu.memory_space<vmem>> -> memref<1x128xi32, #tpu.memory_space<vmem>>
    %dma_start3A_117 = tpu.memref_squeeze %dma_start3A_116 : memref<1x128xi32, #tpu.memory_space<vmem>> -> memref<128xi32, #tpu.memory_space<vmem>>
    %dma_start3A_118 = arith.constant 0 : i32
    %dma_start3A_119 = tpu.memref_slice %arg8[%dma_start3A_118] : memref<16384xf32, #tpu.memory_space<hbm>> -> memref<16384xf32, #tpu.memory_space<hbm>>
    tpu.enqueue_indirect_dma source(%dma_start3A_114 : memref<128xf32, #tpu.memory_space<vmem>>) target(%dma_start3A_119 : memref<16384xf32, #tpu.memory_space<hbm>>) offsets(%dma_start3A_117 : memref<128xi32, #tpu.memory_space<vmem>>) semaphore(%arg13 : memref<!tpu.dma_semaphore, #tpu.memory_space<semaphore_mem>>)
    %dma_wait3A = arith.constant 0 : i32
    %dma_wait3A_120 = arith.constant 0 : i32
    %dma_wait3A_121 = arith.constant 0 : i32
    %dma_wait3A_122 = tpu.memref_slice %arg10[%dma_wait3A, %dma_wait3A_121] : memref<4x128xf32, #tpu.memory_space<vmem>> -> memref<1x128xf32, #tpu.memory_space<vmem>>
    %dma_wait3A_123 = tpu.memref_squeeze %dma_wait3A_122 : memref<1x128xf32, #tpu.memory_space<vmem>> -> memref<128xf32, #tpu.memory_space<vmem>>
    %dma_wait3A_124 = arith.constant 0 : i32
    %dma_wait3A_125 = tpu.memref_slice %arg9[%dma_wait3A_120, %dma_wait3A_124] : memref<4x128xi32, #tpu.memory_space<vmem>> -> memref<1x128xi32, #tpu.memory_space<vmem>>
    %dma_wait3A_126 = tpu.memref_squeeze %dma_wait3A_125 : memref<1x128xi32, #tpu.memory_space<vmem>> -> memref<128xi32, #tpu.memory_space<vmem>>
    %dma_wait3A_127 = arith.constant 0 : i32
    %dma_wait3A_128 = tpu.memref_slice %arg6[%dma_wait3A_127] : memref<16384xf32, #tpu.memory_space<hbm>> -> memref<16384xf32, #tpu.memory_space<hbm>>
    tpu.wait_indirect_dma semaphore(%arg13 : memref<!tpu.dma_semaphore, #tpu.memory_space<semaphore_mem>>) src(%dma_wait3A_123 : memref<128xf32, #tpu.memory_space<vmem>>) dst(%dma_wait3A_128 : memref<16384xf32, #tpu.memory_space<hbm>>)
    %dma_wait3A_129 = arith.constant 0 : i32
    %dma_wait3A_130 = arith.constant 0 : i32
    %dma_wait3A_131 = arith.constant 0 : i32
    %dma_wait3A_132 = tpu.memref_slice %arg11[%dma_wait3A_129, %dma_wait3A_131] : memref<4x128xf32, #tpu.memory_space<vmem>> -> memref<1x128xf32, #tpu.memory_space<vmem>>
    %dma_wait3A_133 = tpu.memref_squeeze %dma_wait3A_132 : memref<1x128xf32, #tpu.memory_space<vmem>> -> memref<128xf32, #tpu.memory_space<vmem>>
    %dma_wait3A_134 = arith.constant 0 : i32
    %dma_wait3A_135 = tpu.memref_slice %arg9[%dma_wait3A_130, %dma_wait3A_134] : memref<4x128xi32, #tpu.memory_space<vmem>> -> memref<1x128xi32, #tpu.memory_space<vmem>>
    %dma_wait3A_136 = tpu.memref_squeeze %dma_wait3A_135 : memref<1x128xi32, #tpu.memory_space<vmem>> -> memref<128xi32, #tpu.memory_space<vmem>>
    %dma_wait3A_137 = arith.constant 0 : i32
    %dma_wait3A_138 = tpu.memref_slice %arg7[%dma_wait3A_137] : memref<16384xf32, #tpu.memory_space<hbm>> -> memref<16384xf32, #tpu.memory_space<hbm>>
    tpu.wait_indirect_dma semaphore(%arg13 : memref<!tpu.dma_semaphore, #tpu.memory_space<semaphore_mem>>) src(%dma_wait3A_133 : memref<128xf32, #tpu.memory_space<vmem>>) dst(%dma_wait3A_138 : memref<16384xf32, #tpu.memory_space<hbm>>)
    %dma_wait3A_139 = arith.constant 0 : i32
    %dma_wait3A_140 = arith.constant 0 : i32
    %dma_wait3A_141 = arith.constant 0 : i32
    %dma_wait3A_142 = tpu.memref_slice %arg12[%dma_wait3A_139, %dma_wait3A_141] : memref<4x128xf32, #tpu.memory_space<vmem>> -> memref<1x128xf32, #tpu.memory_space<vmem>>
    %dma_wait3A_143 = tpu.memref_squeeze %dma_wait3A_142 : memref<1x128xf32, #tpu.memory_space<vmem>> -> memref<128xf32, #tpu.memory_space<vmem>>
    %dma_wait3A_144 = arith.constant 0 : i32
    %dma_wait3A_145 = tpu.memref_slice %arg9[%dma_wait3A_140, %dma_wait3A_144] : memref<4x128xi32, #tpu.memory_space<vmem>> -> memref<1x128xi32, #tpu.memory_space<vmem>>
    %dma_wait3A_146 = tpu.memref_squeeze %dma_wait3A_145 : memref<1x128xi32, #tpu.memory_space<vmem>> -> memref<128xi32, #tpu.memory_space<vmem>>
    %dma_wait3A_147 = arith.constant 0 : i32
    %dma_wait3A_148 = tpu.memref_slice %arg8[%dma_wait3A_147] : memref<16384xf32, #tpu.memory_space<hbm>> -> memref<16384xf32, #tpu.memory_space<hbm>>
    tpu.wait_indirect_dma semaphore(%arg13 : memref<!tpu.dma_semaphore, #tpu.memory_space<semaphore_mem>>) src(%dma_wait3A_143 : memref<128xf32, #tpu.memory_space<vmem>>) dst(%dma_wait3A_148 : memref<16384xf32, #tpu.memory_space<hbm>>)
    %dma_wait3A_149 = arith.constant 1 : i32
    %dma_wait3A_150 = arith.constant 1 : i32
    %dma_wait3A_151 = arith.constant 0 : i32
    %dma_wait3A_152 = tpu.memref_slice %arg10[%dma_wait3A_149, %dma_wait3A_151] : memref<4x128xf32, #tpu.memory_space<vmem>> -> memref<1x128xf32, #tpu.memory_space<vmem>>
    %dma_wait3A_153 = tpu.memref_squeeze %dma_wait3A_152 : memref<1x128xf32, #tpu.memory_space<vmem>> -> memref<128xf32, #tpu.memory_space<vmem>>
    %dma_wait3A_154 = arith.constant 0 : i32
    %dma_wait3A_155 = tpu.memref_slice %arg9[%dma_wait3A_150, %dma_wait3A_154] : memref<4x128xi32, #tpu.memory_space<vmem>> -> memref<1x128xi32, #tpu.memory_space<vmem>>
    %dma_wait3A_156 = tpu.memref_squeeze %dma_wait3A_155 : memref<1x128xi32, #tpu.memory_space<vmem>> -> memref<128xi32, #tpu.memory_space<vmem>>
    %dma_wait3A_157 = arith.constant 0 : i32
    %dma_wait3A_158 = tpu.memref_slice %arg6[%dma_wait3A_157] : memref<16384xf32, #tpu.memory_space<hbm>> -> memref<16384xf32, #tpu.memory_space<hbm>>
    tpu.wait_indirect_dma semaphore(%arg13 : memref<!tpu.dma_semaphore, #tpu.memory_space<semaphore_mem>>) src(%dma_wait3A_153 : memref<128xf32, #tpu.memory_space<vmem>>) dst(%dma_wait3A_158 : memref<16384xf32, #tpu.memory_space<hbm>>)
    %dma_wait3A_159 = arith.constant 1 : i32
    %dma_wait3A_160 = arith.constant 1 : i32
    %dma_wait3A_161 = arith.constant 0 : i32
    %dma_wait3A_162 = tpu.memref_slice %arg11[%dma_wait3A_159, %dma_wait3A_161] : memref<4x128xf32, #tpu.memory_space<vmem>> -> memref<1x128xf32, #tpu.memory_space<vmem>>
    %dma_wait3A_163 = tpu.memref_squeeze %dma_wait3A_162 : memref<1x128xf32, #tpu.memory_space<vmem>> -> memref<128xf32, #tpu.memory_space<vmem>>
    %dma_wait3A_164 = arith.constant 0 : i32
    %dma_wait3A_165 = tpu.memref_slice %arg9[%dma_wait3A_160, %dma_wait3A_164] : memref<4x128xi32, #tpu.memory_space<vmem>> -> memref<1x128xi32, #tpu.memory_space<vmem>>
    %dma_wait3A_166 = tpu.memref_squeeze %dma_wait3A_165 : memref<1x128xi32, #tpu.memory_space<vmem>> -> memref<128xi32, #tpu.memory_space<vmem>>
    %dma_wait3A_167 = arith.constant 0 : i32
    %dma_wait3A_168 = tpu.memref_slice %arg7[%dma_wait3A_167] : memref<16384xf32, #tpu.memory_space<hbm>> -> memref<16384xf32, #tpu.memory_space<hbm>>
    tpu.wait_indirect_dma semaphore(%arg13 : memref<!tpu.dma_semaphore, #tpu.memory_space<semaphore_mem>>) src(%dma_wait3A_163 : memref<128xf32, #tpu.memory_space<vmem>>) dst(%dma_wait3A_168 : memref<16384xf32, #tpu.memory_space<hbm>>)
    %dma_wait3A_169 = arith.constant 1 : i32
    %dma_wait3A_170 = arith.constant 1 : i32
    %dma_wait3A_171 = arith.constant 0 : i32
    %dma_wait3A_172 = tpu.memref_slice %arg12[%dma_wait3A_169, %dma_wait3A_171] : memref<4x128xf32, #tpu.memory_space<vmem>> -> memref<1x128xf32, #tpu.memory_space<vmem>>
    %dma_wait3A_173 = tpu.memref_squeeze %dma_wait3A_172 : memref<1x128xf32, #tpu.memory_space<vmem>> -> memref<128xf32, #tpu.memory_space<vmem>>
    %dma_wait3A_174 = arith.constant 0 : i32
    %dma_wait3A_175 = tpu.memref_slice %arg9[%dma_wait3A_170, %dma_wait3A_174] : memref<4x128xi32, #tpu.memory_space<vmem>> -> memref<1x128xi32, #tpu.memory_space<vmem>>
    %dma_wait3A_176 = tpu.memref_squeeze %dma_wait3A_175 : memref<1x128xi32, #tpu.memory_space<vmem>> -> memref<128xi32, #tpu.memory_space<vmem>>
    %dma_wait3A_177 = arith.constant 0 : i32
    %dma_wait3A_178 = tpu.memref_slice %arg8[%dma_wait3A_177] : memref<16384xf32, #tpu.memory_space<hbm>> -> memref<16384xf32, #tpu.memory_space<hbm>>
    tpu.wait_indirect_dma semaphore(%arg13 : memref<!tpu.dma_semaphore, #tpu.memory_space<semaphore_mem>>) src(%dma_wait3A_173 : memref<128xf32, #tpu.memory_space<vmem>>) dst(%dma_wait3A_178 : memref<16384xf32, #tpu.memory_space<hbm>>)
    %dma_wait3A_179 = arith.constant 2 : i32
    %dma_wait3A_180 = arith.constant 2 : i32
    %dma_wait3A_181 = arith.constant 0 : i32
    %dma_wait3A_182 = tpu.memref_slice %arg10[%dma_wait3A_179, %dma_wait3A_181] : memref<4x128xf32, #tpu.memory_space<vmem>> -> memref<1x128xf32, #tpu.memory_space<vmem>>
    %dma_wait3A_183 = tpu.memref_squeeze %dma_wait3A_182 : memref<1x128xf32, #tpu.memory_space<vmem>> -> memref<128xf32, #tpu.memory_space<vmem>>
    %dma_wait3A_184 = arith.constant 0 : i32
    %dma_wait3A_185 = tpu.memref_slice %arg9[%dma_wait3A_180, %dma_wait3A_184] : memref<4x128xi32, #tpu.memory_space<vmem>> -> memref<1x128xi32, #tpu.memory_space<vmem>>
    %dma_wait3A_186 = tpu.memref_squeeze %dma_wait3A_185 : memref<1x128xi32, #tpu.memory_space<vmem>> -> memref<128xi32, #tpu.memory_space<vmem>>
    %dma_wait3A_187 = arith.constant 0 : i32
    %dma_wait3A_188 = tpu.memref_slice %arg6[%dma_wait3A_187] : memref<16384xf32, #tpu.memory_space<hbm>> -> memref<16384xf32, #tpu.memory_space<hbm>>
    tpu.wait_indirect_dma semaphore(%arg13 : memref<!tpu.dma_semaphore, #tpu.memory_space<semaphore_mem>>) src(%dma_wait3A_183 : memref<128xf32, #tpu.memory_space<vmem>>) dst(%dma_wait3A_188 : memref<16384xf32, #tpu.memory_space<hbm>>)
    %dma_wait3A_189 = arith.constant 2 : i32
    %dma_wait3A_190 = arith.constant 2 : i32
    %dma_wait3A_191 = arith.constant 0 : i32
    %dma_wait3A_192 = tpu.memref_slice %arg11[%dma_wait3A_189, %dma_wait3A_191] : memref<4x128xf32, #tpu.memory_space<vmem>> -> memref<1x128xf32, #tpu.memory_space<vmem>>
    %dma_wait3A_193 = tpu.memref_squeeze %dma_wait3A_192 : memref<1x128xf32, #tpu.memory_space<vmem>> -> memref<128xf32, #tpu.memory_space<vmem>>
    %dma_wait3A_194 = arith.constant 0 : i32
    %dma_wait3A_195 = tpu.memref_slice %arg9[%dma_wait3A_190, %dma_wait3A_194] : memref<4x128xi32, #tpu.memory_space<vmem>> -> memref<1x128xi32, #tpu.memory_space<vmem>>
    %dma_wait3A_196 = tpu.memref_squeeze %dma_wait3A_195 : memref<1x128xi32, #tpu.memory_space<vmem>> -> memref<128xi32, #tpu.memory_space<vmem>>
    %dma_wait3A_197 = arith.constant 0 : i32
    %dma_wait3A_198 = tpu.memref_slice %arg7[%dma_wait3A_197] : memref<16384xf32, #tpu.memory_space<hbm>> -> memref<16384xf32, #tpu.memory_space<hbm>>
    tpu.wait_indirect_dma semaphore(%arg13 : memref<!tpu.dma_semaphore, #tpu.memory_space<semaphore_mem>>) src(%dma_wait3A_193 : memref<128xf32, #tpu.memory_space<vmem>>) dst(%dma_wait3A_198 : memref<16384xf32, #tpu.memory_space<hbm>>)
    %dma_wait3A_199 = arith.constant 2 : i32
    %dma_wait3A_200 = arith.constant 2 : i32
    %dma_wait3A_201 = arith.constant 0 : i32
    %dma_wait3A_202 = tpu.memref_slice %arg12[%dma_wait3A_199, %dma_wait3A_201] : memref<4x128xf32, #tpu.memory_space<vmem>> -> memref<1x128xf32, #tpu.memory_space<vmem>>
    %dma_wait3A_203 = tpu.memref_squeeze %dma_wait3A_202 : memref<1x128xf32, #tpu.memory_space<vmem>> -> memref<128xf32, #tpu.memory_space<vmem>>
    %dma_wait3A_204 = arith.constant 0 : i32
    %dma_wait3A_205 = tpu.memref_slice %arg9[%dma_wait3A_200, %dma_wait3A_204] : memref<4x128xi32, #tpu.memory_space<vmem>> -> memref<1x128xi32, #tpu.memory_space<vmem>>
    %dma_wait3A_206 = tpu.memref_squeeze %dma_wait3A_205 : memref<1x128xi32, #tpu.memory_space<vmem>> -> memref<128xi32, #tpu.memory_space<vmem>>
    %dma_wait3A_207 = arith.constant 0 : i32
    %dma_wait3A_208 = tpu.memref_slice %arg8[%dma_wait3A_207] : memref<16384xf32, #tpu.memory_space<hbm>> -> memref<16384xf32, #tpu.memory_space<hbm>>
    tpu.wait_indirect_dma semaphore(%arg13 : memref<!tpu.dma_semaphore, #tpu.memory_space<semaphore_mem>>) src(%dma_wait3A_203 : memref<128xf32, #tpu.memory_space<vmem>>) dst(%dma_wait3A_208 : memref<16384xf32, #tpu.memory_space<hbm>>)
    %dma_wait3A_209 = arith.constant 3 : i32
    %dma_wait3A_210 = arith.constant 3 : i32
    %dma_wait3A_211 = arith.constant 0 : i32
    %dma_wait3A_212 = tpu.memref_slice %arg10[%dma_wait3A_209, %dma_wait3A_211] : memref<4x128xf32, #tpu.memory_space<vmem>> -> memref<1x128xf32, #tpu.memory_space<vmem>>
    %dma_wait3A_213 = tpu.memref_squeeze %dma_wait3A_212 : memref<1x128xf32, #tpu.memory_space<vmem>> -> memref<128xf32, #tpu.memory_space<vmem>>
    %dma_wait3A_214 = arith.constant 0 : i32
    %dma_wait3A_215 = tpu.memref_slice %arg9[%dma_wait3A_210, %dma_wait3A_214] : memref<4x128xi32, #tpu.memory_space<vmem>> -> memref<1x128xi32, #tpu.memory_space<vmem>>
    %dma_wait3A_216 = tpu.memref_squeeze %dma_wait3A_215 : memref<1x128xi32, #tpu.memory_space<vmem>> -> memref<128xi32, #tpu.memory_space<vmem>>
    %dma_wait3A_217 = arith.constant 0 : i32
    %dma_wait3A_218 = tpu.memref_slice %arg6[%dma_wait3A_217] : memref<16384xf32, #tpu.memory_space<hbm>> -> memref<16384xf32, #tpu.memory_space<hbm>>
    tpu.wait_indirect_dma semaphore(%arg13 : memref<!tpu.dma_semaphore, #tpu.memory_space<semaphore_mem>>) src(%dma_wait3A_213 : memref<128xf32, #tpu.memory_space<vmem>>) dst(%dma_wait3A_218 : memref<16384xf32, #tpu.memory_space<hbm>>)
    %dma_wait3A_219 = arith.constant 3 : i32
    %dma_wait3A_220 = arith.constant 3 : i32
    %dma_wait3A_221 = arith.constant 0 : i32
    %dma_wait3A_222 = tpu.memref_slice %arg11[%dma_wait3A_219, %dma_wait3A_221] : memref<4x128xf32, #tpu.memory_space<vmem>> -> memref<1x128xf32, #tpu.memory_space<vmem>>
    %dma_wait3A_223 = tpu.memref_squeeze %dma_wait3A_222 : memref<1x128xf32, #tpu.memory_space<vmem>> -> memref<128xf32, #tpu.memory_space<vmem>>
    %dma_wait3A_224 = arith.constant 0 : i32
    %dma_wait3A_225 = tpu.memref_slice %arg9[%dma_wait3A_220, %dma_wait3A_224] : memref<4x128xi32, #tpu.memory_space<vmem>> -> memref<1x128xi32, #tpu.memory_space<vmem>>
    %dma_wait3A_226 = tpu.memref_squeeze %dma_wait3A_225 : memref<1x128xi32, #tpu.memory_space<vmem>> -> memref<128xi32, #tpu.memory_space<vmem>>
    %dma_wait3A_227 = arith.constant 0 : i32
    %dma_wait3A_228 = tpu.memref_slice %arg7[%dma_wait3A_227] : memref<16384xf32, #tpu.memory_space<hbm>> -> memref<16384xf32, #tpu.memory_space<hbm>>
    tpu.wait_indirect_dma semaphore(%arg13 : memref<!tpu.dma_semaphore, #tpu.memory_space<semaphore_mem>>) src(%dma_wait3A_223 : memref<128xf32, #tpu.memory_space<vmem>>) dst(%dma_wait3A_228 : memref<16384xf32, #tpu.memory_space<hbm>>)
    %dma_wait3A_229 = arith.constant 3 : i32
    %dma_wait3A_230 = arith.constant 3 : i32
    %dma_wait3A_231 = arith.constant 0 : i32
    %dma_wait3A_232 = tpu.memref_slice %arg12[%dma_wait3A_229, %dma_wait3A_231] : memref<4x128xf32, #tpu.memory_space<vmem>> -> memref<1x128xf32, #tpu.memory_space<vmem>>
    %dma_wait3A_233 = tpu.memref_squeeze %dma_wait3A_232 : memref<1x128xf32, #tpu.memory_space<vmem>> -> memref<128xf32, #tpu.memory_space<vmem>>
    %dma_wait3A_234 = arith.constant 0 : i32
    %dma_wait3A_235 = tpu.memref_slice %arg9[%dma_wait3A_230, %dma_wait3A_234] : memref<4x128xi32, #tpu.memory_space<vmem>> -> memref<1x128xi32, #tpu.memory_space<vmem>>
    %dma_wait3A_236 = tpu.memref_squeeze %dma_wait3A_235 : memref<1x128xi32, #tpu.memory_space<vmem>> -> memref<128xi32, #tpu.memory_space<vmem>>
    %dma_wait3A_237 = arith.constant 0 : i32
    %dma_wait3A_238 = tpu.memref_slice %arg8[%dma_wait3A_237] : memref<16384xf32, #tpu.memory_space<hbm>> -> memref<16384xf32, #tpu.memory_space<hbm>>
    tpu.wait_indirect_dma semaphore(%arg13 : memref<!tpu.dma_semaphore, #tpu.memory_space<semaphore_mem>>) src(%dma_wait3A_233 : memref<128xf32, #tpu.memory_space<vmem>>) dst(%dma_wait3A_238 : memref<16384xf32, #tpu.memory_space<hbm>>)
    return
  }
}

module attributes {stable_mosaic.version = 14 : i64} {
  func.func @_head_body(%arg0: i32, %arg1: memref<2048x192xf32, #tpu.memory_space<vmem>>, %arg2: memref<192x8xf32, #tpu.memory_space<vmem>>, %arg3: memref<1x8xf32, #tpu.memory_space<vmem>>, %arg4: memref<2048x8xf32, #tpu.memory_space<vmem>>) attributes {dimension_semantics = [#tpu.dimension_semantics<arbitrary>], iteration_bounds = array<i64: 8>, scalar_prefetch = 0 : i64, scratch_operands = 0 : i64, tpu.core_type = #tpu.core_type<tc>, window_params = [{transform_indices = @transform_0, window_bounds = array<i64: 2048, 192>}, {pipeline_mode = #tpu.pipeline_mode<synchronous>, transform_indices = @transform_1, window_bounds = array<i64: 192, 8>}, {pipeline_mode = #tpu.pipeline_mode<synchronous>, transform_indices = @transform_2, window_bounds = array<i64: 1, 8>}, {transform_indices = @transform_3, window_bounds = array<i64: 2048, 8>}]} {
    %get3A = arith.constant 0 : index
    %get3A_0 = arith.constant 0 : index
    %get3A_1 = vector.load %arg1[%get3A, %get3A_0] : memref<2048x192xf32, #tpu.memory_space<vmem>>, vector<2048x192xf32>
    %get3A_2 = arith.constant 0 : index
    %get3A_3 = arith.constant 0 : index
    %get3A_4 = vector.load %arg2[%get3A_2, %get3A_3] : memref<192x8xf32, #tpu.memory_space<vmem>>, vector<192x8xf32>
    %dot_general3A = arith.constant dense<0.000000e+00> : vector<2048x8xf32>
    %dot_general3A_5 = tpu.matmul %get3A_1, %get3A_4, %dot_general3A {dimension_numbers = #tpu.dot_dimension_numbers<[1], [0], [0], [1], [0, 0, 1, 1], [], []>, transpose_lhs_hint = false} : vector<2048x192xf32>, vector<192x8xf32>, vector<2048x8xf32> -> vector<2048x8xf32>
    %get3A_6 = arith.constant 0 : index
    %get3A_7 = arith.constant 0 : index
    %get3A_8 = vector.load %arg3[%get3A_6, %get3A_7] : memref<1x8xf32, #tpu.memory_space<vmem>>, vector<1x8xf32>
    %add3A = vector.broadcast %get3A_8 : vector<1x8xf32> to vector<2048x8xf32>
    %add3A_9 = arith.addf %dot_general3A_5, %add3A : vector<2048x8xf32>
    %mul3A = arith.constant 2048 : i32
    %mul3A_10 = arith.muli %arg0, %mul3A : i32
    %iota3A = tpu.iota {dimensions = array<i32: 0>} : vector<2048x1xi32>
    %add3A_11 = vector.broadcast %mul3A_10 : i32 to vector<2048x1xi32>
    %add3A_12 = arith.addi %add3A_11, %iota3A : vector<2048x1xi32>
    %jit3A = arith.constant 128 : i32
    %div3A = vector.broadcast %jit3A : i32 to vector<2048x1xi32>
    %div3A_13 = arith.divsi %add3A_12, %div3A : vector<2048x1xi32>
    %sign3A = arith.constant 0 : i32
    %sign3A_14 = vector.broadcast %sign3A : i32 to vector<2048x1xi32>
    %sign3A_15 = arith.cmpi sgt, %add3A_12, %sign3A_14 : vector<2048x1xi32>
    %sign3A_16 = arith.extui %sign3A_15 : vector<2048x1xi1> to vector<2048x1xi32>
    %sign3A_17 = arith.constant 0 : i32
    %sign3A_18 = vector.broadcast %sign3A_17 : i32 to vector<2048x1xi32>
    %sign3A_19 = arith.cmpi slt, %add3A_12, %sign3A_18 : vector<2048x1xi32>
    %sign3A_20 = arith.extui %sign3A_19 : vector<2048x1xi1> to vector<2048x1xi32>
    %sign3A_21 = arith.subi %sign3A_16, %sign3A_20 : vector<2048x1xi32>
    %sign3A_22 = arith.constant 0 : i32
    %sign3A_23 = arith.cmpi sgt, %jit3A, %sign3A_22 : i32
    %sign3A_24 = arith.extui %sign3A_23 : i1 to i32
    %sign3A_25 = arith.constant 0 : i32
    %sign3A_26 = arith.cmpi slt, %jit3A, %sign3A_25 : i32
    %sign3A_27 = arith.extui %sign3A_26 : i1 to i32
    %sign3A_28 = arith.subi %sign3A_24, %sign3A_27 : i32
    %ne3A = vector.broadcast %sign3A_28 : i32 to vector<2048x1xi32>
    %ne3A_29 = arith.cmpi ne, %sign3A_21, %ne3A : vector<2048x1xi32>
    %rem3A = vector.broadcast %jit3A : i32 to vector<2048x1xi32>
    %rem3A_30 = arith.remsi %add3A_12, %rem3A : vector<2048x1xi32>
    %ne3A_31 = arith.constant 0 : i32
    %ne3A_32 = vector.broadcast %ne3A_31 : i32 to vector<2048x1xi32>
    %ne3A_33 = arith.cmpi ne, %rem3A_30, %ne3A_32 : vector<2048x1xi32>
    %and3A = arith.andi %ne3A_29, %ne3A_33 : vector<2048x1xi1>
    %sub3A = arith.constant 1 : i32
    %sub3A_34 = vector.broadcast %sub3A : i32 to vector<2048x1xi32>
    %sub3A_35 = arith.subi %div3A_13, %sub3A_34 : vector<2048x1xi32>
    %select_n3A = arith.select %and3A, %sub3A_35, %div3A_13 : vector<2048x1xi1>, vector<2048x1xi32>
    %convert_element_type3A = arith.sitofp %select_n3A : vector<2048x1xi32> to vector<2048x1xf32>
    %jit3A_36 = arith.constant 128 : i32
    %eq3A = arith.constant 0 : i32
    %eq3A_37 = arith.cmpi eq, %jit3A_36, %eq3A : i32
    %jit3A_38 = arith.constant 1 : i32
    %select_n3A_39 = arith.select %eq3A_37, %jit3A_38, %jit3A_36 : i32
    %rem3A_40 = vector.broadcast %select_n3A_39 : i32 to vector<2048x1xi32>
    %rem3A_41 = arith.remsi %add3A_12, %rem3A_40 : vector<2048x1xi32>
    %ne3A_42 = arith.constant 0 : i32
    %ne3A_43 = vector.broadcast %ne3A_42 : i32 to vector<2048x1xi32>
    %ne3A_44 = arith.cmpi ne, %rem3A_41, %ne3A_43 : vector<2048x1xi32>
    %lt3A = arith.constant 0 : i32
    %lt3A_45 = vector.broadcast %lt3A : i32 to vector<2048x1xi32>
    %lt3A_46 = arith.cmpi slt, %rem3A_41, %lt3A_45 : vector<2048x1xi32>
    %lt3A_47 = arith.constant 0 : i32
    %lt3A_48 = arith.cmpi slt, %select_n3A_39, %lt3A_47 : i32
    %ne3A_49 = vector.broadcast %lt3A_48 : i1 to vector<2048x1xi1>
    %ne3A_50 = vector.broadcast %ne3A_49 : vector<2048x1xi1> to vector<2048x1xi1>
    %ne3A_51 = arith.xori %lt3A_46, %ne3A_50 : vector<2048x1xi1>
    %and3A_52 = arith.andi %ne3A_51, %ne3A_44 : vector<2048x1xi1>
    %add3A_53 = vector.broadcast %select_n3A_39 : i32 to vector<2048x1xi32>
    %add3A_54 = arith.addi %rem3A_41, %add3A_53 : vector<2048x1xi32>
    %select_n3A_55 = arith.select %and3A_52, %add3A_54, %rem3A_41 : vector<2048x1xi1>, vector<2048x1xi32>
    %convert_element_type3A_56 = arith.sitofp %select_n3A_55 : vector<2048x1xi32> to vector<2048x1xf32>
    %add3A_57 = arith.constant 5.000000e-01 : f32
    %add3A_58 = vector.broadcast %add3A_57 : f32 to vector<2048x1xf32>
    %add3A_59 = arith.addf %convert_element_type3A, %add3A_58 : vector<2048x1xf32>
    %mul3A_60 = arith.constant 4.000000e+00 : f32
    %mul3A_61 = vector.broadcast %mul3A_60 : f32 to vector<2048x1xf32>
    %mul3A_62 = arith.mulf %add3A_59, %mul3A_61 : vector<2048x1xf32>
    %slice3A = vector.extract_strided_slice %add3A_9 {offsets = [0, 1], sizes = [2048, 1], strides = [1, 1]} : vector<2048x8xf32> to vector<2048x1xf32>
    %mul3A_63 = arith.constant 4.000000e+00 : f32
    %mul3A_64 = vector.broadcast %mul3A_63 : f32 to vector<2048x1xf32>
    %mul3A_65 = arith.mulf %slice3A, %mul3A_64 : vector<2048x1xf32>
    %add3A_66 = arith.addf %mul3A_62, %mul3A_65 : vector<2048x1xf32>
    %add3A_67 = arith.constant 5.000000e-01 : f32
    %add3A_68 = vector.broadcast %add3A_67 : f32 to vector<2048x1xf32>
    %add3A_69 = arith.addf %convert_element_type3A_56, %add3A_68 : vector<2048x1xf32>
    %mul3A_70 = arith.constant 4.000000e+00 : f32
    %mul3A_71 = vector.broadcast %mul3A_70 : f32 to vector<2048x1xf32>
    %mul3A_72 = arith.mulf %add3A_69, %mul3A_71 : vector<2048x1xf32>
    %slice3A_73 = vector.extract_strided_slice %add3A_9 {offsets = [0, 2], sizes = [2048, 1], strides = [1, 1]} : vector<2048x8xf32> to vector<2048x1xf32>
    %mul3A_74 = arith.constant 4.000000e+00 : f32
    %mul3A_75 = vector.broadcast %mul3A_74 : f32 to vector<2048x1xf32>
    %mul3A_76 = arith.mulf %slice3A_73, %mul3A_75 : vector<2048x1xf32>
    %add3A_77 = arith.addf %mul3A_72, %mul3A_76 : vector<2048x1xf32>
    %slice3A_78 = vector.extract_strided_slice %add3A_9 {offsets = [0, 0], sizes = [2048, 1], strides = [1, 1]} : vector<2048x8xf32> to vector<2048x1xf32>
    %swap3A = arith.constant 0 : index
    %swap3A_79 = arith.constant 0 : index
    %swap3A_80 = vector.load %arg4[%swap3A, %swap3A_79] : memref<2048x8xf32, #tpu.memory_space<vmem>>, vector<2048x1xf32>
    tpu.vector_store %arg4[%swap3A, %swap3A_79], %slice3A_78 {strides = array<i32>} : memref<2048x8xf32, #tpu.memory_space<vmem>>, vector<2048x1xf32>,
    %swap3A_81 = arith.constant 0 : index
    %swap3A_82 = arith.constant 1 : index
    %swap3A_83 = vector.load %arg4[%swap3A_81, %swap3A_82] : memref<2048x8xf32, #tpu.memory_space<vmem>>, vector<2048x1xf32>
    tpu.vector_store %arg4[%swap3A_81, %swap3A_82], %add3A_66 {strides = array<i32>} : memref<2048x8xf32, #tpu.memory_space<vmem>>, vector<2048x1xf32>,
    %swap3A_84 = arith.constant 0 : index
    %swap3A_85 = arith.constant 2 : index
    %swap3A_86 = vector.load %arg4[%swap3A_84, %swap3A_85] : memref<2048x8xf32, #tpu.memory_space<vmem>>, vector<2048x1xf32>
    tpu.vector_store %arg4[%swap3A_84, %swap3A_85], %add3A_77 {strides = array<i32>} : memref<2048x8xf32, #tpu.memory_space<vmem>>, vector<2048x1xf32>,
    %broadcast_in_dim3A = arith.constant 0.000000e+00 : f32
    %broadcast_in_dim3A_87 = vector.broadcast %broadcast_in_dim3A : f32 to vector<2048x5xf32>
    %swap3A_88 = arith.constant 0 : index
    %swap3A_89 = arith.constant 3 : index
    %swap3A_90 = vector.load %arg4[%swap3A_88, %swap3A_89] : memref<2048x8xf32, #tpu.memory_space<vmem>>, vector<2048x5xf32>
    tpu.vector_store %arg4[%swap3A_88, %swap3A_89], %broadcast_in_dim3A_87 {strides = array<i32>} : memref<2048x8xf32, #tpu.memory_space<vmem>>, vector<2048x5xf32>,
    return
  }
  func.func @transform_0(%arg0: i32) -> (i32, i32) {
    %c0_i32 = arith.constant 0 : i32
    %c0_i32_0 = arith.constant 0 : i32
    return %arg0, %c0_i32 : i32, i32
  }
  func.func @transform_1(%arg0: i32) -> (i32, i32) {
    %c0_i32 = arith.constant 0 : i32
    %c0_i32_0 = arith.constant 0 : i32
    %c0_i32_1 = arith.constant 0 : i32
    return %c0_i32, %c0_i32_0 : i32, i32
  }
  func.func @transform_2(%arg0: i32) -> (i32, i32) {
    %c0_i32 = arith.constant 0 : i32
    %c0_i32_0 = arith.constant 0 : i32
    %c0_i32_1 = arith.constant 0 : i32
    return %c0_i32, %c0_i32_0 : i32, i32
  }
  func.func @transform_3(%arg0: i32) -> (i32, i32) {
    %c0_i32 = arith.constant 0 : i32
    %c0_i32_0 = arith.constant 0 : i32
    return %arg0, %c0_i32 : i32, i32
  }
}

module attributes {stable_mosaic.version = 14 : i64} {
  func.func @_rank_body(%arg0: i32, %arg1: memref<64x1xf32, #tpu.memory_space<vmem>>, %arg2: memref<1x16384xf32, #tpu.memory_space<vmem>>, %arg3: memref<64x1xi32, #tpu.memory_space<vmem>>) attributes {dimension_semantics = [#tpu.dimension_semantics<arbitrary>], iteration_bounds = array<i64: 256>, scalar_prefetch = 0 : i64, scratch_operands = 0 : i64, tpu.core_type = #tpu.core_type<tc>, window_params = [{transform_indices = @transform_0, window_bounds = array<i64: 64, 1>}, {pipeline_mode = #tpu.pipeline_mode<synchronous>, transform_indices = @transform_1, window_bounds = array<i64: 1, 16384>}, {transform_indices = @transform_2, window_bounds = array<i64: 64, 1>}]} {
    %get3A = arith.constant 0 : index
    %get3A_0 = arith.constant 0 : index
    %get3A_1 = vector.load %arg1[%get3A, %get3A_0] : memref<64x1xf32, #tpu.memory_space<vmem>>, vector<64x1xf32>
    %get3A_2 = arith.constant 0 : index
    %get3A_3 = arith.constant 0 : index
    %get3A_4 = vector.load %arg2[%get3A_2, %get3A_3] : memref<1x16384xf32, #tpu.memory_space<vmem>>, vector<1x16384xf32>
    %gt3A = vector.broadcast %get3A_4 : vector<1x16384xf32> to vector<64x16384xf32>
    %gt3A_5 = vector.broadcast %get3A_1 : vector<64x1xf32> to vector<64x16384xf32>
    %gt3A_6 = arith.cmpf ogt, %gt3A, %gt3A_5 : vector<64x16384xf32>
    %convert_element_type3A = arith.extui %gt3A_6 : vector<64x16384xi1> to vector<64x16384xi32>
    %iota3A = tpu.iota {dimensions = array<i32: 1>} : vector<64x16384xi32>
    %mul3A = arith.constant 64 : i32
    %mul3A_7 = arith.muli %arg0, %mul3A : i32
    %iota3A_8 = tpu.iota {dimensions = array<i32: 0>} : vector<64x16384xi32>
    %add3A = vector.broadcast %mul3A_7 : i32 to vector<64x16384xi32>
    %add3A_9 = arith.addi %add3A, %iota3A_8 : vector<64x16384xi32>
    %eq3A = vector.broadcast %get3A_4 : vector<1x16384xf32> to vector<64x16384xf32>
    %eq3A_10 = vector.broadcast %get3A_1 : vector<64x1xf32> to vector<64x16384xf32>
    %eq3A_11 = arith.cmpf oeq, %eq3A, %eq3A_10 : vector<64x16384xf32>
    %lt3A = arith.cmpi slt, %iota3A, %add3A_9 : vector<64x16384xi32>
    %and3A = arith.andi %eq3A_11, %lt3A : vector<64x16384xi1>
    %jit3A = arith.constant 1 : i32
    %jit3A_12 = arith.constant 0 : i32
    %broadcast_in_dim3A = vector.broadcast %jit3A : i32 to vector<64x16384xi32>
    %broadcast_in_dim3A_13 = vector.broadcast %jit3A_12 : i32 to vector<64x16384xi32>
    %select_n3A = arith.select %and3A, %broadcast_in_dim3A, %broadcast_in_dim3A_13 : vector<64x16384xi1>, vector<64x16384xi32>
    %add3A_14 = arith.addi %convert_element_type3A, %select_n3A : vector<64x16384xi32>
    %reduce_sum3A = arith.constant dense<0> : vector<64xi32>
    %reduce_sum3A_15 = vector.multi_reduction <add>, %add3A_14, %reduce_sum3A [1] : vector<64x16384xi32> to vector<64xi32>
    %broadcast_in_dim3A_16 = vector.shape_cast %reduce_sum3A_15 : vector<64xi32> to vector<64x1xi32>
    %swap3A = arith.constant 0 : index
    %swap3A_17 = arith.constant 0 : index
    %swap3A_18 = vector.load %arg3[%swap3A, %swap3A_17] : memref<64x1xi32, #tpu.memory_space<vmem>>, vector<64x1xi32>
    tpu.vector_store %arg3[%swap3A, %swap3A_17], %broadcast_in_dim3A_16 {strides = array<i32>} : memref<64x1xi32, #tpu.memory_space<vmem>>, vector<64x1xi32>,
    return
  }
  func.func @transform_0(%arg0: i32) -> (i32, i32) {
    %c0_i32 = arith.constant 0 : i32
    %c0_i32_0 = arith.constant 0 : i32
    return %arg0, %c0_i32 : i32, i32
  }
  func.func @transform_1(%arg0: i32) -> (i32, i32) {
    %c0_i32 = arith.constant 0 : i32
    %c0_i32_0 = arith.constant 0 : i32
    %c0_i32_1 = arith.constant 0 : i32
    return %c0_i32, %c0_i32_0 : i32, i32
  }
  func.func @transform_2(%arg0: i32) -> (i32, i32) {
    %c0_i32 = arith.constant 0 : i32
    %c0_i32_0 = arith.constant 0 : i32
    return %arg0, %c0_i32 : i32, i32
  }
}

module attributes {stable_mosaic.version = 14 : i64} {
  func.func @_nms_body(%arg0: i32, %arg1: memref<1x1x128xf32, #tpu.memory_space<vmem>>, %arg2: memref<1x1x128xf32, #tpu.memory_space<vmem>>, %arg3: memref<1x1x128xf32, #tpu.memory_space<vmem>>, %arg4: memref<128x1xf32, #tpu.memory_space<vmem>>, %arg5: memref<128x1xf32, #tpu.memory_space<vmem>>, %arg6: memref<40x128xf32, #tpu.memory_space<vmem>>, %arg7: memref<40x128xf32, #tpu.memory_space<vmem>>, %arg8: memref<1x1x128xf32, #tpu.memory_space<vmem>>, %arg9: memref<40x128xf32, #tpu.memory_space<vmem>>) attributes {dimension_semantics = [#tpu.dimension_semantics<arbitrary>], iteration_bounds = array<i64: 40>, scalar_prefetch = 0 : i64, scratch_operands = 1 : i64, tpu.core_type = #tpu.core_type<tc>, window_params = [{transform_indices = @transform_0, window_bounds = array<i64: 1, 1, 128>}, {transform_indices = @transform_1, window_bounds = array<i64: 1, 1, 128>}, {transform_indices = @transform_2, window_bounds = array<i64: 1, 1, 128>}, {transform_indices = @transform_3, window_bounds = array<i64: 128, 1>}, {transform_indices = @transform_4, window_bounds = array<i64: 128, 1>}, {pipeline_mode = #tpu.pipeline_mode<synchronous>, transform_indices = @transform_5, window_bounds = array<i64: 40, 128>}, {pipeline_mode = #tpu.pipeline_mode<synchronous>, transform_indices = @transform_6, window_bounds = array<i64: 40, 128>}, {transform_indices = @transform_7, window_bounds = array<i64: 1, 1, 128>}]} {
    %eq3A = arith.constant 0 : i32
    %eq3A_0 = arith.cmpi eq, %arg0, %eq3A : i32
    %convert_element_type3A = arith.extui %eq3A_0 : i1 to i32
    %cond3A = arith.constant 0 : i32
    %cond3A_1 = arith.cmpi ne, %convert_element_type3A, %cond3A : i32
    scf.if %cond3A_1 {
      %broadcast_in_dim3A_2081 = arith.constant 0.000000e+00 : f32
      %broadcast_in_dim3A_2082 = vector.broadcast %broadcast_in_dim3A_2081 : f32 to vector<40x128xf32>
      %swap3A_2083 = arith.constant 0 : index
      %swap3A_2084 = arith.constant 0 : index
      %swap3A_2085 = vector.load %arg9[%swap3A_2083, %swap3A_2084] : memref<40x128xf32, #tpu.memory_space<vmem>>, vector<40x128xf32>
      tpu.vector_store %arg9[%swap3A_2083, %swap3A_2084], %broadcast_in_dim3A_2082 {strides = array<i32>} : memref<40x128xf32, #tpu.memory_space<vmem>>, vector<40x128xf32>,
    } else {
    }
    %iota3A = tpu.iota {dimensions = array<i32: 0>} : vector<40x128xi32>
    %eq3A_2 = vector.broadcast %arg0 : i32 to vector<40x128xi32>
    %eq3A_3 = arith.cmpi eq, %iota3A, %eq3A_2 : vector<40x128xi32>
    %get3A = arith.constant 0 : index
    %get3A_4 = arith.constant 0 : index
    %get3A_5 = vector.load %arg9[%get3A, %get3A_4] : memref<40x128xf32, #tpu.memory_space<vmem>>, vector<40x128xf32>
    %jit3A = arith.constant 0.000000e+00 : f32
    %broadcast_in_dim3A = vector.broadcast %jit3A : f32 to vector<40x128xf32>
    %select_n3A = arith.select %eq3A_3, %get3A_5, %broadcast_in_dim3A : vector<40x128xi1>, vector<40x128xf32>
    %reduce_sum3A = arith.constant dense<0.000000e+00> : vector<128xf32>
    %reduce_sum3A_6 = vector.multi_reduction <add>, %select_n3A, %reduce_sum3A [0] : vector<40x128xf32> to vector<128xf32>
    %broadcast_in_dim3A_7 = vector.shape_cast %reduce_sum3A_6 : vector<128xf32> to vector<1x128xf32>
    %get3A_8 = arith.constant 0 : index
    %get3A_9 = arith.constant 0 : index
    %get3A_10 = arith.constant 0 : index
    %get3A_11 = vector.load %arg1[%get3A_8, %get3A_9, %get3A_10] : memref<1x1x128xf32, #tpu.memory_space<vmem>>, vector<1x1x128xf32>
    %get3A_12 = vector.shape_cast %get3A_11 : vector<1x1x128xf32> to vector<1x128xf32>
    %mul3A = arith.constant 128 : i32
    %mul3A_13 = arith.muli %arg0, %mul3A : i32
    %iota3A_14 = tpu.iota {dimensions = array<i32: 1>} : vector<1x128xi32>
    %add3A = vector.broadcast %mul3A_13 : i32 to vector<1x128xi32>
    %add3A_15 = arith.addi %add3A, %iota3A_14 : vector<1x128xi32>
    %gt3A = arith.constant 2.000000e-01 : f32
    %gt3A_16 = vector.broadcast %gt3A : f32 to vector<1x128xf32>
    %gt3A_17 = arith.cmpf ogt, %get3A_12, %gt3A_16 : vector<1x128xf32>
    %lt3A = arith.constant 5000 : i32
    %lt3A_18 = vector.broadcast %lt3A : i32 to vector<1x128xi32>
    %lt3A_19 = arith.cmpi slt, %add3A_15, %lt3A_18 : vector<1x128xi32>
    %and3A = arith.andi %gt3A_17, %lt3A_19 : vector<1x128xi1>
    %le3A = arith.constant 0.000000e+00 : f32
    %le3A_20 = vector.broadcast %le3A : f32 to vector<1x128xf32>
    %le3A_21 = arith.cmpf ole, %broadcast_in_dim3A_7, %le3A_20 : vector<1x128xf32>
    %and3A_22 = arith.andi %and3A, %le3A_21 : vector<1x128xi1>
    %convert_element_type3A_23 = arith.extui %and3A_22 : vector<1x128xi1> to vector<1x128xi32>
    %convert_element_type3A_24 = arith.sitofp %convert_element_type3A_23 : vector<1x128xi32> to vector<1x128xf32>
    %get3A_25 = arith.constant 0 : index
    %get3A_26 = arith.constant 0 : index
    %get3A_27 = arith.constant 0 : index
    %get3A_28 = vector.load %arg2[%get3A_25, %get3A_26, %get3A_27] : memref<1x1x128xf32, #tpu.memory_space<vmem>>, vector<1x1x128xf32>
    %get3A_29 = vector.shape_cast %get3A_28 : vector<1x1x128xf32> to vector<1x128xf32>
    %get3A_30 = arith.constant 0 : index
    %get3A_31 = arith.constant 0 : index
    %get3A_32 = arith.constant 0 : index
    %get3A_33 = vector.load %arg3[%get3A_30, %get3A_31, %get3A_32] : memref<1x1x128xf32, #tpu.memory_space<vmem>>, vector<1x1x128xf32>
    %get3A_34 = vector.shape_cast %get3A_33 : vector<1x1x128xf32> to vector<1x128xf32>
    %get3A_35 = arith.constant 0 : index
    %get3A_36 = arith.constant 0 : index
    %get3A_37 = vector.load %arg4[%get3A_35, %get3A_36] : memref<128x1xf32, #tpu.memory_space<vmem>>, vector<128x1xf32>
    %get3A_38 = arith.constant 0 : index
    %get3A_39 = arith.constant 0 : index
    %get3A_40 = vector.load %arg5[%get3A_38, %get3A_39] : memref<128x1xf32, #tpu.memory_space<vmem>>, vector<128x1xf32>
    %mul3A_41 = arith.mulf %get3A_29, %get3A_29 : vector<1x128xf32>
    %mul3A_42 = arith.mulf %get3A_34, %get3A_34 : vector<1x128xf32>
    %add3A_43 = arith.addf %mul3A_41, %mul3A_42 : vector<1x128xf32>
    %mul3A_44 = arith.mulf %get3A_37, %get3A_37 : vector<128x1xf32>
    %mul3A_45 = arith.mulf %get3A_40, %get3A_40 : vector<128x1xf32>
    %add3A_46 = arith.addf %mul3A_44, %mul3A_45 : vector<128x1xf32>
    %concatenate3A = tpu.concatenate %get3A_37, %get3A_40 in 1 : vector<128x1xf32>, vector<128x1xf32> -> vector<128x2xf32>
    %concatenate3A_47 = tpu.concatenate %get3A_29, %get3A_34 in 0 : vector<1x128xf32>, vector<1x128xf32> -> vector<2x128xf32>
    %dot_general3A = arith.constant dense<0.000000e+00> : vector<128x128xf32>
    %dot_general3A_48 = tpu.matmul %concatenate3A, %concatenate3A_47, %dot_general3A {dimension_numbers = #tpu.dot_dimension_numbers<[1], [0], [0], [1], [0, 0, 1, 1], [], []>, transpose_lhs_hint = false} : vector<128x2xf32>, vector<2x128xf32>, vector<128x128xf32> -> vector<128x128xf32>
    %add3A_49 = vector.broadcast %add3A_46 : vector<128x1xf32> to vector<128x128xf32>
    %add3A_50 = vector.broadcast %add3A_43 : vector<1x128xf32> to vector<128x128xf32>
    %add3A_51 = arith.addf %add3A_49, %add3A_50 : vector<128x128xf32>
    %mul3A_52 = arith.constant 2.000000e+00 : f32
    %mul3A_53 = vector.broadcast %mul3A_52 : f32 to vector<128x128xf32>
    %mul3A_54 = arith.mulf %mul3A_53, %dot_general3A_48 : vector<128x128xf32>
    %sub3A = arith.subf %add3A_51, %mul3A_54 : vector<128x128xf32>
    %iota3A_55 = tpu.iota {dimensions = array<i32: 1>} : vector<128x128xi32>
    %iota3A_56 = tpu.iota {dimensions = array<i32: 0>} : vector<128x128xi32>
    %gt3A_57 = arith.cmpi sgt, %iota3A_55, %iota3A_56 : vector<128x128xi32>
    %max3A = arith.constant 0.000000e+00 : f32
    %max3A_58 = vector.broadcast %max3A : f32 to vector<128x128xf32>
    %max3A_59 = arith.maximumf %sub3A, %max3A_58 : vector<128x128xf32>
    %mul3A_60 = arith.constant 1.562500e-02 : f32
    %mul3A_61 = vector.broadcast %mul3A_60 : f32 to vector<128x128xf32>
    %mul3A_62 = arith.mulf %max3A_59, %mul3A_61 : vector<128x128xf32>
    %lt3A_63 = arith.constant 1.000000e+00 : f32
    %lt3A_64 = vector.broadcast %lt3A_63 : f32 to vector<128x128xf32>
    %lt3A_65 = arith.cmpf olt, %mul3A_62, %lt3A_64 : vector<128x128xf32>
    %and3A_66 = arith.andi %lt3A_65, %gt3A_57 : vector<128x128xi1>
    %convert_element_type3A_67 = arith.extui %and3A_66 : vector<128x128xi1> to vector<128x128xi32>
    %convert_element_type3A_68 = arith.sitofp %convert_element_type3A_67 : vector<128x128xi32> to vector<128x128xf32>
    %iota3A_69 = tpu.iota {dimensions = array<i32: 0>} : vector<128x128xi32>
    %iota3A_70 = tpu.iota {dimensions = array<i32: 1>} : vector<1x128xi32>
    %scan3A = arith.constant 0 : i32
    %scan3A_71 = arith.constant 128 : i32
    %scan3A_72 = arith.addi %scan3A, %scan3A_71 : i32
    %scan3A_73 = arith.constant 1 : i32
    %scan3A_74 = scf.for %scan3A_2081 = %scan3A to %scan3A_72 step %scan3A_73 iter_args(%scan3A_2082 = %convert_element_type3A_24) -> (vector<1x128xf32>)  : i32 {
      %eq3A_2083 = vector.broadcast %scan3A_2081 : i32 to vector<1x128xi32>
      %eq3A_2084 = arith.cmpi eq, %iota3A_70, %eq3A_2083 : vector<1x128xi32>
      %jit3A_2085 = arith.constant 0.000000e+00 : f32
      %broadcast_in_dim3A_2086 = vector.broadcast %jit3A_2085 : f32 to vector<1x128xf32>
      %select_n3A_2087 = arith.select %eq3A_2084, %scan3A_2082, %broadcast_in_dim3A_2086 : vector<1x128xi1>, vector<1x128xf32>
      %reduce_sum3A_2088 = vector.shape_cast %select_n3A_2087 : vector<1x128xf32> to vector<1x1x128xf32>
      %reduce_sum3A_2089 = arith.constant dense<0.000000e+00> : vector<1xf32>
      %reduce_sum3A_2090 = vector.multi_reduction <add>, %reduce_sum3A_2088, %reduce_sum3A_2089 [1, 2] : vector<1x1x128xf32> to vector<1xf32>
      %reduce_sum3A_2091 = vector.shape_cast %reduce_sum3A_2090 : vector<1xf32> to vector<1x1x1xf32>
      %reduce_sum3A_2092 = vector.extract %reduce_sum3A_2091[0, 0, 0] : f32 from vector<1x1x1xf32>
      %gt3A_2093 = arith.constant 0.000000e+00 : f32
      %gt3A_2094 = arith.cmpf ogt, %reduce_sum3A_2092, %gt3A_2093 : f32
      %eq3A_2095 = vector.broadcast %scan3A_2081 : i32 to vector<128x128xi32>
      %eq3A_2096 = arith.cmpi eq, %iota3A_69, %eq3A_2095 : vector<128x128xi32>
      %jit3A_2097 = arith.constant 0.000000e+00 : f32
      %broadcast_in_dim3A_2098 = vector.broadcast %jit3A_2097 : f32 to vector<128x128xf32>
      %select_n3A_2099 = arith.select %eq3A_2096, %convert_element_type3A_68, %broadcast_in_dim3A_2098 : vector<128x128xi1>, vector<128x128xf32>
      %reduce_sum3A_2100 = arith.constant dense<0.000000e+00> : vector<128xf32>
      %reduce_sum3A_2101 = vector.multi_reduction <add>, %select_n3A_2099, %reduce_sum3A_2100 [0] : vector<128x128xf32> to vector<128xf32>
      %broadcast_in_dim3A_2102 = vector.shape_cast %reduce_sum3A_2101 : vector<128xf32> to vector<1x128xf32>
      %gt3A_2103 = arith.constant 0.000000e+00 : f32
      %gt3A_2104 = vector.broadcast %gt3A_2103 : f32 to vector<1x128xf32>
      %gt3A_2105 = arith.cmpf ogt, %broadcast_in_dim3A_2102, %gt3A_2104 : vector<1x128xf32>
      %and3A_2106 = vector.broadcast %gt3A_2094 : i1 to vector<1x128xi1>
      %and3A_2107 = arith.andi %and3A_2106, %gt3A_2105 : vector<1x128xi1>
      %jit3A_2108 = arith.constant 0.000000e+00 : f32
      %broadcast_in_dim3A_2109 = vector.broadcast %jit3A_2108 : f32 to vector<1x128xf32>
      %select_n3A_2110 = arith.select %and3A_2107, %broadcast_in_dim3A_2109, %scan3A_2082 : vector<1x128xi1>, vector<1x128xf32>
      scf.yield %select_n3A_2110 : vector<1x128xf32>
    }
    %scan3A_75 = arith.constant 128 : i32
    %swap3A = arith.constant 0 : index
    %swap3A_76 = arith.constant 0 : index
    %swap3A_77 = arith.constant 0 : index
    %swap3A_78 = vector.load %arg8[%swap3A, %swap3A_76, %swap3A_77] : memref<1x1x128xf32, #tpu.memory_space<vmem>>, vector<1x1x128xf32>
    %swap3A_79 = vector.shape_cast %swap3A_78 : vector<1x1x128xf32> to vector<1x128xf32>
    %swap3A_80 = vector.shape_cast %scan3A_74 : vector<1x128xf32> to vector<1x1x128xf32>
    tpu.vector_store %arg8[%swap3A, %swap3A_76, %swap3A_77], %swap3A_80 {strides = array<i32>} : memref<1x1x128xf32, #tpu.memory_space<vmem>>, vector<1x1x128xf32>,
    %reshape3A = vector.shape_cast %scan3A_74 : vector<1x128xf32> to vector<128x1xf32>
    %get3A_81 = arith.constant 0 : index
    %get3A_82 = arith.constant 0 : index
    %get3A_83 = vector.load %arg6[%get3A_81, %get3A_82] : memref<40x128xf32, #tpu.memory_space<vmem>>, vector<1x128xf32>
    %get3A_84 = arith.constant 0 : index
    %get3A_85 = arith.constant 0 : index
    %get3A_86 = vector.load %arg7[%get3A_84, %get3A_85] : memref<40x128xf32, #tpu.memory_space<vmem>>, vector<1x128xf32>
    %mul3A_87 = arith.mulf %get3A_83, %get3A_83 : vector<1x128xf32>
    %mul3A_88 = arith.mulf %get3A_86, %get3A_86 : vector<1x128xf32>
    %add3A_89 = arith.addf %mul3A_87, %mul3A_88 : vector<1x128xf32>
    %concatenate3A_90 = tpu.concatenate %get3A_83, %get3A_86 in 0 : vector<1x128xf32>, vector<1x128xf32> -> vector<2x128xf32>
    %dot_general3A_91 = arith.constant dense<0.000000e+00> : vector<128x128xf32>
    %dot_general3A_92 = tpu.matmul %concatenate3A, %concatenate3A_90, %dot_general3A_91 {dimension_numbers = #tpu.dot_dimension_numbers<[1], [0], [0], [1], [0, 0, 1, 1], [], []>, transpose_lhs_hint = false} : vector<128x2xf32>, vector<2x128xf32>, vector<128x128xf32> -> vector<128x128xf32>
    %add3A_93 = vector.broadcast %add3A_46 : vector<128x1xf32> to vector<128x128xf32>
    %add3A_94 = vector.broadcast %add3A_89 : vector<1x128xf32> to vector<128x128xf32>
    %add3A_95 = arith.addf %add3A_93, %add3A_94 : vector<128x128xf32>
    %mul3A_96 = arith.constant 2.000000e+00 : f32
    %mul3A_97 = vector.broadcast %mul3A_96 : f32 to vector<128x128xf32>
    %mul3A_98 = arith.mulf %mul3A_97, %dot_general3A_92 : vector<128x128xf32>
    %sub3A_99 = arith.subf %add3A_95, %mul3A_98 : vector<128x128xf32>
    %max3A_100 = arith.constant 0.000000e+00 : f32
    %max3A_101 = vector.broadcast %max3A_100 : f32 to vector<128x128xf32>
    %max3A_102 = arith.maximumf %sub3A_99, %max3A_101 : vector<128x128xf32>
    %mul3A_103 = arith.constant 1.562500e-02 : f32
    %mul3A_104 = vector.broadcast %mul3A_103 : f32 to vector<128x128xf32>
    %mul3A_105 = arith.mulf %max3A_102, %mul3A_104 : vector<128x128xf32>
    %lt3A_106 = arith.constant 1.000000e+00 : f32
    %lt3A_107 = vector.broadcast %lt3A_106 : f32 to vector<128x128xf32>
    %lt3A_108 = arith.cmpf olt, %mul3A_105, %lt3A_107 : vector<128x128xf32>
    %jit3A_109 = arith.constant 0.000000e+00 : f32
    %broadcast_in_dim3A_110 = vector.shape_cast %reshape3A : vector<128x1xf32> to vector<128x1xf32>
    %broadcast_in_dim3A_111 = vector.broadcast %broadcast_in_dim3A_110 : vector<128x1xf32> to vector<128x128xf32>
    %broadcast_in_dim3A_112 = vector.broadcast %jit3A_109 : f32 to vector<128x128xf32>
    %select_n3A_113 = arith.select %lt3A_108, %broadcast_in_dim3A_111, %broadcast_in_dim3A_112 : vector<128x128xi1>, vector<128x128xf32>
    %reduce_sum3A_114 = arith.constant dense<0.000000e+00> : vector<128xf32>
    %reduce_sum3A_115 = vector.multi_reduction <add>, %select_n3A_113, %reduce_sum3A_114 [0] : vector<128x128xf32> to vector<128xf32>
    %broadcast_in_dim3A_116 = vector.shape_cast %reduce_sum3A_115 : vector<128xf32> to vector<1x128xf32>
    %gt3A_117 = arith.constant 0 : i32
    %gt3A_118 = arith.cmpi sgt, %gt3A_117, %arg0 : i32
    %jit3A_119 = arith.constant 1.000000e+00 : f32
    %jit3A_120 = arith.constant 0.000000e+00 : f32
    %select_n3A_121 = arith.select %gt3A_118, %jit3A_119, %jit3A_120 : f32
    %get3A_122 = arith.constant 0 : index
    %get3A_123 = arith.constant 0 : index
    %get3A_124 = vector.load %arg9[%get3A_122, %get3A_123] : memref<40x128xf32, #tpu.memory_space<vmem>>, vector<1x128xf32>
    %mul3A_125 = vector.broadcast %select_n3A_121 : f32 to vector<1x128xf32>
    %mul3A_126 = arith.mulf %broadcast_in_dim3A_116, %mul3A_125 : vector<1x128xf32>
    %max3A_127 = arith.maximumf %get3A_124, %mul3A_126 : vector<1x128xf32>
    %swap3A_128 = arith.constant 0 : index
    %swap3A_129 = arith.constant 0 : index
    %swap3A_130 = vector.load %arg9[%swap3A_128, %swap3A_129] : memref<40x128xf32, #tpu.memory_space<vmem>>, vector<1x128xf32>
    tpu.vector_store %arg9[%swap3A_128, %swap3A_129], %max3A_127 {strides = array<i32>} : memref<40x128xf32, #tpu.memory_space<vmem>>, vector<1x128xf32>,
    %get3A_131 = arith.constant 1 : index
    %get3A_132 = arith.constant 0 : index
    %get3A_133 = vector.load %arg6[%get3A_131, %get3A_132] : memref<40x128xf32, #tpu.memory_space<vmem>>, vector<1x128xf32>
    %get3A_134 = arith.constant 1 : index
    %get3A_135 = arith.constant 0 : index
    %get3A_136 = vector.load %arg7[%get3A_134, %get3A_135] : memref<40x128xf32, #tpu.memory_space<vmem>>, vector<1x128xf32>
    %mul3A_137 = arith.mulf %get3A_133, %get3A_133 : vector<1x128xf32>
    %mul3A_138 = arith.mulf %get3A_136, %get3A_136 : vector<1x128xf32>
    %add3A_139 = arith.addf %mul3A_137, %mul3A_138 : vector<1x128xf32>
    %concatenate3A_140 = tpu.concatenate %get3A_133, %get3A_136 in 0 : vector<1x128xf32>, vector<1x128xf32> -> vector<2x128xf32>
    %dot_general3A_141 = arith.constant dense<0.000000e+00> : vector<128x128xf32>
    %dot_general3A_142 = tpu.matmul %concatenate3A, %concatenate3A_140, %dot_general3A_141 {dimension_numbers = #tpu.dot_dimension_numbers<[1], [0], [0], [1], [0, 0, 1, 1], [], []>, transpose_lhs_hint = false} : vector<128x2xf32>, vector<2x128xf32>, vector<128x128xf32> -> vector<128x128xf32>
    %add3A_143 = vector.broadcast %add3A_46 : vector<128x1xf32> to vector<128x128xf32>
    %add3A_144 = vector.broadcast %add3A_139 : vector<1x128xf32> to vector<128x128xf32>
    %add3A_145 = arith.addf %add3A_143, %add3A_144 : vector<128x128xf32>
    %mul3A_146 = arith.constant 2.000000e+00 : f32
    %mul3A_147 = vector.broadcast %mul3A_146 : f32 to vector<128x128xf32>
    %mul3A_148 = arith.mulf %mul3A_147, %dot_general3A_142 : vector<128x128xf32>
    %sub3A_149 = arith.subf %add3A_145, %mul3A_148 : vector<128x128xf32>
    %max3A_150 = arith.constant 0.000000e+00 : f32
    %max3A_151 = vector.broadcast %max3A_150 : f32 to vector<128x128xf32>
    %max3A_152 = arith.maximumf %sub3A_149, %max3A_151 : vector<128x128xf32>
    %mul3A_153 = arith.constant 1.562500e-02 : f32
    %mul3A_154 = vector.broadcast %mul3A_153 : f32 to vector<128x128xf32>
    %mul3A_155 = arith.mulf %max3A_152, %mul3A_154 : vector<128x128xf32>
    %lt3A_156 = arith.constant 1.000000e+00 : f32
    %lt3A_157 = vector.broadcast %lt3A_156 : f32 to vector<128x128xf32>
    %lt3A_158 = arith.cmpf olt, %mul3A_155, %lt3A_157 : vector<128x128xf32>
    %jit3A_159 = arith.constant 0.000000e+00 : f32
    %broadcast_in_dim3A_160 = vector.shape_cast %reshape3A : vector<128x1xf32> to vector<128x1xf32>
    %broadcast_in_dim3A_161 = vector.broadcast %broadcast_in_dim3A_160 : vector<128x1xf32> to vector<128x128xf32>
    %broadcast_in_dim3A_162 = vector.broadcast %jit3A_159 : f32 to vector<128x128xf32>
    %select_n3A_163 = arith.select %lt3A_158, %broadcast_in_dim3A_161, %broadcast_in_dim3A_162 : vector<128x128xi1>, vector<128x128xf32>
    %reduce_sum3A_164 = arith.constant dense<0.000000e+00> : vector<128xf32>
    %reduce_sum3A_165 = vector.multi_reduction <add>, %select_n3A_163, %reduce_sum3A_164 [0] : vector<128x128xf32> to vector<128xf32>
    %broadcast_in_dim3A_166 = vector.shape_cast %reduce_sum3A_165 : vector<128xf32> to vector<1x128xf32>
    %gt3A_167 = arith.constant 1 : i32
    %gt3A_168 = arith.cmpi sgt, %gt3A_167, %arg0 : i32
    %jit3A_169 = arith.constant 1.000000e+00 : f32
    %jit3A_170 = arith.constant 0.000000e+00 : f32
    %select_n3A_171 = arith.select %gt3A_168, %jit3A_169, %jit3A_170 : f32
    %get3A_172 = arith.constant 1 : index
    %get3A_173 = arith.constant 0 : index
    %get3A_174 = vector.load %arg9[%get3A_172, %get3A_173] : memref<40x128xf32, #tpu.memory_space<vmem>>, vector<1x128xf32>
    %mul3A_175 = vector.broadcast %select_n3A_171 : f32 to vector<1x128xf32>
    %mul3A_176 = arith.mulf %broadcast_in_dim3A_166, %mul3A_175 : vector<1x128xf32>
    %max3A_177 = arith.maximumf %get3A_174, %mul3A_176 : vector<1x128xf32>
    %swap3A_178 = arith.constant 1 : index
    %swap3A_179 = arith.constant 0 : index
    %swap3A_180 = vector.load %arg9[%swap3A_178, %swap3A_179] : memref<40x128xf32, #tpu.memory_space<vmem>>, vector<1x128xf32>
    tpu.vector_store %arg9[%swap3A_178, %swap3A_179], %max3A_177 {strides = array<i32>} : memref<40x128xf32, #tpu.memory_space<vmem>>, vector<1x128xf32>,
    %get3A_181 = arith.constant 2 : index
    %get3A_182 = arith.constant 0 : index
    %get3A_183 = vector.load %arg6[%get3A_181, %get3A_182] : memref<40x128xf32, #tpu.memory_space<vmem>>, vector<1x128xf32>
    %get3A_184 = arith.constant 2 : index
    %get3A_185 = arith.constant 0 : index
    %get3A_186 = vector.load %arg7[%get3A_184, %get3A_185] : memref<40x128xf32, #tpu.memory_space<vmem>>, vector<1x128xf32>
    %mul3A_187 = arith.mulf %get3A_183, %get3A_183 : vector<1x128xf32>
    %mul3A_188 = arith.mulf %get3A_186, %get3A_186 : vector<1x128xf32>
    %add3A_189 = arith.addf %mul3A_187, %mul3A_188 : vector<1x128xf32>
    %concatenate3A_190 = tpu.concatenate %get3A_183, %get3A_186 in 0 : vector<1x128xf32>, vector<1x128xf32> -> vector<2x128xf32>
    %dot_general3A_191 = arith.constant dense<0.000000e+00> : vector<128x128xf32>
    %dot_general3A_192 = tpu.matmul %concatenate3A, %concatenate3A_190, %dot_general3A_191 {dimension_numbers = #tpu.dot_dimension_numbers<[1], [0], [0], [1], [0, 0, 1, 1], [], []>, transpose_lhs_hint = false} : vector<128x2xf32>, vector<2x128xf32>, vector<128x128xf32> -> vector<128x128xf32>
    %add3A_193 = vector.broadcast %add3A_46 : vector<128x1xf32> to vector<128x128xf32>
    %add3A_194 = vector.broadcast %add3A_189 : vector<1x128xf32> to vector<128x128xf32>
    %add3A_195 = arith.addf %add3A_193, %add3A_194 : vector<128x128xf32>
    %mul3A_196 = arith.constant 2.000000e+00 : f32
    %mul3A_197 = vector.broadcast %mul3A_196 : f32 to vector<128x128xf32>
    %mul3A_198 = arith.mulf %mul3A_197, %dot_general3A_192 : vector<128x128xf32>
    %sub3A_199 = arith.subf %add3A_195, %mul3A_198 : vector<128x128xf32>
    %max3A_200 = arith.constant 0.000000e+00 : f32
    %max3A_201 = vector.broadcast %max3A_200 : f32 to vector<128x128xf32>
    %max3A_202 = arith.maximumf %sub3A_199, %max3A_201 : vector<128x128xf32>
    %mul3A_203 = arith.constant 1.562500e-02 : f32
    %mul3A_204 = vector.broadcast %mul3A_203 : f32 to vector<128x128xf32>
    %mul3A_205 = arith.mulf %max3A_202, %mul3A_204 : vector<128x128xf32>
    %lt3A_206 = arith.constant 1.000000e+00 : f32
    %lt3A_207 = vector.broadcast %lt3A_206 : f32 to vector<128x128xf32>
    %lt3A_208 = arith.cmpf olt, %mul3A_205, %lt3A_207 : vector<128x128xf32>
    %jit3A_209 = arith.constant 0.000000e+00 : f32
    %broadcast_in_dim3A_210 = vector.shape_cast %reshape3A : vector<128x1xf32> to vector<128x1xf32>
    %broadcast_in_dim3A_211 = vector.broadcast %broadcast_in_dim3A_210 : vector<128x1xf32> to vector<128x128xf32>
    %broadcast_in_dim3A_212 = vector.broadcast %jit3A_209 : f32 to vector<128x128xf32>
    %select_n3A_213 = arith.select %lt3A_208, %broadcast_in_dim3A_211, %broadcast_in_dim3A_212 : vector<128x128xi1>, vector<128x128xf32>
    %reduce_sum3A_214 = arith.constant dense<0.000000e+00> : vector<128xf32>
    %reduce_sum3A_215 = vector.multi_reduction <add>, %select_n3A_213, %reduce_sum3A_214 [0] : vector<128x128xf32> to vector<128xf32>
    %broadcast_in_dim3A_216 = vector.shape_cast %reduce_sum3A_215 : vector<128xf32> to vector<1x128xf32>
    %gt3A_217 = arith.constant 2 : i32
    %gt3A_218 = arith.cmpi sgt, %gt3A_217, %arg0 : i32
    %jit3A_219 = arith.constant 1.000000e+00 : f32
    %jit3A_220 = arith.constant 0.000000e+00 : f32
    %select_n3A_221 = arith.select %gt3A_218, %jit3A_219, %jit3A_220 : f32
    %get3A_222 = arith.constant 2 : index
    %get3A_223 = arith.constant 0 : index
    %get3A_224 = vector.load %arg9[%get3A_222, %get3A_223] : memref<40x128xf32, #tpu.memory_space<vmem>>, vector<1x128xf32>
    %mul3A_225 = vector.broadcast %select_n3A_221 : f32 to vector<1x128xf32>
    %mul3A_226 = arith.mulf %broadcast_in_dim3A_216, %mul3A_225 : vector<1x128xf32>
    %max3A_227 = arith.maximumf %get3A_224, %mul3A_226 : vector<1x128xf32>
    %swap3A_228 = arith.constant 2 : index
    %swap3A_229 = arith.constant 0 : index
    %swap3A_230 = vector.load %arg9[%swap3A_228, %swap3A_229] : memref<40x128xf32, #tpu.memory_space<vmem>>, vector<1x128xf32>
    tpu.vector_store %arg9[%swap3A_228, %swap3A_229], %max3A_227 {strides = array<i32>} : memref<40x128xf32, #tpu.memory_space<vmem>>, vector<1x128xf32>,
    %get3A_231 = arith.constant 3 : index
    %get3A_232 = arith.constant 0 : index
    %get3A_233 = vector.load %arg6[%get3A_231, %get3A_232] : memref<40x128xf32, #tpu.memory_space<vmem>>, vector<1x128xf32>
    %get3A_234 = arith.constant 3 : index
    %get3A_235 = arith.constant 0 : index
    %get3A_236 = vector.load %arg7[%get3A_234, %get3A_235] : memref<40x128xf32, #tpu.memory_space<vmem>>, vector<1x128xf32>
    %mul3A_237 = arith.mulf %get3A_233, %get3A_233 : vector<1x128xf32>
    %mul3A_238 = arith.mulf %get3A_236, %get3A_236 : vector<1x128xf32>
    %add3A_239 = arith.addf %mul3A_237, %mul3A_238 : vector<1x128xf32>
    %concatenate3A_240 = tpu.concatenate %get3A_233, %get3A_236 in 0 : vector<1x128xf32>, vector<1x128xf32> -> vector<2x128xf32>
    %dot_general3A_241 = arith.constant dense<0.000000e+00> : vector<128x128xf32>
    %dot_general3A_242 = tpu.matmul %concatenate3A, %concatenate3A_240, %dot_general3A_241 {dimension_numbers = #tpu.dot_dimension_numbers<[1], [0], [0], [1], [0, 0, 1, 1], [], []>, transpose_lhs_hint = false} : vector<128x2xf32>, vector<2x128xf32>, vector<128x128xf32> -> vector<128x128xf32>
    %add3A_243 = vector.broadcast %add3A_46 : vector<128x1xf32> to vector<128x128xf32>
    %add3A_244 = vector.broadcast %add3A_239 : vector<1x128xf32> to vector<128x128xf32>
    %add3A_245 = arith.addf %add3A_243, %add3A_244 : vector<128x128xf32>
    %mul3A_246 = arith.constant 2.000000e+00 : f32
    %mul3A_247 = vector.broadcast %mul3A_246 : f32 to vector<128x128xf32>
    %mul3A_248 = arith.mulf %mul3A_247, %dot_general3A_242 : vector<128x128xf32>
    %sub3A_249 = arith.subf %add3A_245, %mul3A_248 : vector<128x128xf32>
    %max3A_250 = arith.constant 0.000000e+00 : f32
    %max3A_251 = vector.broadcast %max3A_250 : f32 to vector<128x128xf32>
    %max3A_252 = arith.maximumf %sub3A_249, %max3A_251 : vector<128x128xf32>
    %mul3A_253 = arith.constant 1.562500e-02 : f32
    %mul3A_254 = vector.broadcast %mul3A_253 : f32 to vector<128x128xf32>
    %mul3A_255 = arith.mulf %max3A_252, %mul3A_254 : vector<128x128xf32>
    %lt3A_256 = arith.constant 1.000000e+00 : f32
    %lt3A_257 = vector.broadcast %lt3A_256 : f32 to vector<128x128xf32>
    %lt3A_258 = arith.cmpf olt, %mul3A_255, %lt3A_257 : vector<128x128xf32>
    %jit3A_259 = arith.constant 0.000000e+00 : f32
    %broadcast_in_dim3A_260 = vector.shape_cast %reshape3A : vector<128x1xf32> to vector<128x1xf32>
    %broadcast_in_dim3A_261 = vector.broadcast %broadcast_in_dim3A_260 : vector<128x1xf32> to vector<128x128xf32>
    %broadcast_in_dim3A_262 = vector.broadcast %jit3A_259 : f32 to vector<128x128xf32>
    %select_n3A_263 = arith.select %lt3A_258, %broadcast_in_dim3A_261, %broadcast_in_dim3A_262 : vector<128x128xi1>, vector<128x128xf32>
    %reduce_sum3A_264 = arith.constant dense<0.000000e+00> : vector<128xf32>
    %reduce_sum3A_265 = vector.multi_reduction <add>, %select_n3A_263, %reduce_sum3A_264 [0] : vector<128x128xf32> to vector<128xf32>
    %broadcast_in_dim3A_266 = vector.shape_cast %reduce_sum3A_265 : vector<128xf32> to vector<1x128xf32>
    %gt3A_267 = arith.constant 3 : i32
    %gt3A_268 = arith.cmpi sgt, %gt3A_267, %arg0 : i32
    %jit3A_269 = arith.constant 1.000000e+00 : f32
    %jit3A_270 = arith.constant 0.000000e+00 : f32
    %select_n3A_271 = arith.select %gt3A_268, %jit3A_269, %jit3A_270 : f32
    %get3A_272 = arith.constant 3 : index
    %get3A_273 = arith.constant 0 : index
    %get3A_274 = vector.load %arg9[%get3A_272, %get3A_273] : memref<40x128xf32, #tpu.memory_space<vmem>>, vector<1x128xf32>
    %mul3A_275 = vector.broadcast %select_n3A_271 : f32 to vector<1x128xf32>
    %mul3A_276 = arith.mulf %broadcast_in_dim3A_266, %mul3A_275 : vector<1x128xf32>
    %max3A_277 = arith.maximumf %get3A_274, %mul3A_276 : vector<1x128xf32>
    %swap3A_278 = arith.constant 3 : index
    %swap3A_279 = arith.constant 0 : index
    %swap3A_280 = vector.load %arg9[%swap3A_278, %swap3A_279] : memref<40x128xf32, #tpu.memory_space<vmem>>, vector<1x128xf32>
    tpu.vector_store %arg9[%swap3A_278, %swap3A_279], %max3A_277 {strides = array<i32>} : memref<40x128xf32, #tpu.memory_space<vmem>>, vector<1x128xf32>,
    %get3A_281 = arith.constant 4 : index
    %get3A_282 = arith.constant 0 : index
    %get3A_283 = vector.load %arg6[%get3A_281, %get3A_282] : memref<40x128xf32, #tpu.memory_space<vmem>>, vector<1x128xf32>
    %get3A_284 = arith.constant 4 : index
    %get3A_285 = arith.constant 0 : index
    %get3A_286 = vector.load %arg7[%get3A_284, %get3A_285] : memref<40x128xf32, #tpu.memory_space<vmem>>, vector<1x128xf32>
    %mul3A_287 = arith.mulf %get3A_283, %get3A_283 : vector<1x128xf32>
    %mul3A_288 = arith.mulf %get3A_286, %get3A_286 : vector<1x128xf32>
    %add3A_289 = arith.addf %mul3A_287, %mul3A_288 : vector<1x128xf32>
    %concatenate3A_290 = tpu.concatenate %get3A_283, %get3A_286 in 0 : vector<1x128xf32>, vector<1x128xf32> -> vector<2x128xf32>
    %dot_general3A_291 = arith.constant dense<0.000000e+00> : vector<128x128xf32>
    %dot_general3A_292 = tpu.matmul %concatenate3A, %concatenate3A_290, %dot_general3A_291 {dimension_numbers = #tpu.dot_dimension_numbers<[1], [0], [0], [1], [0, 0, 1, 1], [], []>, transpose_lhs_hint = false} : vector<128x2xf32>, vector<2x128xf32>, vector<128x128xf32> -> vector<128x128xf32>
    %add3A_293 = vector.broadcast %add3A_46 : vector<128x1xf32> to vector<128x128xf32>
    %add3A_294 = vector.broadcast %add3A_289 : vector<1x128xf32> to vector<128x128xf32>
    %add3A_295 = arith.addf %add3A_293, %add3A_294 : vector<128x128xf32>
    %mul3A_296 = arith.constant 2.000000e+00 : f32
    %mul3A_297 = vector.broadcast %mul3A_296 : f32 to vector<128x128xf32>
    %mul3A_298 = arith.mulf %mul3A_297, %dot_general3A_292 : vector<128x128xf32>
    %sub3A_299 = arith.subf %add3A_295, %mul3A_298 : vector<128x128xf32>
    %max3A_300 = arith.constant 0.000000e+00 : f32
    %max3A_301 = vector.broadcast %max3A_300 : f32 to vector<128x128xf32>
    %max3A_302 = arith.maximumf %sub3A_299, %max3A_301 : vector<128x128xf32>
    %mul3A_303 = arith.constant 1.562500e-02 : f32
    %mul3A_304 = vector.broadcast %mul3A_303 : f32 to vector<128x128xf32>
    %mul3A_305 = arith.mulf %max3A_302, %mul3A_304 : vector<128x128xf32>
    %lt3A_306 = arith.constant 1.000000e+00 : f32
    %lt3A_307 = vector.broadcast %lt3A_306 : f32 to vector<128x128xf32>
    %lt3A_308 = arith.cmpf olt, %mul3A_305, %lt3A_307 : vector<128x128xf32>
    %jit3A_309 = arith.constant 0.000000e+00 : f32
    %broadcast_in_dim3A_310 = vector.shape_cast %reshape3A : vector<128x1xf32> to vector<128x1xf32>
    %broadcast_in_dim3A_311 = vector.broadcast %broadcast_in_dim3A_310 : vector<128x1xf32> to vector<128x128xf32>
    %broadcast_in_dim3A_312 = vector.broadcast %jit3A_309 : f32 to vector<128x128xf32>
    %select_n3A_313 = arith.select %lt3A_308, %broadcast_in_dim3A_311, %broadcast_in_dim3A_312 : vector<128x128xi1>, vector<128x128xf32>
    %reduce_sum3A_314 = arith.constant dense<0.000000e+00> : vector<128xf32>
    %reduce_sum3A_315 = vector.multi_reduction <add>, %select_n3A_313, %reduce_sum3A_314 [0] : vector<128x128xf32> to vector<128xf32>
    %broadcast_in_dim3A_316 = vector.shape_cast %reduce_sum3A_315 : vector<128xf32> to vector<1x128xf32>
    %gt3A_317 = arith.constant 4 : i32
    %gt3A_318 = arith.cmpi sgt, %gt3A_317, %arg0 : i32
    %jit3A_319 = arith.constant 1.000000e+00 : f32
    %jit3A_320 = arith.constant 0.000000e+00 : f32
    %select_n3A_321 = arith.select %gt3A_318, %jit3A_319, %jit3A_320 : f32
    %get3A_322 = arith.constant 4 : index
    %get3A_323 = arith.constant 0 : index
    %get3A_324 = vector.load %arg9[%get3A_322, %get3A_323] : memref<40x128xf32, #tpu.memory_space<vmem>>, vector<1x128xf32>
    %mul3A_325 = vector.broadcast %select_n3A_321 : f32 to vector<1x128xf32>
    %mul3A_326 = arith.mulf %broadcast_in_dim3A_316, %mul3A_325 : vector<1x128xf32>
    %max3A_327 = arith.maximumf %get3A_324, %mul3A_326 : vector<1x128xf32>
    %swap3A_328 = arith.constant 4 : index
    %swap3A_329 = arith.constant 0 : index
    %swap3A_330 = vector.load %arg9[%swap3A_328, %swap3A_329] : memref<40x128xf32, #tpu.memory_space<vmem>>, vector<1x128xf32>
    tpu.vector_store %arg9[%swap3A_328, %swap3A_329], %max3A_327 {strides = array<i32>} : memref<40x128xf32, #tpu.memory_space<vmem>>, vector<1x128xf32>,
    %get3A_331 = arith.constant 5 : index
    %get3A_332 = arith.constant 0 : index
    %get3A_333 = vector.load %arg6[%get3A_331, %get3A_332] : memref<40x128xf32, #tpu.memory_space<vmem>>, vector<1x128xf32>
    %get3A_334 = arith.constant 5 : index
    %get3A_335 = arith.constant 0 : index
    %get3A_336 = vector.load %arg7[%get3A_334, %get3A_335] : memref<40x128xf32, #tpu.memory_space<vmem>>, vector<1x128xf32>
    %mul3A_337 = arith.mulf %get3A_333, %get3A_333 : vector<1x128xf32>
    %mul3A_338 = arith.mulf %get3A_336, %get3A_336 : vector<1x128xf32>
    %add3A_339 = arith.addf %mul3A_337, %mul3A_338 : vector<1x128xf32>
    %concatenate3A_340 = tpu.concatenate %get3A_333, %get3A_336 in 0 : vector<1x128xf32>, vector<1x128xf32> -> vector<2x128xf32>
    %dot_general3A_341 = arith.constant dense<0.000000e+00> : vector<128x128xf32>
    %dot_general3A_342 = tpu.matmul %concatenate3A, %concatenate3A_340, %dot_general3A_341 {dimension_numbers = #tpu.dot_dimension_numbers<[1], [0], [0], [1], [0, 0, 1, 1], [], []>, transpose_lhs_hint = false} : vector<128x2xf32>, vector<2x128xf32>, vector<128x128xf32> -> vector<128x128xf32>
    %add3A_343 = vector.broadcast %add3A_46 : vector<128x1xf32> to vector<128x128xf32>
    %add3A_344 = vector.broadcast %add3A_339 : vector<1x128xf32> to vector<128x128xf32>
    %add3A_345 = arith.addf %add3A_343, %add3A_344 : vector<128x128xf32>
    %mul3A_346 = arith.constant 2.000000e+00 : f32
    %mul3A_347 = vector.broadcast %mul3A_346 : f32 to vector<128x128xf32>
    %mul3A_348 = arith.mulf %mul3A_347, %dot_general3A_342 : vector<128x128xf32>
    %sub3A_349 = arith.subf %add3A_345, %mul3A_348 : vector<128x128xf32>
    %max3A_350 = arith.constant 0.000000e+00 : f32
    %max3A_351 = vector.broadcast %max3A_350 : f32 to vector<128x128xf32>
    %max3A_352 = arith.maximumf %sub3A_349, %max3A_351 : vector<128x128xf32>
    %mul3A_353 = arith.constant 1.562500e-02 : f32
    %mul3A_354 = vector.broadcast %mul3A_353 : f32 to vector<128x128xf32>
    %mul3A_355 = arith.mulf %max3A_352, %mul3A_354 : vector<128x128xf32>
    %lt3A_356 = arith.constant 1.000000e+00 : f32
    %lt3A_357 = vector.broadcast %lt3A_356 : f32 to vector<128x128xf32>
    %lt3A_358 = arith.cmpf olt, %mul3A_355, %lt3A_357 : vector<128x128xf32>
    %jit3A_359 = arith.constant 0.000000e+00 : f32
    %broadcast_in_dim3A_360 = vector.shape_cast %reshape3A : vector<128x1xf32> to vector<128x1xf32>
    %broadcast_in_dim3A_361 = vector.broadcast %broadcast_in_dim3A_360 : vector<128x1xf32> to vector<128x128xf32>
    %broadcast_in_dim3A_362 = vector.broadcast %jit3A_359 : f32 to vector<128x128xf32>
    %select_n3A_363 = arith.select %lt3A_358, %broadcast_in_dim3A_361, %broadcast_in_dim3A_362 : vector<128x128xi1>, vector<128x128xf32>
    %reduce_sum3A_364 = arith.constant dense<0.000000e+00> : vector<128xf32>
    %reduce_sum3A_365 = vector.multi_reduction <add>, %select_n3A_363, %reduce_sum3A_364 [0] : vector<128x128xf32> to vector<128xf32>
    %broadcast_in_dim3A_366 = vector.shape_cast %reduce_sum3A_365 : vector<128xf32> to vector<1x128xf32>
    %gt3A_367 = arith.constant 5 : i32
    %gt3A_368 = arith.cmpi sgt, %gt3A_367, %arg0 : i32
    %jit3A_369 = arith.constant 1.000000e+00 : f32
    %jit3A_370 = arith.constant 0.000000e+00 : f32
    %select_n3A_371 = arith.select %gt3A_368, %jit3A_369, %jit3A_370 : f32
    %get3A_372 = arith.constant 5 : index
    %get3A_373 = arith.constant 0 : index
    %get3A_374 = vector.load %arg9[%get3A_372, %get3A_373] : memref<40x128xf32, #tpu.memory_space<vmem>>, vector<1x128xf32>
    %mul3A_375 = vector.broadcast %select_n3A_371 : f32 to vector<1x128xf32>
    %mul3A_376 = arith.mulf %broadcast_in_dim3A_366, %mul3A_375 : vector<1x128xf32>
    %max3A_377 = arith.maximumf %get3A_374, %mul3A_376 : vector<1x128xf32>
    %swap3A_378 = arith.constant 5 : index
    %swap3A_379 = arith.constant 0 : index
    %swap3A_380 = vector.load %arg9[%swap3A_378, %swap3A_379] : memref<40x128xf32, #tpu.memory_space<vmem>>, vector<1x128xf32>
    tpu.vector_store %arg9[%swap3A_378, %swap3A_379], %max3A_377 {strides = array<i32>} : memref<40x128xf32, #tpu.memory_space<vmem>>, vector<1x128xf32>,
    %get3A_381 = arith.constant 6 : index
    %get3A_382 = arith.constant 0 : index
    %get3A_383 = vector.load %arg6[%get3A_381, %get3A_382] : memref<40x128xf32, #tpu.memory_space<vmem>>, vector<1x128xf32>
    %get3A_384 = arith.constant 6 : index
    %get3A_385 = arith.constant 0 : index
    %get3A_386 = vector.load %arg7[%get3A_384, %get3A_385] : memref<40x128xf32, #tpu.memory_space<vmem>>, vector<1x128xf32>
    %mul3A_387 = arith.mulf %get3A_383, %get3A_383 : vector<1x128xf32>
    %mul3A_388 = arith.mulf %get3A_386, %get3A_386 : vector<1x128xf32>
    %add3A_389 = arith.addf %mul3A_387, %mul3A_388 : vector<1x128xf32>
    %concatenate3A_390 = tpu.concatenate %get3A_383, %get3A_386 in 0 : vector<1x128xf32>, vector<1x128xf32> -> vector<2x128xf32>
    %dot_general3A_391 = arith.constant dense<0.000000e+00> : vector<128x128xf32>
    %dot_general3A_392 = tpu.matmul %concatenate3A, %concatenate3A_390, %dot_general3A_391 {dimension_numbers = #tpu.dot_dimension_numbers<[1], [0], [0], [1], [0, 0, 1, 1], [], []>, transpose_lhs_hint = false} : vector<128x2xf32>, vector<2x128xf32>, vector<128x128xf32> -> vector<128x128xf32>
    %add3A_393 = vector.broadcast %add3A_46 : vector<128x1xf32> to vector<128x128xf32>
    %add3A_394 = vector.broadcast %add3A_389 : vector<1x128xf32> to vector<128x128xf32>
    %add3A_395 = arith.addf %add3A_393, %add3A_394 : vector<128x128xf32>
    %mul3A_396 = arith.constant 2.000000e+00 : f32
    %mul3A_397 = vector.broadcast %mul3A_396 : f32 to vector<128x128xf32>
    %mul3A_398 = arith.mulf %mul3A_397, %dot_general3A_392 : vector<128x128xf32>
    %sub3A_399 = arith.subf %add3A_395, %mul3A_398 : vector<128x128xf32>
    %max3A_400 = arith.constant 0.000000e+00 : f32
    %max3A_401 = vector.broadcast %max3A_400 : f32 to vector<128x128xf32>
    %max3A_402 = arith.maximumf %sub3A_399, %max3A_401 : vector<128x128xf32>
    %mul3A_403 = arith.constant 1.562500e-02 : f32
    %mul3A_404 = vector.broadcast %mul3A_403 : f32 to vector<128x128xf32>
    %mul3A_405 = arith.mulf %max3A_402, %mul3A_404 : vector<128x128xf32>
    %lt3A_406 = arith.constant 1.000000e+00 : f32
    %lt3A_407 = vector.broadcast %lt3A_406 : f32 to vector<128x128xf32>
    %lt3A_408 = arith.cmpf olt, %mul3A_405, %lt3A_407 : vector<128x128xf32>
    %jit3A_409 = arith.constant 0.000000e+00 : f32
    %broadcast_in_dim3A_410 = vector.shape_cast %reshape3A : vector<128x1xf32> to vector<128x1xf32>
    %broadcast_in_dim3A_411 = vector.broadcast %broadcast_in_dim3A_410 : vector<128x1xf32> to vector<128x128xf32>
    %broadcast_in_dim3A_412 = vector.broadcast %jit3A_409 : f32 to vector<128x128xf32>
    %select_n3A_413 = arith.select %lt3A_408, %broadcast_in_dim3A_411, %broadcast_in_dim3A_412 : vector<128x128xi1>, vector<128x128xf32>
    %reduce_sum3A_414 = arith.constant dense<0.000000e+00> : vector<128xf32>
    %reduce_sum3A_415 = vector.multi_reduction <add>, %select_n3A_413, %reduce_sum3A_414 [0] : vector<128x128xf32> to vector<128xf32>
    %broadcast_in_dim3A_416 = vector.shape_cast %reduce_sum3A_415 : vector<128xf32> to vector<1x128xf32>
    %gt3A_417 = arith.constant 6 : i32
    %gt3A_418 = arith.cmpi sgt, %gt3A_417, %arg0 : i32
    %jit3A_419 = arith.constant 1.000000e+00 : f32
    %jit3A_420 = arith.constant 0.000000e+00 : f32
    %select_n3A_421 = arith.select %gt3A_418, %jit3A_419, %jit3A_420 : f32
    %get3A_422 = arith.constant 6 : index
    %get3A_423 = arith.constant 0 : index
    %get3A_424 = vector.load %arg9[%get3A_422, %get3A_423] : memref<40x128xf32, #tpu.memory_space<vmem>>, vector<1x128xf32>
    %mul3A_425 = vector.broadcast %select_n3A_421 : f32 to vector<1x128xf32>
    %mul3A_426 = arith.mulf %broadcast_in_dim3A_416, %mul3A_425 : vector<1x128xf32>
    %max3A_427 = arith.maximumf %get3A_424, %mul3A_426 : vector<1x128xf32>
    %swap3A_428 = arith.constant 6 : index
    %swap3A_429 = arith.constant 0 : index
    %swap3A_430 = vector.load %arg9[%swap3A_428, %swap3A_429] : memref<40x128xf32, #tpu.memory_space<vmem>>, vector<1x128xf32>
    tpu.vector_store %arg9[%swap3A_428, %swap3A_429], %max3A_427 {strides = array<i32>} : memref<40x128xf32, #tpu.memory_space<vmem>>, vector<1x128xf32>,
    %get3A_431 = arith.constant 7 : index
    %get3A_432 = arith.constant 0 : index
    %get3A_433 = vector.load %arg6[%get3A_431, %get3A_432] : memref<40x128xf32, #tpu.memory_space<vmem>>, vector<1x128xf32>
    %get3A_434 = arith.constant 7 : index
    %get3A_435 = arith.constant 0 : index
    %get3A_436 = vector.load %arg7[%get3A_434, %get3A_435] : memref<40x128xf32, #tpu.memory_space<vmem>>, vector<1x128xf32>
    %mul3A_437 = arith.mulf %get3A_433, %get3A_433 : vector<1x128xf32>
    %mul3A_438 = arith.mulf %get3A_436, %get3A_436 : vector<1x128xf32>
    %add3A_439 = arith.addf %mul3A_437, %mul3A_438 : vector<1x128xf32>
    %concatenate3A_440 = tpu.concatenate %get3A_433, %get3A_436 in 0 : vector<1x128xf32>, vector<1x128xf32> -> vector<2x128xf32>
    %dot_general3A_441 = arith.constant dense<0.000000e+00> : vector<128x128xf32>
    %dot_general3A_442 = tpu.matmul %concatenate3A, %concatenate3A_440, %dot_general3A_441 {dimension_numbers = #tpu.dot_dimension_numbers<[1], [0], [0], [1], [0, 0, 1, 1], [], []>, transpose_lhs_hint = false} : vector<128x2xf32>, vector<2x128xf32>, vector<128x128xf32> -> vector<128x128xf32>
    %add3A_443 = vector.broadcast %add3A_46 : vector<128x1xf32> to vector<128x128xf32>
    %add3A_444 = vector.broadcast %add3A_439 : vector<1x128xf32> to vector<128x128xf32>
    %add3A_445 = arith.addf %add3A_443, %add3A_444 : vector<128x128xf32>
    %mul3A_446 = arith.constant 2.000000e+00 : f32
    %mul3A_447 = vector.broadcast %mul3A_446 : f32 to vector<128x128xf32>
    %mul3A_448 = arith.mulf %mul3A_447, %dot_general3A_442 : vector<128x128xf32>
    %sub3A_449 = arith.subf %add3A_445, %mul3A_448 : vector<128x128xf32>
    %max3A_450 = arith.constant 0.000000e+00 : f32
    %max3A_451 = vector.broadcast %max3A_450 : f32 to vector<128x128xf32>
    %max3A_452 = arith.maximumf %sub3A_449, %max3A_451 : vector<128x128xf32>
    %mul3A_453 = arith.constant 1.562500e-02 : f32
    %mul3A_454 = vector.broadcast %mul3A_453 : f32 to vector<128x128xf32>
    %mul3A_455 = arith.mulf %max3A_452, %mul3A_454 : vector<128x128xf32>
    %lt3A_456 = arith.constant 1.000000e+00 : f32
    %lt3A_457 = vector.broadcast %lt3A_456 : f32 to vector<128x128xf32>
    %lt3A_458 = arith.cmpf olt, %mul3A_455, %lt3A_457 : vector<128x128xf32>
    %jit3A_459 = arith.constant 0.000000e+00 : f32
    %broadcast_in_dim3A_460 = vector.shape_cast %reshape3A : vector<128x1xf32> to vector<128x1xf32>
    %broadcast_in_dim3A_461 = vector.broadcast %broadcast_in_dim3A_460 : vector<128x1xf32> to vector<128x128xf32>
    %broadcast_in_dim3A_462 = vector.broadcast %jit3A_459 : f32 to vector<128x128xf32>
    %select_n3A_463 = arith.select %lt3A_458, %broadcast_in_dim3A_461, %broadcast_in_dim3A_462 : vector<128x128xi1>, vector<128x128xf32>
    %reduce_sum3A_464 = arith.constant dense<0.000000e+00> : vector<128xf32>
    %reduce_sum3A_465 = vector.multi_reduction <add>, %select_n3A_463, %reduce_sum3A_464 [0] : vector<128x128xf32> to vector<128xf32>
    %broadcast_in_dim3A_466 = vector.shape_cast %reduce_sum3A_465 : vector<128xf32> to vector<1x128xf32>
    %gt3A_467 = arith.constant 7 : i32
    %gt3A_468 = arith.cmpi sgt, %gt3A_467, %arg0 : i32
    %jit3A_469 = arith.constant 1.000000e+00 : f32
    %jit3A_470 = arith.constant 0.000000e+00 : f32
    %select_n3A_471 = arith.select %gt3A_468, %jit3A_469, %jit3A_470 : f32
    %get3A_472 = arith.constant 7 : index
    %get3A_473 = arith.constant 0 : index
    %get3A_474 = vector.load %arg9[%get3A_472, %get3A_473] : memref<40x128xf32, #tpu.memory_space<vmem>>, vector<1x128xf32>
    %mul3A_475 = vector.broadcast %select_n3A_471 : f32 to vector<1x128xf32>
    %mul3A_476 = arith.mulf %broadcast_in_dim3A_466, %mul3A_475 : vector<1x128xf32>
    %max3A_477 = arith.maximumf %get3A_474, %mul3A_476 : vector<1x128xf32>
    %swap3A_478 = arith.constant 7 : index
    %swap3A_479 = arith.constant 0 : index
    %swap3A_480 = vector.load %arg9[%swap3A_478, %swap3A_479] : memref<40x128xf32, #tpu.memory_space<vmem>>, vector<1x128xf32>
    tpu.vector_store %arg9[%swap3A_478, %swap3A_479], %max3A_477 {strides = array<i32>} : memref<40x128xf32, #tpu.memory_space<vmem>>, vector<1x128xf32>,
    %get3A_481 = arith.constant 8 : index
    %get3A_482 = arith.constant 0 : index
    %get3A_483 = vector.load %arg6[%get3A_481, %get3A_482] : memref<40x128xf32, #tpu.memory_space<vmem>>, vector<1x128xf32>
    %get3A_484 = arith.constant 8 : index
    %get3A_485 = arith.constant 0 : index
    %get3A_486 = vector.load %arg7[%get3A_484, %get3A_485] : memref<40x128xf32, #tpu.memory_space<vmem>>, vector<1x128xf32>
    %mul3A_487 = arith.mulf %get3A_483, %get3A_483 : vector<1x128xf32>
    %mul3A_488 = arith.mulf %get3A_486, %get3A_486 : vector<1x128xf32>
    %add3A_489 = arith.addf %mul3A_487, %mul3A_488 : vector<1x128xf32>
    %concatenate3A_490 = tpu.concatenate %get3A_483, %get3A_486 in 0 : vector<1x128xf32>, vector<1x128xf32> -> vector<2x128xf32>
    %dot_general3A_491 = arith.constant dense<0.000000e+00> : vector<128x128xf32>
    %dot_general3A_492 = tpu.matmul %concatenate3A, %concatenate3A_490, %dot_general3A_491 {dimension_numbers = #tpu.dot_dimension_numbers<[1], [0], [0], [1], [0, 0, 1, 1], [], []>, transpose_lhs_hint = false} : vector<128x2xf32>, vector<2x128xf32>, vector<128x128xf32> -> vector<128x128xf32>
    %add3A_493 = vector.broadcast %add3A_46 : vector<128x1xf32> to vector<128x128xf32>
    %add3A_494 = vector.broadcast %add3A_489 : vector<1x128xf32> to vector<128x128xf32>
    %add3A_495 = arith.addf %add3A_493, %add3A_494 : vector<128x128xf32>
    %mul3A_496 = arith.constant 2.000000e+00 : f32
    %mul3A_497 = vector.broadcast %mul3A_496 : f32 to vector<128x128xf32>
    %mul3A_498 = arith.mulf %mul3A_497, %dot_general3A_492 : vector<128x128xf32>
    %sub3A_499 = arith.subf %add3A_495, %mul3A_498 : vector<128x128xf32>
    %max3A_500 = arith.constant 0.000000e+00 : f32
    %max3A_501 = vector.broadcast %max3A_500 : f32 to vector<128x128xf32>
    %max3A_502 = arith.maximumf %sub3A_499, %max3A_501 : vector<128x128xf32>
    %mul3A_503 = arith.constant 1.562500e-02 : f32
    %mul3A_504 = vector.broadcast %mul3A_503 : f32 to vector<128x128xf32>
    %mul3A_505 = arith.mulf %max3A_502, %mul3A_504 : vector<128x128xf32>
    %lt3A_506 = arith.constant 1.000000e+00 : f32
    %lt3A_507 = vector.broadcast %lt3A_506 : f32 to vector<128x128xf32>
    %lt3A_508 = arith.cmpf olt, %mul3A_505, %lt3A_507 : vector<128x128xf32>
    %jit3A_509 = arith.constant 0.000000e+00 : f32
    %broadcast_in_dim3A_510 = vector.shape_cast %reshape3A : vector<128x1xf32> to vector<128x1xf32>
    %broadcast_in_dim3A_511 = vector.broadcast %broadcast_in_dim3A_510 : vector<128x1xf32> to vector<128x128xf32>
    %broadcast_in_dim3A_512 = vector.broadcast %jit3A_509 : f32 to vector<128x128xf32>
    %select_n3A_513 = arith.select %lt3A_508, %broadcast_in_dim3A_511, %broadcast_in_dim3A_512 : vector<128x128xi1>, vector<128x128xf32>
    %reduce_sum3A_514 = arith.constant dense<0.000000e+00> : vector<128xf32>
    %reduce_sum3A_515 = vector.multi_reduction <add>, %select_n3A_513, %reduce_sum3A_514 [0] : vector<128x128xf32> to vector<128xf32>
    %broadcast_in_dim3A_516 = vector.shape_cast %reduce_sum3A_515 : vector<128xf32> to vector<1x128xf32>
    %gt3A_517 = arith.constant 8 : i32
    %gt3A_518 = arith.cmpi sgt, %gt3A_517, %arg0 : i32
    %jit3A_519 = arith.constant 1.000000e+00 : f32
    %jit3A_520 = arith.constant 0.000000e+00 : f32
    %select_n3A_521 = arith.select %gt3A_518, %jit3A_519, %jit3A_520 : f32
    %get3A_522 = arith.constant 8 : index
    %get3A_523 = arith.constant 0 : index
    %get3A_524 = vector.load %arg9[%get3A_522, %get3A_523] : memref<40x128xf32, #tpu.memory_space<vmem>>, vector<1x128xf32>
    %mul3A_525 = vector.broadcast %select_n3A_521 : f32 to vector<1x128xf32>
    %mul3A_526 = arith.mulf %broadcast_in_dim3A_516, %mul3A_525 : vector<1x128xf32>
    %max3A_527 = arith.maximumf %get3A_524, %mul3A_526 : vector<1x128xf32>
    %swap3A_528 = arith.constant 8 : index
    %swap3A_529 = arith.constant 0 : index
    %swap3A_530 = vector.load %arg9[%swap3A_528, %swap3A_529] : memref<40x128xf32, #tpu.memory_space<vmem>>, vector<1x128xf32>
    tpu.vector_store %arg9[%swap3A_528, %swap3A_529], %max3A_527 {strides = array<i32>} : memref<40x128xf32, #tpu.memory_space<vmem>>, vector<1x128xf32>,
    %get3A_531 = arith.constant 9 : index
    %get3A_532 = arith.constant 0 : index
    %get3A_533 = vector.load %arg6[%get3A_531, %get3A_532] : memref<40x128xf32, #tpu.memory_space<vmem>>, vector<1x128xf32>
    %get3A_534 = arith.constant 9 : index
    %get3A_535 = arith.constant 0 : index
    %get3A_536 = vector.load %arg7[%get3A_534, %get3A_535] : memref<40x128xf32, #tpu.memory_space<vmem>>, vector<1x128xf32>
    %mul3A_537 = arith.mulf %get3A_533, %get3A_533 : vector<1x128xf32>
    %mul3A_538 = arith.mulf %get3A_536, %get3A_536 : vector<1x128xf32>
    %add3A_539 = arith.addf %mul3A_537, %mul3A_538 : vector<1x128xf32>
    %concatenate3A_540 = tpu.concatenate %get3A_533, %get3A_536 in 0 : vector<1x128xf32>, vector<1x128xf32> -> vector<2x128xf32>
    %dot_general3A_541 = arith.constant dense<0.000000e+00> : vector<128x128xf32>
    %dot_general3A_542 = tpu.matmul %concatenate3A, %concatenate3A_540, %dot_general3A_541 {dimension_numbers = #tpu.dot_dimension_numbers<[1], [0], [0], [1], [0, 0, 1, 1], [], []>, transpose_lhs_hint = false} : vector<128x2xf32>, vector<2x128xf32>, vector<128x128xf32> -> vector<128x128xf32>
    %add3A_543 = vector.broadcast %add3A_46 : vector<128x1xf32> to vector<128x128xf32>
    %add3A_544 = vector.broadcast %add3A_539 : vector<1x128xf32> to vector<128x128xf32>
    %add3A_545 = arith.addf %add3A_543, %add3A_544 : vector<128x128xf32>
    %mul3A_546 = arith.constant 2.000000e+00 : f32
    %mul3A_547 = vector.broadcast %mul3A_546 : f32 to vector<128x128xf32>
    %mul3A_548 = arith.mulf %mul3A_547, %dot_general3A_542 : vector<128x128xf32>
    %sub3A_549 = arith.subf %add3A_545, %mul3A_548 : vector<128x128xf32>
    %max3A_550 = arith.constant 0.000000e+00 : f32
    %max3A_551 = vector.broadcast %max3A_550 : f32 to vector<128x128xf32>
    %max3A_552 = arith.maximumf %sub3A_549, %max3A_551 : vector<128x128xf32>
    %mul3A_553 = arith.constant 1.562500e-02 : f32
    %mul3A_554 = vector.broadcast %mul3A_553 : f32 to vector<128x128xf32>
    %mul3A_555 = arith.mulf %max3A_552, %mul3A_554 : vector<128x128xf32>
    %lt3A_556 = arith.constant 1.000000e+00 : f32
    %lt3A_557 = vector.broadcast %lt3A_556 : f32 to vector<128x128xf32>
    %lt3A_558 = arith.cmpf olt, %mul3A_555, %lt3A_557 : vector<128x128xf32>
    %jit3A_559 = arith.constant 0.000000e+00 : f32
    %broadcast_in_dim3A_560 = vector.shape_cast %reshape3A : vector<128x1xf32> to vector<128x1xf32>
    %broadcast_in_dim3A_561 = vector.broadcast %broadcast_in_dim3A_560 : vector<128x1xf32> to vector<128x128xf32>
    %broadcast_in_dim3A_562 = vector.broadcast %jit3A_559 : f32 to vector<128x128xf32>
    %select_n3A_563 = arith.select %lt3A_558, %broadcast_in_dim3A_561, %broadcast_in_dim3A_562 : vector<128x128xi1>, vector<128x128xf32>
    %reduce_sum3A_564 = arith.constant dense<0.000000e+00> : vector<128xf32>
    %reduce_sum3A_565 = vector.multi_reduction <add>, %select_n3A_563, %reduce_sum3A_564 [0] : vector<128x128xf32> to vector<128xf32>
    %broadcast_in_dim3A_566 = vector.shape_cast %reduce_sum3A_565 : vector<128xf32> to vector<1x128xf32>
    %gt3A_567 = arith.constant 9 : i32
    %gt3A_568 = arith.cmpi sgt, %gt3A_567, %arg0 : i32
    %jit3A_569 = arith.constant 1.000000e+00 : f32
    %jit3A_570 = arith.constant 0.000000e+00 : f32
    %select_n3A_571 = arith.select %gt3A_568, %jit3A_569, %jit3A_570 : f32
    %get3A_572 = arith.constant 9 : index
    %get3A_573 = arith.constant 0 : index
    %get3A_574 = vector.load %arg9[%get3A_572, %get3A_573] : memref<40x128xf32, #tpu.memory_space<vmem>>, vector<1x128xf32>
    %mul3A_575 = vector.broadcast %select_n3A_571 : f32 to vector<1x128xf32>
    %mul3A_576 = arith.mulf %broadcast_in_dim3A_566, %mul3A_575 : vector<1x128xf32>
    %max3A_577 = arith.maximumf %get3A_574, %mul3A_576 : vector<1x128xf32>
    %swap3A_578 = arith.constant 9 : index
    %swap3A_579 = arith.constant 0 : index
    %swap3A_580 = vector.load %arg9[%swap3A_578, %swap3A_579] : memref<40x128xf32, #tpu.memory_space<vmem>>, vector<1x128xf32>
    tpu.vector_store %arg9[%swap3A_578, %swap3A_579], %max3A_577 {strides = array<i32>} : memref<40x128xf32, #tpu.memory_space<vmem>>, vector<1x128xf32>,
    %get3A_581 = arith.constant 10 : index
    %get3A_582 = arith.constant 0 : index
    %get3A_583 = vector.load %arg6[%get3A_581, %get3A_582] : memref<40x128xf32, #tpu.memory_space<vmem>>, vector<1x128xf32>
    %get3A_584 = arith.constant 10 : index
    %get3A_585 = arith.constant 0 : index
    %get3A_586 = vector.load %arg7[%get3A_584, %get3A_585] : memref<40x128xf32, #tpu.memory_space<vmem>>, vector<1x128xf32>
    %mul3A_587 = arith.mulf %get3A_583, %get3A_583 : vector<1x128xf32>
    %mul3A_588 = arith.mulf %get3A_586, %get3A_586 : vector<1x128xf32>
    %add3A_589 = arith.addf %mul3A_587, %mul3A_588 : vector<1x128xf32>
    %concatenate3A_590 = tpu.concatenate %get3A_583, %get3A_586 in 0 : vector<1x128xf32>, vector<1x128xf32> -> vector<2x128xf32>
    %dot_general3A_591 = arith.constant dense<0.000000e+00> : vector<128x128xf32>
    %dot_general3A_592 = tpu.matmul %concatenate3A, %concatenate3A_590, %dot_general3A_591 {dimension_numbers = #tpu.dot_dimension_numbers<[1], [0], [0], [1], [0, 0, 1, 1], [], []>, transpose_lhs_hint = false} : vector<128x2xf32>, vector<2x128xf32>, vector<128x128xf32> -> vector<128x128xf32>
    %add3A_593 = vector.broadcast %add3A_46 : vector<128x1xf32> to vector<128x128xf32>
    %add3A_594 = vector.broadcast %add3A_589 : vector<1x128xf32> to vector<128x128xf32>
    %add3A_595 = arith.addf %add3A_593, %add3A_594 : vector<128x128xf32>
    %mul3A_596 = arith.constant 2.000000e+00 : f32
    %mul3A_597 = vector.broadcast %mul3A_596 : f32 to vector<128x128xf32>
    %mul3A_598 = arith.mulf %mul3A_597, %dot_general3A_592 : vector<128x128xf32>
    %sub3A_599 = arith.subf %add3A_595, %mul3A_598 : vector<128x128xf32>
    %max3A_600 = arith.constant 0.000000e+00 : f32
    %max3A_601 = vector.broadcast %max3A_600 : f32 to vector<128x128xf32>
    %max3A_602 = arith.maximumf %sub3A_599, %max3A_601 : vector<128x128xf32>
    %mul3A_603 = arith.constant 1.562500e-02 : f32
    %mul3A_604 = vector.broadcast %mul3A_603 : f32 to vector<128x128xf32>
    %mul3A_605 = arith.mulf %max3A_602, %mul3A_604 : vector<128x128xf32>
    %lt3A_606 = arith.constant 1.000000e+00 : f32
    %lt3A_607 = vector.broadcast %lt3A_606 : f32 to vector<128x128xf32>
    %lt3A_608 = arith.cmpf olt, %mul3A_605, %lt3A_607 : vector<128x128xf32>
    %jit3A_609 = arith.constant 0.000000e+00 : f32
    %broadcast_in_dim3A_610 = vector.shape_cast %reshape3A : vector<128x1xf32> to vector<128x1xf32>
    %broadcast_in_dim3A_611 = vector.broadcast %broadcast_in_dim3A_610 : vector<128x1xf32> to vector<128x128xf32>
    %broadcast_in_dim3A_612 = vector.broadcast %jit3A_609 : f32 to vector<128x128xf32>
    %select_n3A_613 = arith.select %lt3A_608, %broadcast_in_dim3A_611, %broadcast_in_dim3A_612 : vector<128x128xi1>, vector<128x128xf32>
    %reduce_sum3A_614 = arith.constant dense<0.000000e+00> : vector<128xf32>
    %reduce_sum3A_615 = vector.multi_reduction <add>, %select_n3A_613, %reduce_sum3A_614 [0] : vector<128x128xf32> to vector<128xf32>
    %broadcast_in_dim3A_616 = vector.shape_cast %reduce_sum3A_615 : vector<128xf32> to vector<1x128xf32>
    %gt3A_617 = arith.constant 10 : i32
    %gt3A_618 = arith.cmpi sgt, %gt3A_617, %arg0 : i32
    %jit3A_619 = arith.constant 1.000000e+00 : f32
    %jit3A_620 = arith.constant 0.000000e+00 : f32
    %select_n3A_621 = arith.select %gt3A_618, %jit3A_619, %jit3A_620 : f32
    %get3A_622 = arith.constant 10 : index
    %get3A_623 = arith.constant 0 : index
    %get3A_624 = vector.load %arg9[%get3A_622, %get3A_623] : memref<40x128xf32, #tpu.memory_space<vmem>>, vector<1x128xf32>
    %mul3A_625 = vector.broadcast %select_n3A_621 : f32 to vector<1x128xf32>
    %mul3A_626 = arith.mulf %broadcast_in_dim3A_616, %mul3A_625 : vector<1x128xf32>
    %max3A_627 = arith.maximumf %get3A_624, %mul3A_626 : vector<1x128xf32>
    %swap3A_628 = arith.constant 10 : index
    %swap3A_629 = arith.constant 0 : index
    %swap3A_630 = vector.load %arg9[%swap3A_628, %swap3A_629] : memref<40x128xf32, #tpu.memory_space<vmem>>, vector<1x128xf32>
    tpu.vector_store %arg9[%swap3A_628, %swap3A_629], %max3A_627 {strides = array<i32>} : memref<40x128xf32, #tpu.memory_space<vmem>>, vector<1x128xf32>,
    %get3A_631 = arith.constant 11 : index
    %get3A_632 = arith.constant 0 : index
    %get3A_633 = vector.load %arg6[%get3A_631, %get3A_632] : memref<40x128xf32, #tpu.memory_space<vmem>>, vector<1x128xf32>
    %get3A_634 = arith.constant 11 : index
    %get3A_635 = arith.constant 0 : index
    %get3A_636 = vector.load %arg7[%get3A_634, %get3A_635] : memref<40x128xf32, #tpu.memory_space<vmem>>, vector<1x128xf32>
    %mul3A_637 = arith.mulf %get3A_633, %get3A_633 : vector<1x128xf32>
    %mul3A_638 = arith.mulf %get3A_636, %get3A_636 : vector<1x128xf32>
    %add3A_639 = arith.addf %mul3A_637, %mul3A_638 : vector<1x128xf32>
    %concatenate3A_640 = tpu.concatenate %get3A_633, %get3A_636 in 0 : vector<1x128xf32>, vector<1x128xf32> -> vector<2x128xf32>
    %dot_general3A_641 = arith.constant dense<0.000000e+00> : vector<128x128xf32>
    %dot_general3A_642 = tpu.matmul %concatenate3A, %concatenate3A_640, %dot_general3A_641 {dimension_numbers = #tpu.dot_dimension_numbers<[1], [0], [0], [1], [0, 0, 1, 1], [], []>, transpose_lhs_hint = false} : vector<128x2xf32>, vector<2x128xf32>, vector<128x128xf32> -> vector<128x128xf32>
    %add3A_643 = vector.broadcast %add3A_46 : vector<128x1xf32> to vector<128x128xf32>
    %add3A_644 = vector.broadcast %add3A_639 : vector<1x128xf32> to vector<128x128xf32>
    %add3A_645 = arith.addf %add3A_643, %add3A_644 : vector<128x128xf32>
    %mul3A_646 = arith.constant 2.000000e+00 : f32
    %mul3A_647 = vector.broadcast %mul3A_646 : f32 to vector<128x128xf32>
    %mul3A_648 = arith.mulf %mul3A_647, %dot_general3A_642 : vector<128x128xf32>
    %sub3A_649 = arith.subf %add3A_645, %mul3A_648 : vector<128x128xf32>
    %max3A_650 = arith.constant 0.000000e+00 : f32
    %max3A_651 = vector.broadcast %max3A_650 : f32 to vector<128x128xf32>
    %max3A_652 = arith.maximumf %sub3A_649, %max3A_651 : vector<128x128xf32>
    %mul3A_653 = arith.constant 1.562500e-02 : f32
    %mul3A_654 = vector.broadcast %mul3A_653 : f32 to vector<128x128xf32>
    %mul3A_655 = arith.mulf %max3A_652, %mul3A_654 : vector<128x128xf32>
    %lt3A_656 = arith.constant 1.000000e+00 : f32
    %lt3A_657 = vector.broadcast %lt3A_656 : f32 to vector<128x128xf32>
    %lt3A_658 = arith.cmpf olt, %mul3A_655, %lt3A_657 : vector<128x128xf32>
    %jit3A_659 = arith.constant 0.000000e+00 : f32
    %broadcast_in_dim3A_660 = vector.shape_cast %reshape3A : vector<128x1xf32> to vector<128x1xf32>
    %broadcast_in_dim3A_661 = vector.broadcast %broadcast_in_dim3A_660 : vector<128x1xf32> to vector<128x128xf32>
    %broadcast_in_dim3A_662 = vector.broadcast %jit3A_659 : f32 to vector<128x128xf32>
    %select_n3A_663 = arith.select %lt3A_658, %broadcast_in_dim3A_661, %broadcast_in_dim3A_662 : vector<128x128xi1>, vector<128x128xf32>
    %reduce_sum3A_664 = arith.constant dense<0.000000e+00> : vector<128xf32>
    %reduce_sum3A_665 = vector.multi_reduction <add>, %select_n3A_663, %reduce_sum3A_664 [0] : vector<128x128xf32> to vector<128xf32>
    %broadcast_in_dim3A_666 = vector.shape_cast %reduce_sum3A_665 : vector<128xf32> to vector<1x128xf32>
    %gt3A_667 = arith.constant 11 : i32
    %gt3A_668 = arith.cmpi sgt, %gt3A_667, %arg0 : i32
    %jit3A_669 = arith.constant 1.000000e+00 : f32
    %jit3A_670 = arith.constant 0.000000e+00 : f32
    %select_n3A_671 = arith.select %gt3A_668, %jit3A_669, %jit3A_670 : f32
    %get3A_672 = arith.constant 11 : index
    %get3A_673 = arith.constant 0 : index
    %get3A_674 = vector.load %arg9[%get3A_672, %get3A_673] : memref<40x128xf32, #tpu.memory_space<vmem>>, vector<1x128xf32>
    %mul3A_675 = vector.broadcast %select_n3A_671 : f32 to vector<1x128xf32>
    %mul3A_676 = arith.mulf %broadcast_in_dim3A_666, %mul3A_675 : vector<1x128xf32>
    %max3A_677 = arith.maximumf %get3A_674, %mul3A_676 : vector<1x128xf32>
    %swap3A_678 = arith.constant 11 : index
    %swap3A_679 = arith.constant 0 : index
    %swap3A_680 = vector.load %arg9[%swap3A_678, %swap3A_679] : memref<40x128xf32, #tpu.memory_space<vmem>>, vector<1x128xf32>
    tpu.vector_store %arg9[%swap3A_678, %swap3A_679], %max3A_677 {strides = array<i32>} : memref<40x128xf32, #tpu.memory_space<vmem>>, vector<1x128xf32>,
    %get3A_681 = arith.constant 12 : index
    %get3A_682 = arith.constant 0 : index
    %get3A_683 = vector.load %arg6[%get3A_681, %get3A_682] : memref<40x128xf32, #tpu.memory_space<vmem>>, vector<1x128xf32>
    %get3A_684 = arith.constant 12 : index
    %get3A_685 = arith.constant 0 : index
    %get3A_686 = vector.load %arg7[%get3A_684, %get3A_685] : memref<40x128xf32, #tpu.memory_space<vmem>>, vector<1x128xf32>
    %mul3A_687 = arith.mulf %get3A_683, %get3A_683 : vector<1x128xf32>
    %mul3A_688 = arith.mulf %get3A_686, %get3A_686 : vector<1x128xf32>
    %add3A_689 = arith.addf %mul3A_687, %mul3A_688 : vector<1x128xf32>
    %concatenate3A_690 = tpu.concatenate %get3A_683, %get3A_686 in 0 : vector<1x128xf32>, vector<1x128xf32> -> vector<2x128xf32>
    %dot_general3A_691 = arith.constant dense<0.000000e+00> : vector<128x128xf32>
    %dot_general3A_692 = tpu.matmul %concatenate3A, %concatenate3A_690, %dot_general3A_691 {dimension_numbers = #tpu.dot_dimension_numbers<[1], [0], [0], [1], [0, 0, 1, 1], [], []>, transpose_lhs_hint = false} : vector<128x2xf32>, vector<2x128xf32>, vector<128x128xf32> -> vector<128x128xf32>
    %add3A_693 = vector.broadcast %add3A_46 : vector<128x1xf32> to vector<128x128xf32>
    %add3A_694 = vector.broadcast %add3A_689 : vector<1x128xf32> to vector<128x128xf32>
    %add3A_695 = arith.addf %add3A_693, %add3A_694 : vector<128x128xf32>
    %mul3A_696 = arith.constant 2.000000e+00 : f32
    %mul3A_697 = vector.broadcast %mul3A_696 : f32 to vector<128x128xf32>
    %mul3A_698 = arith.mulf %mul3A_697, %dot_general3A_692 : vector<128x128xf32>
    %sub3A_699 = arith.subf %add3A_695, %mul3A_698 : vector<128x128xf32>
    %max3A_700 = arith.constant 0.000000e+00 : f32
    %max3A_701 = vector.broadcast %max3A_700 : f32 to vector<128x128xf32>
    %max3A_702 = arith.maximumf %sub3A_699, %max3A_701 : vector<128x128xf32>
    %mul3A_703 = arith.constant 1.562500e-02 : f32
    %mul3A_704 = vector.broadcast %mul3A_703 : f32 to vector<128x128xf32>
    %mul3A_705 = arith.mulf %max3A_702, %mul3A_704 : vector<128x128xf32>
    %lt3A_706 = arith.constant 1.000000e+00 : f32
    %lt3A_707 = vector.broadcast %lt3A_706 : f32 to vector<128x128xf32>
    %lt3A_708 = arith.cmpf olt, %mul3A_705, %lt3A_707 : vector<128x128xf32>
    %jit3A_709 = arith.constant 0.000000e+00 : f32
    %broadcast_in_dim3A_710 = vector.shape_cast %reshape3A : vector<128x1xf32> to vector<128x1xf32>
    %broadcast_in_dim3A_711 = vector.broadcast %broadcast_in_dim3A_710 : vector<128x1xf32> to vector<128x128xf32>
    %broadcast_in_dim3A_712 = vector.broadcast %jit3A_709 : f32 to vector<128x128xf32>
    %select_n3A_713 = arith.select %lt3A_708, %broadcast_in_dim3A_711, %broadcast_in_dim3A_712 : vector<128x128xi1>, vector<128x128xf32>
    %reduce_sum3A_714 = arith.constant dense<0.000000e+00> : vector<128xf32>
    %reduce_sum3A_715 = vector.multi_reduction <add>, %select_n3A_713, %reduce_sum3A_714 [0] : vector<128x128xf32> to vector<128xf32>
    %broadcast_in_dim3A_716 = vector.shape_cast %reduce_sum3A_715 : vector<128xf32> to vector<1x128xf32>
    %gt3A_717 = arith.constant 12 : i32
    %gt3A_718 = arith.cmpi sgt, %gt3A_717, %arg0 : i32
    %jit3A_719 = arith.constant 1.000000e+00 : f32
    %jit3A_720 = arith.constant 0.000000e+00 : f32
    %select_n3A_721 = arith.select %gt3A_718, %jit3A_719, %jit3A_720 : f32
    %get3A_722 = arith.constant 12 : index
    %get3A_723 = arith.constant 0 : index
    %get3A_724 = vector.load %arg9[%get3A_722, %get3A_723] : memref<40x128xf32, #tpu.memory_space<vmem>>, vector<1x128xf32>
    %mul3A_725 = vector.broadcast %select_n3A_721 : f32 to vector<1x128xf32>
    %mul3A_726 = arith.mulf %broadcast_in_dim3A_716, %mul3A_725 : vector<1x128xf32>
    %max3A_727 = arith.maximumf %get3A_724, %mul3A_726 : vector<1x128xf32>
    %swap3A_728 = arith.constant 12 : index
    %swap3A_729 = arith.constant 0 : index
    %swap3A_730 = vector.load %arg9[%swap3A_728, %swap3A_729] : memref<40x128xf32, #tpu.memory_space<vmem>>, vector<1x128xf32>
    tpu.vector_store %arg9[%swap3A_728, %swap3A_729], %max3A_727 {strides = array<i32>} : memref<40x128xf32, #tpu.memory_space<vmem>>, vector<1x128xf32>,
    %get3A_731 = arith.constant 13 : index
    %get3A_732 = arith.constant 0 : index
    %get3A_733 = vector.load %arg6[%get3A_731, %get3A_732] : memref<40x128xf32, #tpu.memory_space<vmem>>, vector<1x128xf32>
    %get3A_734 = arith.constant 13 : index
    %get3A_735 = arith.constant 0 : index
    %get3A_736 = vector.load %arg7[%get3A_734, %get3A_735] : memref<40x128xf32, #tpu.memory_space<vmem>>, vector<1x128xf32>
    %mul3A_737 = arith.mulf %get3A_733, %get3A_733 : vector<1x128xf32>
    %mul3A_738 = arith.mulf %get3A_736, %get3A_736 : vector<1x128xf32>
    %add3A_739 = arith.addf %mul3A_737, %mul3A_738 : vector<1x128xf32>
    %concatenate3A_740 = tpu.concatenate %get3A_733, %get3A_736 in 0 : vector<1x128xf32>, vector<1x128xf32> -> vector<2x128xf32>
    %dot_general3A_741 = arith.constant dense<0.000000e+00> : vector<128x128xf32>
    %dot_general3A_742 = tpu.matmul %concatenate3A, %concatenate3A_740, %dot_general3A_741 {dimension_numbers = #tpu.dot_dimension_numbers<[1], [0], [0], [1], [0, 0, 1, 1], [], []>, transpose_lhs_hint = false} : vector<128x2xf32>, vector<2x128xf32>, vector<128x128xf32> -> vector<128x128xf32>
    %add3A_743 = vector.broadcast %add3A_46 : vector<128x1xf32> to vector<128x128xf32>
    %add3A_744 = vector.broadcast %add3A_739 : vector<1x128xf32> to vector<128x128xf32>
    %add3A_745 = arith.addf %add3A_743, %add3A_744 : vector<128x128xf32>
    %mul3A_746 = arith.constant 2.000000e+00 : f32
    %mul3A_747 = vector.broadcast %mul3A_746 : f32 to vector<128x128xf32>
    %mul3A_748 = arith.mulf %mul3A_747, %dot_general3A_742 : vector<128x128xf32>
    %sub3A_749 = arith.subf %add3A_745, %mul3A_748 : vector<128x128xf32>
    %max3A_750 = arith.constant 0.000000e+00 : f32
    %max3A_751 = vector.broadcast %max3A_750 : f32 to vector<128x128xf32>
    %max3A_752 = arith.maximumf %sub3A_749, %max3A_751 : vector<128x128xf32>
    %mul3A_753 = arith.constant 1.562500e-02 : f32
    %mul3A_754 = vector.broadcast %mul3A_753 : f32 to vector<128x128xf32>
    %mul3A_755 = arith.mulf %max3A_752, %mul3A_754 : vector<128x128xf32>
    %lt3A_756 = arith.constant 1.000000e+00 : f32
    %lt3A_757 = vector.broadcast %lt3A_756 : f32 to vector<128x128xf32>
    %lt3A_758 = arith.cmpf olt, %mul3A_755, %lt3A_757 : vector<128x128xf32>
    %jit3A_759 = arith.constant 0.000000e+00 : f32
    %broadcast_in_dim3A_760 = vector.shape_cast %reshape3A : vector<128x1xf32> to vector<128x1xf32>
    %broadcast_in_dim3A_761 = vector.broadcast %broadcast_in_dim3A_760 : vector<128x1xf32> to vector<128x128xf32>
    %broadcast_in_dim3A_762 = vector.broadcast %jit3A_759 : f32 to vector<128x128xf32>
    %select_n3A_763 = arith.select %lt3A_758, %broadcast_in_dim3A_761, %broadcast_in_dim3A_762 : vector<128x128xi1>, vector<128x128xf32>
    %reduce_sum3A_764 = arith.constant dense<0.000000e+00> : vector<128xf32>
    %reduce_sum3A_765 = vector.multi_reduction <add>, %select_n3A_763, %reduce_sum3A_764 [0] : vector<128x128xf32> to vector<128xf32>
    %broadcast_in_dim3A_766 = vector.shape_cast %reduce_sum3A_765 : vector<128xf32> to vector<1x128xf32>
    %gt3A_767 = arith.constant 13 : i32
    %gt3A_768 = arith.cmpi sgt, %gt3A_767, %arg0 : i32
    %jit3A_769 = arith.constant 1.000000e+00 : f32
    %jit3A_770 = arith.constant 0.000000e+00 : f32
    %select_n3A_771 = arith.select %gt3A_768, %jit3A_769, %jit3A_770 : f32
    %get3A_772 = arith.constant 13 : index
    %get3A_773 = arith.constant 0 : index
    %get3A_774 = vector.load %arg9[%get3A_772, %get3A_773] : memref<40x128xf32, #tpu.memory_space<vmem>>, vector<1x128xf32>
    %mul3A_775 = vector.broadcast %select_n3A_771 : f32 to vector<1x128xf32>
    %mul3A_776 = arith.mulf %broadcast_in_dim3A_766, %mul3A_775 : vector<1x128xf32>
    %max3A_777 = arith.maximumf %get3A_774, %mul3A_776 : vector<1x128xf32>
    %swap3A_778 = arith.constant 13 : index
    %swap3A_779 = arith.constant 0 : index
    %swap3A_780 = vector.load %arg9[%swap3A_778, %swap3A_779] : memref<40x128xf32, #tpu.memory_space<vmem>>, vector<1x128xf32>
    tpu.vector_store %arg9[%swap3A_778, %swap3A_779], %max3A_777 {strides = array<i32>} : memref<40x128xf32, #tpu.memory_space<vmem>>, vector<1x128xf32>,
    %get3A_781 = arith.constant 14 : index
    %get3A_782 = arith.constant 0 : index
    %get3A_783 = vector.load %arg6[%get3A_781, %get3A_782] : memref<40x128xf32, #tpu.memory_space<vmem>>, vector<1x128xf32>
    %get3A_784 = arith.constant 14 : index
    %get3A_785 = arith.constant 0 : index
    %get3A_786 = vector.load %arg7[%get3A_784, %get3A_785] : memref<40x128xf32, #tpu.memory_space<vmem>>, vector<1x128xf32>
    %mul3A_787 = arith.mulf %get3A_783, %get3A_783 : vector<1x128xf32>
    %mul3A_788 = arith.mulf %get3A_786, %get3A_786 : vector<1x128xf32>
    %add3A_789 = arith.addf %mul3A_787, %mul3A_788 : vector<1x128xf32>
    %concatenate3A_790 = tpu.concatenate %get3A_783, %get3A_786 in 0 : vector<1x128xf32>, vector<1x128xf32> -> vector<2x128xf32>
    %dot_general3A_791 = arith.constant dense<0.000000e+00> : vector<128x128xf32>
    %dot_general3A_792 = tpu.matmul %concatenate3A, %concatenate3A_790, %dot_general3A_791 {dimension_numbers = #tpu.dot_dimension_numbers<[1], [0], [0], [1], [0, 0, 1, 1], [], []>, transpose_lhs_hint = false} : vector<128x2xf32>, vector<2x128xf32>, vector<128x128xf32> -> vector<128x128xf32>
    %add3A_793 = vector.broadcast %add3A_46 : vector<128x1xf32> to vector<128x128xf32>
    %add3A_794 = vector.broadcast %add3A_789 : vector<1x128xf32> to vector<128x128xf32>
    %add3A_795 = arith.addf %add3A_793, %add3A_794 : vector<128x128xf32>
    %mul3A_796 = arith.constant 2.000000e+00 : f32
    %mul3A_797 = vector.broadcast %mul3A_796 : f32 to vector<128x128xf32>
    %mul3A_798 = arith.mulf %mul3A_797, %dot_general3A_792 : vector<128x128xf32>
    %sub3A_799 = arith.subf %add3A_795, %mul3A_798 : vector<128x128xf32>
    %max3A_800 = arith.constant 0.000000e+00 : f32
    %max3A_801 = vector.broadcast %max3A_800 : f32 to vector<128x128xf32>
    %max3A_802 = arith.maximumf %sub3A_799, %max3A_801 : vector<128x128xf32>
    %mul3A_803 = arith.constant 1.562500e-02 : f32
    %mul3A_804 = vector.broadcast %mul3A_803 : f32 to vector<128x128xf32>
    %mul3A_805 = arith.mulf %max3A_802, %mul3A_804 : vector<128x128xf32>
    %lt3A_806 = arith.constant 1.000000e+00 : f32
    %lt3A_807 = vector.broadcast %lt3A_806 : f32 to vector<128x128xf32>
    %lt3A_808 = arith.cmpf olt, %mul3A_805, %lt3A_807 : vector<128x128xf32>
    %jit3A_809 = arith.constant 0.000000e+00 : f32
    %broadcast_in_dim3A_810 = vector.shape_cast %reshape3A : vector<128x1xf32> to vector<128x1xf32>
    %broadcast_in_dim3A_811 = vector.broadcast %broadcast_in_dim3A_810 : vector<128x1xf32> to vector<128x128xf32>
    %broadcast_in_dim3A_812 = vector.broadcast %jit3A_809 : f32 to vector<128x128xf32>
    %select_n3A_813 = arith.select %lt3A_808, %broadcast_in_dim3A_811, %broadcast_in_dim3A_812 : vector<128x128xi1>, vector<128x128xf32>
    %reduce_sum3A_814 = arith.constant dense<0.000000e+00> : vector<128xf32>
    %reduce_sum3A_815 = vector.multi_reduction <add>, %select_n3A_813, %reduce_sum3A_814 [0] : vector<128x128xf32> to vector<128xf32>
    %broadcast_in_dim3A_816 = vector.shape_cast %reduce_sum3A_815 : vector<128xf32> to vector<1x128xf32>
    %gt3A_817 = arith.constant 14 : i32
    %gt3A_818 = arith.cmpi sgt, %gt3A_817, %arg0 : i32
    %jit3A_819 = arith.constant 1.000000e+00 : f32
    %jit3A_820 = arith.constant 0.000000e+00 : f32
    %select_n3A_821 = arith.select %gt3A_818, %jit3A_819, %jit3A_820 : f32
    %get3A_822 = arith.constant 14 : index
    %get3A_823 = arith.constant 0 : index
    %get3A_824 = vector.load %arg9[%get3A_822, %get3A_823] : memref<40x128xf32, #tpu.memory_space<vmem>>, vector<1x128xf32>
    %mul3A_825 = vector.broadcast %select_n3A_821 : f32 to vector<1x128xf32>
    %mul3A_826 = arith.mulf %broadcast_in_dim3A_816, %mul3A_825 : vector<1x128xf32>
    %max3A_827 = arith.maximumf %get3A_824, %mul3A_826 : vector<1x128xf32>
    %swap3A_828 = arith.constant 14 : index
    %swap3A_829 = arith.constant 0 : index
    %swap3A_830 = vector.load %arg9[%swap3A_828, %swap3A_829] : memref<40x128xf32, #tpu.memory_space<vmem>>, vector<1x128xf32>
    tpu.vector_store %arg9[%swap3A_828, %swap3A_829], %max3A_827 {strides = array<i32>} : memref<40x128xf32, #tpu.memory_space<vmem>>, vector<1x128xf32>,
    %get3A_831 = arith.constant 15 : index
    %get3A_832 = arith.constant 0 : index
    %get3A_833 = vector.load %arg6[%get3A_831, %get3A_832] : memref<40x128xf32, #tpu.memory_space<vmem>>, vector<1x128xf32>
    %get3A_834 = arith.constant 15 : index
    %get3A_835 = arith.constant 0 : index
    %get3A_836 = vector.load %arg7[%get3A_834, %get3A_835] : memref<40x128xf32, #tpu.memory_space<vmem>>, vector<1x128xf32>
    %mul3A_837 = arith.mulf %get3A_833, %get3A_833 : vector<1x128xf32>
    %mul3A_838 = arith.mulf %get3A_836, %get3A_836 : vector<1x128xf32>
    %add3A_839 = arith.addf %mul3A_837, %mul3A_838 : vector<1x128xf32>
    %concatenate3A_840 = tpu.concatenate %get3A_833, %get3A_836 in 0 : vector<1x128xf32>, vector<1x128xf32> -> vector<2x128xf32>
    %dot_general3A_841 = arith.constant dense<0.000000e+00> : vector<128x128xf32>
    %dot_general3A_842 = tpu.matmul %concatenate3A, %concatenate3A_840, %dot_general3A_841 {dimension_numbers = #tpu.dot_dimension_numbers<[1], [0], [0], [1], [0, 0, 1, 1], [], []>, transpose_lhs_hint = false} : vector<128x2xf32>, vector<2x128xf32>, vector<128x128xf32> -> vector<128x128xf32>
    %add3A_843 = vector.broadcast %add3A_46 : vector<128x1xf32> to vector<128x128xf32>
    %add3A_844 = vector.broadcast %add3A_839 : vector<1x128xf32> to vector<128x128xf32>
    %add3A_845 = arith.addf %add3A_843, %add3A_844 : vector<128x128xf32>
    %mul3A_846 = arith.constant 2.000000e+00 : f32
    %mul3A_847 = vector.broadcast %mul3A_846 : f32 to vector<128x128xf32>
    %mul3A_848 = arith.mulf %mul3A_847, %dot_general3A_842 : vector<128x128xf32>
    %sub3A_849 = arith.subf %add3A_845, %mul3A_848 : vector<128x128xf32>
    %max3A_850 = arith.constant 0.000000e+00 : f32
    %max3A_851 = vector.broadcast %max3A_850 : f32 to vector<128x128xf32>
    %max3A_852 = arith.maximumf %sub3A_849, %max3A_851 : vector<128x128xf32>
    %mul3A_853 = arith.constant 1.562500e-02 : f32
    %mul3A_854 = vector.broadcast %mul3A_853 : f32 to vector<128x128xf32>
    %mul3A_855 = arith.mulf %max3A_852, %mul3A_854 : vector<128x128xf32>
    %lt3A_856 = arith.constant 1.000000e+00 : f32
    %lt3A_857 = vector.broadcast %lt3A_856 : f32 to vector<128x128xf32>
    %lt3A_858 = arith.cmpf olt, %mul3A_855, %lt3A_857 : vector<128x128xf32>
    %jit3A_859 = arith.constant 0.000000e+00 : f32
    %broadcast_in_dim3A_860 = vector.shape_cast %reshape3A : vector<128x1xf32> to vector<128x1xf32>
    %broadcast_in_dim3A_861 = vector.broadcast %broadcast_in_dim3A_860 : vector<128x1xf32> to vector<128x128xf32>
    %broadcast_in_dim3A_862 = vector.broadcast %jit3A_859 : f32 to vector<128x128xf32>
    %select_n3A_863 = arith.select %lt3A_858, %broadcast_in_dim3A_861, %broadcast_in_dim3A_862 : vector<128x128xi1>, vector<128x128xf32>
    %reduce_sum3A_864 = arith.constant dense<0.000000e+00> : vector<128xf32>
    %reduce_sum3A_865 = vector.multi_reduction <add>, %select_n3A_863, %reduce_sum3A_864 [0] : vector<128x128xf32> to vector<128xf32>
    %broadcast_in_dim3A_866 = vector.shape_cast %reduce_sum3A_865 : vector<128xf32> to vector<1x128xf32>
    %gt3A_867 = arith.constant 15 : i32
    %gt3A_868 = arith.cmpi sgt, %gt3A_867, %arg0 : i32
    %jit3A_869 = arith.constant 1.000000e+00 : f32
    %jit3A_870 = arith.constant 0.000000e+00 : f32
    %select_n3A_871 = arith.select %gt3A_868, %jit3A_869, %jit3A_870 : f32
    %get3A_872 = arith.constant 15 : index
    %get3A_873 = arith.constant 0 : index
    %get3A_874 = vector.load %arg9[%get3A_872, %get3A_873] : memref<40x128xf32, #tpu.memory_space<vmem>>, vector<1x128xf32>
    %mul3A_875 = vector.broadcast %select_n3A_871 : f32 to vector<1x128xf32>
    %mul3A_876 = arith.mulf %broadcast_in_dim3A_866, %mul3A_875 : vector<1x128xf32>
    %max3A_877 = arith.maximumf %get3A_874, %mul3A_876 : vector<1x128xf32>
    %swap3A_878 = arith.constant 15 : index
    %swap3A_879 = arith.constant 0 : index
    %swap3A_880 = vector.load %arg9[%swap3A_878, %swap3A_879] : memref<40x128xf32, #tpu.memory_space<vmem>>, vector<1x128xf32>
    tpu.vector_store %arg9[%swap3A_878, %swap3A_879], %max3A_877 {strides = array<i32>} : memref<40x128xf32, #tpu.memory_space<vmem>>, vector<1x128xf32>,
    %get3A_881 = arith.constant 16 : index
    %get3A_882 = arith.constant 0 : index
    %get3A_883 = vector.load %arg6[%get3A_881, %get3A_882] : memref<40x128xf32, #tpu.memory_space<vmem>>, vector<1x128xf32>
    %get3A_884 = arith.constant 16 : index
    %get3A_885 = arith.constant 0 : index
    %get3A_886 = vector.load %arg7[%get3A_884, %get3A_885] : memref<40x128xf32, #tpu.memory_space<vmem>>, vector<1x128xf32>
    %mul3A_887 = arith.mulf %get3A_883, %get3A_883 : vector<1x128xf32>
    %mul3A_888 = arith.mulf %get3A_886, %get3A_886 : vector<1x128xf32>
    %add3A_889 = arith.addf %mul3A_887, %mul3A_888 : vector<1x128xf32>
    %concatenate3A_890 = tpu.concatenate %get3A_883, %get3A_886 in 0 : vector<1x128xf32>, vector<1x128xf32> -> vector<2x128xf32>
    %dot_general3A_891 = arith.constant dense<0.000000e+00> : vector<128x128xf32>
    %dot_general3A_892 = tpu.matmul %concatenate3A, %concatenate3A_890, %dot_general3A_891 {dimension_numbers = #tpu.dot_dimension_numbers<[1], [0], [0], [1], [0, 0, 1, 1], [], []>, transpose_lhs_hint = false} : vector<128x2xf32>, vector<2x128xf32>, vector<128x128xf32> -> vector<128x128xf32>
    %add3A_893 = vector.broadcast %add3A_46 : vector<128x1xf32> to vector<128x128xf32>
    %add3A_894 = vector.broadcast %add3A_889 : vector<1x128xf32> to vector<128x128xf32>
    %add3A_895 = arith.addf %add3A_893, %add3A_894 : vector<128x128xf32>
    %mul3A_896 = arith.constant 2.000000e+00 : f32
    %mul3A_897 = vector.broadcast %mul3A_896 : f32 to vector<128x128xf32>
    %mul3A_898 = arith.mulf %mul3A_897, %dot_general3A_892 : vector<128x128xf32>
    %sub3A_899 = arith.subf %add3A_895, %mul3A_898 : vector<128x128xf32>
    %max3A_900 = arith.constant 0.000000e+00 : f32
    %max3A_901 = vector.broadcast %max3A_900 : f32 to vector<128x128xf32>
    %max3A_902 = arith.maximumf %sub3A_899, %max3A_901 : vector<128x128xf32>
    %mul3A_903 = arith.constant 1.562500e-02 : f32
    %mul3A_904 = vector.broadcast %mul3A_903 : f32 to vector<128x128xf32>
    %mul3A_905 = arith.mulf %max3A_902, %mul3A_904 : vector<128x128xf32>
    %lt3A_906 = arith.constant 1.000000e+00 : f32
    %lt3A_907 = vector.broadcast %lt3A_906 : f32 to vector<128x128xf32>
    %lt3A_908 = arith.cmpf olt, %mul3A_905, %lt3A_907 : vector<128x128xf32>
    %jit3A_909 = arith.constant 0.000000e+00 : f32
    %broadcast_in_dim3A_910 = vector.shape_cast %reshape3A : vector<128x1xf32> to vector<128x1xf32>
    %broadcast_in_dim3A_911 = vector.broadcast %broadcast_in_dim3A_910 : vector<128x1xf32> to vector<128x128xf32>
    %broadcast_in_dim3A_912 = vector.broadcast %jit3A_909 : f32 to vector<128x128xf32>
    %select_n3A_913 = arith.select %lt3A_908, %broadcast_in_dim3A_911, %broadcast_in_dim3A_912 : vector<128x128xi1>, vector<128x128xf32>
    %reduce_sum3A_914 = arith.constant dense<0.000000e+00> : vector<128xf32>
    %reduce_sum3A_915 = vector.multi_reduction <add>, %select_n3A_913, %reduce_sum3A_914 [0] : vector<128x128xf32> to vector<128xf32>
    %broadcast_in_dim3A_916 = vector.shape_cast %reduce_sum3A_915 : vector<128xf32> to vector<1x128xf32>
    %gt3A_917 = arith.constant 16 : i32
    %gt3A_918 = arith.cmpi sgt, %gt3A_917, %arg0 : i32
    %jit3A_919 = arith.constant 1.000000e+00 : f32
    %jit3A_920 = arith.constant 0.000000e+00 : f32
    %select_n3A_921 = arith.select %gt3A_918, %jit3A_919, %jit3A_920 : f32
    %get3A_922 = arith.constant 16 : index
    %get3A_923 = arith.constant 0 : index
    %get3A_924 = vector.load %arg9[%get3A_922, %get3A_923] : memref<40x128xf32, #tpu.memory_space<vmem>>, vector<1x128xf32>
    %mul3A_925 = vector.broadcast %select_n3A_921 : f32 to vector<1x128xf32>
    %mul3A_926 = arith.mulf %broadcast_in_dim3A_916, %mul3A_925 : vector<1x128xf32>
    %max3A_927 = arith.maximumf %get3A_924, %mul3A_926 : vector<1x128xf32>
    %swap3A_928 = arith.constant 16 : index
    %swap3A_929 = arith.constant 0 : index
    %swap3A_930 = vector.load %arg9[%swap3A_928, %swap3A_929] : memref<40x128xf32, #tpu.memory_space<vmem>>, vector<1x128xf32>
    tpu.vector_store %arg9[%swap3A_928, %swap3A_929], %max3A_927 {strides = array<i32>} : memref<40x128xf32, #tpu.memory_space<vmem>>, vector<1x128xf32>,
    %get3A_931 = arith.constant 17 : index
    %get3A_932 = arith.constant 0 : index
    %get3A_933 = vector.load %arg6[%get3A_931, %get3A_932] : memref<40x128xf32, #tpu.memory_space<vmem>>, vector<1x128xf32>
    %get3A_934 = arith.constant 17 : index
    %get3A_935 = arith.constant 0 : index
    %get3A_936 = vector.load %arg7[%get3A_934, %get3A_935] : memref<40x128xf32, #tpu.memory_space<vmem>>, vector<1x128xf32>
    %mul3A_937 = arith.mulf %get3A_933, %get3A_933 : vector<1x128xf32>
    %mul3A_938 = arith.mulf %get3A_936, %get3A_936 : vector<1x128xf32>
    %add3A_939 = arith.addf %mul3A_937, %mul3A_938 : vector<1x128xf32>
    %concatenate3A_940 = tpu.concatenate %get3A_933, %get3A_936 in 0 : vector<1x128xf32>, vector<1x128xf32> -> vector<2x128xf32>
    %dot_general3A_941 = arith.constant dense<0.000000e+00> : vector<128x128xf32>
    %dot_general3A_942 = tpu.matmul %concatenate3A, %concatenate3A_940, %dot_general3A_941 {dimension_numbers = #tpu.dot_dimension_numbers<[1], [0], [0], [1], [0, 0, 1, 1], [], []>, transpose_lhs_hint = false} : vector<128x2xf32>, vector<2x128xf32>, vector<128x128xf32> -> vector<128x128xf32>
    %add3A_943 = vector.broadcast %add3A_46 : vector<128x1xf32> to vector<128x128xf32>
    %add3A_944 = vector.broadcast %add3A_939 : vector<1x128xf32> to vector<128x128xf32>
    %add3A_945 = arith.addf %add3A_943, %add3A_944 : vector<128x128xf32>
    %mul3A_946 = arith.constant 2.000000e+00 : f32
    %mul3A_947 = vector.broadcast %mul3A_946 : f32 to vector<128x128xf32>
    %mul3A_948 = arith.mulf %mul3A_947, %dot_general3A_942 : vector<128x128xf32>
    %sub3A_949 = arith.subf %add3A_945, %mul3A_948 : vector<128x128xf32>
    %max3A_950 = arith.constant 0.000000e+00 : f32
    %max3A_951 = vector.broadcast %max3A_950 : f32 to vector<128x128xf32>
    %max3A_952 = arith.maximumf %sub3A_949, %max3A_951 : vector<128x128xf32>
    %mul3A_953 = arith.constant 1.562500e-02 : f32
    %mul3A_954 = vector.broadcast %mul3A_953 : f32 to vector<128x128xf32>
    %mul3A_955 = arith.mulf %max3A_952, %mul3A_954 : vector<128x128xf32>
    %lt3A_956 = arith.constant 1.000000e+00 : f32
    %lt3A_957 = vector.broadcast %lt3A_956 : f32 to vector<128x128xf32>
    %lt3A_958 = arith.cmpf olt, %mul3A_955, %lt3A_957 : vector<128x128xf32>
    %jit3A_959 = arith.constant 0.000000e+00 : f32
    %broadcast_in_dim3A_960 = vector.shape_cast %reshape3A : vector<128x1xf32> to vector<128x1xf32>
    %broadcast_in_dim3A_961 = vector.broadcast %broadcast_in_dim3A_960 : vector<128x1xf32> to vector<128x128xf32>
    %broadcast_in_dim3A_962 = vector.broadcast %jit3A_959 : f32 to vector<128x128xf32>
    %select_n3A_963 = arith.select %lt3A_958, %broadcast_in_dim3A_961, %broadcast_in_dim3A_962 : vector<128x128xi1>, vector<128x128xf32>
    %reduce_sum3A_964 = arith.constant dense<0.000000e+00> : vector<128xf32>
    %reduce_sum3A_965 = vector.multi_reduction <add>, %select_n3A_963, %reduce_sum3A_964 [0] : vector<128x128xf32> to vector<128xf32>
    %broadcast_in_dim3A_966 = vector.shape_cast %reduce_sum3A_965 : vector<128xf32> to vector<1x128xf32>
    %gt3A_967 = arith.constant 17 : i32
    %gt3A_968 = arith.cmpi sgt, %gt3A_967, %arg0 : i32
    %jit3A_969 = arith.constant 1.000000e+00 : f32
    %jit3A_970 = arith.constant 0.000000e+00 : f32
    %select_n3A_971 = arith.select %gt3A_968, %jit3A_969, %jit3A_970 : f32
    %get3A_972 = arith.constant 17 : index
    %get3A_973 = arith.constant 0 : index
    %get3A_974 = vector.load %arg9[%get3A_972, %get3A_973] : memref<40x128xf32, #tpu.memory_space<vmem>>, vector<1x128xf32>
    %mul3A_975 = vector.broadcast %select_n3A_971 : f32 to vector<1x128xf32>
    %mul3A_976 = arith.mulf %broadcast_in_dim3A_966, %mul3A_975 : vector<1x128xf32>
    %max3A_977 = arith.maximumf %get3A_974, %mul3A_976 : vector<1x128xf32>
    %swap3A_978 = arith.constant 17 : index
    %swap3A_979 = arith.constant 0 : index
    %swap3A_980 = vector.load %arg9[%swap3A_978, %swap3A_979] : memref<40x128xf32, #tpu.memory_space<vmem>>, vector<1x128xf32>
    tpu.vector_store %arg9[%swap3A_978, %swap3A_979], %max3A_977 {strides = array<i32>} : memref<40x128xf32, #tpu.memory_space<vmem>>, vector<1x128xf32>,
    %get3A_981 = arith.constant 18 : index
    %get3A_982 = arith.constant 0 : index
    %get3A_983 = vector.load %arg6[%get3A_981, %get3A_982] : memref<40x128xf32, #tpu.memory_space<vmem>>, vector<1x128xf32>
    %get3A_984 = arith.constant 18 : index
    %get3A_985 = arith.constant 0 : index
    %get3A_986 = vector.load %arg7[%get3A_984, %get3A_985] : memref<40x128xf32, #tpu.memory_space<vmem>>, vector<1x128xf32>
    %mul3A_987 = arith.mulf %get3A_983, %get3A_983 : vector<1x128xf32>
    %mul3A_988 = arith.mulf %get3A_986, %get3A_986 : vector<1x128xf32>
    %add3A_989 = arith.addf %mul3A_987, %mul3A_988 : vector<1x128xf32>
    %concatenate3A_990 = tpu.concatenate %get3A_983, %get3A_986 in 0 : vector<1x128xf32>, vector<1x128xf32> -> vector<2x128xf32>
    %dot_general3A_991 = arith.constant dense<0.000000e+00> : vector<128x128xf32>
    %dot_general3A_992 = tpu.matmul %concatenate3A, %concatenate3A_990, %dot_general3A_991 {dimension_numbers = #tpu.dot_dimension_numbers<[1], [0], [0], [1], [0, 0, 1, 1], [], []>, transpose_lhs_hint = false} : vector<128x2xf32>, vector<2x128xf32>, vector<128x128xf32> -> vector<128x128xf32>
    %add3A_993 = vector.broadcast %add3A_46 : vector<128x1xf32> to vector<128x128xf32>
    %add3A_994 = vector.broadcast %add3A_989 : vector<1x128xf32> to vector<128x128xf32>
    %add3A_995 = arith.addf %add3A_993, %add3A_994 : vector<128x128xf32>
    %mul3A_996 = arith.constant 2.000000e+00 : f32
    %mul3A_997 = vector.broadcast %mul3A_996 : f32 to vector<128x128xf32>
    %mul3A_998 = arith.mulf %mul3A_997, %dot_general3A_992 : vector<128x128xf32>
    %sub3A_999 = arith.subf %add3A_995, %mul3A_998 : vector<128x128xf32>
    %max3A_1000 = arith.constant 0.000000e+00 : f32
    %max3A_1001 = vector.broadcast %max3A_1000 : f32 to vector<128x128xf32>
    %max3A_1002 = arith.maximumf %sub3A_999, %max3A_1001 : vector<128x128xf32>
    %mul3A_1003 = arith.constant 1.562500e-02 : f32
    %mul3A_1004 = vector.broadcast %mul3A_1003 : f32 to vector<128x128xf32>
    %mul3A_1005 = arith.mulf %max3A_1002, %mul3A_1004 : vector<128x128xf32>
    %lt3A_1006 = arith.constant 1.000000e+00 : f32
    %lt3A_1007 = vector.broadcast %lt3A_1006 : f32 to vector<128x128xf32>
    %lt3A_1008 = arith.cmpf olt, %mul3A_1005, %lt3A_1007 : vector<128x128xf32>
    %jit3A_1009 = arith.constant 0.000000e+00 : f32
    %broadcast_in_dim3A_1010 = vector.shape_cast %reshape3A : vector<128x1xf32> to vector<128x1xf32>
    %broadcast_in_dim3A_1011 = vector.broadcast %broadcast_in_dim3A_1010 : vector<128x1xf32> to vector<128x128xf32>
    %broadcast_in_dim3A_1012 = vector.broadcast %jit3A_1009 : f32 to vector<128x128xf32>
    %select_n3A_1013 = arith.select %lt3A_1008, %broadcast_in_dim3A_1011, %broadcast_in_dim3A_1012 : vector<128x128xi1>, vector<128x128xf32>
    %reduce_sum3A_1014 = arith.constant dense<0.000000e+00> : vector<128xf32>
    %reduce_sum3A_1015 = vector.multi_reduction <add>, %select_n3A_1013, %reduce_sum3A_1014 [0] : vector<128x128xf32> to vector<128xf32>
    %broadcast_in_dim3A_1016 = vector.shape_cast %reduce_sum3A_1015 : vector<128xf32> to vector<1x128xf32>
    %gt3A_1017 = arith.constant 18 : i32
    %gt3A_1018 = arith.cmpi sgt, %gt3A_1017, %arg0 : i32
    %jit3A_1019 = arith.constant 1.000000e+00 : f32
    %jit3A_1020 = arith.constant 0.000000e+00 : f32
    %select_n3A_1021 = arith.select %gt3A_1018, %jit3A_1019, %jit3A_1020 : f32
    %get3A_1022 = arith.constant 18 : index
    %get3A_1023 = arith.constant 0 : index
    %get3A_1024 = vector.load %arg9[%get3A_1022, %get3A_1023] : memref<40x128xf32, #tpu.memory_space<vmem>>, vector<1x128xf32>
    %mul3A_1025 = vector.broadcast %select_n3A_1021 : f32 to vector<1x128xf32>
    %mul3A_1026 = arith.mulf %broadcast_in_dim3A_1016, %mul3A_1025 : vector<1x128xf32>
    %max3A_1027 = arith.maximumf %get3A_1024, %mul3A_1026 : vector<1x128xf32>
    %swap3A_1028 = arith.constant 18 : index
    %swap3A_1029 = arith.constant 0 : index
    %swap3A_1030 = vector.load %arg9[%swap3A_1028, %swap3A_1029] : memref<40x128xf32, #tpu.memory_space<vmem>>, vector<1x128xf32>
    tpu.vector_store %arg9[%swap3A_1028, %swap3A_1029], %max3A_1027 {strides = array<i32>} : memref<40x128xf32, #tpu.memory_space<vmem>>, vector<1x128xf32>,
    %get3A_1031 = arith.constant 19 : index
    %get3A_1032 = arith.constant 0 : index
    %get3A_1033 = vector.load %arg6[%get3A_1031, %get3A_1032] : memref<40x128xf32, #tpu.memory_space<vmem>>, vector<1x128xf32>
    %get3A_1034 = arith.constant 19 : index
    %get3A_1035 = arith.constant 0 : index
    %get3A_1036 = vector.load %arg7[%get3A_1034, %get3A_1035] : memref<40x128xf32, #tpu.memory_space<vmem>>, vector<1x128xf32>
    %mul3A_1037 = arith.mulf %get3A_1033, %get3A_1033 : vector<1x128xf32>
    %mul3A_1038 = arith.mulf %get3A_1036, %get3A_1036 : vector<1x128xf32>
    %add3A_1039 = arith.addf %mul3A_1037, %mul3A_1038 : vector<1x128xf32>
    %concatenate3A_1040 = tpu.concatenate %get3A_1033, %get3A_1036 in 0 : vector<1x128xf32>, vector<1x128xf32> -> vector<2x128xf32>
    %dot_general3A_1041 = arith.constant dense<0.000000e+00> : vector<128x128xf32>
    %dot_general3A_1042 = tpu.matmul %concatenate3A, %concatenate3A_1040, %dot_general3A_1041 {dimension_numbers = #tpu.dot_dimension_numbers<[1], [0], [0], [1], [0, 0, 1, 1], [], []>, transpose_lhs_hint = false} : vector<128x2xf32>, vector<2x128xf32>, vector<128x128xf32> -> vector<128x128xf32>
    %add3A_1043 = vector.broadcast %add3A_46 : vector<128x1xf32> to vector<128x128xf32>
    %add3A_1044 = vector.broadcast %add3A_1039 : vector<1x128xf32> to vector<128x128xf32>
    %add3A_1045 = arith.addf %add3A_1043, %add3A_1044 : vector<128x128xf32>
    %mul3A_1046 = arith.constant 2.000000e+00 : f32
    %mul3A_1047 = vector.broadcast %mul3A_1046 : f32 to vector<128x128xf32>
    %mul3A_1048 = arith.mulf %mul3A_1047, %dot_general3A_1042 : vector<128x128xf32>
    %sub3A_1049 = arith.subf %add3A_1045, %mul3A_1048 : vector<128x128xf32>
    %max3A_1050 = arith.constant 0.000000e+00 : f32
    %max3A_1051 = vector.broadcast %max3A_1050 : f32 to vector<128x128xf32>
    %max3A_1052 = arith.maximumf %sub3A_1049, %max3A_1051 : vector<128x128xf32>
    %mul3A_1053 = arith.constant 1.562500e-02 : f32
    %mul3A_1054 = vector.broadcast %mul3A_1053 : f32 to vector<128x128xf32>
    %mul3A_1055 = arith.mulf %max3A_1052, %mul3A_1054 : vector<128x128xf32>
    %lt3A_1056 = arith.constant 1.000000e+00 : f32
    %lt3A_1057 = vector.broadcast %lt3A_1056 : f32 to vector<128x128xf32>
    %lt3A_1058 = arith.cmpf olt, %mul3A_1055, %lt3A_1057 : vector<128x128xf32>
    %jit3A_1059 = arith.constant 0.000000e+00 : f32
    %broadcast_in_dim3A_1060 = vector.shape_cast %reshape3A : vector<128x1xf32> to vector<128x1xf32>
    %broadcast_in_dim3A_1061 = vector.broadcast %broadcast_in_dim3A_1060 : vector<128x1xf32> to vector<128x128xf32>
    %broadcast_in_dim3A_1062 = vector.broadcast %jit3A_1059 : f32 to vector<128x128xf32>
    %select_n3A_1063 = arith.select %lt3A_1058, %broadcast_in_dim3A_1061, %broadcast_in_dim3A_1062 : vector<128x128xi1>, vector<128x128xf32>
    %reduce_sum3A_1064 = arith.constant dense<0.000000e+00> : vector<128xf32>
    %reduce_sum3A_1065 = vector.multi_reduction <add>, %select_n3A_1063, %reduce_sum3A_1064 [0] : vector<128x128xf32> to vector<128xf32>
    %broadcast_in_dim3A_1066 = vector.shape_cast %reduce_sum3A_1065 : vector<128xf32> to vector<1x128xf32>
    %gt3A_1067 = arith.constant 19 : i32
    %gt3A_1068 = arith.cmpi sgt, %gt3A_1067, %arg0 : i32
    %jit3A_1069 = arith.constant 1.000000e+00 : f32
    %jit3A_1070 = arith.constant 0.000000e+00 : f32
    %select_n3A_1071 = arith.select %gt3A_1068, %jit3A_1069, %jit3A_1070 : f32
    %get3A_1072 = arith.constant 19 : index
    %get3A_1073 = arith.constant 0 : index
    %get3A_1074 = vector.load %arg9[%get3A_1072, %get3A_1073] : memref<40x128xf32, #tpu.memory_space<vmem>>, vector<1x128xf32>
    %mul3A_1075 = vector.broadcast %select_n3A_1071 : f32 to vector<1x128xf32>
    %mul3A_1076 = arith.mulf %broadcast_in_dim3A_1066, %mul3A_1075 : vector<1x128xf32>
    %max3A_1077 = arith.maximumf %get3A_1074, %mul3A_1076 : vector<1x128xf32>
    %swap3A_1078 = arith.constant 19 : index
    %swap3A_1079 = arith.constant 0 : index
    %swap3A_1080 = vector.load %arg9[%swap3A_1078, %swap3A_1079] : memref<40x128xf32, #tpu.memory_space<vmem>>, vector<1x128xf32>
    tpu.vector_store %arg9[%swap3A_1078, %swap3A_1079], %max3A_1077 {strides = array<i32>} : memref<40x128xf32, #tpu.memory_space<vmem>>, vector<1x128xf32>,
    %get3A_1081 = arith.constant 20 : index
    %get3A_1082 = arith.constant 0 : index
    %get3A_1083 = vector.load %arg6[%get3A_1081, %get3A_1082] : memref<40x128xf32, #tpu.memory_space<vmem>>, vector<1x128xf32>
    %get3A_1084 = arith.constant 20 : index
    %get3A_1085 = arith.constant 0 : index
    %get3A_1086 = vector.load %arg7[%get3A_1084, %get3A_1085] : memref<40x128xf32, #tpu.memory_space<vmem>>, vector<1x128xf32>
    %mul3A_1087 = arith.mulf %get3A_1083, %get3A_1083 : vector<1x128xf32>
    %mul3A_1088 = arith.mulf %get3A_1086, %get3A_1086 : vector<1x128xf32>
    %add3A_1089 = arith.addf %mul3A_1087, %mul3A_1088 : vector<1x128xf32>
    %concatenate3A_1090 = tpu.concatenate %get3A_1083, %get3A_1086 in 0 : vector<1x128xf32>, vector<1x128xf32> -> vector<2x128xf32>
    %dot_general3A_1091 = arith.constant dense<0.000000e+00> : vector<128x128xf32>
    %dot_general3A_1092 = tpu.matmul %concatenate3A, %concatenate3A_1090, %dot_general3A_1091 {dimension_numbers = #tpu.dot_dimension_numbers<[1], [0], [0], [1], [0, 0, 1, 1], [], []>, transpose_lhs_hint = false} : vector<128x2xf32>, vector<2x128xf32>, vector<128x128xf32> -> vector<128x128xf32>
    %add3A_1093 = vector.broadcast %add3A_46 : vector<128x1xf32> to vector<128x128xf32>
    %add3A_1094 = vector.broadcast %add3A_1089 : vector<1x128xf32> to vector<128x128xf32>
    %add3A_1095 = arith.addf %add3A_1093, %add3A_1094 : vector<128x128xf32>
    %mul3A_1096 = arith.constant 2.000000e+00 : f32
    %mul3A_1097 = vector.broadcast %mul3A_1096 : f32 to vector<128x128xf32>
    %mul3A_1098 = arith.mulf %mul3A_1097, %dot_general3A_1092 : vector<128x128xf32>
    %sub3A_1099 = arith.subf %add3A_1095, %mul3A_1098 : vector<128x128xf32>
    %max3A_1100 = arith.constant 0.000000e+00 : f32
    %max3A_1101 = vector.broadcast %max3A_1100 : f32 to vector<128x128xf32>
    %max3A_1102 = arith.maximumf %sub3A_1099, %max3A_1101 : vector<128x128xf32>
    %mul3A_1103 = arith.constant 1.562500e-02 : f32
    %mul3A_1104 = vector.broadcast %mul3A_1103 : f32 to vector<128x128xf32>
    %mul3A_1105 = arith.mulf %max3A_1102, %mul3A_1104 : vector<128x128xf32>
    %lt3A_1106 = arith.constant 1.000000e+00 : f32
    %lt3A_1107 = vector.broadcast %lt3A_1106 : f32 to vector<128x128xf32>
    %lt3A_1108 = arith.cmpf olt, %mul3A_1105, %lt3A_1107 : vector<128x128xf32>
    %jit3A_1109 = arith.constant 0.000000e+00 : f32
    %broadcast_in_dim3A_1110 = vector.shape_cast %reshape3A : vector<128x1xf32> to vector<128x1xf32>
    %broadcast_in_dim3A_1111 = vector.broadcast %broadcast_in_dim3A_1110 : vector<128x1xf32> to vector<128x128xf32>
    %broadcast_in_dim3A_1112 = vector.broadcast %jit3A_1109 : f32 to vector<128x128xf32>
    %select_n3A_1113 = arith.select %lt3A_1108, %broadcast_in_dim3A_1111, %broadcast_in_dim3A_1112 : vector<128x128xi1>, vector<128x128xf32>
    %reduce_sum3A_1114 = arith.constant dense<0.000000e+00> : vector<128xf32>
    %reduce_sum3A_1115 = vector.multi_reduction <add>, %select_n3A_1113, %reduce_sum3A_1114 [0] : vector<128x128xf32> to vector<128xf32>
    %broadcast_in_dim3A_1116 = vector.shape_cast %reduce_sum3A_1115 : vector<128xf32> to vector<1x128xf32>
    %gt3A_1117 = arith.constant 20 : i32
    %gt3A_1118 = arith.cmpi sgt, %gt3A_1117, %arg0 : i32
    %jit3A_1119 = arith.constant 1.000000e+00 : f32
    %jit3A_1120 = arith.constant 0.000000e+00 : f32
    %select_n3A_1121 = arith.select %gt3A_1118, %jit3A_1119, %jit3A_1120 : f32
    %get3A_1122 = arith.constant 20 : index
    %get3A_1123 = arith.constant 0 : index
    %get3A_1124 = vector.load %arg9[%get3A_1122, %get3A_1123] : memref<40x128xf32, #tpu.memory_space<vmem>>, vector<1x128xf32>
    %mul3A_1125 = vector.broadcast %select_n3A_1121 : f32 to vector<1x128xf32>
    %mul3A_1126 = arith.mulf %broadcast_in_dim3A_1116, %mul3A_1125 : vector<1x128xf32>
    %max3A_1127 = arith.maximumf %get3A_1124, %mul3A_1126 : vector<1x128xf32>
    %swap3A_1128 = arith.constant 20 : index
    %swap3A_1129 = arith.constant 0 : index
    %swap3A_1130 = vector.load %arg9[%swap3A_1128, %swap3A_1129] : memref<40x128xf32, #tpu.memory_space<vmem>>, vector<1x128xf32>
    tpu.vector_store %arg9[%swap3A_1128, %swap3A_1129], %max3A_1127 {strides = array<i32>} : memref<40x128xf32, #tpu.memory_space<vmem>>, vector<1x128xf32>,
    %get3A_1131 = arith.constant 21 : index
    %get3A_1132 = arith.constant 0 : index
    %get3A_1133 = vector.load %arg6[%get3A_1131, %get3A_1132] : memref<40x128xf32, #tpu.memory_space<vmem>>, vector<1x128xf32>
    %get3A_1134 = arith.constant 21 : index
    %get3A_1135 = arith.constant 0 : index
    %get3A_1136 = vector.load %arg7[%get3A_1134, %get3A_1135] : memref<40x128xf32, #tpu.memory_space<vmem>>, vector<1x128xf32>
    %mul3A_1137 = arith.mulf %get3A_1133, %get3A_1133 : vector<1x128xf32>
    %mul3A_1138 = arith.mulf %get3A_1136, %get3A_1136 : vector<1x128xf32>
    %add3A_1139 = arith.addf %mul3A_1137, %mul3A_1138 : vector<1x128xf32>
    %concatenate3A_1140 = tpu.concatenate %get3A_1133, %get3A_1136 in 0 : vector<1x128xf32>, vector<1x128xf32> -> vector<2x128xf32>
    %dot_general3A_1141 = arith.constant dense<0.000000e+00> : vector<128x128xf32>
    %dot_general3A_1142 = tpu.matmul %concatenate3A, %concatenate3A_1140, %dot_general3A_1141 {dimension_numbers = #tpu.dot_dimension_numbers<[1], [0], [0], [1], [0, 0, 1, 1], [], []>, transpose_lhs_hint = false} : vector<128x2xf32>, vector<2x128xf32>, vector<128x128xf32> -> vector<128x128xf32>
    %add3A_1143 = vector.broadcast %add3A_46 : vector<128x1xf32> to vector<128x128xf32>
    %add3A_1144 = vector.broadcast %add3A_1139 : vector<1x128xf32> to vector<128x128xf32>
    %add3A_1145 = arith.addf %add3A_1143, %add3A_1144 : vector<128x128xf32>
    %mul3A_1146 = arith.constant 2.000000e+00 : f32
    %mul3A_1147 = vector.broadcast %mul3A_1146 : f32 to vector<128x128xf32>
    %mul3A_1148 = arith.mulf %mul3A_1147, %dot_general3A_1142 : vector<128x128xf32>
    %sub3A_1149 = arith.subf %add3A_1145, %mul3A_1148 : vector<128x128xf32>
    %max3A_1150 = arith.constant 0.000000e+00 : f32
    %max3A_1151 = vector.broadcast %max3A_1150 : f32 to vector<128x128xf32>
    %max3A_1152 = arith.maximumf %sub3A_1149, %max3A_1151 : vector<128x128xf32>
    %mul3A_1153 = arith.constant 1.562500e-02 : f32
    %mul3A_1154 = vector.broadcast %mul3A_1153 : f32 to vector<128x128xf32>
    %mul3A_1155 = arith.mulf %max3A_1152, %mul3A_1154 : vector<128x128xf32>
    %lt3A_1156 = arith.constant 1.000000e+00 : f32
    %lt3A_1157 = vector.broadcast %lt3A_1156 : f32 to vector<128x128xf32>
    %lt3A_1158 = arith.cmpf olt, %mul3A_1155, %lt3A_1157 : vector<128x128xf32>
    %jit3A_1159 = arith.constant 0.000000e+00 : f32
    %broadcast_in_dim3A_1160 = vector.shape_cast %reshape3A : vector<128x1xf32> to vector<128x1xf32>
    %broadcast_in_dim3A_1161 = vector.broadcast %broadcast_in_dim3A_1160 : vector<128x1xf32> to vector<128x128xf32>
    %broadcast_in_dim3A_1162 = vector.broadcast %jit3A_1159 : f32 to vector<128x128xf32>
    %select_n3A_1163 = arith.select %lt3A_1158, %broadcast_in_dim3A_1161, %broadcast_in_dim3A_1162 : vector<128x128xi1>, vector<128x128xf32>
    %reduce_sum3A_1164 = arith.constant dense<0.000000e+00> : vector<128xf32>
    %reduce_sum3A_1165 = vector.multi_reduction <add>, %select_n3A_1163, %reduce_sum3A_1164 [0] : vector<128x128xf32> to vector<128xf32>
    %broadcast_in_dim3A_1166 = vector.shape_cast %reduce_sum3A_1165 : vector<128xf32> to vector<1x128xf32>
    %gt3A_1167 = arith.constant 21 : i32
    %gt3A_1168 = arith.cmpi sgt, %gt3A_1167, %arg0 : i32
    %jit3A_1169 = arith.constant 1.000000e+00 : f32
    %jit3A_1170 = arith.constant 0.000000e+00 : f32
    %select_n3A_1171 = arith.select %gt3A_1168, %jit3A_1169, %jit3A_1170 : f32
    %get3A_1172 = arith.constant 21 : index
    %get3A_1173 = arith.constant 0 : index
    %get3A_1174 = vector.load %arg9[%get3A_1172, %get3A_1173] : memref<40x128xf32, #tpu.memory_space<vmem>>, vector<1x128xf32>
    %mul3A_1175 = vector.broadcast %select_n3A_1171 : f32 to vector<1x128xf32>
    %mul3A_1176 = arith.mulf %broadcast_in_dim3A_1166, %mul3A_1175 : vector<1x128xf32>
    %max3A_1177 = arith.maximumf %get3A_1174, %mul3A_1176 : vector<1x128xf32>
    %swap3A_1178 = arith.constant 21 : index
    %swap3A_1179 = arith.constant 0 : index
    %swap3A_1180 = vector.load %arg9[%swap3A_1178, %swap3A_1179] : memref<40x128xf32, #tpu.memory_space<vmem>>, vector<1x128xf32>
    tpu.vector_store %arg9[%swap3A_1178, %swap3A_1179], %max3A_1177 {strides = array<i32>} : memref<40x128xf32, #tpu.memory_space<vmem>>, vector<1x128xf32>,
    %get3A_1181 = arith.constant 22 : index
    %get3A_1182 = arith.constant 0 : index
    %get3A_1183 = vector.load %arg6[%get3A_1181, %get3A_1182] : memref<40x128xf32, #tpu.memory_space<vmem>>, vector<1x128xf32>
    %get3A_1184 = arith.constant 22 : index
    %get3A_1185 = arith.constant 0 : index
    %get3A_1186 = vector.load %arg7[%get3A_1184, %get3A_1185] : memref<40x128xf32, #tpu.memory_space<vmem>>, vector<1x128xf32>
    %mul3A_1187 = arith.mulf %get3A_1183, %get3A_1183 : vector<1x128xf32>
    %mul3A_1188 = arith.mulf %get3A_1186, %get3A_1186 : vector<1x128xf32>
    %add3A_1189 = arith.addf %mul3A_1187, %mul3A_1188 : vector<1x128xf32>
    %concatenate3A_1190 = tpu.concatenate %get3A_1183, %get3A_1186 in 0 : vector<1x128xf32>, vector<1x128xf32> -> vector<2x128xf32>
    %dot_general3A_1191 = arith.constant dense<0.000000e+00> : vector<128x128xf32>
    %dot_general3A_1192 = tpu.matmul %concatenate3A, %concatenate3A_1190, %dot_general3A_1191 {dimension_numbers = #tpu.dot_dimension_numbers<[1], [0], [0], [1], [0, 0, 1, 1], [], []>, transpose_lhs_hint = false} : vector<128x2xf32>, vector<2x128xf32>, vector<128x128xf32> -> vector<128x128xf32>
    %add3A_1193 = vector.broadcast %add3A_46 : vector<128x1xf32> to vector<128x128xf32>
    %add3A_1194 = vector.broadcast %add3A_1189 : vector<1x128xf32> to vector<128x128xf32>
    %add3A_1195 = arith.addf %add3A_1193, %add3A_1194 : vector<128x128xf32>
    %mul3A_1196 = arith.constant 2.000000e+00 : f32
    %mul3A_1197 = vector.broadcast %mul3A_1196 : f32 to vector<128x128xf32>
    %mul3A_1198 = arith.mulf %mul3A_1197, %dot_general3A_1192 : vector<128x128xf32>
    %sub3A_1199 = arith.subf %add3A_1195, %mul3A_1198 : vector<128x128xf32>
    %max3A_1200 = arith.constant 0.000000e+00 : f32
    %max3A_1201 = vector.broadcast %max3A_1200 : f32 to vector<128x128xf32>
    %max3A_1202 = arith.maximumf %sub3A_1199, %max3A_1201 : vector<128x128xf32>
    %mul3A_1203 = arith.constant 1.562500e-02 : f32
    %mul3A_1204 = vector.broadcast %mul3A_1203 : f32 to vector<128x128xf32>
    %mul3A_1205 = arith.mulf %max3A_1202, %mul3A_1204 : vector<128x128xf32>
    %lt3A_1206 = arith.constant 1.000000e+00 : f32
    %lt3A_1207 = vector.broadcast %lt3A_1206 : f32 to vector<128x128xf32>
    %lt3A_1208 = arith.cmpf olt, %mul3A_1205, %lt3A_1207 : vector<128x128xf32>
    %jit3A_1209 = arith.constant 0.000000e+00 : f32
    %broadcast_in_dim3A_1210 = vector.shape_cast %reshape3A : vector<128x1xf32> to vector<128x1xf32>
    %broadcast_in_dim3A_1211 = vector.broadcast %broadcast_in_dim3A_1210 : vector<128x1xf32> to vector<128x128xf32>
    %broadcast_in_dim3A_1212 = vector.broadcast %jit3A_1209 : f32 to vector<128x128xf32>
    %select_n3A_1213 = arith.select %lt3A_1208, %broadcast_in_dim3A_1211, %broadcast_in_dim3A_1212 : vector<128x128xi1>, vector<128x128xf32>
    %reduce_sum3A_1214 = arith.constant dense<0.000000e+00> : vector<128xf32>
    %reduce_sum3A_1215 = vector.multi_reduction <add>, %select_n3A_1213, %reduce_sum3A_1214 [0] : vector<128x128xf32> to vector<128xf32>
    %broadcast_in_dim3A_1216 = vector.shape_cast %reduce_sum3A_1215 : vector<128xf32> to vector<1x128xf32>
    %gt3A_1217 = arith.constant 22 : i32
    %gt3A_1218 = arith.cmpi sgt, %gt3A_1217, %arg0 : i32
    %jit3A_1219 = arith.constant 1.000000e+00 : f32
    %jit3A_1220 = arith.constant 0.000000e+00 : f32
    %select_n3A_1221 = arith.select %gt3A_1218, %jit3A_1219, %jit3A_1220 : f32
    %get3A_1222 = arith.constant 22 : index
    %get3A_1223 = arith.constant 0 : index
    %get3A_1224 = vector.load %arg9[%get3A_1222, %get3A_1223] : memref<40x128xf32, #tpu.memory_space<vmem>>, vector<1x128xf32>
    %mul3A_1225 = vector.broadcast %select_n3A_1221 : f32 to vector<1x128xf32>
    %mul3A_1226 = arith.mulf %broadcast_in_dim3A_1216, %mul3A_1225 : vector<1x128xf32>
    %max3A_1227 = arith.maximumf %get3A_1224, %mul3A_1226 : vector<1x128xf32>
    %swap3A_1228 = arith.constant 22 : index
    %swap3A_1229 = arith.constant 0 : index
    %swap3A_1230 = vector.load %arg9[%swap3A_1228, %swap3A_1229] : memref<40x128xf32, #tpu.memory_space<vmem>>, vector<1x128xf32>
    tpu.vector_store %arg9[%swap3A_1228, %swap3A_1229], %max3A_1227 {strides = array<i32>} : memref<40x128xf32, #tpu.memory_space<vmem>>, vector<1x128xf32>,
    %get3A_1231 = arith.constant 23 : index
    %get3A_1232 = arith.constant 0 : index
    %get3A_1233 = vector.load %arg6[%get3A_1231, %get3A_1232] : memref<40x128xf32, #tpu.memory_space<vmem>>, vector<1x128xf32>
    %get3A_1234 = arith.constant 23 : index
    %get3A_1235 = arith.constant 0 : index
    %get3A_1236 = vector.load %arg7[%get3A_1234, %get3A_1235] : memref<40x128xf32, #tpu.memory_space<vmem>>, vector<1x128xf32>
    %mul3A_1237 = arith.mulf %get3A_1233, %get3A_1233 : vector<1x128xf32>
    %mul3A_1238 = arith.mulf %get3A_1236, %get3A_1236 : vector<1x128xf32>
    %add3A_1239 = arith.addf %mul3A_1237, %mul3A_1238 : vector<1x128xf32>
    %concatenate3A_1240 = tpu.concatenate %get3A_1233, %get3A_1236 in 0 : vector<1x128xf32>, vector<1x128xf32> -> vector<2x128xf32>
    %dot_general3A_1241 = arith.constant dense<0.000000e+00> : vector<128x128xf32>
    %dot_general3A_1242 = tpu.matmul %concatenate3A, %concatenate3A_1240, %dot_general3A_1241 {dimension_numbers = #tpu.dot_dimension_numbers<[1], [0], [0], [1], [0, 0, 1, 1], [], []>, transpose_lhs_hint = false} : vector<128x2xf32>, vector<2x128xf32>, vector<128x128xf32> -> vector<128x128xf32>
    %add3A_1243 = vector.broadcast %add3A_46 : vector<128x1xf32> to vector<128x128xf32>
    %add3A_1244 = vector.broadcast %add3A_1239 : vector<1x128xf32> to vector<128x128xf32>
    %add3A_1245 = arith.addf %add3A_1243, %add3A_1244 : vector<128x128xf32>
    %mul3A_1246 = arith.constant 2.000000e+00 : f32
    %mul3A_1247 = vector.broadcast %mul3A_1246 : f32 to vector<128x128xf32>
    %mul3A_1248 = arith.mulf %mul3A_1247, %dot_general3A_1242 : vector<128x128xf32>
    %sub3A_1249 = arith.subf %add3A_1245, %mul3A_1248 : vector<128x128xf32>
    %max3A_1250 = arith.constant 0.000000e+00 : f32
    %max3A_1251 = vector.broadcast %max3A_1250 : f32 to vector<128x128xf32>
    %max3A_1252 = arith.maximumf %sub3A_1249, %max3A_1251 : vector<128x128xf32>
    %mul3A_1253 = arith.constant 1.562500e-02 : f32
    %mul3A_1254 = vector.broadcast %mul3A_1253 : f32 to vector<128x128xf32>
    %mul3A_1255 = arith.mulf %max3A_1252, %mul3A_1254 : vector<128x128xf32>
    %lt3A_1256 = arith.constant 1.000000e+00 : f32
    %lt3A_1257 = vector.broadcast %lt3A_1256 : f32 to vector<128x128xf32>
    %lt3A_1258 = arith.cmpf olt, %mul3A_1255, %lt3A_1257 : vector<128x128xf32>
    %jit3A_1259 = arith.constant 0.000000e+00 : f32
    %broadcast_in_dim3A_1260 = vector.shape_cast %reshape3A : vector<128x1xf32> to vector<128x1xf32>
    %broadcast_in_dim3A_1261 = vector.broadcast %broadcast_in_dim3A_1260 : vector<128x1xf32> to vector<128x128xf32>
    %broadcast_in_dim3A_1262 = vector.broadcast %jit3A_1259 : f32 to vector<128x128xf32>
    %select_n3A_1263 = arith.select %lt3A_1258, %broadcast_in_dim3A_1261, %broadcast_in_dim3A_1262 : vector<128x128xi1>, vector<128x128xf32>
    %reduce_sum3A_1264 = arith.constant dense<0.000000e+00> : vector<128xf32>
    %reduce_sum3A_1265 = vector.multi_reduction <add>, %select_n3A_1263, %reduce_sum3A_1264 [0] : vector<128x128xf32> to vector<128xf32>
    %broadcast_in_dim3A_1266 = vector.shape_cast %reduce_sum3A_1265 : vector<128xf32> to vector<1x128xf32>
    %gt3A_1267 = arith.constant 23 : i32
    %gt3A_1268 = arith.cmpi sgt, %gt3A_1267, %arg0 : i32
    %jit3A_1269 = arith.constant 1.000000e+00 : f32
    %jit3A_1270 = arith.constant 0.000000e+00 : f32
    %select_n3A_1271 = arith.select %gt3A_1268, %jit3A_1269, %jit3A_1270 : f32
    %get3A_1272 = arith.constant 23 : index
    %get3A_1273 = arith.constant 0 : index
    %get3A_1274 = vector.load %arg9[%get3A_1272, %get3A_1273] : memref<40x128xf32, #tpu.memory_space<vmem>>, vector<1x128xf32>
    %mul3A_1275 = vector.broadcast %select_n3A_1271 : f32 to vector<1x128xf32>
    %mul3A_1276 = arith.mulf %broadcast_in_dim3A_1266, %mul3A_1275 : vector<1x128xf32>
    %max3A_1277 = arith.maximumf %get3A_1274, %mul3A_1276 : vector<1x128xf32>
    %swap3A_1278 = arith.constant 23 : index
    %swap3A_1279 = arith.constant 0 : index
    %swap3A_1280 = vector.load %arg9[%swap3A_1278, %swap3A_1279] : memref<40x128xf32, #tpu.memory_space<vmem>>, vector<1x128xf32>
    tpu.vector_store %arg9[%swap3A_1278, %swap3A_1279], %max3A_1277 {strides = array<i32>} : memref<40x128xf32, #tpu.memory_space<vmem>>, vector<1x128xf32>,
    %get3A_1281 = arith.constant 24 : index
    %get3A_1282 = arith.constant 0 : index
    %get3A_1283 = vector.load %arg6[%get3A_1281, %get3A_1282] : memref<40x128xf32, #tpu.memory_space<vmem>>, vector<1x128xf32>
    %get3A_1284 = arith.constant 24 : index
    %get3A_1285 = arith.constant 0 : index
    %get3A_1286 = vector.load %arg7[%get3A_1284, %get3A_1285] : memref<40x128xf32, #tpu.memory_space<vmem>>, vector<1x128xf32>
    %mul3A_1287 = arith.mulf %get3A_1283, %get3A_1283 : vector<1x128xf32>
    %mul3A_1288 = arith.mulf %get3A_1286, %get3A_1286 : vector<1x128xf32>
    %add3A_1289 = arith.addf %mul3A_1287, %mul3A_1288 : vector<1x128xf32>
    %concatenate3A_1290 = tpu.concatenate %get3A_1283, %get3A_1286 in 0 : vector<1x128xf32>, vector<1x128xf32> -> vector<2x128xf32>
    %dot_general3A_1291 = arith.constant dense<0.000000e+00> : vector<128x128xf32>
    %dot_general3A_1292 = tpu.matmul %concatenate3A, %concatenate3A_1290, %dot_general3A_1291 {dimension_numbers = #tpu.dot_dimension_numbers<[1], [0], [0], [1], [0, 0, 1, 1], [], []>, transpose_lhs_hint = false} : vector<128x2xf32>, vector<2x128xf32>, vector<128x128xf32> -> vector<128x128xf32>
    %add3A_1293 = vector.broadcast %add3A_46 : vector<128x1xf32> to vector<128x128xf32>
    %add3A_1294 = vector.broadcast %add3A_1289 : vector<1x128xf32> to vector<128x128xf32>
    %add3A_1295 = arith.addf %add3A_1293, %add3A_1294 : vector<128x128xf32>
    %mul3A_1296 = arith.constant 2.000000e+00 : f32
    %mul3A_1297 = vector.broadcast %mul3A_1296 : f32 to vector<128x128xf32>
    %mul3A_1298 = arith.mulf %mul3A_1297, %dot_general3A_1292 : vector<128x128xf32>
    %sub3A_1299 = arith.subf %add3A_1295, %mul3A_1298 : vector<128x128xf32>
    %max3A_1300 = arith.constant 0.000000e+00 : f32
    %max3A_1301 = vector.broadcast %max3A_1300 : f32 to vector<128x128xf32>
    %max3A_1302 = arith.maximumf %sub3A_1299, %max3A_1301 : vector<128x128xf32>
    %mul3A_1303 = arith.constant 1.562500e-02 : f32
    %mul3A_1304 = vector.broadcast %mul3A_1303 : f32 to vector<128x128xf32>
    %mul3A_1305 = arith.mulf %max3A_1302, %mul3A_1304 : vector<128x128xf32>
    %lt3A_1306 = arith.constant 1.000000e+00 : f32
    %lt3A_1307 = vector.broadcast %lt3A_1306 : f32 to vector<128x128xf32>
    %lt3A_1308 = arith.cmpf olt, %mul3A_1305, %lt3A_1307 : vector<128x128xf32>
    %jit3A_1309 = arith.constant 0.000000e+00 : f32
    %broadcast_in_dim3A_1310 = vector.shape_cast %reshape3A : vector<128x1xf32> to vector<128x1xf32>
    %broadcast_in_dim3A_1311 = vector.broadcast %broadcast_in_dim3A_1310 : vector<128x1xf32> to vector<128x128xf32>
    %broadcast_in_dim3A_1312 = vector.broadcast %jit3A_1309 : f32 to vector<128x128xf32>
    %select_n3A_1313 = arith.select %lt3A_1308, %broadcast_in_dim3A_1311, %broadcast_in_dim3A_1312 : vector<128x128xi1>, vector<128x128xf32>
    %reduce_sum3A_1314 = arith.constant dense<0.000000e+00> : vector<128xf32>
    %reduce_sum3A_1315 = vector.multi_reduction <add>, %select_n3A_1313, %reduce_sum3A_1314 [0] : vector<128x128xf32> to vector<128xf32>
    %broadcast_in_dim3A_1316 = vector.shape_cast %reduce_sum3A_1315 : vector<128xf32> to vector<1x128xf32>
    %gt3A_1317 = arith.constant 24 : i32
    %gt3A_1318 = arith.cmpi sgt, %gt3A_1317, %arg0 : i32
    %jit3A_1319 = arith.constant 1.000000e+00 : f32
    %jit3A_1320 = arith.constant 0.000000e+00 : f32
    %select_n3A_1321 = arith.select %gt3A_1318, %jit3A_1319, %jit3A_1320 : f32
    %get3A_1322 = arith.constant 24 : index
    %get3A_1323 = arith.constant 0 : index
    %get3A_1324 = vector.load %arg9[%get3A_1322, %get3A_1323] : memref<40x128xf32, #tpu.memory_space<vmem>>, vector<1x128xf32>
    %mul3A_1325 = vector.broadcast %select_n3A_1321 : f32 to vector<1x128xf32>
    %mul3A_1326 = arith.mulf %broadcast_in_dim3A_1316, %mul3A_1325 : vector<1x128xf32>
    %max3A_1327 = arith.maximumf %get3A_1324, %mul3A_1326 : vector<1x128xf32>
    %swap3A_1328 = arith.constant 24 : index
    %swap3A_1329 = arith.constant 0 : index
    %swap3A_1330 = vector.load %arg9[%swap3A_1328, %swap3A_1329] : memref<40x128xf32, #tpu.memory_space<vmem>>, vector<1x128xf32>
    tpu.vector_store %arg9[%swap3A_1328, %swap3A_1329], %max3A_1327 {strides = array<i32>} : memref<40x128xf32, #tpu.memory_space<vmem>>, vector<1x128xf32>,
    %get3A_1331 = arith.constant 25 : index
    %get3A_1332 = arith.constant 0 : index
    %get3A_1333 = vector.load %arg6[%get3A_1331, %get3A_1332] : memref<40x128xf32, #tpu.memory_space<vmem>>, vector<1x128xf32>
    %get3A_1334 = arith.constant 25 : index
    %get3A_1335 = arith.constant 0 : index
    %get3A_1336 = vector.load %arg7[%get3A_1334, %get3A_1335] : memref<40x128xf32, #tpu.memory_space<vmem>>, vector<1x128xf32>
    %mul3A_1337 = arith.mulf %get3A_1333, %get3A_1333 : vector<1x128xf32>
    %mul3A_1338 = arith.mulf %get3A_1336, %get3A_1336 : vector<1x128xf32>
    %add3A_1339 = arith.addf %mul3A_1337, %mul3A_1338 : vector<1x128xf32>
    %concatenate3A_1340 = tpu.concatenate %get3A_1333, %get3A_1336 in 0 : vector<1x128xf32>, vector<1x128xf32> -> vector<2x128xf32>
    %dot_general3A_1341 = arith.constant dense<0.000000e+00> : vector<128x128xf32>
    %dot_general3A_1342 = tpu.matmul %concatenate3A, %concatenate3A_1340, %dot_general3A_1341 {dimension_numbers = #tpu.dot_dimension_numbers<[1], [0], [0], [1], [0, 0, 1, 1], [], []>, transpose_lhs_hint = false} : vector<128x2xf32>, vector<2x128xf32>, vector<128x128xf32> -> vector<128x128xf32>
    %add3A_1343 = vector.broadcast %add3A_46 : vector<128x1xf32> to vector<128x128xf32>
    %add3A_1344 = vector.broadcast %add3A_1339 : vector<1x128xf32> to vector<128x128xf32>
    %add3A_1345 = arith.addf %add3A_1343, %add3A_1344 : vector<128x128xf32>
    %mul3A_1346 = arith.constant 2.000000e+00 : f32
    %mul3A_1347 = vector.broadcast %mul3A_1346 : f32 to vector<128x128xf32>
    %mul3A_1348 = arith.mulf %mul3A_1347, %dot_general3A_1342 : vector<128x128xf32>
    %sub3A_1349 = arith.subf %add3A_1345, %mul3A_1348 : vector<128x128xf32>
    %max3A_1350 = arith.constant 0.000000e+00 : f32
    %max3A_1351 = vector.broadcast %max3A_1350 : f32 to vector<128x128xf32>
    %max3A_1352 = arith.maximumf %sub3A_1349, %max3A_1351 : vector<128x128xf32>
    %mul3A_1353 = arith.constant 1.562500e-02 : f32
    %mul3A_1354 = vector.broadcast %mul3A_1353 : f32 to vector<128x128xf32>
    %mul3A_1355 = arith.mulf %max3A_1352, %mul3A_1354 : vector<128x128xf32>
    %lt3A_1356 = arith.constant 1.000000e+00 : f32
    %lt3A_1357 = vector.broadcast %lt3A_1356 : f32 to vector<128x128xf32>
    %lt3A_1358 = arith.cmpf olt, %mul3A_1355, %lt3A_1357 : vector<128x128xf32>
    %jit3A_1359 = arith.constant 0.000000e+00 : f32
    %broadcast_in_dim3A_1360 = vector.shape_cast %reshape3A : vector<128x1xf32> to vector<128x1xf32>
    %broadcast_in_dim3A_1361 = vector.broadcast %broadcast_in_dim3A_1360 : vector<128x1xf32> to vector<128x128xf32>
    %broadcast_in_dim3A_1362 = vector.broadcast %jit3A_1359 : f32 to vector<128x128xf32>
    %select_n3A_1363 = arith.select %lt3A_1358, %broadcast_in_dim3A_1361, %broadcast_in_dim3A_1362 : vector<128x128xi1>, vector<128x128xf32>
    %reduce_sum3A_1364 = arith.constant dense<0.000000e+00> : vector<128xf32>
    %reduce_sum3A_1365 = vector.multi_reduction <add>, %select_n3A_1363, %reduce_sum3A_1364 [0] : vector<128x128xf32> to vector<128xf32>
    %broadcast_in_dim3A_1366 = vector.shape_cast %reduce_sum3A_1365 : vector<128xf32> to vector<1x128xf32>
    %gt3A_1367 = arith.constant 25 : i32
    %gt3A_1368 = arith.cmpi sgt, %gt3A_1367, %arg0 : i32
    %jit3A_1369 = arith.constant 1.000000e+00 : f32
    %jit3A_1370 = arith.constant 0.000000e+00 : f32
    %select_n3A_1371 = arith.select %gt3A_1368, %jit3A_1369, %jit3A_1370 : f32
    %get3A_1372 = arith.constant 25 : index
    %get3A_1373 = arith.constant 0 : index
    %get3A_1374 = vector.load %arg9[%get3A_1372, %get3A_1373] : memref<40x128xf32, #tpu.memory_space<vmem>>, vector<1x128xf32>
    %mul3A_1375 = vector.broadcast %select_n3A_1371 : f32 to vector<1x128xf32>
    %mul3A_1376 = arith.mulf %broadcast_in_dim3A_1366, %mul3A_1375 : vector<1x128xf32>
    %max3A_1377 = arith.maximumf %get3A_1374, %mul3A_1376 : vector<1x128xf32>
    %swap3A_1378 = arith.constant 25 : index
    %swap3A_1379 = arith.constant 0 : index
    %swap3A_1380 = vector.load %arg9[%swap3A_1378, %swap3A_1379] : memref<40x128xf32, #tpu.memory_space<vmem>>, vector<1x128xf32>
    tpu.vector_store %arg9[%swap3A_1378, %swap3A_1379], %max3A_1377 {strides = array<i32>} : memref<40x128xf32, #tpu.memory_space<vmem>>, vector<1x128xf32>,
    %get3A_1381 = arith.constant 26 : index
    %get3A_1382 = arith.constant 0 : index
    %get3A_1383 = vector.load %arg6[%get3A_1381, %get3A_1382] : memref<40x128xf32, #tpu.memory_space<vmem>>, vector<1x128xf32>
    %get3A_1384 = arith.constant 26 : index
    %get3A_1385 = arith.constant 0 : index
    %get3A_1386 = vector.load %arg7[%get3A_1384, %get3A_1385] : memref<40x128xf32, #tpu.memory_space<vmem>>, vector<1x128xf32>
    %mul3A_1387 = arith.mulf %get3A_1383, %get3A_1383 : vector<1x128xf32>
    %mul3A_1388 = arith.mulf %get3A_1386, %get3A_1386 : vector<1x128xf32>
    %add3A_1389 = arith.addf %mul3A_1387, %mul3A_1388 : vector<1x128xf32>
    %concatenate3A_1390 = tpu.concatenate %get3A_1383, %get3A_1386 in 0 : vector<1x128xf32>, vector<1x128xf32> -> vector<2x128xf32>
    %dot_general3A_1391 = arith.constant dense<0.000000e+00> : vector<128x128xf32>
    %dot_general3A_1392 = tpu.matmul %concatenate3A, %concatenate3A_1390, %dot_general3A_1391 {dimension_numbers = #tpu.dot_dimension_numbers<[1], [0], [0], [1], [0, 0, 1, 1], [], []>, transpose_lhs_hint = false} : vector<128x2xf32>, vector<2x128xf32>, vector<128x128xf32> -> vector<128x128xf32>
    %add3A_1393 = vector.broadcast %add3A_46 : vector<128x1xf32> to vector<128x128xf32>
    %add3A_1394 = vector.broadcast %add3A_1389 : vector<1x128xf32> to vector<128x128xf32>
    %add3A_1395 = arith.addf %add3A_1393, %add3A_1394 : vector<128x128xf32>
    %mul3A_1396 = arith.constant 2.000000e+00 : f32
    %mul3A_1397 = vector.broadcast %mul3A_1396 : f32 to vector<128x128xf32>
    %mul3A_1398 = arith.mulf %mul3A_1397, %dot_general3A_1392 : vector<128x128xf32>
    %sub3A_1399 = arith.subf %add3A_1395, %mul3A_1398 : vector<128x128xf32>
    %max3A_1400 = arith.constant 0.000000e+00 : f32
    %max3A_1401 = vector.broadcast %max3A_1400 : f32 to vector<128x128xf32>
    %max3A_1402 = arith.maximumf %sub3A_1399, %max3A_1401 : vector<128x128xf32>
    %mul3A_1403 = arith.constant 1.562500e-02 : f32
    %mul3A_1404 = vector.broadcast %mul3A_1403 : f32 to vector<128x128xf32>
    %mul3A_1405 = arith.mulf %max3A_1402, %mul3A_1404 : vector<128x128xf32>
    %lt3A_1406 = arith.constant 1.000000e+00 : f32
    %lt3A_1407 = vector.broadcast %lt3A_1406 : f32 to vector<128x128xf32>
    %lt3A_1408 = arith.cmpf olt, %mul3A_1405, %lt3A_1407 : vector<128x128xf32>
    %jit3A_1409 = arith.constant 0.000000e+00 : f32
    %broadcast_in_dim3A_1410 = vector.shape_cast %reshape3A : vector<128x1xf32> to vector<128x1xf32>
    %broadcast_in_dim3A_1411 = vector.broadcast %broadcast_in_dim3A_1410 : vector<128x1xf32> to vector<128x128xf32>
    %broadcast_in_dim3A_1412 = vector.broadcast %jit3A_1409 : f32 to vector<128x128xf32>
    %select_n3A_1413 = arith.select %lt3A_1408, %broadcast_in_dim3A_1411, %broadcast_in_dim3A_1412 : vector<128x128xi1>, vector<128x128xf32>
    %reduce_sum3A_1414 = arith.constant dense<0.000000e+00> : vector<128xf32>
    %reduce_sum3A_1415 = vector.multi_reduction <add>, %select_n3A_1413, %reduce_sum3A_1414 [0] : vector<128x128xf32> to vector<128xf32>
    %broadcast_in_dim3A_1416 = vector.shape_cast %reduce_sum3A_1415 : vector<128xf32> to vector<1x128xf32>
    %gt3A_1417 = arith.constant 26 : i32
    %gt3A_1418 = arith.cmpi sgt, %gt3A_1417, %arg0 : i32
    %jit3A_1419 = arith.constant 1.000000e+00 : f32
    %jit3A_1420 = arith.constant 0.000000e+00 : f32
    %select_n3A_1421 = arith.select %gt3A_1418, %jit3A_1419, %jit3A_1420 : f32
    %get3A_1422 = arith.constant 26 : index
    %get3A_1423 = arith.constant 0 : index
    %get3A_1424 = vector.load %arg9[%get3A_1422, %get3A_1423] : memref<40x128xf32, #tpu.memory_space<vmem>>, vector<1x128xf32>
    %mul3A_1425 = vector.broadcast %select_n3A_1421 : f32 to vector<1x128xf32>
    %mul3A_1426 = arith.mulf %broadcast_in_dim3A_1416, %mul3A_1425 : vector<1x128xf32>
    %max3A_1427 = arith.maximumf %get3A_1424, %mul3A_1426 : vector<1x128xf32>
    %swap3A_1428 = arith.constant 26 : index
    %swap3A_1429 = arith.constant 0 : index
    %swap3A_1430 = vector.load %arg9[%swap3A_1428, %swap3A_1429] : memref<40x128xf32, #tpu.memory_space<vmem>>, vector<1x128xf32>
    tpu.vector_store %arg9[%swap3A_1428, %swap3A_1429], %max3A_1427 {strides = array<i32>} : memref<40x128xf32, #tpu.memory_space<vmem>>, vector<1x128xf32>,
    %get3A_1431 = arith.constant 27 : index
    %get3A_1432 = arith.constant 0 : index
    %get3A_1433 = vector.load %arg6[%get3A_1431, %get3A_1432] : memref<40x128xf32, #tpu.memory_space<vmem>>, vector<1x128xf32>
    %get3A_1434 = arith.constant 27 : index
    %get3A_1435 = arith.constant 0 : index
    %get3A_1436 = vector.load %arg7[%get3A_1434, %get3A_1435] : memref<40x128xf32, #tpu.memory_space<vmem>>, vector<1x128xf32>
    %mul3A_1437 = arith.mulf %get3A_1433, %get3A_1433 : vector<1x128xf32>
    %mul3A_1438 = arith.mulf %get3A_1436, %get3A_1436 : vector<1x128xf32>
    %add3A_1439 = arith.addf %mul3A_1437, %mul3A_1438 : vector<1x128xf32>
    %concatenate3A_1440 = tpu.concatenate %get3A_1433, %get3A_1436 in 0 : vector<1x128xf32>, vector<1x128xf32> -> vector<2x128xf32>
    %dot_general3A_1441 = arith.constant dense<0.000000e+00> : vector<128x128xf32>
    %dot_general3A_1442 = tpu.matmul %concatenate3A, %concatenate3A_1440, %dot_general3A_1441 {dimension_numbers = #tpu.dot_dimension_numbers<[1], [0], [0], [1], [0, 0, 1, 1], [], []>, transpose_lhs_hint = false} : vector<128x2xf32>, vector<2x128xf32>, vector<128x128xf32> -> vector<128x128xf32>
    %add3A_1443 = vector.broadcast %add3A_46 : vector<128x1xf32> to vector<128x128xf32>
    %add3A_1444 = vector.broadcast %add3A_1439 : vector<1x128xf32> to vector<128x128xf32>
    %add3A_1445 = arith.addf %add3A_1443, %add3A_1444 : vector<128x128xf32>
    %mul3A_1446 = arith.constant 2.000000e+00 : f32
    %mul3A_1447 = vector.broadcast %mul3A_1446 : f32 to vector<128x128xf32>
    %mul3A_1448 = arith.mulf %mul3A_1447, %dot_general3A_1442 : vector<128x128xf32>
    %sub3A_1449 = arith.subf %add3A_1445, %mul3A_1448 : vector<128x128xf32>
    %max3A_1450 = arith.constant 0.000000e+00 : f32
    %max3A_1451 = vector.broadcast %max3A_1450 : f32 to vector<128x128xf32>
    %max3A_1452 = arith.maximumf %sub3A_1449, %max3A_1451 : vector<128x128xf32>
    %mul3A_1453 = arith.constant 1.562500e-02 : f32
    %mul3A_1454 = vector.broadcast %mul3A_1453 : f32 to vector<128x128xf32>
    %mul3A_1455 = arith.mulf %max3A_1452, %mul3A_1454 : vector<128x128xf32>
    %lt3A_1456 = arith.constant 1.000000e+00 : f32
    %lt3A_1457 = vector.broadcast %lt3A_1456 : f32 to vector<128x128xf32>
    %lt3A_1458 = arith.cmpf olt, %mul3A_1455, %lt3A_1457 : vector<128x128xf32>
    %jit3A_1459 = arith.constant 0.000000e+00 : f32
    %broadcast_in_dim3A_1460 = vector.shape_cast %reshape3A : vector<128x1xf32> to vector<128x1xf32>
    %broadcast_in_dim3A_1461 = vector.broadcast %broadcast_in_dim3A_1460 : vector<128x1xf32> to vector<128x128xf32>
    %broadcast_in_dim3A_1462 = vector.broadcast %jit3A_1459 : f32 to vector<128x128xf32>
    %select_n3A_1463 = arith.select %lt3A_1458, %broadcast_in_dim3A_1461, %broadcast_in_dim3A_1462 : vector<128x128xi1>, vector<128x128xf32>
    %reduce_sum3A_1464 = arith.constant dense<0.000000e+00> : vector<128xf32>
    %reduce_sum3A_1465 = vector.multi_reduction <add>, %select_n3A_1463, %reduce_sum3A_1464 [0] : vector<128x128xf32> to vector<128xf32>
    %broadcast_in_dim3A_1466 = vector.shape_cast %reduce_sum3A_1465 : vector<128xf32> to vector<1x128xf32>
    %gt3A_1467 = arith.constant 27 : i32
    %gt3A_1468 = arith.cmpi sgt, %gt3A_1467, %arg0 : i32
    %jit3A_1469 = arith.constant 1.000000e+00 : f32
    %jit3A_1470 = arith.constant 0.000000e+00 : f32
    %select_n3A_1471 = arith.select %gt3A_1468, %jit3A_1469, %jit3A_1470 : f32
    %get3A_1472 = arith.constant 27 : index
    %get3A_1473 = arith.constant 0 : index
    %get3A_1474 = vector.load %arg9[%get3A_1472, %get3A_1473] : memref<40x128xf32, #tpu.memory_space<vmem>>, vector<1x128xf32>
    %mul3A_1475 = vector.broadcast %select_n3A_1471 : f32 to vector<1x128xf32>
    %mul3A_1476 = arith.mulf %broadcast_in_dim3A_1466, %mul3A_1475 : vector<1x128xf32>
    %max3A_1477 = arith.maximumf %get3A_1474, %mul3A_1476 : vector<1x128xf32>
    %swap3A_1478 = arith.constant 27 : index
    %swap3A_1479 = arith.constant 0 : index
    %swap3A_1480 = vector.load %arg9[%swap3A_1478, %swap3A_1479] : memref<40x128xf32, #tpu.memory_space<vmem>>, vector<1x128xf32>
    tpu.vector_store %arg9[%swap3A_1478, %swap3A_1479], %max3A_1477 {strides = array<i32>} : memref<40x128xf32, #tpu.memory_space<vmem>>, vector<1x128xf32>,
    %get3A_1481 = arith.constant 28 : index
    %get3A_1482 = arith.constant 0 : index
    %get3A_1483 = vector.load %arg6[%get3A_1481, %get3A_1482] : memref<40x128xf32, #tpu.memory_space<vmem>>, vector<1x128xf32>
    %get3A_1484 = arith.constant 28 : index
    %get3A_1485 = arith.constant 0 : index
    %get3A_1486 = vector.load %arg7[%get3A_1484, %get3A_1485] : memref<40x128xf32, #tpu.memory_space<vmem>>, vector<1x128xf32>
    %mul3A_1487 = arith.mulf %get3A_1483, %get3A_1483 : vector<1x128xf32>
    %mul3A_1488 = arith.mulf %get3A_1486, %get3A_1486 : vector<1x128xf32>
    %add3A_1489 = arith.addf %mul3A_1487, %mul3A_1488 : vector<1x128xf32>
    %concatenate3A_1490 = tpu.concatenate %get3A_1483, %get3A_1486 in 0 : vector<1x128xf32>, vector<1x128xf32> -> vector<2x128xf32>
    %dot_general3A_1491 = arith.constant dense<0.000000e+00> : vector<128x128xf32>
    %dot_general3A_1492 = tpu.matmul %concatenate3A, %concatenate3A_1490, %dot_general3A_1491 {dimension_numbers = #tpu.dot_dimension_numbers<[1], [0], [0], [1], [0, 0, 1, 1], [], []>, transpose_lhs_hint = false} : vector<128x2xf32>, vector<2x128xf32>, vector<128x128xf32> -> vector<128x128xf32>
    %add3A_1493 = vector.broadcast %add3A_46 : vector<128x1xf32> to vector<128x128xf32>
    %add3A_1494 = vector.broadcast %add3A_1489 : vector<1x128xf32> to vector<128x128xf32>
    %add3A_1495 = arith.addf %add3A_1493, %add3A_1494 : vector<128x128xf32>
    %mul3A_1496 = arith.constant 2.000000e+00 : f32
    %mul3A_1497 = vector.broadcast %mul3A_1496 : f32 to vector<128x128xf32>
    %mul3A_1498 = arith.mulf %mul3A_1497, %dot_general3A_1492 : vector<128x128xf32>
    %sub3A_1499 = arith.subf %add3A_1495, %mul3A_1498 : vector<128x128xf32>
    %max3A_1500 = arith.constant 0.000000e+00 : f32
    %max3A_1501 = vector.broadcast %max3A_1500 : f32 to vector<128x128xf32>
    %max3A_1502 = arith.maximumf %sub3A_1499, %max3A_1501 : vector<128x128xf32>
    %mul3A_1503 = arith.constant 1.562500e-02 : f32
    %mul3A_1504 = vector.broadcast %mul3A_1503 : f32 to vector<128x128xf32>
    %mul3A_1505 = arith.mulf %max3A_1502, %mul3A_1504 : vector<128x128xf32>
    %lt3A_1506 = arith.constant 1.000000e+00 : f32
    %lt3A_1507 = vector.broadcast %lt3A_1506 : f32 to vector<128x128xf32>
    %lt3A_1508 = arith.cmpf olt, %mul3A_1505, %lt3A_1507 : vector<128x128xf32>
    %jit3A_1509 = arith.constant 0.000000e+00 : f32
    %broadcast_in_dim3A_1510 = vector.shape_cast %reshape3A : vector<128x1xf32> to vector<128x1xf32>
    %broadcast_in_dim3A_1511 = vector.broadcast %broadcast_in_dim3A_1510 : vector<128x1xf32> to vector<128x128xf32>
    %broadcast_in_dim3A_1512 = vector.broadcast %jit3A_1509 : f32 to vector<128x128xf32>
    %select_n3A_1513 = arith.select %lt3A_1508, %broadcast_in_dim3A_1511, %broadcast_in_dim3A_1512 : vector<128x128xi1>, vector<128x128xf32>
    %reduce_sum3A_1514 = arith.constant dense<0.000000e+00> : vector<128xf32>
    %reduce_sum3A_1515 = vector.multi_reduction <add>, %select_n3A_1513, %reduce_sum3A_1514 [0] : vector<128x128xf32> to vector<128xf32>
    %broadcast_in_dim3A_1516 = vector.shape_cast %reduce_sum3A_1515 : vector<128xf32> to vector<1x128xf32>
    %gt3A_1517 = arith.constant 28 : i32
    %gt3A_1518 = arith.cmpi sgt, %gt3A_1517, %arg0 : i32
    %jit3A_1519 = arith.constant 1.000000e+00 : f32
    %jit3A_1520 = arith.constant 0.000000e+00 : f32
    %select_n3A_1521 = arith.select %gt3A_1518, %jit3A_1519, %jit3A_1520 : f32
    %get3A_1522 = arith.constant 28 : index
    %get3A_1523 = arith.constant 0 : index
    %get3A_1524 = vector.load %arg9[%get3A_1522, %get3A_1523] : memref<40x128xf32, #tpu.memory_space<vmem>>, vector<1x128xf32>
    %mul3A_1525 = vector.broadcast %select_n3A_1521 : f32 to vector<1x128xf32>
    %mul3A_1526 = arith.mulf %broadcast_in_dim3A_1516, %mul3A_1525 : vector<1x128xf32>
    %max3A_1527 = arith.maximumf %get3A_1524, %mul3A_1526 : vector<1x128xf32>
    %swap3A_1528 = arith.constant 28 : index
    %swap3A_1529 = arith.constant 0 : index
    %swap3A_1530 = vector.load %arg9[%swap3A_1528, %swap3A_1529] : memref<40x128xf32, #tpu.memory_space<vmem>>, vector<1x128xf32>
    tpu.vector_store %arg9[%swap3A_1528, %swap3A_1529], %max3A_1527 {strides = array<i32>} : memref<40x128xf32, #tpu.memory_space<vmem>>, vector<1x128xf32>,
    %get3A_1531 = arith.constant 29 : index
    %get3A_1532 = arith.constant 0 : index
    %get3A_1533 = vector.load %arg6[%get3A_1531, %get3A_1532] : memref<40x128xf32, #tpu.memory_space<vmem>>, vector<1x128xf32>
    %get3A_1534 = arith.constant 29 : index
    %get3A_1535 = arith.constant 0 : index
    %get3A_1536 = vector.load %arg7[%get3A_1534, %get3A_1535] : memref<40x128xf32, #tpu.memory_space<vmem>>, vector<1x128xf32>
    %mul3A_1537 = arith.mulf %get3A_1533, %get3A_1533 : vector<1x128xf32>
    %mul3A_1538 = arith.mulf %get3A_1536, %get3A_1536 : vector<1x128xf32>
    %add3A_1539 = arith.addf %mul3A_1537, %mul3A_1538 : vector<1x128xf32>
    %concatenate3A_1540 = tpu.concatenate %get3A_1533, %get3A_1536 in 0 : vector<1x128xf32>, vector<1x128xf32> -> vector<2x128xf32>
    %dot_general3A_1541 = arith.constant dense<0.000000e+00> : vector<128x128xf32>
    %dot_general3A_1542 = tpu.matmul %concatenate3A, %concatenate3A_1540, %dot_general3A_1541 {dimension_numbers = #tpu.dot_dimension_numbers<[1], [0], [0], [1], [0, 0, 1, 1], [], []>, transpose_lhs_hint = false} : vector<128x2xf32>, vector<2x128xf32>, vector<128x128xf32> -> vector<128x128xf32>
    %add3A_1543 = vector.broadcast %add3A_46 : vector<128x1xf32> to vector<128x128xf32>
    %add3A_1544 = vector.broadcast %add3A_1539 : vector<1x128xf32> to vector<128x128xf32>
    %add3A_1545 = arith.addf %add3A_1543, %add3A_1544 : vector<128x128xf32>
    %mul3A_1546 = arith.constant 2.000000e+00 : f32
    %mul3A_1547 = vector.broadcast %mul3A_1546 : f32 to vector<128x128xf32>
    %mul3A_1548 = arith.mulf %mul3A_1547, %dot_general3A_1542 : vector<128x128xf32>
    %sub3A_1549 = arith.subf %add3A_1545, %mul3A_1548 : vector<128x128xf32>
    %max3A_1550 = arith.constant 0.000000e+00 : f32
    %max3A_1551 = vector.broadcast %max3A_1550 : f32 to vector<128x128xf32>
    %max3A_1552 = arith.maximumf %sub3A_1549, %max3A_1551 : vector<128x128xf32>
    %mul3A_1553 = arith.constant 1.562500e-02 : f32
    %mul3A_1554 = vector.broadcast %mul3A_1553 : f32 to vector<128x128xf32>
    %mul3A_1555 = arith.mulf %max3A_1552, %mul3A_1554 : vector<128x128xf32>
    %lt3A_1556 = arith.constant 1.000000e+00 : f32
    %lt3A_1557 = vector.broadcast %lt3A_1556 : f32 to vector<128x128xf32>
    %lt3A_1558 = arith.cmpf olt, %mul3A_1555, %lt3A_1557 : vector<128x128xf32>
    %jit3A_1559 = arith.constant 0.000000e+00 : f32
    %broadcast_in_dim3A_1560 = vector.shape_cast %reshape3A : vector<128x1xf32> to vector<128x1xf32>
    %broadcast_in_dim3A_1561 = vector.broadcast %broadcast_in_dim3A_1560 : vector<128x1xf32> to vector<128x128xf32>
    %broadcast_in_dim3A_1562 = vector.broadcast %jit3A_1559 : f32 to vector<128x128xf32>
    %select_n3A_1563 = arith.select %lt3A_1558, %broadcast_in_dim3A_1561, %broadcast_in_dim3A_1562 : vector<128x128xi1>, vector<128x128xf32>
    %reduce_sum3A_1564 = arith.constant dense<0.000000e+00> : vector<128xf32>
    %reduce_sum3A_1565 = vector.multi_reduction <add>, %select_n3A_1563, %reduce_sum3A_1564 [0] : vector<128x128xf32> to vector<128xf32>
    %broadcast_in_dim3A_1566 = vector.shape_cast %reduce_sum3A_1565 : vector<128xf32> to vector<1x128xf32>
    %gt3A_1567 = arith.constant 29 : i32
    %gt3A_1568 = arith.cmpi sgt, %gt3A_1567, %arg0 : i32
    %jit3A_1569 = arith.constant 1.000000e+00 : f32
    %jit3A_1570 = arith.constant 0.000000e+00 : f32
    %select_n3A_1571 = arith.select %gt3A_1568, %jit3A_1569, %jit3A_1570 : f32
    %get3A_1572 = arith.constant 29 : index
    %get3A_1573 = arith.constant 0 : index
    %get3A_1574 = vector.load %arg9[%get3A_1572, %get3A_1573] : memref<40x128xf32, #tpu.memory_space<vmem>>, vector<1x128xf32>
    %mul3A_1575 = vector.broadcast %select_n3A_1571 : f32 to vector<1x128xf32>
    %mul3A_1576 = arith.mulf %broadcast_in_dim3A_1566, %mul3A_1575 : vector<1x128xf32>
    %max3A_1577 = arith.maximumf %get3A_1574, %mul3A_1576 : vector<1x128xf32>
    %swap3A_1578 = arith.constant 29 : index
    %swap3A_1579 = arith.constant 0 : index
    %swap3A_1580 = vector.load %arg9[%swap3A_1578, %swap3A_1579] : memref<40x128xf32, #tpu.memory_space<vmem>>, vector<1x128xf32>
    tpu.vector_store %arg9[%swap3A_1578, %swap3A_1579], %max3A_1577 {strides = array<i32>} : memref<40x128xf32, #tpu.memory_space<vmem>>, vector<1x128xf32>,
    %get3A_1581 = arith.constant 30 : index
    %get3A_1582 = arith.constant 0 : index
    %get3A_1583 = vector.load %arg6[%get3A_1581, %get3A_1582] : memref<40x128xf32, #tpu.memory_space<vmem>>, vector<1x128xf32>
    %get3A_1584 = arith.constant 30 : index
    %get3A_1585 = arith.constant 0 : index
    %get3A_1586 = vector.load %arg7[%get3A_1584, %get3A_1585] : memref<40x128xf32, #tpu.memory_space<vmem>>, vector<1x128xf32>
    %mul3A_1587 = arith.mulf %get3A_1583, %get3A_1583 : vector<1x128xf32>
    %mul3A_1588 = arith.mulf %get3A_1586, %get3A_1586 : vector<1x128xf32>
    %add3A_1589 = arith.addf %mul3A_1587, %mul3A_1588 : vector<1x128xf32>
    %concatenate3A_1590 = tpu.concatenate %get3A_1583, %get3A_1586 in 0 : vector<1x128xf32>, vector<1x128xf32> -> vector<2x128xf32>
    %dot_general3A_1591 = arith.constant dense<0.000000e+00> : vector<128x128xf32>
    %dot_general3A_1592 = tpu.matmul %concatenate3A, %concatenate3A_1590, %dot_general3A_1591 {dimension_numbers = #tpu.dot_dimension_numbers<[1], [0], [0], [1], [0, 0, 1, 1], [], []>, transpose_lhs_hint = false} : vector<128x2xf32>, vector<2x128xf32>, vector<128x128xf32> -> vector<128x128xf32>
    %add3A_1593 = vector.broadcast %add3A_46 : vector<128x1xf32> to vector<128x128xf32>
    %add3A_1594 = vector.broadcast %add3A_1589 : vector<1x128xf32> to vector<128x128xf32>
    %add3A_1595 = arith.addf %add3A_1593, %add3A_1594 : vector<128x128xf32>
    %mul3A_1596 = arith.constant 2.000000e+00 : f32
    %mul3A_1597 = vector.broadcast %mul3A_1596 : f32 to vector<128x128xf32>
    %mul3A_1598 = arith.mulf %mul3A_1597, %dot_general3A_1592 : vector<128x128xf32>
    %sub3A_1599 = arith.subf %add3A_1595, %mul3A_1598 : vector<128x128xf32>
    %max3A_1600 = arith.constant 0.000000e+00 : f32
    %max3A_1601 = vector.broadcast %max3A_1600 : f32 to vector<128x128xf32>
    %max3A_1602 = arith.maximumf %sub3A_1599, %max3A_1601 : vector<128x128xf32>
    %mul3A_1603 = arith.constant 1.562500e-02 : f32
    %mul3A_1604 = vector.broadcast %mul3A_1603 : f32 to vector<128x128xf32>
    %mul3A_1605 = arith.mulf %max3A_1602, %mul3A_1604 : vector<128x128xf32>
    %lt3A_1606 = arith.constant 1.000000e+00 : f32
    %lt3A_1607 = vector.broadcast %lt3A_1606 : f32 to vector<128x128xf32>
    %lt3A_1608 = arith.cmpf olt, %mul3A_1605, %lt3A_1607 : vector<128x128xf32>
    %jit3A_1609 = arith.constant 0.000000e+00 : f32
    %broadcast_in_dim3A_1610 = vector.shape_cast %reshape3A : vector<128x1xf32> to vector<128x1xf32>
    %broadcast_in_dim3A_1611 = vector.broadcast %broadcast_in_dim3A_1610 : vector<128x1xf32> to vector<128x128xf32>
    %broadcast_in_dim3A_1612 = vector.broadcast %jit3A_1609 : f32 to vector<128x128xf32>
    %select_n3A_1613 = arith.select %lt3A_1608, %broadcast_in_dim3A_1611, %broadcast_in_dim3A_1612 : vector<128x128xi1>, vector<128x128xf32>
    %reduce_sum3A_1614 = arith.constant dense<0.000000e+00> : vector<128xf32>
    %reduce_sum3A_1615 = vector.multi_reduction <add>, %select_n3A_1613, %reduce_sum3A_1614 [0] : vector<128x128xf32> to vector<128xf32>
    %broadcast_in_dim3A_1616 = vector.shape_cast %reduce_sum3A_1615 : vector<128xf32> to vector<1x128xf32>
    %gt3A_1617 = arith.constant 30 : i32
    %gt3A_1618 = arith.cmpi sgt, %gt3A_1617, %arg0 : i32
    %jit3A_1619 = arith.constant 1.000000e+00 : f32
    %jit3A_1620 = arith.constant 0.000000e+00 : f32
    %select_n3A_1621 = arith.select %gt3A_1618, %jit3A_1619, %jit3A_1620 : f32
    %get3A_1622 = arith.constant 30 : index
    %get3A_1623 = arith.constant 0 : index
    %get3A_1624 = vector.load %arg9[%get3A_1622, %get3A_1623] : memref<40x128xf32, #tpu.memory_space<vmem>>, vector<1x128xf32>
    %mul3A_1625 = vector.broadcast %select_n3A_1621 : f32 to vector<1x128xf32>
    %mul3A_1626 = arith.mulf %broadcast_in_dim3A_1616, %mul3A_1625 : vector<1x128xf32>
    %max3A_1627 = arith.maximumf %get3A_1624, %mul3A_1626 : vector<1x128xf32>
    %swap3A_1628 = arith.constant 30 : index
    %swap3A_1629 = arith.constant 0 : index
    %swap3A_1630 = vector.load %arg9[%swap3A_1628, %swap3A_1629] : memref<40x128xf32, #tpu.memory_space<vmem>>, vector<1x128xf32>
    tpu.vector_store %arg9[%swap3A_1628, %swap3A_1629], %max3A_1627 {strides = array<i32>} : memref<40x128xf32, #tpu.memory_space<vmem>>, vector<1x128xf32>,
    %get3A_1631 = arith.constant 31 : index
    %get3A_1632 = arith.constant 0 : index
    %get3A_1633 = vector.load %arg6[%get3A_1631, %get3A_1632] : memref<40x128xf32, #tpu.memory_space<vmem>>, vector<1x128xf32>
    %get3A_1634 = arith.constant 31 : index
    %get3A_1635 = arith.constant 0 : index
    %get3A_1636 = vector.load %arg7[%get3A_1634, %get3A_1635] : memref<40x128xf32, #tpu.memory_space<vmem>>, vector<1x128xf32>
    %mul3A_1637 = arith.mulf %get3A_1633, %get3A_1633 : vector<1x128xf32>
    %mul3A_1638 = arith.mulf %get3A_1636, %get3A_1636 : vector<1x128xf32>
    %add3A_1639 = arith.addf %mul3A_1637, %mul3A_1638 : vector<1x128xf32>
    %concatenate3A_1640 = tpu.concatenate %get3A_1633, %get3A_1636 in 0 : vector<1x128xf32>, vector<1x128xf32> -> vector<2x128xf32>
    %dot_general3A_1641 = arith.constant dense<0.000000e+00> : vector<128x128xf32>
    %dot_general3A_1642 = tpu.matmul %concatenate3A, %concatenate3A_1640, %dot_general3A_1641 {dimension_numbers = #tpu.dot_dimension_numbers<[1], [0], [0], [1], [0, 0, 1, 1], [], []>, transpose_lhs_hint = false} : vector<128x2xf32>, vector<2x128xf32>, vector<128x128xf32> -> vector<128x128xf32>
    %add3A_1643 = vector.broadcast %add3A_46 : vector<128x1xf32> to vector<128x128xf32>
    %add3A_1644 = vector.broadcast %add3A_1639 : vector<1x128xf32> to vector<128x128xf32>
    %add3A_1645 = arith.addf %add3A_1643, %add3A_1644 : vector<128x128xf32>
    %mul3A_1646 = arith.constant 2.000000e+00 : f32
    %mul3A_1647 = vector.broadcast %mul3A_1646 : f32 to vector<128x128xf32>
    %mul3A_1648 = arith.mulf %mul3A_1647, %dot_general3A_1642 : vector<128x128xf32>
    %sub3A_1649 = arith.subf %add3A_1645, %mul3A_1648 : vector<128x128xf32>
    %max3A_1650 = arith.constant 0.000000e+00 : f32
    %max3A_1651 = vector.broadcast %max3A_1650 : f32 to vector<128x128xf32>
    %max3A_1652 = arith.maximumf %sub3A_1649, %max3A_1651 : vector<128x128xf32>
    %mul3A_1653 = arith.constant 1.562500e-02 : f32
    %mul3A_1654 = vector.broadcast %mul3A_1653 : f32 to vector<128x128xf32>
    %mul3A_1655 = arith.mulf %max3A_1652, %mul3A_1654 : vector<128x128xf32>
    %lt3A_1656 = arith.constant 1.000000e+00 : f32
    %lt3A_1657 = vector.broadcast %lt3A_1656 : f32 to vector<128x128xf32>
    %lt3A_1658 = arith.cmpf olt, %mul3A_1655, %lt3A_1657 : vector<128x128xf32>
    %jit3A_1659 = arith.constant 0.000000e+00 : f32
    %broadcast_in_dim3A_1660 = vector.shape_cast %reshape3A : vector<128x1xf32> to vector<128x1xf32>
    %broadcast_in_dim3A_1661 = vector.broadcast %broadcast_in_dim3A_1660 : vector<128x1xf32> to vector<128x128xf32>
    %broadcast_in_dim3A_1662 = vector.broadcast %jit3A_1659 : f32 to vector<128x128xf32>
    %select_n3A_1663 = arith.select %lt3A_1658, %broadcast_in_dim3A_1661, %broadcast_in_dim3A_1662 : vector<128x128xi1>, vector<128x128xf32>
    %reduce_sum3A_1664 = arith.constant dense<0.000000e+00> : vector<128xf32>
    %reduce_sum3A_1665 = vector.multi_reduction <add>, %select_n3A_1663, %reduce_sum3A_1664 [0] : vector<128x128xf32> to vector<128xf32>
    %broadcast_in_dim3A_1666 = vector.shape_cast %reduce_sum3A_1665 : vector<128xf32> to vector<1x128xf32>
    %gt3A_1667 = arith.constant 31 : i32
    %gt3A_1668 = arith.cmpi sgt, %gt3A_1667, %arg0 : i32
    %jit3A_1669 = arith.constant 1.000000e+00 : f32
    %jit3A_1670 = arith.constant 0.000000e+00 : f32
    %select_n3A_1671 = arith.select %gt3A_1668, %jit3A_1669, %jit3A_1670 : f32
    %get3A_1672 = arith.constant 31 : index
    %get3A_1673 = arith.constant 0 : index
    %get3A_1674 = vector.load %arg9[%get3A_1672, %get3A_1673] : memref<40x128xf32, #tpu.memory_space<vmem>>, vector<1x128xf32>
    %mul3A_1675 = vector.broadcast %select_n3A_1671 : f32 to vector<1x128xf32>
    %mul3A_1676 = arith.mulf %broadcast_in_dim3A_1666, %mul3A_1675 : vector<1x128xf32>
    %max3A_1677 = arith.maximumf %get3A_1674, %mul3A_1676 : vector<1x128xf32>
    %swap3A_1678 = arith.constant 31 : index
    %swap3A_1679 = arith.constant 0 : index
    %swap3A_1680 = vector.load %arg9[%swap3A_1678, %swap3A_1679] : memref<40x128xf32, #tpu.memory_space<vmem>>, vector<1x128xf32>
    tpu.vector_store %arg9[%swap3A_1678, %swap3A_1679], %max3A_1677 {strides = array<i32>} : memref<40x128xf32, #tpu.memory_space<vmem>>, vector<1x128xf32>,
    %get3A_1681 = arith.constant 32 : index
    %get3A_1682 = arith.constant 0 : index
    %get3A_1683 = vector.load %arg6[%get3A_1681, %get3A_1682] : memref<40x128xf32, #tpu.memory_space<vmem>>, vector<1x128xf32>
    %get3A_1684 = arith.constant 32 : index
    %get3A_1685 = arith.constant 0 : index
    %get3A_1686 = vector.load %arg7[%get3A_1684, %get3A_1685] : memref<40x128xf32, #tpu.memory_space<vmem>>, vector<1x128xf32>
    %mul3A_1687 = arith.mulf %get3A_1683, %get3A_1683 : vector<1x128xf32>
    %mul3A_1688 = arith.mulf %get3A_1686, %get3A_1686 : vector<1x128xf32>
    %add3A_1689 = arith.addf %mul3A_1687, %mul3A_1688 : vector<1x128xf32>
    %concatenate3A_1690 = tpu.concatenate %get3A_1683, %get3A_1686 in 0 : vector<1x128xf32>, vector<1x128xf32> -> vector<2x128xf32>
    %dot_general3A_1691 = arith.constant dense<0.000000e+00> : vector<128x128xf32>
    %dot_general3A_1692 = tpu.matmul %concatenate3A, %concatenate3A_1690, %dot_general3A_1691 {dimension_numbers = #tpu.dot_dimension_numbers<[1], [0], [0], [1], [0, 0, 1, 1], [], []>, transpose_lhs_hint = false} : vector<128x2xf32>, vector<2x128xf32>, vector<128x128xf32> -> vector<128x128xf32>
    %add3A_1693 = vector.broadcast %add3A_46 : vector<128x1xf32> to vector<128x128xf32>
    %add3A_1694 = vector.broadcast %add3A_1689 : vector<1x128xf32> to vector<128x128xf32>
    %add3A_1695 = arith.addf %add3A_1693, %add3A_1694 : vector<128x128xf32>
    %mul3A_1696 = arith.constant 2.000000e+00 : f32
    %mul3A_1697 = vector.broadcast %mul3A_1696 : f32 to vector<128x128xf32>
    %mul3A_1698 = arith.mulf %mul3A_1697, %dot_general3A_1692 : vector<128x128xf32>
    %sub3A_1699 = arith.subf %add3A_1695, %mul3A_1698 : vector<128x128xf32>
    %max3A_1700 = arith.constant 0.000000e+00 : f32
    %max3A_1701 = vector.broadcast %max3A_1700 : f32 to vector<128x128xf32>
    %max3A_1702 = arith.maximumf %sub3A_1699, %max3A_1701 : vector<128x128xf32>
    %mul3A_1703 = arith.constant 1.562500e-02 : f32
    %mul3A_1704 = vector.broadcast %mul3A_1703 : f32 to vector<128x128xf32>
    %mul3A_1705 = arith.mulf %max3A_1702, %mul3A_1704 : vector<128x128xf32>
    %lt3A_1706 = arith.constant 1.000000e+00 : f32
    %lt3A_1707 = vector.broadcast %lt3A_1706 : f32 to vector<128x128xf32>
    %lt3A_1708 = arith.cmpf olt, %mul3A_1705, %lt3A_1707 : vector<128x128xf32>
    %jit3A_1709 = arith.constant 0.000000e+00 : f32
    %broadcast_in_dim3A_1710 = vector.shape_cast %reshape3A : vector<128x1xf32> to vector<128x1xf32>
    %broadcast_in_dim3A_1711 = vector.broadcast %broadcast_in_dim3A_1710 : vector<128x1xf32> to vector<128x128xf32>
    %broadcast_in_dim3A_1712 = vector.broadcast %jit3A_1709 : f32 to vector<128x128xf32>
    %select_n3A_1713 = arith.select %lt3A_1708, %broadcast_in_dim3A_1711, %broadcast_in_dim3A_1712 : vector<128x128xi1>, vector<128x128xf32>
    %reduce_sum3A_1714 = arith.constant dense<0.000000e+00> : vector<128xf32>
    %reduce_sum3A_1715 = vector.multi_reduction <add>, %select_n3A_1713, %reduce_sum3A_1714 [0] : vector<128x128xf32> to vector<128xf32>
    %broadcast_in_dim3A_1716 = vector.shape_cast %reduce_sum3A_1715 : vector<128xf32> to vector<1x128xf32>
    %gt3A_1717 = arith.constant 32 : i32
    %gt3A_1718 = arith.cmpi sgt, %gt3A_1717, %arg0 : i32
    %jit3A_1719 = arith.constant 1.000000e+00 : f32
    %jit3A_1720 = arith.constant 0.000000e+00 : f32
    %select_n3A_1721 = arith.select %gt3A_1718, %jit3A_1719, %jit3A_1720 : f32
    %get3A_1722 = arith.constant 32 : index
    %get3A_1723 = arith.constant 0 : index
    %get3A_1724 = vector.load %arg9[%get3A_1722, %get3A_1723] : memref<40x128xf32, #tpu.memory_space<vmem>>, vector<1x128xf32>
    %mul3A_1725 = vector.broadcast %select_n3A_1721 : f32 to vector<1x128xf32>
    %mul3A_1726 = arith.mulf %broadcast_in_dim3A_1716, %mul3A_1725 : vector<1x128xf32>
    %max3A_1727 = arith.maximumf %get3A_1724, %mul3A_1726 : vector<1x128xf32>
    %swap3A_1728 = arith.constant 32 : index
    %swap3A_1729 = arith.constant 0 : index
    %swap3A_1730 = vector.load %arg9[%swap3A_1728, %swap3A_1729] : memref<40x128xf32, #tpu.memory_space<vmem>>, vector<1x128xf32>
    tpu.vector_store %arg9[%swap3A_1728, %swap3A_1729], %max3A_1727 {strides = array<i32>} : memref<40x128xf32, #tpu.memory_space<vmem>>, vector<1x128xf32>,
    %get3A_1731 = arith.constant 33 : index
    %get3A_1732 = arith.constant 0 : index
    %get3A_1733 = vector.load %arg6[%get3A_1731, %get3A_1732] : memref<40x128xf32, #tpu.memory_space<vmem>>, vector<1x128xf32>
    %get3A_1734 = arith.constant 33 : index
    %get3A_1735 = arith.constant 0 : index
    %get3A_1736 = vector.load %arg7[%get3A_1734, %get3A_1735] : memref<40x128xf32, #tpu.memory_space<vmem>>, vector<1x128xf32>
    %mul3A_1737 = arith.mulf %get3A_1733, %get3A_1733 : vector<1x128xf32>
    %mul3A_1738 = arith.mulf %get3A_1736, %get3A_1736 : vector<1x128xf32>
    %add3A_1739 = arith.addf %mul3A_1737, %mul3A_1738 : vector<1x128xf32>
    %concatenate3A_1740 = tpu.concatenate %get3A_1733, %get3A_1736 in 0 : vector<1x128xf32>, vector<1x128xf32> -> vector<2x128xf32>
    %dot_general3A_1741 = arith.constant dense<0.000000e+00> : vector<128x128xf32>
    %dot_general3A_1742 = tpu.matmul %concatenate3A, %concatenate3A_1740, %dot_general3A_1741 {dimension_numbers = #tpu.dot_dimension_numbers<[1], [0], [0], [1], [0, 0, 1, 1], [], []>, transpose_lhs_hint = false} : vector<128x2xf32>, vector<2x128xf32>, vector<128x128xf32> -> vector<128x128xf32>
    %add3A_1743 = vector.broadcast %add3A_46 : vector<128x1xf32> to vector<128x128xf32>
    %add3A_1744 = vector.broadcast %add3A_1739 : vector<1x128xf32> to vector<128x128xf32>
    %add3A_1745 = arith.addf %add3A_1743, %add3A_1744 : vector<128x128xf32>
    %mul3A_1746 = arith.constant 2.000000e+00 : f32
    %mul3A_1747 = vector.broadcast %mul3A_1746 : f32 to vector<128x128xf32>
    %mul3A_1748 = arith.mulf %mul3A_1747, %dot_general3A_1742 : vector<128x128xf32>
    %sub3A_1749 = arith.subf %add3A_1745, %mul3A_1748 : vector<128x128xf32>
    %max3A_1750 = arith.constant 0.000000e+00 : f32
    %max3A_1751 = vector.broadcast %max3A_1750 : f32 to vector<128x128xf32>
    %max3A_1752 = arith.maximumf %sub3A_1749, %max3A_1751 : vector<128x128xf32>
    %mul3A_1753 = arith.constant 1.562500e-02 : f32
    %mul3A_1754 = vector.broadcast %mul3A_1753 : f32 to vector<128x128xf32>
    %mul3A_1755 = arith.mulf %max3A_1752, %mul3A_1754 : vector<128x128xf32>
    %lt3A_1756 = arith.constant 1.000000e+00 : f32
    %lt3A_1757 = vector.broadcast %lt3A_1756 : f32 to vector<128x128xf32>
    %lt3A_1758 = arith.cmpf olt, %mul3A_1755, %lt3A_1757 : vector<128x128xf32>
    %jit3A_1759 = arith.constant 0.000000e+00 : f32
    %broadcast_in_dim3A_1760 = vector.shape_cast %reshape3A : vector<128x1xf32> to vector<128x1xf32>
    %broadcast_in_dim3A_1761 = vector.broadcast %broadcast_in_dim3A_1760 : vector<128x1xf32> to vector<128x128xf32>
    %broadcast_in_dim3A_1762 = vector.broadcast %jit3A_1759 : f32 to vector<128x128xf32>
    %select_n3A_1763 = arith.select %lt3A_1758, %broadcast_in_dim3A_1761, %broadcast_in_dim3A_1762 : vector<128x128xi1>, vector<128x128xf32>
    %reduce_sum3A_1764 = arith.constant dense<0.000000e+00> : vector<128xf32>
    %reduce_sum3A_1765 = vector.multi_reduction <add>, %select_n3A_1763, %reduce_sum3A_1764 [0] : vector<128x128xf32> to vector<128xf32>
    %broadcast_in_dim3A_1766 = vector.shape_cast %reduce_sum3A_1765 : vector<128xf32> to vector<1x128xf32>
    %gt3A_1767 = arith.constant 33 : i32
    %gt3A_1768 = arith.cmpi sgt, %gt3A_1767, %arg0 : i32
    %jit3A_1769 = arith.constant 1.000000e+00 : f32
    %jit3A_1770 = arith.constant 0.000000e+00 : f32
    %select_n3A_1771 = arith.select %gt3A_1768, %jit3A_1769, %jit3A_1770 : f32
    %get3A_1772 = arith.constant 33 : index
    %get3A_1773 = arith.constant 0 : index
    %get3A_1774 = vector.load %arg9[%get3A_1772, %get3A_1773] : memref<40x128xf32, #tpu.memory_space<vmem>>, vector<1x128xf32>
    %mul3A_1775 = vector.broadcast %select_n3A_1771 : f32 to vector<1x128xf32>
    %mul3A_1776 = arith.mulf %broadcast_in_dim3A_1766, %mul3A_1775 : vector<1x128xf32>
    %max3A_1777 = arith.maximumf %get3A_1774, %mul3A_1776 : vector<1x128xf32>
    %swap3A_1778 = arith.constant 33 : index
    %swap3A_1779 = arith.constant 0 : index
    %swap3A_1780 = vector.load %arg9[%swap3A_1778, %swap3A_1779] : memref<40x128xf32, #tpu.memory_space<vmem>>, vector<1x128xf32>
    tpu.vector_store %arg9[%swap3A_1778, %swap3A_1779], %max3A_1777 {strides = array<i32>} : memref<40x128xf32, #tpu.memory_space<vmem>>, vector<1x128xf32>,
    %get3A_1781 = arith.constant 34 : index
    %get3A_1782 = arith.constant 0 : index
    %get3A_1783 = vector.load %arg6[%get3A_1781, %get3A_1782] : memref<40x128xf32, #tpu.memory_space<vmem>>, vector<1x128xf32>
    %get3A_1784 = arith.constant 34 : index
    %get3A_1785 = arith.constant 0 : index
    %get3A_1786 = vector.load %arg7[%get3A_1784, %get3A_1785] : memref<40x128xf32, #tpu.memory_space<vmem>>, vector<1x128xf32>
    %mul3A_1787 = arith.mulf %get3A_1783, %get3A_1783 : vector<1x128xf32>
    %mul3A_1788 = arith.mulf %get3A_1786, %get3A_1786 : vector<1x128xf32>
    %add3A_1789 = arith.addf %mul3A_1787, %mul3A_1788 : vector<1x128xf32>
    %concatenate3A_1790 = tpu.concatenate %get3A_1783, %get3A_1786 in 0 : vector<1x128xf32>, vector<1x128xf32> -> vector<2x128xf32>
    %dot_general3A_1791 = arith.constant dense<0.000000e+00> : vector<128x128xf32>
    %dot_general3A_1792 = tpu.matmul %concatenate3A, %concatenate3A_1790, %dot_general3A_1791 {dimension_numbers = #tpu.dot_dimension_numbers<[1], [0], [0], [1], [0, 0, 1, 1], [], []>, transpose_lhs_hint = false} : vector<128x2xf32>, vector<2x128xf32>, vector<128x128xf32> -> vector<128x128xf32>
    %add3A_1793 = vector.broadcast %add3A_46 : vector<128x1xf32> to vector<128x128xf32>
    %add3A_1794 = vector.broadcast %add3A_1789 : vector<1x128xf32> to vector<128x128xf32>
    %add3A_1795 = arith.addf %add3A_1793, %add3A_1794 : vector<128x128xf32>
    %mul3A_1796 = arith.constant 2.000000e+00 : f32
    %mul3A_1797 = vector.broadcast %mul3A_1796 : f32 to vector<128x128xf32>
    %mul3A_1798 = arith.mulf %mul3A_1797, %dot_general3A_1792 : vector<128x128xf32>
    %sub3A_1799 = arith.subf %add3A_1795, %mul3A_1798 : vector<128x128xf32>
    %max3A_1800 = arith.constant 0.000000e+00 : f32
    %max3A_1801 = vector.broadcast %max3A_1800 : f32 to vector<128x128xf32>
    %max3A_1802 = arith.maximumf %sub3A_1799, %max3A_1801 : vector<128x128xf32>
    %mul3A_1803 = arith.constant 1.562500e-02 : f32
    %mul3A_1804 = vector.broadcast %mul3A_1803 : f32 to vector<128x128xf32>
    %mul3A_1805 = arith.mulf %max3A_1802, %mul3A_1804 : vector<128x128xf32>
    %lt3A_1806 = arith.constant 1.000000e+00 : f32
    %lt3A_1807 = vector.broadcast %lt3A_1806 : f32 to vector<128x128xf32>
    %lt3A_1808 = arith.cmpf olt, %mul3A_1805, %lt3A_1807 : vector<128x128xf32>
    %jit3A_1809 = arith.constant 0.000000e+00 : f32
    %broadcast_in_dim3A_1810 = vector.shape_cast %reshape3A : vector<128x1xf32> to vector<128x1xf32>
    %broadcast_in_dim3A_1811 = vector.broadcast %broadcast_in_dim3A_1810 : vector<128x1xf32> to vector<128x128xf32>
    %broadcast_in_dim3A_1812 = vector.broadcast %jit3A_1809 : f32 to vector<128x128xf32>
    %select_n3A_1813 = arith.select %lt3A_1808, %broadcast_in_dim3A_1811, %broadcast_in_dim3A_1812 : vector<128x128xi1>, vector<128x128xf32>
    %reduce_sum3A_1814 = arith.constant dense<0.000000e+00> : vector<128xf32>
    %reduce_sum3A_1815 = vector.multi_reduction <add>, %select_n3A_1813, %reduce_sum3A_1814 [0] : vector<128x128xf32> to vector<128xf32>
    %broadcast_in_dim3A_1816 = vector.shape_cast %reduce_sum3A_1815 : vector<128xf32> to vector<1x128xf32>
    %gt3A_1817 = arith.constant 34 : i32
    %gt3A_1818 = arith.cmpi sgt, %gt3A_1817, %arg0 : i32
    %jit3A_1819 = arith.constant 1.000000e+00 : f32
    %jit3A_1820 = arith.constant 0.000000e+00 : f32
    %select_n3A_1821 = arith.select %gt3A_1818, %jit3A_1819, %jit3A_1820 : f32
    %get3A_1822 = arith.constant 34 : index
    %get3A_1823 = arith.constant 0 : index
    %get3A_1824 = vector.load %arg9[%get3A_1822, %get3A_1823] : memref<40x128xf32, #tpu.memory_space<vmem>>, vector<1x128xf32>
    %mul3A_1825 = vector.broadcast %select_n3A_1821 : f32 to vector<1x128xf32>
    %mul3A_1826 = arith.mulf %broadcast_in_dim3A_1816, %mul3A_1825 : vector<1x128xf32>
    %max3A_1827 = arith.maximumf %get3A_1824, %mul3A_1826 : vector<1x128xf32>
    %swap3A_1828 = arith.constant 34 : index
    %swap3A_1829 = arith.constant 0 : index
    %swap3A_1830 = vector.load %arg9[%swap3A_1828, %swap3A_1829] : memref<40x128xf32, #tpu.memory_space<vmem>>, vector<1x128xf32>
    tpu.vector_store %arg9[%swap3A_1828, %swap3A_1829], %max3A_1827 {strides = array<i32>} : memref<40x128xf32, #tpu.memory_space<vmem>>, vector<1x128xf32>,
    %get3A_1831 = arith.constant 35 : index
    %get3A_1832 = arith.constant 0 : index
    %get3A_1833 = vector.load %arg6[%get3A_1831, %get3A_1832] : memref<40x128xf32, #tpu.memory_space<vmem>>, vector<1x128xf32>
    %get3A_1834 = arith.constant 35 : index
    %get3A_1835 = arith.constant 0 : index
    %get3A_1836 = vector.load %arg7[%get3A_1834, %get3A_1835] : memref<40x128xf32, #tpu.memory_space<vmem>>, vector<1x128xf32>
    %mul3A_1837 = arith.mulf %get3A_1833, %get3A_1833 : vector<1x128xf32>
    %mul3A_1838 = arith.mulf %get3A_1836, %get3A_1836 : vector<1x128xf32>
    %add3A_1839 = arith.addf %mul3A_1837, %mul3A_1838 : vector<1x128xf32>
    %concatenate3A_1840 = tpu.concatenate %get3A_1833, %get3A_1836 in 0 : vector<1x128xf32>, vector<1x128xf32> -> vector<2x128xf32>
    %dot_general3A_1841 = arith.constant dense<0.000000e+00> : vector<128x128xf32>
    %dot_general3A_1842 = tpu.matmul %concatenate3A, %concatenate3A_1840, %dot_general3A_1841 {dimension_numbers = #tpu.dot_dimension_numbers<[1], [0], [0], [1], [0, 0, 1, 1], [], []>, transpose_lhs_hint = false} : vector<128x2xf32>, vector<2x128xf32>, vector<128x128xf32> -> vector<128x128xf32>
    %add3A_1843 = vector.broadcast %add3A_46 : vector<128x1xf32> to vector<128x128xf32>
    %add3A_1844 = vector.broadcast %add3A_1839 : vector<1x128xf32> to vector<128x128xf32>
    %add3A_1845 = arith.addf %add3A_1843, %add3A_1844 : vector<128x128xf32>
    %mul3A_1846 = arith.constant 2.000000e+00 : f32
    %mul3A_1847 = vector.broadcast %mul3A_1846 : f32 to vector<128x128xf32>
    %mul3A_1848 = arith.mulf %mul3A_1847, %dot_general3A_1842 : vector<128x128xf32>
    %sub3A_1849 = arith.subf %add3A_1845, %mul3A_1848 : vector<128x128xf32>
    %max3A_1850 = arith.constant 0.000000e+00 : f32
    %max3A_1851 = vector.broadcast %max3A_1850 : f32 to vector<128x128xf32>
    %max3A_1852 = arith.maximumf %sub3A_1849, %max3A_1851 : vector<128x128xf32>
    %mul3A_1853 = arith.constant 1.562500e-02 : f32
    %mul3A_1854 = vector.broadcast %mul3A_1853 : f32 to vector<128x128xf32>
    %mul3A_1855 = arith.mulf %max3A_1852, %mul3A_1854 : vector<128x128xf32>
    %lt3A_1856 = arith.constant 1.000000e+00 : f32
    %lt3A_1857 = vector.broadcast %lt3A_1856 : f32 to vector<128x128xf32>
    %lt3A_1858 = arith.cmpf olt, %mul3A_1855, %lt3A_1857 : vector<128x128xf32>
    %jit3A_1859 = arith.constant 0.000000e+00 : f32
    %broadcast_in_dim3A_1860 = vector.shape_cast %reshape3A : vector<128x1xf32> to vector<128x1xf32>
    %broadcast_in_dim3A_1861 = vector.broadcast %broadcast_in_dim3A_1860 : vector<128x1xf32> to vector<128x128xf32>
    %broadcast_in_dim3A_1862 = vector.broadcast %jit3A_1859 : f32 to vector<128x128xf32>
    %select_n3A_1863 = arith.select %lt3A_1858, %broadcast_in_dim3A_1861, %broadcast_in_dim3A_1862 : vector<128x128xi1>, vector<128x128xf32>
    %reduce_sum3A_1864 = arith.constant dense<0.000000e+00> : vector<128xf32>
    %reduce_sum3A_1865 = vector.multi_reduction <add>, %select_n3A_1863, %reduce_sum3A_1864 [0] : vector<128x128xf32> to vector<128xf32>
    %broadcast_in_dim3A_1866 = vector.shape_cast %reduce_sum3A_1865 : vector<128xf32> to vector<1x128xf32>
    %gt3A_1867 = arith.constant 35 : i32
    %gt3A_1868 = arith.cmpi sgt, %gt3A_1867, %arg0 : i32
    %jit3A_1869 = arith.constant 1.000000e+00 : f32
    %jit3A_1870 = arith.constant 0.000000e+00 : f32
    %select_n3A_1871 = arith.select %gt3A_1868, %jit3A_1869, %jit3A_1870 : f32
    %get3A_1872 = arith.constant 35 : index
    %get3A_1873 = arith.constant 0 : index
    %get3A_1874 = vector.load %arg9[%get3A_1872, %get3A_1873] : memref<40x128xf32, #tpu.memory_space<vmem>>, vector<1x128xf32>
    %mul3A_1875 = vector.broadcast %select_n3A_1871 : f32 to vector<1x128xf32>
    %mul3A_1876 = arith.mulf %broadcast_in_dim3A_1866, %mul3A_1875 : vector<1x128xf32>
    %max3A_1877 = arith.maximumf %get3A_1874, %mul3A_1876 : vector<1x128xf32>
    %swap3A_1878 = arith.constant 35 : index
    %swap3A_1879 = arith.constant 0 : index
    %swap3A_1880 = vector.load %arg9[%swap3A_1878, %swap3A_1879] : memref<40x128xf32, #tpu.memory_space<vmem>>, vector<1x128xf32>
    tpu.vector_store %arg9[%swap3A_1878, %swap3A_1879], %max3A_1877 {strides = array<i32>} : memref<40x128xf32, #tpu.memory_space<vmem>>, vector<1x128xf32>,
    %get3A_1881 = arith.constant 36 : index
    %get3A_1882 = arith.constant 0 : index
    %get3A_1883 = vector.load %arg6[%get3A_1881, %get3A_1882] : memref<40x128xf32, #tpu.memory_space<vmem>>, vector<1x128xf32>
    %get3A_1884 = arith.constant 36 : index
    %get3A_1885 = arith.constant 0 : index
    %get3A_1886 = vector.load %arg7[%get3A_1884, %get3A_1885] : memref<40x128xf32, #tpu.memory_space<vmem>>, vector<1x128xf32>
    %mul3A_1887 = arith.mulf %get3A_1883, %get3A_1883 : vector<1x128xf32>
    %mul3A_1888 = arith.mulf %get3A_1886, %get3A_1886 : vector<1x128xf32>
    %add3A_1889 = arith.addf %mul3A_1887, %mul3A_1888 : vector<1x128xf32>
    %concatenate3A_1890 = tpu.concatenate %get3A_1883, %get3A_1886 in 0 : vector<1x128xf32>, vector<1x128xf32> -> vector<2x128xf32>
    %dot_general3A_1891 = arith.constant dense<0.000000e+00> : vector<128x128xf32>
    %dot_general3A_1892 = tpu.matmul %concatenate3A, %concatenate3A_1890, %dot_general3A_1891 {dimension_numbers = #tpu.dot_dimension_numbers<[1], [0], [0], [1], [0, 0, 1, 1], [], []>, transpose_lhs_hint = false} : vector<128x2xf32>, vector<2x128xf32>, vector<128x128xf32> -> vector<128x128xf32>
    %add3A_1893 = vector.broadcast %add3A_46 : vector<128x1xf32> to vector<128x128xf32>
    %add3A_1894 = vector.broadcast %add3A_1889 : vector<1x128xf32> to vector<128x128xf32>
    %add3A_1895 = arith.addf %add3A_1893, %add3A_1894 : vector<128x128xf32>
    %mul3A_1896 = arith.constant 2.000000e+00 : f32
    %mul3A_1897 = vector.broadcast %mul3A_1896 : f32 to vector<128x128xf32>
    %mul3A_1898 = arith.mulf %mul3A_1897, %dot_general3A_1892 : vector<128x128xf32>
    %sub3A_1899 = arith.subf %add3A_1895, %mul3A_1898 : vector<128x128xf32>
    %max3A_1900 = arith.constant 0.000000e+00 : f32
    %max3A_1901 = vector.broadcast %max3A_1900 : f32 to vector<128x128xf32>
    %max3A_1902 = arith.maximumf %sub3A_1899, %max3A_1901 : vector<128x128xf32>
    %mul3A_1903 = arith.constant 1.562500e-02 : f32
    %mul3A_1904 = vector.broadcast %mul3A_1903 : f32 to vector<128x128xf32>
    %mul3A_1905 = arith.mulf %max3A_1902, %mul3A_1904 : vector<128x128xf32>
    %lt3A_1906 = arith.constant 1.000000e+00 : f32
    %lt3A_1907 = vector.broadcast %lt3A_1906 : f32 to vector<128x128xf32>
    %lt3A_1908 = arith.cmpf olt, %mul3A_1905, %lt3A_1907 : vector<128x128xf32>
    %jit3A_1909 = arith.constant 0.000000e+00 : f32
    %broadcast_in_dim3A_1910 = vector.shape_cast %reshape3A : vector<128x1xf32> to vector<128x1xf32>
    %broadcast_in_dim3A_1911 = vector.broadcast %broadcast_in_dim3A_1910 : vector<128x1xf32> to vector<128x128xf32>
    %broadcast_in_dim3A_1912 = vector.broadcast %jit3A_1909 : f32 to vector<128x128xf32>
    %select_n3A_1913 = arith.select %lt3A_1908, %broadcast_in_dim3A_1911, %broadcast_in_dim3A_1912 : vector<128x128xi1>, vector<128x128xf32>
    %reduce_sum3A_1914 = arith.constant dense<0.000000e+00> : vector<128xf32>
    %reduce_sum3A_1915 = vector.multi_reduction <add>, %select_n3A_1913, %reduce_sum3A_1914 [0] : vector<128x128xf32> to vector<128xf32>
    %broadcast_in_dim3A_1916 = vector.shape_cast %reduce_sum3A_1915 : vector<128xf32> to vector<1x128xf32>
    %gt3A_1917 = arith.constant 36 : i32
    %gt3A_1918 = arith.cmpi sgt, %gt3A_1917, %arg0 : i32
    %jit3A_1919 = arith.constant 1.000000e+00 : f32
    %jit3A_1920 = arith.constant 0.000000e+00 : f32
    %select_n3A_1921 = arith.select %gt3A_1918, %jit3A_1919, %jit3A_1920 : f32
    %get3A_1922 = arith.constant 36 : index
    %get3A_1923 = arith.constant 0 : index
    %get3A_1924 = vector.load %arg9[%get3A_1922, %get3A_1923] : memref<40x128xf32, #tpu.memory_space<vmem>>, vector<1x128xf32>
    %mul3A_1925 = vector.broadcast %select_n3A_1921 : f32 to vector<1x128xf32>
    %mul3A_1926 = arith.mulf %broadcast_in_dim3A_1916, %mul3A_1925 : vector<1x128xf32>
    %max3A_1927 = arith.maximumf %get3A_1924, %mul3A_1926 : vector<1x128xf32>
    %swap3A_1928 = arith.constant 36 : index
    %swap3A_1929 = arith.constant 0 : index
    %swap3A_1930 = vector.load %arg9[%swap3A_1928, %swap3A_1929] : memref<40x128xf32, #tpu.memory_space<vmem>>, vector<1x128xf32>
    tpu.vector_store %arg9[%swap3A_1928, %swap3A_1929], %max3A_1927 {strides = array<i32>} : memref<40x128xf32, #tpu.memory_space<vmem>>, vector<1x128xf32>,
    %get3A_1931 = arith.constant 37 : index
    %get3A_1932 = arith.constant 0 : index
    %get3A_1933 = vector.load %arg6[%get3A_1931, %get3A_1932] : memref<40x128xf32, #tpu.memory_space<vmem>>, vector<1x128xf32>
    %get3A_1934 = arith.constant 37 : index
    %get3A_1935 = arith.constant 0 : index
    %get3A_1936 = vector.load %arg7[%get3A_1934, %get3A_1935] : memref<40x128xf32, #tpu.memory_space<vmem>>, vector<1x128xf32>
    %mul3A_1937 = arith.mulf %get3A_1933, %get3A_1933 : vector<1x128xf32>
    %mul3A_1938 = arith.mulf %get3A_1936, %get3A_1936 : vector<1x128xf32>
    %add3A_1939 = arith.addf %mul3A_1937, %mul3A_1938 : vector<1x128xf32>
    %concatenate3A_1940 = tpu.concatenate %get3A_1933, %get3A_1936 in 0 : vector<1x128xf32>, vector<1x128xf32> -> vector<2x128xf32>
    %dot_general3A_1941 = arith.constant dense<0.000000e+00> : vector<128x128xf32>
    %dot_general3A_1942 = tpu.matmul %concatenate3A, %concatenate3A_1940, %dot_general3A_1941 {dimension_numbers = #tpu.dot_dimension_numbers<[1], [0], [0], [1], [0, 0, 1, 1], [], []>, transpose_lhs_hint = false} : vector<128x2xf32>, vector<2x128xf32>, vector<128x128xf32> -> vector<128x128xf32>
    %add3A_1943 = vector.broadcast %add3A_46 : vector<128x1xf32> to vector<128x128xf32>
    %add3A_1944 = vector.broadcast %add3A_1939 : vector<1x128xf32> to vector<128x128xf32>
    %add3A_1945 = arith.addf %add3A_1943, %add3A_1944 : vector<128x128xf32>
    %mul3A_1946 = arith.constant 2.000000e+00 : f32
    %mul3A_1947 = vector.broadcast %mul3A_1946 : f32 to vector<128x128xf32>
    %mul3A_1948 = arith.mulf %mul3A_1947, %dot_general3A_1942 : vector<128x128xf32>
    %sub3A_1949 = arith.subf %add3A_1945, %mul3A_1948 : vector<128x128xf32>
    %max3A_1950 = arith.constant 0.000000e+00 : f32
    %max3A_1951 = vector.broadcast %max3A_1950 : f32 to vector<128x128xf32>
    %max3A_1952 = arith.maximumf %sub3A_1949, %max3A_1951 : vector<128x128xf32>
    %mul3A_1953 = arith.constant 1.562500e-02 : f32
    %mul3A_1954 = vector.broadcast %mul3A_1953 : f32 to vector<128x128xf32>
    %mul3A_1955 = arith.mulf %max3A_1952, %mul3A_1954 : vector<128x128xf32>
    %lt3A_1956 = arith.constant 1.000000e+00 : f32
    %lt3A_1957 = vector.broadcast %lt3A_1956 : f32 to vector<128x128xf32>
    %lt3A_1958 = arith.cmpf olt, %mul3A_1955, %lt3A_1957 : vector<128x128xf32>
    %jit3A_1959 = arith.constant 0.000000e+00 : f32
    %broadcast_in_dim3A_1960 = vector.shape_cast %reshape3A : vector<128x1xf32> to vector<128x1xf32>
    %broadcast_in_dim3A_1961 = vector.broadcast %broadcast_in_dim3A_1960 : vector<128x1xf32> to vector<128x128xf32>
    %broadcast_in_dim3A_1962 = vector.broadcast %jit3A_1959 : f32 to vector<128x128xf32>
    %select_n3A_1963 = arith.select %lt3A_1958, %broadcast_in_dim3A_1961, %broadcast_in_dim3A_1962 : vector<128x128xi1>, vector<128x128xf32>
    %reduce_sum3A_1964 = arith.constant dense<0.000000e+00> : vector<128xf32>
    %reduce_sum3A_1965 = vector.multi_reduction <add>, %select_n3A_1963, %reduce_sum3A_1964 [0] : vector<128x128xf32> to vector<128xf32>
    %broadcast_in_dim3A_1966 = vector.shape_cast %reduce_sum3A_1965 : vector<128xf32> to vector<1x128xf32>
    %gt3A_1967 = arith.constant 37 : i32
    %gt3A_1968 = arith.cmpi sgt, %gt3A_1967, %arg0 : i32
    %jit3A_1969 = arith.constant 1.000000e+00 : f32
    %jit3A_1970 = arith.constant 0.000000e+00 : f32
    %select_n3A_1971 = arith.select %gt3A_1968, %jit3A_1969, %jit3A_1970 : f32
    %get3A_1972 = arith.constant 37 : index
    %get3A_1973 = arith.constant 0 : index
    %get3A_1974 = vector.load %arg9[%get3A_1972, %get3A_1973] : memref<40x128xf32, #tpu.memory_space<vmem>>, vector<1x128xf32>
    %mul3A_1975 = vector.broadcast %select_n3A_1971 : f32 to vector<1x128xf32>
    %mul3A_1976 = arith.mulf %broadcast_in_dim3A_1966, %mul3A_1975 : vector<1x128xf32>
    %max3A_1977 = arith.maximumf %get3A_1974, %mul3A_1976 : vector<1x128xf32>
    %swap3A_1978 = arith.constant 37 : index
    %swap3A_1979 = arith.constant 0 : index
    %swap3A_1980 = vector.load %arg9[%swap3A_1978, %swap3A_1979] : memref<40x128xf32, #tpu.memory_space<vmem>>, vector<1x128xf32>
    tpu.vector_store %arg9[%swap3A_1978, %swap3A_1979], %max3A_1977 {strides = array<i32>} : memref<40x128xf32, #tpu.memory_space<vmem>>, vector<1x128xf32>,
    %get3A_1981 = arith.constant 38 : index
    %get3A_1982 = arith.constant 0 : index
    %get3A_1983 = vector.load %arg6[%get3A_1981, %get3A_1982] : memref<40x128xf32, #tpu.memory_space<vmem>>, vector<1x128xf32>
    %get3A_1984 = arith.constant 38 : index
    %get3A_1985 = arith.constant 0 : index
    %get3A_1986 = vector.load %arg7[%get3A_1984, %get3A_1985] : memref<40x128xf32, #tpu.memory_space<vmem>>, vector<1x128xf32>
    %mul3A_1987 = arith.mulf %get3A_1983, %get3A_1983 : vector<1x128xf32>
    %mul3A_1988 = arith.mulf %get3A_1986, %get3A_1986 : vector<1x128xf32>
    %add3A_1989 = arith.addf %mul3A_1987, %mul3A_1988 : vector<1x128xf32>
    %concatenate3A_1990 = tpu.concatenate %get3A_1983, %get3A_1986 in 0 : vector<1x128xf32>, vector<1x128xf32> -> vector<2x128xf32>
    %dot_general3A_1991 = arith.constant dense<0.000000e+00> : vector<128x128xf32>
    %dot_general3A_1992 = tpu.matmul %concatenate3A, %concatenate3A_1990, %dot_general3A_1991 {dimension_numbers = #tpu.dot_dimension_numbers<[1], [0], [0], [1], [0, 0, 1, 1], [], []>, transpose_lhs_hint = false} : vector<128x2xf32>, vector<2x128xf32>, vector<128x128xf32> -> vector<128x128xf32>
    %add3A_1993 = vector.broadcast %add3A_46 : vector<128x1xf32> to vector<128x128xf32>
    %add3A_1994 = vector.broadcast %add3A_1989 : vector<1x128xf32> to vector<128x128xf32>
    %add3A_1995 = arith.addf %add3A_1993, %add3A_1994 : vector<128x128xf32>
    %mul3A_1996 = arith.constant 2.000000e+00 : f32
    %mul3A_1997 = vector.broadcast %mul3A_1996 : f32 to vector<128x128xf32>
    %mul3A_1998 = arith.mulf %mul3A_1997, %dot_general3A_1992 : vector<128x128xf32>
    %sub3A_1999 = arith.subf %add3A_1995, %mul3A_1998 : vector<128x128xf32>
    %max3A_2000 = arith.constant 0.000000e+00 : f32
    %max3A_2001 = vector.broadcast %max3A_2000 : f32 to vector<128x128xf32>
    %max3A_2002 = arith.maximumf %sub3A_1999, %max3A_2001 : vector<128x128xf32>
    %mul3A_2003 = arith.constant 1.562500e-02 : f32
    %mul3A_2004 = vector.broadcast %mul3A_2003 : f32 to vector<128x128xf32>
    %mul3A_2005 = arith.mulf %max3A_2002, %mul3A_2004 : vector<128x128xf32>
    %lt3A_2006 = arith.constant 1.000000e+00 : f32
    %lt3A_2007 = vector.broadcast %lt3A_2006 : f32 to vector<128x128xf32>
    %lt3A_2008 = arith.cmpf olt, %mul3A_2005, %lt3A_2007 : vector<128x128xf32>
    %jit3A_2009 = arith.constant 0.000000e+00 : f32
    %broadcast_in_dim3A_2010 = vector.shape_cast %reshape3A : vector<128x1xf32> to vector<128x1xf32>
    %broadcast_in_dim3A_2011 = vector.broadcast %broadcast_in_dim3A_2010 : vector<128x1xf32> to vector<128x128xf32>
    %broadcast_in_dim3A_2012 = vector.broadcast %jit3A_2009 : f32 to vector<128x128xf32>
    %select_n3A_2013 = arith.select %lt3A_2008, %broadcast_in_dim3A_2011, %broadcast_in_dim3A_2012 : vector<128x128xi1>, vector<128x128xf32>
    %reduce_sum3A_2014 = arith.constant dense<0.000000e+00> : vector<128xf32>
    %reduce_sum3A_2015 = vector.multi_reduction <add>, %select_n3A_2013, %reduce_sum3A_2014 [0] : vector<128x128xf32> to vector<128xf32>
    %broadcast_in_dim3A_2016 = vector.shape_cast %reduce_sum3A_2015 : vector<128xf32> to vector<1x128xf32>
    %gt3A_2017 = arith.constant 38 : i32
    %gt3A_2018 = arith.cmpi sgt, %gt3A_2017, %arg0 : i32
    %jit3A_2019 = arith.constant 1.000000e+00 : f32
    %jit3A_2020 = arith.constant 0.000000e+00 : f32
    %select_n3A_2021 = arith.select %gt3A_2018, %jit3A_2019, %jit3A_2020 : f32
    %get3A_2022 = arith.constant 38 : index
    %get3A_2023 = arith.constant 0 : index
    %get3A_2024 = vector.load %arg9[%get3A_2022, %get3A_2023] : memref<40x128xf32, #tpu.memory_space<vmem>>, vector<1x128xf32>
    %mul3A_2025 = vector.broadcast %select_n3A_2021 : f32 to vector<1x128xf32>
    %mul3A_2026 = arith.mulf %broadcast_in_dim3A_2016, %mul3A_2025 : vector<1x128xf32>
    %max3A_2027 = arith.maximumf %get3A_2024, %mul3A_2026 : vector<1x128xf32>
    %swap3A_2028 = arith.constant 38 : index
    %swap3A_2029 = arith.constant 0 : index
    %swap3A_2030 = vector.load %arg9[%swap3A_2028, %swap3A_2029] : memref<40x128xf32, #tpu.memory_space<vmem>>, vector<1x128xf32>
    tpu.vector_store %arg9[%swap3A_2028, %swap3A_2029], %max3A_2027 {strides = array<i32>} : memref<40x128xf32, #tpu.memory_space<vmem>>, vector<1x128xf32>,
    %get3A_2031 = arith.constant 39 : index
    %get3A_2032 = arith.constant 0 : index
    %get3A_2033 = vector.load %arg6[%get3A_2031, %get3A_2032] : memref<40x128xf32, #tpu.memory_space<vmem>>, vector<1x128xf32>
    %get3A_2034 = arith.constant 39 : index
    %get3A_2035 = arith.constant 0 : index
    %get3A_2036 = vector.load %arg7[%get3A_2034, %get3A_2035] : memref<40x128xf32, #tpu.memory_space<vmem>>, vector<1x128xf32>
    %mul3A_2037 = arith.mulf %get3A_2033, %get3A_2033 : vector<1x128xf32>
    %mul3A_2038 = arith.mulf %get3A_2036, %get3A_2036 : vector<1x128xf32>
    %add3A_2039 = arith.addf %mul3A_2037, %mul3A_2038 : vector<1x128xf32>
    %concatenate3A_2040 = tpu.concatenate %get3A_2033, %get3A_2036 in 0 : vector<1x128xf32>, vector<1x128xf32> -> vector<2x128xf32>
    %dot_general3A_2041 = arith.constant dense<0.000000e+00> : vector<128x128xf32>
    %dot_general3A_2042 = tpu.matmul %concatenate3A, %concatenate3A_2040, %dot_general3A_2041 {dimension_numbers = #tpu.dot_dimension_numbers<[1], [0], [0], [1], [0, 0, 1, 1], [], []>, transpose_lhs_hint = false} : vector<128x2xf32>, vector<2x128xf32>, vector<128x128xf32> -> vector<128x128xf32>
    %add3A_2043 = vector.broadcast %add3A_46 : vector<128x1xf32> to vector<128x128xf32>
    %add3A_2044 = vector.broadcast %add3A_2039 : vector<1x128xf32> to vector<128x128xf32>
    %add3A_2045 = arith.addf %add3A_2043, %add3A_2044 : vector<128x128xf32>
    %mul3A_2046 = arith.constant 2.000000e+00 : f32
    %mul3A_2047 = vector.broadcast %mul3A_2046 : f32 to vector<128x128xf32>
    %mul3A_2048 = arith.mulf %mul3A_2047, %dot_general3A_2042 : vector<128x128xf32>
    %sub3A_2049 = arith.subf %add3A_2045, %mul3A_2048 : vector<128x128xf32>
    %max3A_2050 = arith.constant 0.000000e+00 : f32
    %max3A_2051 = vector.broadcast %max3A_2050 : f32 to vector<128x128xf32>
    %max3A_2052 = arith.maximumf %sub3A_2049, %max3A_2051 : vector<128x128xf32>
    %mul3A_2053 = arith.constant 1.562500e-02 : f32
    %mul3A_2054 = vector.broadcast %mul3A_2053 : f32 to vector<128x128xf32>
    %mul3A_2055 = arith.mulf %max3A_2052, %mul3A_2054 : vector<128x128xf32>
    %lt3A_2056 = arith.constant 1.000000e+00 : f32
    %lt3A_2057 = vector.broadcast %lt3A_2056 : f32 to vector<128x128xf32>
    %lt3A_2058 = arith.cmpf olt, %mul3A_2055, %lt3A_2057 : vector<128x128xf32>
    %jit3A_2059 = arith.constant 0.000000e+00 : f32
    %broadcast_in_dim3A_2060 = vector.shape_cast %reshape3A : vector<128x1xf32> to vector<128x1xf32>
    %broadcast_in_dim3A_2061 = vector.broadcast %broadcast_in_dim3A_2060 : vector<128x1xf32> to vector<128x128xf32>
    %broadcast_in_dim3A_2062 = vector.broadcast %jit3A_2059 : f32 to vector<128x128xf32>
    %select_n3A_2063 = arith.select %lt3A_2058, %broadcast_in_dim3A_2061, %broadcast_in_dim3A_2062 : vector<128x128xi1>, vector<128x128xf32>
    %reduce_sum3A_2064 = arith.constant dense<0.000000e+00> : vector<128xf32>
    %reduce_sum3A_2065 = vector.multi_reduction <add>, %select_n3A_2063, %reduce_sum3A_2064 [0] : vector<128x128xf32> to vector<128xf32>
    %broadcast_in_dim3A_2066 = vector.shape_cast %reduce_sum3A_2065 : vector<128xf32> to vector<1x128xf32>
    %gt3A_2067 = arith.constant 39 : i32
    %gt3A_2068 = arith.cmpi sgt, %gt3A_2067, %arg0 : i32
    %jit3A_2069 = arith.constant 1.000000e+00 : f32
    %jit3A_2070 = arith.constant 0.000000e+00 : f32
    %select_n3A_2071 = arith.select %gt3A_2068, %jit3A_2069, %jit3A_2070 : f32
    %get3A_2072 = arith.constant 39 : index
    %get3A_2073 = arith.constant 0 : index
    %get3A_2074 = vector.load %arg9[%get3A_2072, %get3A_2073] : memref<40x128xf32, #tpu.memory_space<vmem>>, vector<1x128xf32>
    %mul3A_2075 = vector.broadcast %select_n3A_2071 : f32 to vector<1x128xf32>
    %mul3A_2076 = arith.mulf %broadcast_in_dim3A_2066, %mul3A_2075 : vector<1x128xf32>
    %max3A_2077 = arith.maximumf %get3A_2074, %mul3A_2076 : vector<1x128xf32>
    %swap3A_2078 = arith.constant 39 : index
    %swap3A_2079 = arith.constant 0 : index
    %swap3A_2080 = vector.load %arg9[%swap3A_2078, %swap3A_2079] : memref<40x128xf32, #tpu.memory_space<vmem>>, vector<1x128xf32>
    tpu.vector_store %arg9[%swap3A_2078, %swap3A_2079], %max3A_2077 {strides = array<i32>} : memref<40x128xf32, #tpu.memory_space<vmem>>, vector<1x128xf32>,
    return
  }
  func.func @transform_0(%arg0: i32) -> (i32, i32, i32) {
    %c0_i32 = arith.constant 0 : i32
    %c0_i32_0 = arith.constant 0 : i32
    %c0_i32_1 = arith.constant 0 : i32
    return %arg0, %c0_i32, %c0_i32_0 : i32, i32, i32
  }
  func.func @transform_1(%arg0: i32) -> (i32, i32, i32) {
    %c0_i32 = arith.constant 0 : i32
    %c0_i32_0 = arith.constant 0 : i32
    %c0_i32_1 = arith.constant 0 : i32
    return %arg0, %c0_i32, %c0_i32_0 : i32, i32, i32
  }
  func.func @transform_2(%arg0: i32) -> (i32, i32, i32) {
    %c0_i32 = arith.constant 0 : i32
    %c0_i32_0 = arith.constant 0 : i32
    %c0_i32_1 = arith.constant 0 : i32
    return %arg0, %c0_i32, %c0_i32_0 : i32, i32, i32
  }
  func.func @transform_3(%arg0: i32) -> (i32, i32) {
    %c0_i32 = arith.constant 0 : i32
    %c0_i32_0 = arith.constant 0 : i32
    return %arg0, %c0_i32 : i32, i32
  }
  func.func @transform_4(%arg0: i32) -> (i32, i32) {
    %c0_i32 = arith.constant 0 : i32
    %c0_i32_0 = arith.constant 0 : i32
    return %arg0, %c0_i32 : i32, i32
  }
  func.func @transform_5(%arg0: i32) -> (i32, i32) {
    %c0_i32 = arith.constant 0 : i32
    %c0_i32_0 = arith.constant 0 : i32
    %c0_i32_1 = arith.constant 0 : i32
    return %c0_i32, %c0_i32_0 : i32, i32
  }
  func.func @transform_6(%arg0: i32) -> (i32, i32) {
    %c0_i32 = arith.constant 0 : i32
    %c0_i32_0 = arith.constant 0 : i32
    %c0_i32_1 = arith.constant 0 : i32
    return %c0_i32, %c0_i32_0 : i32, i32
  }
  func.func @transform_7(%arg0: i32) -> (i32, i32, i32) {
    %c0_i32 = arith.constant 0 : i32
    %c0_i32_0 = arith.constant 0 : i32
    %c0_i32_1 = arith.constant 0 : i32
    return %arg0, %c0_i32, %c0_i32_0 : i32, i32, i32
  }
}

module attributes {stable_mosaic.version = 14 : i64} {
  func.func @_select_body(%arg0: memref<40x128xf32, #tpu.memory_space<vmem>>, %arg1: memref<5120x1xf32, #tpu.memory_space<vmem>>, %arg2: memref<5120x1xf32, #tpu.memory_space<vmem>>, %arg3: memref<5120x1xf32, #tpu.memory_space<vmem>>, %arg4: memref<512x1xf32, #tpu.memory_space<vmem>>, %arg5: memref<512x1xf32, #tpu.memory_space<vmem>>, %arg6: memref<512x1xf32, #tpu.memory_space<vmem>>) attributes {dimension_semantics = [], scalar_prefetch = 0 : i64, scratch_operands = 0 : i64, tpu.core_type = #tpu.core_type<tc>} {
    %get3A = arith.constant 0 : index
    %get3A_0 = arith.constant 0 : index
    %get3A_1 = vector.load %arg0[%get3A, %get3A_0] : memref<40x128xf32, #tpu.memory_space<vmem>>, vector<40x128xf32>
    %iota3A = tpu.iota {dimensions = array<i32: 0>} : vector<128x128xi32>
    %iota3A_2 = tpu.iota {dimensions = array<i32: 1>} : vector<128x128xi32>
    %lt3A = arith.cmpi slt, %iota3A, %iota3A_2 : vector<128x128xi32>
    %convert_element_type3A = arith.extui %lt3A : vector<128x128xi1> to vector<128x128xi32>
    %convert_element_type3A_3 = arith.sitofp %convert_element_type3A : vector<128x128xi32> to vector<128x128xf32>
    %dot_general3A = arith.constant dense<0.000000e+00> : vector<40x128xf32>
    %dot_general3A_4 = tpu.matmul %get3A_1, %convert_element_type3A_3, %dot_general3A {dimension_numbers = #tpu.dot_dimension_numbers<[1], [0], [0], [1], [0, 0, 1, 1], [], []>, transpose_lhs_hint = false} : vector<40x128xf32>, vector<128x128xf32>, vector<40x128xf32> -> vector<40x128xf32>
    %reduce_sum3A = arith.constant dense<0.000000e+00> : vector<40xf32>
    %reduce_sum3A_5 = vector.multi_reduction <add>, %get3A_1, %reduce_sum3A [1] : vector<40x128xf32> to vector<40xf32>
    %broadcast_in_dim3A = vector.shape_cast %reduce_sum3A_5 : vector<40xf32> to vector<40x1xf32>
    %iota3A_6 = tpu.iota {dimensions = array<i32: 1>} : vector<40x40xi32>
    %iota3A_7 = tpu.iota {dimensions = array<i32: 0>} : vector<40x40xi32>
    %lt3A_8 = arith.cmpi slt, %iota3A_6, %iota3A_7 : vector<40x40xi32>
    %convert_element_type3A_9 = arith.extui %lt3A_8 : vector<40x40xi1> to vector<40x40xi32>
    %convert_element_type3A_10 = arith.sitofp %convert_element_type3A_9 : vector<40x40xi32> to vector<40x40xf32>
    %dot_general3A_11 = arith.constant dense<0.000000e+00> : vector<40x1xf32>
    %dot_general3A_12 = tpu.matmul %convert_element_type3A_10, %broadcast_in_dim3A, %dot_general3A_11 {dimension_numbers = #tpu.dot_dimension_numbers<[1], [0], [0], [1], [0, 0, 1, 1], [], []>, transpose_lhs_hint = false} : vector<40x40xf32>, vector<40x1xf32>, vector<40x1xf32> -> vector<40x1xf32>
    %add3A = vector.broadcast %dot_general3A_12 : vector<40x1xf32> to vector<40x128xf32>
    %add3A_13 = arith.addf %add3A, %dot_general3A_4 : vector<40x128xf32>
    %gt3A = arith.constant 0.000000e+00 : f32
    %gt3A_14 = vector.broadcast %gt3A : f32 to vector<40x128xf32>
    %gt3A_15 = arith.cmpf ogt, %get3A_1, %gt3A_14 : vector<40x128xf32>
    %lt3A_16 = arith.constant 5.120000e+02 : f32
    %lt3A_17 = vector.broadcast %lt3A_16 : f32 to vector<40x128xf32>
    %lt3A_18 = arith.cmpf olt, %add3A_13, %lt3A_17 : vector<40x128xf32>
    %and3A = arith.andi %gt3A_15, %lt3A_18 : vector<40x128xi1>
    %reduce_sum3A_19 = vector.shape_cast %get3A_1 : vector<40x128xf32> to vector<1x40x128xf32>
    %reduce_sum3A_20 = arith.constant dense<0.000000e+00> : vector<1xf32>
    %reduce_sum3A_21 = vector.multi_reduction <add>, %reduce_sum3A_19, %reduce_sum3A_20 [1, 2] : vector<1x40x128xf32> to vector<1xf32>
    %reduce_sum3A_22 = vector.shape_cast %reduce_sum3A_21 : vector<1xf32> to vector<1x1x1xf32>
    %reduce_sum3A_23 = vector.extract %reduce_sum3A_22[0, 0, 0] : f32 from vector<1x1x1xf32>
    %iota3A_24 = tpu.iota {dimensions = array<i32: 0>} : vector<512x1xi32>
    %convert_element_type3A_25 = arith.sitofp %iota3A_24 : vector<512x1xi32> to vector<512x1xf32>
    %broadcast_in_dim3A_26 = arith.constant 0.000000e+00 : f32
    %broadcast_in_dim3A_27 = vector.broadcast %broadcast_in_dim3A_26 : f32 to vector<512x1xf32>
    %broadcast_in_dim3A_28 = arith.constant 0.000000e+00 : f32
    %broadcast_in_dim3A_29 = vector.broadcast %broadcast_in_dim3A_28 : f32 to vector<512x1xf32>
    %broadcast_in_dim3A_30 = arith.constant 0.000000e+00 : f32
    %broadcast_in_dim3A_31 = vector.broadcast %broadcast_in_dim3A_30 : f32 to vector<512x1xf32>
    %slice3A = vector.extract_strided_slice %add3A_13 {offsets = [0, 0], sizes = [1, 128], strides = [1, 1]} : vector<40x128xf32> to vector<1x128xf32>
    %eq3A = vector.broadcast %slice3A : vector<1x128xf32> to vector<512x128xf32>
    %eq3A_32 = vector.broadcast %convert_element_type3A_25 : vector<512x1xf32> to vector<512x128xf32>
    %eq3A_33 = arith.cmpf oeq, %eq3A, %eq3A_32 : vector<512x128xf32>
    %slice3A_34 = vector.extract_strided_slice %and3A {offsets = [0, 0], sizes = [1, 128], strides = [1, 1]} : vector<40x128xi1> to vector<1x128xi1>
    %and3A_35 = vector.broadcast %slice3A_34 : vector<1x128xi1> to vector<512x128xi1>
    %and3A_36 = arith.andi %eq3A_33, %and3A_35 : vector<512x128xi1>
    %jit3A = arith.constant 1.000000e+00 : f32
    %jit3A_37 = arith.constant 0.000000e+00 : f32
    %broadcast_in_dim3A_38 = vector.broadcast %jit3A : f32 to vector<512x128xf32>
    %broadcast_in_dim3A_39 = vector.broadcast %jit3A_37 : f32 to vector<512x128xf32>
    %select_n3A = arith.select %and3A_36, %broadcast_in_dim3A_38, %broadcast_in_dim3A_39 : vector<512x128xi1>, vector<512x128xf32>
    %get3A_40 = arith.constant 0 : index
    %get3A_41 = arith.constant 0 : index
    %get3A_42 = vector.load %arg1[%get3A_40, %get3A_41] : memref<5120x1xf32, #tpu.memory_space<vmem>>, vector<128x1xf32>
    %dot_general3A_43 = arith.constant dense<0.000000e+00> : vector<512x1xf32>
    %dot_general3A_44 = tpu.matmul %select_n3A, %get3A_42, %dot_general3A_43 {dimension_numbers = #tpu.dot_dimension_numbers<[1], [0], [0], [1], [0, 0, 1, 1], [], []>, precision = #tpu.contract_precision<fp32>, transpose_lhs_hint = false} : vector<512x128xf32>, vector<128x1xf32>, vector<512x1xf32> -> vector<512x1xf32>
    %add3A_45 = arith.addf %broadcast_in_dim3A_27, %dot_general3A_44 : vector<512x1xf32>
    %get3A_46 = arith.constant 0 : index
    %get3A_47 = arith.constant 0 : index
    %get3A_48 = vector.load %arg2[%get3A_46, %get3A_47] : memref<5120x1xf32, #tpu.memory_space<vmem>>, vector<128x1xf32>
    %dot_general3A_49 = arith.constant dense<0.000000e+00> : vector<512x1xf32>
    %dot_general3A_50 = tpu.matmul %select_n3A, %get3A_48, %dot_general3A_49 {dimension_numbers = #tpu.dot_dimension_numbers<[1], [0], [0], [1], [0, 0, 1, 1], [], []>, precision = #tpu.contract_precision<fp32>, transpose_lhs_hint = false} : vector<512x128xf32>, vector<128x1xf32>, vector<512x1xf32> -> vector<512x1xf32>
    %add3A_51 = arith.addf %broadcast_in_dim3A_29, %dot_general3A_50 : vector<512x1xf32>
    %get3A_52 = arith.constant 0 : index
    %get3A_53 = arith.constant 0 : index
    %get3A_54 = vector.load %arg3[%get3A_52, %get3A_53] : memref<5120x1xf32, #tpu.memory_space<vmem>>, vector<128x1xf32>
    %dot_general3A_55 = arith.constant dense<0.000000e+00> : vector<512x1xf32>
    %dot_general3A_56 = tpu.matmul %select_n3A, %get3A_54, %dot_general3A_55 {dimension_numbers = #tpu.dot_dimension_numbers<[1], [0], [0], [1], [0, 0, 1, 1], [], []>, precision = #tpu.contract_precision<fp32>, transpose_lhs_hint = false} : vector<512x128xf32>, vector<128x1xf32>, vector<512x1xf32> -> vector<512x1xf32>
    %add3A_57 = arith.addf %broadcast_in_dim3A_31, %dot_general3A_56 : vector<512x1xf32>
    %slice3A_58 = vector.extract_strided_slice %add3A_13 {offsets = [1, 0], sizes = [1, 128], strides = [1, 1]} : vector<40x128xf32> to vector<1x128xf32>
    %eq3A_59 = vector.broadcast %slice3A_58 : vector<1x128xf32> to vector<512x128xf32>
    %eq3A_60 = vector.broadcast %convert_element_type3A_25 : vector<512x1xf32> to vector<512x128xf32>
    %eq3A_61 = arith.cmpf oeq, %eq3A_59, %eq3A_60 : vector<512x128xf32>
    %slice3A_62 = vector.extract_strided_slice %and3A {offsets = [1, 0], sizes = [1, 128], strides = [1, 1]} : vector<40x128xi1> to vector<1x128xi1>
    %and3A_63 = vector.broadcast %slice3A_62 : vector<1x128xi1> to vector<512x128xi1>
    %and3A_64 = arith.andi %eq3A_61, %and3A_63 : vector<512x128xi1>
    %jit3A_65 = arith.constant 1.000000e+00 : f32
    %jit3A_66 = arith.constant 0.000000e+00 : f32
    %broadcast_in_dim3A_67 = vector.broadcast %jit3A_65 : f32 to vector<512x128xf32>
    %broadcast_in_dim3A_68 = vector.broadcast %jit3A_66 : f32 to vector<512x128xf32>
    %select_n3A_69 = arith.select %and3A_64, %broadcast_in_dim3A_67, %broadcast_in_dim3A_68 : vector<512x128xi1>, vector<512x128xf32>
    %get3A_70 = arith.constant 128 : index
    %get3A_71 = arith.constant 0 : index
    %get3A_72 = vector.load %arg1[%get3A_70, %get3A_71] : memref<5120x1xf32, #tpu.memory_space<vmem>>, vector<128x1xf32>
    %dot_general3A_73 = arith.constant dense<0.000000e+00> : vector<512x1xf32>
    %dot_general3A_74 = tpu.matmul %select_n3A_69, %get3A_72, %dot_general3A_73 {dimension_numbers = #tpu.dot_dimension_numbers<[1], [0], [0], [1], [0, 0, 1, 1], [], []>, precision = #tpu.contract_precision<fp32>, transpose_lhs_hint = false} : vector<512x128xf32>, vector<128x1xf32>, vector<512x1xf32> -> vector<512x1xf32>
    %add3A_75 = arith.addf %add3A_45, %dot_general3A_74 : vector<512x1xf32>
    %get3A_76 = arith.constant 128 : index
    %get3A_77 = arith.constant 0 : index
    %get3A_78 = vector.load %arg2[%get3A_76, %get3A_77] : memref<5120x1xf32, #tpu.memory_space<vmem>>, vector<128x1xf32>
    %dot_general3A_79 = arith.constant dense<0.000000e+00> : vector<512x1xf32>
    %dot_general3A_80 = tpu.matmul %select_n3A_69, %get3A_78, %dot_general3A_79 {dimension_numbers = #tpu.dot_dimension_numbers<[1], [0], [0], [1], [0, 0, 1, 1], [], []>, precision = #tpu.contract_precision<fp32>, transpose_lhs_hint = false} : vector<512x128xf32>, vector<128x1xf32>, vector<512x1xf32> -> vector<512x1xf32>
    %add3A_81 = arith.addf %add3A_51, %dot_general3A_80 : vector<512x1xf32>
    %get3A_82 = arith.constant 128 : index
    %get3A_83 = arith.constant 0 : index
    %get3A_84 = vector.load %arg3[%get3A_82, %get3A_83] : memref<5120x1xf32, #tpu.memory_space<vmem>>, vector<128x1xf32>
    %dot_general3A_85 = arith.constant dense<0.000000e+00> : vector<512x1xf32>
    %dot_general3A_86 = tpu.matmul %select_n3A_69, %get3A_84, %dot_general3A_85 {dimension_numbers = #tpu.dot_dimension_numbers<[1], [0], [0], [1], [0, 0, 1, 1], [], []>, precision = #tpu.contract_precision<fp32>, transpose_lhs_hint = false} : vector<512x128xf32>, vector<128x1xf32>, vector<512x1xf32> -> vector<512x1xf32>
    %add3A_87 = arith.addf %add3A_57, %dot_general3A_86 : vector<512x1xf32>
    %slice3A_88 = vector.extract_strided_slice %add3A_13 {offsets = [2, 0], sizes = [1, 128], strides = [1, 1]} : vector<40x128xf32> to vector<1x128xf32>
    %eq3A_89 = vector.broadcast %slice3A_88 : vector<1x128xf32> to vector<512x128xf32>
    %eq3A_90 = vector.broadcast %convert_element_type3A_25 : vector<512x1xf32> to vector<512x128xf32>
    %eq3A_91 = arith.cmpf oeq, %eq3A_89, %eq3A_90 : vector<512x128xf32>
    %slice3A_92 = vector.extract_strided_slice %and3A {offsets = [2, 0], sizes = [1, 128], strides = [1, 1]} : vector<40x128xi1> to vector<1x128xi1>
    %and3A_93 = vector.broadcast %slice3A_92 : vector<1x128xi1> to vector<512x128xi1>
    %and3A_94 = arith.andi %eq3A_91, %and3A_93 : vector<512x128xi1>
    %jit3A_95 = arith.constant 1.000000e+00 : f32
    %jit3A_96 = arith.constant 0.000000e+00 : f32
    %broadcast_in_dim3A_97 = vector.broadcast %jit3A_95 : f32 to vector<512x128xf32>
    %broadcast_in_dim3A_98 = vector.broadcast %jit3A_96 : f32 to vector<512x128xf32>
    %select_n3A_99 = arith.select %and3A_94, %broadcast_in_dim3A_97, %broadcast_in_dim3A_98 : vector<512x128xi1>, vector<512x128xf32>
    %get3A_100 = arith.constant 256 : index
    %get3A_101 = arith.constant 0 : index
    %get3A_102 = vector.load %arg1[%get3A_100, %get3A_101] : memref<5120x1xf32, #tpu.memory_space<vmem>>, vector<128x1xf32>
    %dot_general3A_103 = arith.constant dense<0.000000e+00> : vector<512x1xf32>
    %dot_general3A_104 = tpu.matmul %select_n3A_99, %get3A_102, %dot_general3A_103 {dimension_numbers = #tpu.dot_dimension_numbers<[1], [0], [0], [1], [0, 0, 1, 1], [], []>, precision = #tpu.contract_precision<fp32>, transpose_lhs_hint = false} : vector<512x128xf32>, vector<128x1xf32>, vector<512x1xf32> -> vector<512x1xf32>
    %add3A_105 = arith.addf %add3A_75, %dot_general3A_104 : vector<512x1xf32>
    %get3A_106 = arith.constant 256 : index
    %get3A_107 = arith.constant 0 : index
    %get3A_108 = vector.load %arg2[%get3A_106, %get3A_107] : memref<5120x1xf32, #tpu.memory_space<vmem>>, vector<128x1xf32>
    %dot_general3A_109 = arith.constant dense<0.000000e+00> : vector<512x1xf32>
    %dot_general3A_110 = tpu.matmul %select_n3A_99, %get3A_108, %dot_general3A_109 {dimension_numbers = #tpu.dot_dimension_numbers<[1], [0], [0], [1], [0, 0, 1, 1], [], []>, precision = #tpu.contract_precision<fp32>, transpose_lhs_hint = false} : vector<512x128xf32>, vector<128x1xf32>, vector<512x1xf32> -> vector<512x1xf32>
    %add3A_111 = arith.addf %add3A_81, %dot_general3A_110 : vector<512x1xf32>
    %get3A_112 = arith.constant 256 : index
    %get3A_113 = arith.constant 0 : index
    %get3A_114 = vector.load %arg3[%get3A_112, %get3A_113] : memref<5120x1xf32, #tpu.memory_space<vmem>>, vector<128x1xf32>
    %dot_general3A_115 = arith.constant dense<0.000000e+00> : vector<512x1xf32>
    %dot_general3A_116 = tpu.matmul %select_n3A_99, %get3A_114, %dot_general3A_115 {dimension_numbers = #tpu.dot_dimension_numbers<[1], [0], [0], [1], [0, 0, 1, 1], [], []>, precision = #tpu.contract_precision<fp32>, transpose_lhs_hint = false} : vector<512x128xf32>, vector<128x1xf32>, vector<512x1xf32> -> vector<512x1xf32>
    %add3A_117 = arith.addf %add3A_87, %dot_general3A_116 : vector<512x1xf32>
    %slice3A_118 = vector.extract_strided_slice %add3A_13 {offsets = [3, 0], sizes = [1, 128], strides = [1, 1]} : vector<40x128xf32> to vector<1x128xf32>
    %eq3A_119 = vector.broadcast %slice3A_118 : vector<1x128xf32> to vector<512x128xf32>
    %eq3A_120 = vector.broadcast %convert_element_type3A_25 : vector<512x1xf32> to vector<512x128xf32>
    %eq3A_121 = arith.cmpf oeq, %eq3A_119, %eq3A_120 : vector<512x128xf32>
    %slice3A_122 = vector.extract_strided_slice %and3A {offsets = [3, 0], sizes = [1, 128], strides = [1, 1]} : vector<40x128xi1> to vector<1x128xi1>
    %and3A_123 = vector.broadcast %slice3A_122 : vector<1x128xi1> to vector<512x128xi1>
    %and3A_124 = arith.andi %eq3A_121, %and3A_123 : vector<512x128xi1>
    %jit3A_125 = arith.constant 1.000000e+00 : f32
    %jit3A_126 = arith.constant 0.000000e+00 : f32
    %broadcast_in_dim3A_127 = vector.broadcast %jit3A_125 : f32 to vector<512x128xf32>
    %broadcast_in_dim3A_128 = vector.broadcast %jit3A_126 : f32 to vector<512x128xf32>
    %select_n3A_129 = arith.select %and3A_124, %broadcast_in_dim3A_127, %broadcast_in_dim3A_128 : vector<512x128xi1>, vector<512x128xf32>
    %get3A_130 = arith.constant 384 : index
    %get3A_131 = arith.constant 0 : index
    %get3A_132 = vector.load %arg1[%get3A_130, %get3A_131] : memref<5120x1xf32, #tpu.memory_space<vmem>>, vector<128x1xf32>
    %dot_general3A_133 = arith.constant dense<0.000000e+00> : vector<512x1xf32>
    %dot_general3A_134 = tpu.matmul %select_n3A_129, %get3A_132, %dot_general3A_133 {dimension_numbers = #tpu.dot_dimension_numbers<[1], [0], [0], [1], [0, 0, 1, 1], [], []>, precision = #tpu.contract_precision<fp32>, transpose_lhs_hint = false} : vector<512x128xf32>, vector<128x1xf32>, vector<512x1xf32> -> vector<512x1xf32>
    %add3A_135 = arith.addf %add3A_105, %dot_general3A_134 : vector<512x1xf32>
    %get3A_136 = arith.constant 384 : index
    %get3A_137 = arith.constant 0 : index
    %get3A_138 = vector.load %arg2[%get3A_136, %get3A_137] : memref<5120x1xf32, #tpu.memory_space<vmem>>, vector<128x1xf32>
    %dot_general3A_139 = arith.constant dense<0.000000e+00> : vector<512x1xf32>
    %dot_general3A_140 = tpu.matmul %select_n3A_129, %get3A_138, %dot_general3A_139 {dimension_numbers = #tpu.dot_dimension_numbers<[1], [0], [0], [1], [0, 0, 1, 1], [], []>, precision = #tpu.contract_precision<fp32>, transpose_lhs_hint = false} : vector<512x128xf32>, vector<128x1xf32>, vector<512x1xf32> -> vector<512x1xf32>
    %add3A_141 = arith.addf %add3A_111, %dot_general3A_140 : vector<512x1xf32>
    %get3A_142 = arith.constant 384 : index
    %get3A_143 = arith.constant 0 : index
    %get3A_144 = vector.load %arg3[%get3A_142, %get3A_143] : memref<5120x1xf32, #tpu.memory_space<vmem>>, vector<128x1xf32>
    %dot_general3A_145 = arith.constant dense<0.000000e+00> : vector<512x1xf32>
    %dot_general3A_146 = tpu.matmul %select_n3A_129, %get3A_144, %dot_general3A_145 {dimension_numbers = #tpu.dot_dimension_numbers<[1], [0], [0], [1], [0, 0, 1, 1], [], []>, precision = #tpu.contract_precision<fp32>, transpose_lhs_hint = false} : vector<512x128xf32>, vector<128x1xf32>, vector<512x1xf32> -> vector<512x1xf32>
    %add3A_147 = arith.addf %add3A_117, %dot_general3A_146 : vector<512x1xf32>
    %slice3A_148 = vector.extract_strided_slice %add3A_13 {offsets = [4, 0], sizes = [1, 128], strides = [1, 1]} : vector<40x128xf32> to vector<1x128xf32>
    %eq3A_149 = vector.broadcast %slice3A_148 : vector<1x128xf32> to vector<512x128xf32>
    %eq3A_150 = vector.broadcast %convert_element_type3A_25 : vector<512x1xf32> to vector<512x128xf32>
    %eq3A_151 = arith.cmpf oeq, %eq3A_149, %eq3A_150 : vector<512x128xf32>
    %slice3A_152 = vector.extract_strided_slice %and3A {offsets = [4, 0], sizes = [1, 128], strides = [1, 1]} : vector<40x128xi1> to vector<1x128xi1>
    %and3A_153 = vector.broadcast %slice3A_152 : vector<1x128xi1> to vector<512x128xi1>
    %and3A_154 = arith.andi %eq3A_151, %and3A_153 : vector<512x128xi1>
    %jit3A_155 = arith.constant 1.000000e+00 : f32
    %jit3A_156 = arith.constant 0.000000e+00 : f32
    %broadcast_in_dim3A_157 = vector.broadcast %jit3A_155 : f32 to vector<512x128xf32>
    %broadcast_in_dim3A_158 = vector.broadcast %jit3A_156 : f32 to vector<512x128xf32>
    %select_n3A_159 = arith.select %and3A_154, %broadcast_in_dim3A_157, %broadcast_in_dim3A_158 : vector<512x128xi1>, vector<512x128xf32>
    %get3A_160 = arith.constant 512 : index
    %get3A_161 = arith.constant 0 : index
    %get3A_162 = vector.load %arg1[%get3A_160, %get3A_161] : memref<5120x1xf32, #tpu.memory_space<vmem>>, vector<128x1xf32>
    %dot_general3A_163 = arith.constant dense<0.000000e+00> : vector<512x1xf32>
    %dot_general3A_164 = tpu.matmul %select_n3A_159, %get3A_162, %dot_general3A_163 {dimension_numbers = #tpu.dot_dimension_numbers<[1], [0], [0], [1], [0, 0, 1, 1], [], []>, precision = #tpu.contract_precision<fp32>, transpose_lhs_hint = false} : vector<512x128xf32>, vector<128x1xf32>, vector<512x1xf32> -> vector<512x1xf32>
    %add3A_165 = arith.addf %add3A_135, %dot_general3A_164 : vector<512x1xf32>
    %get3A_166 = arith.constant 512 : index
    %get3A_167 = arith.constant 0 : index
    %get3A_168 = vector.load %arg2[%get3A_166, %get3A_167] : memref<5120x1xf32, #tpu.memory_space<vmem>>, vector<128x1xf32>
    %dot_general3A_169 = arith.constant dense<0.000000e+00> : vector<512x1xf32>
    %dot_general3A_170 = tpu.matmul %select_n3A_159, %get3A_168, %dot_general3A_169 {dimension_numbers = #tpu.dot_dimension_numbers<[1], [0], [0], [1], [0, 0, 1, 1], [], []>, precision = #tpu.contract_precision<fp32>, transpose_lhs_hint = false} : vector<512x128xf32>, vector<128x1xf32>, vector<512x1xf32> -> vector<512x1xf32>
    %add3A_171 = arith.addf %add3A_141, %dot_general3A_170 : vector<512x1xf32>
    %get3A_172 = arith.constant 512 : index
    %get3A_173 = arith.constant 0 : index
    %get3A_174 = vector.load %arg3[%get3A_172, %get3A_173] : memref<5120x1xf32, #tpu.memory_space<vmem>>, vector<128x1xf32>
    %dot_general3A_175 = arith.constant dense<0.000000e+00> : vector<512x1xf32>
    %dot_general3A_176 = tpu.matmul %select_n3A_159, %get3A_174, %dot_general3A_175 {dimension_numbers = #tpu.dot_dimension_numbers<[1], [0], [0], [1], [0, 0, 1, 1], [], []>, precision = #tpu.contract_precision<fp32>, transpose_lhs_hint = false} : vector<512x128xf32>, vector<128x1xf32>, vector<512x1xf32> -> vector<512x1xf32>
    %add3A_177 = arith.addf %add3A_147, %dot_general3A_176 : vector<512x1xf32>
    %slice3A_178 = vector.extract_strided_slice %add3A_13 {offsets = [5, 0], sizes = [1, 128], strides = [1, 1]} : vector<40x128xf32> to vector<1x128xf32>
    %eq3A_179 = vector.broadcast %slice3A_178 : vector<1x128xf32> to vector<512x128xf32>
    %eq3A_180 = vector.broadcast %convert_element_type3A_25 : vector<512x1xf32> to vector<512x128xf32>
    %eq3A_181 = arith.cmpf oeq, %eq3A_179, %eq3A_180 : vector<512x128xf32>
    %slice3A_182 = vector.extract_strided_slice %and3A {offsets = [5, 0], sizes = [1, 128], strides = [1, 1]} : vector<40x128xi1> to vector<1x128xi1>
    %and3A_183 = vector.broadcast %slice3A_182 : vector<1x128xi1> to vector<512x128xi1>
    %and3A_184 = arith.andi %eq3A_181, %and3A_183 : vector<512x128xi1>
    %jit3A_185 = arith.constant 1.000000e+00 : f32
    %jit3A_186 = arith.constant 0.000000e+00 : f32
    %broadcast_in_dim3A_187 = vector.broadcast %jit3A_185 : f32 to vector<512x128xf32>
    %broadcast_in_dim3A_188 = vector.broadcast %jit3A_186 : f32 to vector<512x128xf32>
    %select_n3A_189 = arith.select %and3A_184, %broadcast_in_dim3A_187, %broadcast_in_dim3A_188 : vector<512x128xi1>, vector<512x128xf32>
    %get3A_190 = arith.constant 640 : index
    %get3A_191 = arith.constant 0 : index
    %get3A_192 = vector.load %arg1[%get3A_190, %get3A_191] : memref<5120x1xf32, #tpu.memory_space<vmem>>, vector<128x1xf32>
    %dot_general3A_193 = arith.constant dense<0.000000e+00> : vector<512x1xf32>
    %dot_general3A_194 = tpu.matmul %select_n3A_189, %get3A_192, %dot_general3A_193 {dimension_numbers = #tpu.dot_dimension_numbers<[1], [0], [0], [1], [0, 0, 1, 1], [], []>, precision = #tpu.contract_precision<fp32>, transpose_lhs_hint = false} : vector<512x128xf32>, vector<128x1xf32>, vector<512x1xf32> -> vector<512x1xf32>
    %add3A_195 = arith.addf %add3A_165, %dot_general3A_194 : vector<512x1xf32>
    %get3A_196 = arith.constant 640 : index
    %get3A_197 = arith.constant 0 : index
    %get3A_198 = vector.load %arg2[%get3A_196, %get3A_197] : memref<5120x1xf32, #tpu.memory_space<vmem>>, vector<128x1xf32>
    %dot_general3A_199 = arith.constant dense<0.000000e+00> : vector<512x1xf32>
    %dot_general3A_200 = tpu.matmul %select_n3A_189, %get3A_198, %dot_general3A_199 {dimension_numbers = #tpu.dot_dimension_numbers<[1], [0], [0], [1], [0, 0, 1, 1], [], []>, precision = #tpu.contract_precision<fp32>, transpose_lhs_hint = false} : vector<512x128xf32>, vector<128x1xf32>, vector<512x1xf32> -> vector<512x1xf32>
    %add3A_201 = arith.addf %add3A_171, %dot_general3A_200 : vector<512x1xf32>
    %get3A_202 = arith.constant 640 : index
    %get3A_203 = arith.constant 0 : index
    %get3A_204 = vector.load %arg3[%get3A_202, %get3A_203] : memref<5120x1xf32, #tpu.memory_space<vmem>>, vector<128x1xf32>
    %dot_general3A_205 = arith.constant dense<0.000000e+00> : vector<512x1xf32>
    %dot_general3A_206 = tpu.matmul %select_n3A_189, %get3A_204, %dot_general3A_205 {dimension_numbers = #tpu.dot_dimension_numbers<[1], [0], [0], [1], [0, 0, 1, 1], [], []>, precision = #tpu.contract_precision<fp32>, transpose_lhs_hint = false} : vector<512x128xf32>, vector<128x1xf32>, vector<512x1xf32> -> vector<512x1xf32>
    %add3A_207 = arith.addf %add3A_177, %dot_general3A_206 : vector<512x1xf32>
    %slice3A_208 = vector.extract_strided_slice %add3A_13 {offsets = [6, 0], sizes = [1, 128], strides = [1, 1]} : vector<40x128xf32> to vector<1x128xf32>
    %eq3A_209 = vector.broadcast %slice3A_208 : vector<1x128xf32> to vector<512x128xf32>
    %eq3A_210 = vector.broadcast %convert_element_type3A_25 : vector<512x1xf32> to vector<512x128xf32>
    %eq3A_211 = arith.cmpf oeq, %eq3A_209, %eq3A_210 : vector<512x128xf32>
    %slice3A_212 = vector.extract_strided_slice %and3A {offsets = [6, 0], sizes = [1, 128], strides = [1, 1]} : vector<40x128xi1> to vector<1x128xi1>
    %and3A_213 = vector.broadcast %slice3A_212 : vector<1x128xi1> to vector<512x128xi1>
    %and3A_214 = arith.andi %eq3A_211, %and3A_213 : vector<512x128xi1>
    %jit3A_215 = arith.constant 1.000000e+00 : f32
    %jit3A_216 = arith.constant 0.000000e+00 : f32
    %broadcast_in_dim3A_217 = vector.broadcast %jit3A_215 : f32 to vector<512x128xf32>
    %broadcast_in_dim3A_218 = vector.broadcast %jit3A_216 : f32 to vector<512x128xf32>
    %select_n3A_219 = arith.select %and3A_214, %broadcast_in_dim3A_217, %broadcast_in_dim3A_218 : vector<512x128xi1>, vector<512x128xf32>
    %get3A_220 = arith.constant 768 : index
    %get3A_221 = arith.constant 0 : index
    %get3A_222 = vector.load %arg1[%get3A_220, %get3A_221] : memref<5120x1xf32, #tpu.memory_space<vmem>>, vector<128x1xf32>
    %dot_general3A_223 = arith.constant dense<0.000000e+00> : vector<512x1xf32>
    %dot_general3A_224 = tpu.matmul %select_n3A_219, %get3A_222, %dot_general3A_223 {dimension_numbers = #tpu.dot_dimension_numbers<[1], [0], [0], [1], [0, 0, 1, 1], [], []>, precision = #tpu.contract_precision<fp32>, transpose_lhs_hint = false} : vector<512x128xf32>, vector<128x1xf32>, vector<512x1xf32> -> vector<512x1xf32>
    %add3A_225 = arith.addf %add3A_195, %dot_general3A_224 : vector<512x1xf32>
    %get3A_226 = arith.constant 768 : index
    %get3A_227 = arith.constant 0 : index
    %get3A_228 = vector.load %arg2[%get3A_226, %get3A_227] : memref<5120x1xf32, #tpu.memory_space<vmem>>, vector<128x1xf32>
    %dot_general3A_229 = arith.constant dense<0.000000e+00> : vector<512x1xf32>
    %dot_general3A_230 = tpu.matmul %select_n3A_219, %get3A_228, %dot_general3A_229 {dimension_numbers = #tpu.dot_dimension_numbers<[1], [0], [0], [1], [0, 0, 1, 1], [], []>, precision = #tpu.contract_precision<fp32>, transpose_lhs_hint = false} : vector<512x128xf32>, vector<128x1xf32>, vector<512x1xf32> -> vector<512x1xf32>
    %add3A_231 = arith.addf %add3A_201, %dot_general3A_230 : vector<512x1xf32>
    %get3A_232 = arith.constant 768 : index
    %get3A_233 = arith.constant 0 : index
    %get3A_234 = vector.load %arg3[%get3A_232, %get3A_233] : memref<5120x1xf32, #tpu.memory_space<vmem>>, vector<128x1xf32>
    %dot_general3A_235 = arith.constant dense<0.000000e+00> : vector<512x1xf32>
    %dot_general3A_236 = tpu.matmul %select_n3A_219, %get3A_234, %dot_general3A_235 {dimension_numbers = #tpu.dot_dimension_numbers<[1], [0], [0], [1], [0, 0, 1, 1], [], []>, precision = #tpu.contract_precision<fp32>, transpose_lhs_hint = false} : vector<512x128xf32>, vector<128x1xf32>, vector<512x1xf32> -> vector<512x1xf32>
    %add3A_237 = arith.addf %add3A_207, %dot_general3A_236 : vector<512x1xf32>
    %slice3A_238 = vector.extract_strided_slice %add3A_13 {offsets = [7, 0], sizes = [1, 128], strides = [1, 1]} : vector<40x128xf32> to vector<1x128xf32>
    %eq3A_239 = vector.broadcast %slice3A_238 : vector<1x128xf32> to vector<512x128xf32>
    %eq3A_240 = vector.broadcast %convert_element_type3A_25 : vector<512x1xf32> to vector<512x128xf32>
    %eq3A_241 = arith.cmpf oeq, %eq3A_239, %eq3A_240 : vector<512x128xf32>
    %slice3A_242 = vector.extract_strided_slice %and3A {offsets = [7, 0], sizes = [1, 128], strides = [1, 1]} : vector<40x128xi1> to vector<1x128xi1>
    %and3A_243 = vector.broadcast %slice3A_242 : vector<1x128xi1> to vector<512x128xi1>
    %and3A_244 = arith.andi %eq3A_241, %and3A_243 : vector<512x128xi1>
    %jit3A_245 = arith.constant 1.000000e+00 : f32
    %jit3A_246 = arith.constant 0.000000e+00 : f32
    %broadcast_in_dim3A_247 = vector.broadcast %jit3A_245 : f32 to vector<512x128xf32>
    %broadcast_in_dim3A_248 = vector.broadcast %jit3A_246 : f32 to vector<512x128xf32>
    %select_n3A_249 = arith.select %and3A_244, %broadcast_in_dim3A_247, %broadcast_in_dim3A_248 : vector<512x128xi1>, vector<512x128xf32>
    %get3A_250 = arith.constant 896 : index
    %get3A_251 = arith.constant 0 : index
    %get3A_252 = vector.load %arg1[%get3A_250, %get3A_251] : memref<5120x1xf32, #tpu.memory_space<vmem>>, vector<128x1xf32>
    %dot_general3A_253 = arith.constant dense<0.000000e+00> : vector<512x1xf32>
    %dot_general3A_254 = tpu.matmul %select_n3A_249, %get3A_252, %dot_general3A_253 {dimension_numbers = #tpu.dot_dimension_numbers<[1], [0], [0], [1], [0, 0, 1, 1], [], []>, precision = #tpu.contract_precision<fp32>, transpose_lhs_hint = false} : vector<512x128xf32>, vector<128x1xf32>, vector<512x1xf32> -> vector<512x1xf32>
    %add3A_255 = arith.addf %add3A_225, %dot_general3A_254 : vector<512x1xf32>
    %get3A_256 = arith.constant 896 : index
    %get3A_257 = arith.constant 0 : index
    %get3A_258 = vector.load %arg2[%get3A_256, %get3A_257] : memref<5120x1xf32, #tpu.memory_space<vmem>>, vector<128x1xf32>
    %dot_general3A_259 = arith.constant dense<0.000000e+00> : vector<512x1xf32>
    %dot_general3A_260 = tpu.matmul %select_n3A_249, %get3A_258, %dot_general3A_259 {dimension_numbers = #tpu.dot_dimension_numbers<[1], [0], [0], [1], [0, 0, 1, 1], [], []>, precision = #tpu.contract_precision<fp32>, transpose_lhs_hint = false} : vector<512x128xf32>, vector<128x1xf32>, vector<512x1xf32> -> vector<512x1xf32>
    %add3A_261 = arith.addf %add3A_231, %dot_general3A_260 : vector<512x1xf32>
    %get3A_262 = arith.constant 896 : index
    %get3A_263 = arith.constant 0 : index
    %get3A_264 = vector.load %arg3[%get3A_262, %get3A_263] : memref<5120x1xf32, #tpu.memory_space<vmem>>, vector<128x1xf32>
    %dot_general3A_265 = arith.constant dense<0.000000e+00> : vector<512x1xf32>
    %dot_general3A_266 = tpu.matmul %select_n3A_249, %get3A_264, %dot_general3A_265 {dimension_numbers = #tpu.dot_dimension_numbers<[1], [0], [0], [1], [0, 0, 1, 1], [], []>, precision = #tpu.contract_precision<fp32>, transpose_lhs_hint = false} : vector<512x128xf32>, vector<128x1xf32>, vector<512x1xf32> -> vector<512x1xf32>
    %add3A_267 = arith.addf %add3A_237, %dot_general3A_266 : vector<512x1xf32>
    %slice3A_268 = vector.extract_strided_slice %add3A_13 {offsets = [8, 0], sizes = [1, 128], strides = [1, 1]} : vector<40x128xf32> to vector<1x128xf32>
    %eq3A_269 = vector.broadcast %slice3A_268 : vector<1x128xf32> to vector<512x128xf32>
    %eq3A_270 = vector.broadcast %convert_element_type3A_25 : vector<512x1xf32> to vector<512x128xf32>
    %eq3A_271 = arith.cmpf oeq, %eq3A_269, %eq3A_270 : vector<512x128xf32>
    %slice3A_272 = vector.extract_strided_slice %and3A {offsets = [8, 0], sizes = [1, 128], strides = [1, 1]} : vector<40x128xi1> to vector<1x128xi1>
    %and3A_273 = vector.broadcast %slice3A_272 : vector<1x128xi1> to vector<512x128xi1>
    %and3A_274 = arith.andi %eq3A_271, %and3A_273 : vector<512x128xi1>
    %jit3A_275 = arith.constant 1.000000e+00 : f32
    %jit3A_276 = arith.constant 0.000000e+00 : f32
    %broadcast_in_dim3A_277 = vector.broadcast %jit3A_275 : f32 to vector<512x128xf32>
    %broadcast_in_dim3A_278 = vector.broadcast %jit3A_276 : f32 to vector<512x128xf32>
    %select_n3A_279 = arith.select %and3A_274, %broadcast_in_dim3A_277, %broadcast_in_dim3A_278 : vector<512x128xi1>, vector<512x128xf32>
    %get3A_280 = arith.constant 1024 : index
    %get3A_281 = arith.constant 0 : index
    %get3A_282 = vector.load %arg1[%get3A_280, %get3A_281] : memref<5120x1xf32, #tpu.memory_space<vmem>>, vector<128x1xf32>
    %dot_general3A_283 = arith.constant dense<0.000000e+00> : vector<512x1xf32>
    %dot_general3A_284 = tpu.matmul %select_n3A_279, %get3A_282, %dot_general3A_283 {dimension_numbers = #tpu.dot_dimension_numbers<[1], [0], [0], [1], [0, 0, 1, 1], [], []>, precision = #tpu.contract_precision<fp32>, transpose_lhs_hint = false} : vector<512x128xf32>, vector<128x1xf32>, vector<512x1xf32> -> vector<512x1xf32>
    %add3A_285 = arith.addf %add3A_255, %dot_general3A_284 : vector<512x1xf32>
    %get3A_286 = arith.constant 1024 : index
    %get3A_287 = arith.constant 0 : index
    %get3A_288 = vector.load %arg2[%get3A_286, %get3A_287] : memref<5120x1xf32, #tpu.memory_space<vmem>>, vector<128x1xf32>
    %dot_general3A_289 = arith.constant dense<0.000000e+00> : vector<512x1xf32>
    %dot_general3A_290 = tpu.matmul %select_n3A_279, %get3A_288, %dot_general3A_289 {dimension_numbers = #tpu.dot_dimension_numbers<[1], [0], [0], [1], [0, 0, 1, 1], [], []>, precision = #tpu.contract_precision<fp32>, transpose_lhs_hint = false} : vector<512x128xf32>, vector<128x1xf32>, vector<512x1xf32> -> vector<512x1xf32>
    %add3A_291 = arith.addf %add3A_261, %dot_general3A_290 : vector<512x1xf32>
    %get3A_292 = arith.constant 1024 : index
    %get3A_293 = arith.constant 0 : index
    %get3A_294 = vector.load %arg3[%get3A_292, %get3A_293] : memref<5120x1xf32, #tpu.memory_space<vmem>>, vector<128x1xf32>
    %dot_general3A_295 = arith.constant dense<0.000000e+00> : vector<512x1xf32>
    %dot_general3A_296 = tpu.matmul %select_n3A_279, %get3A_294, %dot_general3A_295 {dimension_numbers = #tpu.dot_dimension_numbers<[1], [0], [0], [1], [0, 0, 1, 1], [], []>, precision = #tpu.contract_precision<fp32>, transpose_lhs_hint = false} : vector<512x128xf32>, vector<128x1xf32>, vector<512x1xf32> -> vector<512x1xf32>
    %add3A_297 = arith.addf %add3A_267, %dot_general3A_296 : vector<512x1xf32>
    %slice3A_298 = vector.extract_strided_slice %add3A_13 {offsets = [9, 0], sizes = [1, 128], strides = [1, 1]} : vector<40x128xf32> to vector<1x128xf32>
    %eq3A_299 = vector.broadcast %slice3A_298 : vector<1x128xf32> to vector<512x128xf32>
    %eq3A_300 = vector.broadcast %convert_element_type3A_25 : vector<512x1xf32> to vector<512x128xf32>
    %eq3A_301 = arith.cmpf oeq, %eq3A_299, %eq3A_300 : vector<512x128xf32>
    %slice3A_302 = vector.extract_strided_slice %and3A {offsets = [9, 0], sizes = [1, 128], strides = [1, 1]} : vector<40x128xi1> to vector<1x128xi1>
    %and3A_303 = vector.broadcast %slice3A_302 : vector<1x128xi1> to vector<512x128xi1>
    %and3A_304 = arith.andi %eq3A_301, %and3A_303 : vector<512x128xi1>
    %jit3A_305 = arith.constant 1.000000e+00 : f32
    %jit3A_306 = arith.constant 0.000000e+00 : f32
    %broadcast_in_dim3A_307 = vector.broadcast %jit3A_305 : f32 to vector<512x128xf32>
    %broadcast_in_dim3A_308 = vector.broadcast %jit3A_306 : f32 to vector<512x128xf32>
    %select_n3A_309 = arith.select %and3A_304, %broadcast_in_dim3A_307, %broadcast_in_dim3A_308 : vector<512x128xi1>, vector<512x128xf32>
    %get3A_310 = arith.constant 1152 : index
    %get3A_311 = arith.constant 0 : index
    %get3A_312 = vector.load %arg1[%get3A_310, %get3A_311] : memref<5120x1xf32, #tpu.memory_space<vmem>>, vector<128x1xf32>
    %dot_general3A_313 = arith.constant dense<0.000000e+00> : vector<512x1xf32>
    %dot_general3A_314 = tpu.matmul %select_n3A_309, %get3A_312, %dot_general3A_313 {dimension_numbers = #tpu.dot_dimension_numbers<[1], [0], [0], [1], [0, 0, 1, 1], [], []>, precision = #tpu.contract_precision<fp32>, transpose_lhs_hint = false} : vector<512x128xf32>, vector<128x1xf32>, vector<512x1xf32> -> vector<512x1xf32>
    %add3A_315 = arith.addf %add3A_285, %dot_general3A_314 : vector<512x1xf32>
    %get3A_316 = arith.constant 1152 : index
    %get3A_317 = arith.constant 0 : index
    %get3A_318 = vector.load %arg2[%get3A_316, %get3A_317] : memref<5120x1xf32, #tpu.memory_space<vmem>>, vector<128x1xf32>
    %dot_general3A_319 = arith.constant dense<0.000000e+00> : vector<512x1xf32>
    %dot_general3A_320 = tpu.matmul %select_n3A_309, %get3A_318, %dot_general3A_319 {dimension_numbers = #tpu.dot_dimension_numbers<[1], [0], [0], [1], [0, 0, 1, 1], [], []>, precision = #tpu.contract_precision<fp32>, transpose_lhs_hint = false} : vector<512x128xf32>, vector<128x1xf32>, vector<512x1xf32> -> vector<512x1xf32>
    %add3A_321 = arith.addf %add3A_291, %dot_general3A_320 : vector<512x1xf32>
    %get3A_322 = arith.constant 1152 : index
    %get3A_323 = arith.constant 0 : index
    %get3A_324 = vector.load %arg3[%get3A_322, %get3A_323] : memref<5120x1xf32, #tpu.memory_space<vmem>>, vector<128x1xf32>
    %dot_general3A_325 = arith.constant dense<0.000000e+00> : vector<512x1xf32>
    %dot_general3A_326 = tpu.matmul %select_n3A_309, %get3A_324, %dot_general3A_325 {dimension_numbers = #tpu.dot_dimension_numbers<[1], [0], [0], [1], [0, 0, 1, 1], [], []>, precision = #tpu.contract_precision<fp32>, transpose_lhs_hint = false} : vector<512x128xf32>, vector<128x1xf32>, vector<512x1xf32> -> vector<512x1xf32>
    %add3A_327 = arith.addf %add3A_297, %dot_general3A_326 : vector<512x1xf32>
    %slice3A_328 = vector.extract_strided_slice %add3A_13 {offsets = [10, 0], sizes = [1, 128], strides = [1, 1]} : vector<40x128xf32> to vector<1x128xf32>
    %eq3A_329 = vector.broadcast %slice3A_328 : vector<1x128xf32> to vector<512x128xf32>
    %eq3A_330 = vector.broadcast %convert_element_type3A_25 : vector<512x1xf32> to vector<512x128xf32>
    %eq3A_331 = arith.cmpf oeq, %eq3A_329, %eq3A_330 : vector<512x128xf32>
    %slice3A_332 = vector.extract_strided_slice %and3A {offsets = [10, 0], sizes = [1, 128], strides = [1, 1]} : vector<40x128xi1> to vector<1x128xi1>
    %and3A_333 = vector.broadcast %slice3A_332 : vector<1x128xi1> to vector<512x128xi1>
    %and3A_334 = arith.andi %eq3A_331, %and3A_333 : vector<512x128xi1>
    %jit3A_335 = arith.constant 1.000000e+00 : f32
    %jit3A_336 = arith.constant 0.000000e+00 : f32
    %broadcast_in_dim3A_337 = vector.broadcast %jit3A_335 : f32 to vector<512x128xf32>
    %broadcast_in_dim3A_338 = vector.broadcast %jit3A_336 : f32 to vector<512x128xf32>
    %select_n3A_339 = arith.select %and3A_334, %broadcast_in_dim3A_337, %broadcast_in_dim3A_338 : vector<512x128xi1>, vector<512x128xf32>
    %get3A_340 = arith.constant 1280 : index
    %get3A_341 = arith.constant 0 : index
    %get3A_342 = vector.load %arg1[%get3A_340, %get3A_341] : memref<5120x1xf32, #tpu.memory_space<vmem>>, vector<128x1xf32>
    %dot_general3A_343 = arith.constant dense<0.000000e+00> : vector<512x1xf32>
    %dot_general3A_344 = tpu.matmul %select_n3A_339, %get3A_342, %dot_general3A_343 {dimension_numbers = #tpu.dot_dimension_numbers<[1], [0], [0], [1], [0, 0, 1, 1], [], []>, precision = #tpu.contract_precision<fp32>, transpose_lhs_hint = false} : vector<512x128xf32>, vector<128x1xf32>, vector<512x1xf32> -> vector<512x1xf32>
    %add3A_345 = arith.addf %add3A_315, %dot_general3A_344 : vector<512x1xf32>
    %get3A_346 = arith.constant 1280 : index
    %get3A_347 = arith.constant 0 : index
    %get3A_348 = vector.load %arg2[%get3A_346, %get3A_347] : memref<5120x1xf32, #tpu.memory_space<vmem>>, vector<128x1xf32>
    %dot_general3A_349 = arith.constant dense<0.000000e+00> : vector<512x1xf32>
    %dot_general3A_350 = tpu.matmul %select_n3A_339, %get3A_348, %dot_general3A_349 {dimension_numbers = #tpu.dot_dimension_numbers<[1], [0], [0], [1], [0, 0, 1, 1], [], []>, precision = #tpu.contract_precision<fp32>, transpose_lhs_hint = false} : vector<512x128xf32>, vector<128x1xf32>, vector<512x1xf32> -> vector<512x1xf32>
    %add3A_351 = arith.addf %add3A_321, %dot_general3A_350 : vector<512x1xf32>
    %get3A_352 = arith.constant 1280 : index
    %get3A_353 = arith.constant 0 : index
    %get3A_354 = vector.load %arg3[%get3A_352, %get3A_353] : memref<5120x1xf32, #tpu.memory_space<vmem>>, vector<128x1xf32>
    %dot_general3A_355 = arith.constant dense<0.000000e+00> : vector<512x1xf32>
    %dot_general3A_356 = tpu.matmul %select_n3A_339, %get3A_354, %dot_general3A_355 {dimension_numbers = #tpu.dot_dimension_numbers<[1], [0], [0], [1], [0, 0, 1, 1], [], []>, precision = #tpu.contract_precision<fp32>, transpose_lhs_hint = false} : vector<512x128xf32>, vector<128x1xf32>, vector<512x1xf32> -> vector<512x1xf32>
    %add3A_357 = arith.addf %add3A_327, %dot_general3A_356 : vector<512x1xf32>
    %slice3A_358 = vector.extract_strided_slice %add3A_13 {offsets = [11, 0], sizes = [1, 128], strides = [1, 1]} : vector<40x128xf32> to vector<1x128xf32>
    %eq3A_359 = vector.broadcast %slice3A_358 : vector<1x128xf32> to vector<512x128xf32>
    %eq3A_360 = vector.broadcast %convert_element_type3A_25 : vector<512x1xf32> to vector<512x128xf32>
    %eq3A_361 = arith.cmpf oeq, %eq3A_359, %eq3A_360 : vector<512x128xf32>
    %slice3A_362 = vector.extract_strided_slice %and3A {offsets = [11, 0], sizes = [1, 128], strides = [1, 1]} : vector<40x128xi1> to vector<1x128xi1>
    %and3A_363 = vector.broadcast %slice3A_362 : vector<1x128xi1> to vector<512x128xi1>
    %and3A_364 = arith.andi %eq3A_361, %and3A_363 : vector<512x128xi1>
    %jit3A_365 = arith.constant 1.000000e+00 : f32
    %jit3A_366 = arith.constant 0.000000e+00 : f32
    %broadcast_in_dim3A_367 = vector.broadcast %jit3A_365 : f32 to vector<512x128xf32>
    %broadcast_in_dim3A_368 = vector.broadcast %jit3A_366 : f32 to vector<512x128xf32>
    %select_n3A_369 = arith.select %and3A_364, %broadcast_in_dim3A_367, %broadcast_in_dim3A_368 : vector<512x128xi1>, vector<512x128xf32>
    %get3A_370 = arith.constant 1408 : index
    %get3A_371 = arith.constant 0 : index
    %get3A_372 = vector.load %arg1[%get3A_370, %get3A_371] : memref<5120x1xf32, #tpu.memory_space<vmem>>, vector<128x1xf32>
    %dot_general3A_373 = arith.constant dense<0.000000e+00> : vector<512x1xf32>
    %dot_general3A_374 = tpu.matmul %select_n3A_369, %get3A_372, %dot_general3A_373 {dimension_numbers = #tpu.dot_dimension_numbers<[1], [0], [0], [1], [0, 0, 1, 1], [], []>, precision = #tpu.contract_precision<fp32>, transpose_lhs_hint = false} : vector<512x128xf32>, vector<128x1xf32>, vector<512x1xf32> -> vector<512x1xf32>
    %add3A_375 = arith.addf %add3A_345, %dot_general3A_374 : vector<512x1xf32>
    %get3A_376 = arith.constant 1408 : index
    %get3A_377 = arith.constant 0 : index
    %get3A_378 = vector.load %arg2[%get3A_376, %get3A_377] : memref<5120x1xf32, #tpu.memory_space<vmem>>, vector<128x1xf32>
    %dot_general3A_379 = arith.constant dense<0.000000e+00> : vector<512x1xf32>
    %dot_general3A_380 = tpu.matmul %select_n3A_369, %get3A_378, %dot_general3A_379 {dimension_numbers = #tpu.dot_dimension_numbers<[1], [0], [0], [1], [0, 0, 1, 1], [], []>, precision = #tpu.contract_precision<fp32>, transpose_lhs_hint = false} : vector<512x128xf32>, vector<128x1xf32>, vector<512x1xf32> -> vector<512x1xf32>
    %add3A_381 = arith.addf %add3A_351, %dot_general3A_380 : vector<512x1xf32>
    %get3A_382 = arith.constant 1408 : index
    %get3A_383 = arith.constant 0 : index
    %get3A_384 = vector.load %arg3[%get3A_382, %get3A_383] : memref<5120x1xf32, #tpu.memory_space<vmem>>, vector<128x1xf32>
    %dot_general3A_385 = arith.constant dense<0.000000e+00> : vector<512x1xf32>
    %dot_general3A_386 = tpu.matmul %select_n3A_369, %get3A_384, %dot_general3A_385 {dimension_numbers = #tpu.dot_dimension_numbers<[1], [0], [0], [1], [0, 0, 1, 1], [], []>, precision = #tpu.contract_precision<fp32>, transpose_lhs_hint = false} : vector<512x128xf32>, vector<128x1xf32>, vector<512x1xf32> -> vector<512x1xf32>
    %add3A_387 = arith.addf %add3A_357, %dot_general3A_386 : vector<512x1xf32>
    %slice3A_388 = vector.extract_strided_slice %add3A_13 {offsets = [12, 0], sizes = [1, 128], strides = [1, 1]} : vector<40x128xf32> to vector<1x128xf32>
    %eq3A_389 = vector.broadcast %slice3A_388 : vector<1x128xf32> to vector<512x128xf32>
    %eq3A_390 = vector.broadcast %convert_element_type3A_25 : vector<512x1xf32> to vector<512x128xf32>
    %eq3A_391 = arith.cmpf oeq, %eq3A_389, %eq3A_390 : vector<512x128xf32>
    %slice3A_392 = vector.extract_strided_slice %and3A {offsets = [12, 0], sizes = [1, 128], strides = [1, 1]} : vector<40x128xi1> to vector<1x128xi1>
    %and3A_393 = vector.broadcast %slice3A_392 : vector<1x128xi1> to vector<512x128xi1>
    %and3A_394 = arith.andi %eq3A_391, %and3A_393 : vector<512x128xi1>
    %jit3A_395 = arith.constant 1.000000e+00 : f32
    %jit3A_396 = arith.constant 0.000000e+00 : f32
    %broadcast_in_dim3A_397 = vector.broadcast %jit3A_395 : f32 to vector<512x128xf32>
    %broadcast_in_dim3A_398 = vector.broadcast %jit3A_396 : f32 to vector<512x128xf32>
    %select_n3A_399 = arith.select %and3A_394, %broadcast_in_dim3A_397, %broadcast_in_dim3A_398 : vector<512x128xi1>, vector<512x128xf32>
    %get3A_400 = arith.constant 1536 : index
    %get3A_401 = arith.constant 0 : index
    %get3A_402 = vector.load %arg1[%get3A_400, %get3A_401] : memref<5120x1xf32, #tpu.memory_space<vmem>>, vector<128x1xf32>
    %dot_general3A_403 = arith.constant dense<0.000000e+00> : vector<512x1xf32>
    %dot_general3A_404 = tpu.matmul %select_n3A_399, %get3A_402, %dot_general3A_403 {dimension_numbers = #tpu.dot_dimension_numbers<[1], [0], [0], [1], [0, 0, 1, 1], [], []>, precision = #tpu.contract_precision<fp32>, transpose_lhs_hint = false} : vector<512x128xf32>, vector<128x1xf32>, vector<512x1xf32> -> vector<512x1xf32>
    %add3A_405 = arith.addf %add3A_375, %dot_general3A_404 : vector<512x1xf32>
    %get3A_406 = arith.constant 1536 : index
    %get3A_407 = arith.constant 0 : index
    %get3A_408 = vector.load %arg2[%get3A_406, %get3A_407] : memref<5120x1xf32, #tpu.memory_space<vmem>>, vector<128x1xf32>
    %dot_general3A_409 = arith.constant dense<0.000000e+00> : vector<512x1xf32>
    %dot_general3A_410 = tpu.matmul %select_n3A_399, %get3A_408, %dot_general3A_409 {dimension_numbers = #tpu.dot_dimension_numbers<[1], [0], [0], [1], [0, 0, 1, 1], [], []>, precision = #tpu.contract_precision<fp32>, transpose_lhs_hint = false} : vector<512x128xf32>, vector<128x1xf32>, vector<512x1xf32> -> vector<512x1xf32>
    %add3A_411 = arith.addf %add3A_381, %dot_general3A_410 : vector<512x1xf32>
    %get3A_412 = arith.constant 1536 : index
    %get3A_413 = arith.constant 0 : index
    %get3A_414 = vector.load %arg3[%get3A_412, %get3A_413] : memref<5120x1xf32, #tpu.memory_space<vmem>>, vector<128x1xf32>
    %dot_general3A_415 = arith.constant dense<0.000000e+00> : vector<512x1xf32>
    %dot_general3A_416 = tpu.matmul %select_n3A_399, %get3A_414, %dot_general3A_415 {dimension_numbers = #tpu.dot_dimension_numbers<[1], [0], [0], [1], [0, 0, 1, 1], [], []>, precision = #tpu.contract_precision<fp32>, transpose_lhs_hint = false} : vector<512x128xf32>, vector<128x1xf32>, vector<512x1xf32> -> vector<512x1xf32>
    %add3A_417 = arith.addf %add3A_387, %dot_general3A_416 : vector<512x1xf32>
    %slice3A_418 = vector.extract_strided_slice %add3A_13 {offsets = [13, 0], sizes = [1, 128], strides = [1, 1]} : vector<40x128xf32> to vector<1x128xf32>
    %eq3A_419 = vector.broadcast %slice3A_418 : vector<1x128xf32> to vector<512x128xf32>
    %eq3A_420 = vector.broadcast %convert_element_type3A_25 : vector<512x1xf32> to vector<512x128xf32>
    %eq3A_421 = arith.cmpf oeq, %eq3A_419, %eq3A_420 : vector<512x128xf32>
    %slice3A_422 = vector.extract_strided_slice %and3A {offsets = [13, 0], sizes = [1, 128], strides = [1, 1]} : vector<40x128xi1> to vector<1x128xi1>
    %and3A_423 = vector.broadcast %slice3A_422 : vector<1x128xi1> to vector<512x128xi1>
    %and3A_424 = arith.andi %eq3A_421, %and3A_423 : vector<512x128xi1>
    %jit3A_425 = arith.constant 1.000000e+00 : f32
    %jit3A_426 = arith.constant 0.000000e+00 : f32
    %broadcast_in_dim3A_427 = vector.broadcast %jit3A_425 : f32 to vector<512x128xf32>
    %broadcast_in_dim3A_428 = vector.broadcast %jit3A_426 : f32 to vector<512x128xf32>
    %select_n3A_429 = arith.select %and3A_424, %broadcast_in_dim3A_427, %broadcast_in_dim3A_428 : vector<512x128xi1>, vector<512x128xf32>
    %get3A_430 = arith.constant 1664 : index
    %get3A_431 = arith.constant 0 : index
    %get3A_432 = vector.load %arg1[%get3A_430, %get3A_431] : memref<5120x1xf32, #tpu.memory_space<vmem>>, vector<128x1xf32>
    %dot_general3A_433 = arith.constant dense<0.000000e+00> : vector<512x1xf32>
    %dot_general3A_434 = tpu.matmul %select_n3A_429, %get3A_432, %dot_general3A_433 {dimension_numbers = #tpu.dot_dimension_numbers<[1], [0], [0], [1], [0, 0, 1, 1], [], []>, precision = #tpu.contract_precision<fp32>, transpose_lhs_hint = false} : vector<512x128xf32>, vector<128x1xf32>, vector<512x1xf32> -> vector<512x1xf32>
    %add3A_435 = arith.addf %add3A_405, %dot_general3A_434 : vector<512x1xf32>
    %get3A_436 = arith.constant 1664 : index
    %get3A_437 = arith.constant 0 : index
    %get3A_438 = vector.load %arg2[%get3A_436, %get3A_437] : memref<5120x1xf32, #tpu.memory_space<vmem>>, vector<128x1xf32>
    %dot_general3A_439 = arith.constant dense<0.000000e+00> : vector<512x1xf32>
    %dot_general3A_440 = tpu.matmul %select_n3A_429, %get3A_438, %dot_general3A_439 {dimension_numbers = #tpu.dot_dimension_numbers<[1], [0], [0], [1], [0, 0, 1, 1], [], []>, precision = #tpu.contract_precision<fp32>, transpose_lhs_hint = false} : vector<512x128xf32>, vector<128x1xf32>, vector<512x1xf32> -> vector<512x1xf32>
    %add3A_441 = arith.addf %add3A_411, %dot_general3A_440 : vector<512x1xf32>
    %get3A_442 = arith.constant 1664 : index
    %get3A_443 = arith.constant 0 : index
    %get3A_444 = vector.load %arg3[%get3A_442, %get3A_443] : memref<5120x1xf32, #tpu.memory_space<vmem>>, vector<128x1xf32>
    %dot_general3A_445 = arith.constant dense<0.000000e+00> : vector<512x1xf32>
    %dot_general3A_446 = tpu.matmul %select_n3A_429, %get3A_444, %dot_general3A_445 {dimension_numbers = #tpu.dot_dimension_numbers<[1], [0], [0], [1], [0, 0, 1, 1], [], []>, precision = #tpu.contract_precision<fp32>, transpose_lhs_hint = false} : vector<512x128xf32>, vector<128x1xf32>, vector<512x1xf32> -> vector<512x1xf32>
    %add3A_447 = arith.addf %add3A_417, %dot_general3A_446 : vector<512x1xf32>
    %slice3A_448 = vector.extract_strided_slice %add3A_13 {offsets = [14, 0], sizes = [1, 128], strides = [1, 1]} : vector<40x128xf32> to vector<1x128xf32>
    %eq3A_449 = vector.broadcast %slice3A_448 : vector<1x128xf32> to vector<512x128xf32>
    %eq3A_450 = vector.broadcast %convert_element_type3A_25 : vector<512x1xf32> to vector<512x128xf32>
    %eq3A_451 = arith.cmpf oeq, %eq3A_449, %eq3A_450 : vector<512x128xf32>
    %slice3A_452 = vector.extract_strided_slice %and3A {offsets = [14, 0], sizes = [1, 128], strides = [1, 1]} : vector<40x128xi1> to vector<1x128xi1>
    %and3A_453 = vector.broadcast %slice3A_452 : vector<1x128xi1> to vector<512x128xi1>
    %and3A_454 = arith.andi %eq3A_451, %and3A_453 : vector<512x128xi1>
    %jit3A_455 = arith.constant 1.000000e+00 : f32
    %jit3A_456 = arith.constant 0.000000e+00 : f32
    %broadcast_in_dim3A_457 = vector.broadcast %jit3A_455 : f32 to vector<512x128xf32>
    %broadcast_in_dim3A_458 = vector.broadcast %jit3A_456 : f32 to vector<512x128xf32>
    %select_n3A_459 = arith.select %and3A_454, %broadcast_in_dim3A_457, %broadcast_in_dim3A_458 : vector<512x128xi1>, vector<512x128xf32>
    %get3A_460 = arith.constant 1792 : index
    %get3A_461 = arith.constant 0 : index
    %get3A_462 = vector.load %arg1[%get3A_460, %get3A_461] : memref<5120x1xf32, #tpu.memory_space<vmem>>, vector<128x1xf32>
    %dot_general3A_463 = arith.constant dense<0.000000e+00> : vector<512x1xf32>
    %dot_general3A_464 = tpu.matmul %select_n3A_459, %get3A_462, %dot_general3A_463 {dimension_numbers = #tpu.dot_dimension_numbers<[1], [0], [0], [1], [0, 0, 1, 1], [], []>, precision = #tpu.contract_precision<fp32>, transpose_lhs_hint = false} : vector<512x128xf32>, vector<128x1xf32>, vector<512x1xf32> -> vector<512x1xf32>
    %add3A_465 = arith.addf %add3A_435, %dot_general3A_464 : vector<512x1xf32>
    %get3A_466 = arith.constant 1792 : index
    %get3A_467 = arith.constant 0 : index
    %get3A_468 = vector.load %arg2[%get3A_466, %get3A_467] : memref<5120x1xf32, #tpu.memory_space<vmem>>, vector<128x1xf32>
    %dot_general3A_469 = arith.constant dense<0.000000e+00> : vector<512x1xf32>
    %dot_general3A_470 = tpu.matmul %select_n3A_459, %get3A_468, %dot_general3A_469 {dimension_numbers = #tpu.dot_dimension_numbers<[1], [0], [0], [1], [0, 0, 1, 1], [], []>, precision = #tpu.contract_precision<fp32>, transpose_lhs_hint = false} : vector<512x128xf32>, vector<128x1xf32>, vector<512x1xf32> -> vector<512x1xf32>
    %add3A_471 = arith.addf %add3A_441, %dot_general3A_470 : vector<512x1xf32>
    %get3A_472 = arith.constant 1792 : index
    %get3A_473 = arith.constant 0 : index
    %get3A_474 = vector.load %arg3[%get3A_472, %get3A_473] : memref<5120x1xf32, #tpu.memory_space<vmem>>, vector<128x1xf32>
    %dot_general3A_475 = arith.constant dense<0.000000e+00> : vector<512x1xf32>
    %dot_general3A_476 = tpu.matmul %select_n3A_459, %get3A_474, %dot_general3A_475 {dimension_numbers = #tpu.dot_dimension_numbers<[1], [0], [0], [1], [0, 0, 1, 1], [], []>, precision = #tpu.contract_precision<fp32>, transpose_lhs_hint = false} : vector<512x128xf32>, vector<128x1xf32>, vector<512x1xf32> -> vector<512x1xf32>
    %add3A_477 = arith.addf %add3A_447, %dot_general3A_476 : vector<512x1xf32>
    %slice3A_478 = vector.extract_strided_slice %add3A_13 {offsets = [15, 0], sizes = [1, 128], strides = [1, 1]} : vector<40x128xf32> to vector<1x128xf32>
    %eq3A_479 = vector.broadcast %slice3A_478 : vector<1x128xf32> to vector<512x128xf32>
    %eq3A_480 = vector.broadcast %convert_element_type3A_25 : vector<512x1xf32> to vector<512x128xf32>
    %eq3A_481 = arith.cmpf oeq, %eq3A_479, %eq3A_480 : vector<512x128xf32>
    %slice3A_482 = vector.extract_strided_slice %and3A {offsets = [15, 0], sizes = [1, 128], strides = [1, 1]} : vector<40x128xi1> to vector<1x128xi1>
    %and3A_483 = vector.broadcast %slice3A_482 : vector<1x128xi1> to vector<512x128xi1>
    %and3A_484 = arith.andi %eq3A_481, %and3A_483 : vector<512x128xi1>
    %jit3A_485 = arith.constant 1.000000e+00 : f32
    %jit3A_486 = arith.constant 0.000000e+00 : f32
    %broadcast_in_dim3A_487 = vector.broadcast %jit3A_485 : f32 to vector<512x128xf32>
    %broadcast_in_dim3A_488 = vector.broadcast %jit3A_486 : f32 to vector<512x128xf32>
    %select_n3A_489 = arith.select %and3A_484, %broadcast_in_dim3A_487, %broadcast_in_dim3A_488 : vector<512x128xi1>, vector<512x128xf32>
    %get3A_490 = arith.constant 1920 : index
    %get3A_491 = arith.constant 0 : index
    %get3A_492 = vector.load %arg1[%get3A_490, %get3A_491] : memref<5120x1xf32, #tpu.memory_space<vmem>>, vector<128x1xf32>
    %dot_general3A_493 = arith.constant dense<0.000000e+00> : vector<512x1xf32>
    %dot_general3A_494 = tpu.matmul %select_n3A_489, %get3A_492, %dot_general3A_493 {dimension_numbers = #tpu.dot_dimension_numbers<[1], [0], [0], [1], [0, 0, 1, 1], [], []>, precision = #tpu.contract_precision<fp32>, transpose_lhs_hint = false} : vector<512x128xf32>, vector<128x1xf32>, vector<512x1xf32> -> vector<512x1xf32>
    %add3A_495 = arith.addf %add3A_465, %dot_general3A_494 : vector<512x1xf32>
    %get3A_496 = arith.constant 1920 : index
    %get3A_497 = arith.constant 0 : index
    %get3A_498 = vector.load %arg2[%get3A_496, %get3A_497] : memref<5120x1xf32, #tpu.memory_space<vmem>>, vector<128x1xf32>
    %dot_general3A_499 = arith.constant dense<0.000000e+00> : vector<512x1xf32>
    %dot_general3A_500 = tpu.matmul %select_n3A_489, %get3A_498, %dot_general3A_499 {dimension_numbers = #tpu.dot_dimension_numbers<[1], [0], [0], [1], [0, 0, 1, 1], [], []>, precision = #tpu.contract_precision<fp32>, transpose_lhs_hint = false} : vector<512x128xf32>, vector<128x1xf32>, vector<512x1xf32> -> vector<512x1xf32>
    %add3A_501 = arith.addf %add3A_471, %dot_general3A_500 : vector<512x1xf32>
    %get3A_502 = arith.constant 1920 : index
    %get3A_503 = arith.constant 0 : index
    %get3A_504 = vector.load %arg3[%get3A_502, %get3A_503] : memref<5120x1xf32, #tpu.memory_space<vmem>>, vector<128x1xf32>
    %dot_general3A_505 = arith.constant dense<0.000000e+00> : vector<512x1xf32>
    %dot_general3A_506 = tpu.matmul %select_n3A_489, %get3A_504, %dot_general3A_505 {dimension_numbers = #tpu.dot_dimension_numbers<[1], [0], [0], [1], [0, 0, 1, 1], [], []>, precision = #tpu.contract_precision<fp32>, transpose_lhs_hint = false} : vector<512x128xf32>, vector<128x1xf32>, vector<512x1xf32> -> vector<512x1xf32>
    %add3A_507 = arith.addf %add3A_477, %dot_general3A_506 : vector<512x1xf32>
    %slice3A_508 = vector.extract_strided_slice %add3A_13 {offsets = [16, 0], sizes = [1, 128], strides = [1, 1]} : vector<40x128xf32> to vector<1x128xf32>
    %eq3A_509 = vector.broadcast %slice3A_508 : vector<1x128xf32> to vector<512x128xf32>
    %eq3A_510 = vector.broadcast %convert_element_type3A_25 : vector<512x1xf32> to vector<512x128xf32>
    %eq3A_511 = arith.cmpf oeq, %eq3A_509, %eq3A_510 : vector<512x128xf32>
    %slice3A_512 = vector.extract_strided_slice %and3A {offsets = [16, 0], sizes = [1, 128], strides = [1, 1]} : vector<40x128xi1> to vector<1x128xi1>
    %and3A_513 = vector.broadcast %slice3A_512 : vector<1x128xi1> to vector<512x128xi1>
    %and3A_514 = arith.andi %eq3A_511, %and3A_513 : vector<512x128xi1>
    %jit3A_515 = arith.constant 1.000000e+00 : f32
    %jit3A_516 = arith.constant 0.000000e+00 : f32
    %broadcast_in_dim3A_517 = vector.broadcast %jit3A_515 : f32 to vector<512x128xf32>
    %broadcast_in_dim3A_518 = vector.broadcast %jit3A_516 : f32 to vector<512x128xf32>
    %select_n3A_519 = arith.select %and3A_514, %broadcast_in_dim3A_517, %broadcast_in_dim3A_518 : vector<512x128xi1>, vector<512x128xf32>
    %get3A_520 = arith.constant 2048 : index
    %get3A_521 = arith.constant 0 : index
    %get3A_522 = vector.load %arg1[%get3A_520, %get3A_521] : memref<5120x1xf32, #tpu.memory_space<vmem>>, vector<128x1xf32>
    %dot_general3A_523 = arith.constant dense<0.000000e+00> : vector<512x1xf32>
    %dot_general3A_524 = tpu.matmul %select_n3A_519, %get3A_522, %dot_general3A_523 {dimension_numbers = #tpu.dot_dimension_numbers<[1], [0], [0], [1], [0, 0, 1, 1], [], []>, precision = #tpu.contract_precision<fp32>, transpose_lhs_hint = false} : vector<512x128xf32>, vector<128x1xf32>, vector<512x1xf32> -> vector<512x1xf32>
    %add3A_525 = arith.addf %add3A_495, %dot_general3A_524 : vector<512x1xf32>
    %get3A_526 = arith.constant 2048 : index
    %get3A_527 = arith.constant 0 : index
    %get3A_528 = vector.load %arg2[%get3A_526, %get3A_527] : memref<5120x1xf32, #tpu.memory_space<vmem>>, vector<128x1xf32>
    %dot_general3A_529 = arith.constant dense<0.000000e+00> : vector<512x1xf32>
    %dot_general3A_530 = tpu.matmul %select_n3A_519, %get3A_528, %dot_general3A_529 {dimension_numbers = #tpu.dot_dimension_numbers<[1], [0], [0], [1], [0, 0, 1, 1], [], []>, precision = #tpu.contract_precision<fp32>, transpose_lhs_hint = false} : vector<512x128xf32>, vector<128x1xf32>, vector<512x1xf32> -> vector<512x1xf32>
    %add3A_531 = arith.addf %add3A_501, %dot_general3A_530 : vector<512x1xf32>
    %get3A_532 = arith.constant 2048 : index
    %get3A_533 = arith.constant 0 : index
    %get3A_534 = vector.load %arg3[%get3A_532, %get3A_533] : memref<5120x1xf32, #tpu.memory_space<vmem>>, vector<128x1xf32>
    %dot_general3A_535 = arith.constant dense<0.000000e+00> : vector<512x1xf32>
    %dot_general3A_536 = tpu.matmul %select_n3A_519, %get3A_534, %dot_general3A_535 {dimension_numbers = #tpu.dot_dimension_numbers<[1], [0], [0], [1], [0, 0, 1, 1], [], []>, precision = #tpu.contract_precision<fp32>, transpose_lhs_hint = false} : vector<512x128xf32>, vector<128x1xf32>, vector<512x1xf32> -> vector<512x1xf32>
    %add3A_537 = arith.addf %add3A_507, %dot_general3A_536 : vector<512x1xf32>
    %slice3A_538 = vector.extract_strided_slice %add3A_13 {offsets = [17, 0], sizes = [1, 128], strides = [1, 1]} : vector<40x128xf32> to vector<1x128xf32>
    %eq3A_539 = vector.broadcast %slice3A_538 : vector<1x128xf32> to vector<512x128xf32>
    %eq3A_540 = vector.broadcast %convert_element_type3A_25 : vector<512x1xf32> to vector<512x128xf32>
    %eq3A_541 = arith.cmpf oeq, %eq3A_539, %eq3A_540 : vector<512x128xf32>
    %slice3A_542 = vector.extract_strided_slice %and3A {offsets = [17, 0], sizes = [1, 128], strides = [1, 1]} : vector<40x128xi1> to vector<1x128xi1>
    %and3A_543 = vector.broadcast %slice3A_542 : vector<1x128xi1> to vector<512x128xi1>
    %and3A_544 = arith.andi %eq3A_541, %and3A_543 : vector<512x128xi1>
    %jit3A_545 = arith.constant 1.000000e+00 : f32
    %jit3A_546 = arith.constant 0.000000e+00 : f32
    %broadcast_in_dim3A_547 = vector.broadcast %jit3A_545 : f32 to vector<512x128xf32>
    %broadcast_in_dim3A_548 = vector.broadcast %jit3A_546 : f32 to vector<512x128xf32>
    %select_n3A_549 = arith.select %and3A_544, %broadcast_in_dim3A_547, %broadcast_in_dim3A_548 : vector<512x128xi1>, vector<512x128xf32>
    %get3A_550 = arith.constant 2176 : index
    %get3A_551 = arith.constant 0 : index
    %get3A_552 = vector.load %arg1[%get3A_550, %get3A_551] : memref<5120x1xf32, #tpu.memory_space<vmem>>, vector<128x1xf32>
    %dot_general3A_553 = arith.constant dense<0.000000e+00> : vector<512x1xf32>
    %dot_general3A_554 = tpu.matmul %select_n3A_549, %get3A_552, %dot_general3A_553 {dimension_numbers = #tpu.dot_dimension_numbers<[1], [0], [0], [1], [0, 0, 1, 1], [], []>, precision = #tpu.contract_precision<fp32>, transpose_lhs_hint = false} : vector<512x128xf32>, vector<128x1xf32>, vector<512x1xf32> -> vector<512x1xf32>
    %add3A_555 = arith.addf %add3A_525, %dot_general3A_554 : vector<512x1xf32>
    %get3A_556 = arith.constant 2176 : index
    %get3A_557 = arith.constant 0 : index
    %get3A_558 = vector.load %arg2[%get3A_556, %get3A_557] : memref<5120x1xf32, #tpu.memory_space<vmem>>, vector<128x1xf32>
    %dot_general3A_559 = arith.constant dense<0.000000e+00> : vector<512x1xf32>
    %dot_general3A_560 = tpu.matmul %select_n3A_549, %get3A_558, %dot_general3A_559 {dimension_numbers = #tpu.dot_dimension_numbers<[1], [0], [0], [1], [0, 0, 1, 1], [], []>, precision = #tpu.contract_precision<fp32>, transpose_lhs_hint = false} : vector<512x128xf32>, vector<128x1xf32>, vector<512x1xf32> -> vector<512x1xf32>
    %add3A_561 = arith.addf %add3A_531, %dot_general3A_560 : vector<512x1xf32>
    %get3A_562 = arith.constant 2176 : index
    %get3A_563 = arith.constant 0 : index
    %get3A_564 = vector.load %arg3[%get3A_562, %get3A_563] : memref<5120x1xf32, #tpu.memory_space<vmem>>, vector<128x1xf32>
    %dot_general3A_565 = arith.constant dense<0.000000e+00> : vector<512x1xf32>
    %dot_general3A_566 = tpu.matmul %select_n3A_549, %get3A_564, %dot_general3A_565 {dimension_numbers = #tpu.dot_dimension_numbers<[1], [0], [0], [1], [0, 0, 1, 1], [], []>, precision = #tpu.contract_precision<fp32>, transpose_lhs_hint = false} : vector<512x128xf32>, vector<128x1xf32>, vector<512x1xf32> -> vector<512x1xf32>
    %add3A_567 = arith.addf %add3A_537, %dot_general3A_566 : vector<512x1xf32>
    %slice3A_568 = vector.extract_strided_slice %add3A_13 {offsets = [18, 0], sizes = [1, 128], strides = [1, 1]} : vector<40x128xf32> to vector<1x128xf32>
    %eq3A_569 = vector.broadcast %slice3A_568 : vector<1x128xf32> to vector<512x128xf32>
    %eq3A_570 = vector.broadcast %convert_element_type3A_25 : vector<512x1xf32> to vector<512x128xf32>
    %eq3A_571 = arith.cmpf oeq, %eq3A_569, %eq3A_570 : vector<512x128xf32>
    %slice3A_572 = vector.extract_strided_slice %and3A {offsets = [18, 0], sizes = [1, 128], strides = [1, 1]} : vector<40x128xi1> to vector<1x128xi1>
    %and3A_573 = vector.broadcast %slice3A_572 : vector<1x128xi1> to vector<512x128xi1>
    %and3A_574 = arith.andi %eq3A_571, %and3A_573 : vector<512x128xi1>
    %jit3A_575 = arith.constant 1.000000e+00 : f32
    %jit3A_576 = arith.constant 0.000000e+00 : f32
    %broadcast_in_dim3A_577 = vector.broadcast %jit3A_575 : f32 to vector<512x128xf32>
    %broadcast_in_dim3A_578 = vector.broadcast %jit3A_576 : f32 to vector<512x128xf32>
    %select_n3A_579 = arith.select %and3A_574, %broadcast_in_dim3A_577, %broadcast_in_dim3A_578 : vector<512x128xi1>, vector<512x128xf32>
    %get3A_580 = arith.constant 2304 : index
    %get3A_581 = arith.constant 0 : index
    %get3A_582 = vector.load %arg1[%get3A_580, %get3A_581] : memref<5120x1xf32, #tpu.memory_space<vmem>>, vector<128x1xf32>
    %dot_general3A_583 = arith.constant dense<0.000000e+00> : vector<512x1xf32>
    %dot_general3A_584 = tpu.matmul %select_n3A_579, %get3A_582, %dot_general3A_583 {dimension_numbers = #tpu.dot_dimension_numbers<[1], [0], [0], [1], [0, 0, 1, 1], [], []>, precision = #tpu.contract_precision<fp32>, transpose_lhs_hint = false} : vector<512x128xf32>, vector<128x1xf32>, vector<512x1xf32> -> vector<512x1xf32>
    %add3A_585 = arith.addf %add3A_555, %dot_general3A_584 : vector<512x1xf32>
    %get3A_586 = arith.constant 2304 : index
    %get3A_587 = arith.constant 0 : index
    %get3A_588 = vector.load %arg2[%get3A_586, %get3A_587] : memref<5120x1xf32, #tpu.memory_space<vmem>>, vector<128x1xf32>
    %dot_general3A_589 = arith.constant dense<0.000000e+00> : vector<512x1xf32>
    %dot_general3A_590 = tpu.matmul %select_n3A_579, %get3A_588, %dot_general3A_589 {dimension_numbers = #tpu.dot_dimension_numbers<[1], [0], [0], [1], [0, 0, 1, 1], [], []>, precision = #tpu.contract_precision<fp32>, transpose_lhs_hint = false} : vector<512x128xf32>, vector<128x1xf32>, vector<512x1xf32> -> vector<512x1xf32>
    %add3A_591 = arith.addf %add3A_561, %dot_general3A_590 : vector<512x1xf32>
    %get3A_592 = arith.constant 2304 : index
    %get3A_593 = arith.constant 0 : index
    %get3A_594 = vector.load %arg3[%get3A_592, %get3A_593] : memref<5120x1xf32, #tpu.memory_space<vmem>>, vector<128x1xf32>
    %dot_general3A_595 = arith.constant dense<0.000000e+00> : vector<512x1xf32>
    %dot_general3A_596 = tpu.matmul %select_n3A_579, %get3A_594, %dot_general3A_595 {dimension_numbers = #tpu.dot_dimension_numbers<[1], [0], [0], [1], [0, 0, 1, 1], [], []>, precision = #tpu.contract_precision<fp32>, transpose_lhs_hint = false} : vector<512x128xf32>, vector<128x1xf32>, vector<512x1xf32> -> vector<512x1xf32>
    %add3A_597 = arith.addf %add3A_567, %dot_general3A_596 : vector<512x1xf32>
    %slice3A_598 = vector.extract_strided_slice %add3A_13 {offsets = [19, 0], sizes = [1, 128], strides = [1, 1]} : vector<40x128xf32> to vector<1x128xf32>
    %eq3A_599 = vector.broadcast %slice3A_598 : vector<1x128xf32> to vector<512x128xf32>
    %eq3A_600 = vector.broadcast %convert_element_type3A_25 : vector<512x1xf32> to vector<512x128xf32>
    %eq3A_601 = arith.cmpf oeq, %eq3A_599, %eq3A_600 : vector<512x128xf32>
    %slice3A_602 = vector.extract_strided_slice %and3A {offsets = [19, 0], sizes = [1, 128], strides = [1, 1]} : vector<40x128xi1> to vector<1x128xi1>
    %and3A_603 = vector.broadcast %slice3A_602 : vector<1x128xi1> to vector<512x128xi1>
    %and3A_604 = arith.andi %eq3A_601, %and3A_603 : vector<512x128xi1>
    %jit3A_605 = arith.constant 1.000000e+00 : f32
    %jit3A_606 = arith.constant 0.000000e+00 : f32
    %broadcast_in_dim3A_607 = vector.broadcast %jit3A_605 : f32 to vector<512x128xf32>
    %broadcast_in_dim3A_608 = vector.broadcast %jit3A_606 : f32 to vector<512x128xf32>
    %select_n3A_609 = arith.select %and3A_604, %broadcast_in_dim3A_607, %broadcast_in_dim3A_608 : vector<512x128xi1>, vector<512x128xf32>
    %get3A_610 = arith.constant 2432 : index
    %get3A_611 = arith.constant 0 : index
    %get3A_612 = vector.load %arg1[%get3A_610, %get3A_611] : memref<5120x1xf32, #tpu.memory_space<vmem>>, vector<128x1xf32>
    %dot_general3A_613 = arith.constant dense<0.000000e+00> : vector<512x1xf32>
    %dot_general3A_614 = tpu.matmul %select_n3A_609, %get3A_612, %dot_general3A_613 {dimension_numbers = #tpu.dot_dimension_numbers<[1], [0], [0], [1], [0, 0, 1, 1], [], []>, precision = #tpu.contract_precision<fp32>, transpose_lhs_hint = false} : vector<512x128xf32>, vector<128x1xf32>, vector<512x1xf32> -> vector<512x1xf32>
    %add3A_615 = arith.addf %add3A_585, %dot_general3A_614 : vector<512x1xf32>
    %get3A_616 = arith.constant 2432 : index
    %get3A_617 = arith.constant 0 : index
    %get3A_618 = vector.load %arg2[%get3A_616, %get3A_617] : memref<5120x1xf32, #tpu.memory_space<vmem>>, vector<128x1xf32>
    %dot_general3A_619 = arith.constant dense<0.000000e+00> : vector<512x1xf32>
    %dot_general3A_620 = tpu.matmul %select_n3A_609, %get3A_618, %dot_general3A_619 {dimension_numbers = #tpu.dot_dimension_numbers<[1], [0], [0], [1], [0, 0, 1, 1], [], []>, precision = #tpu.contract_precision<fp32>, transpose_lhs_hint = false} : vector<512x128xf32>, vector<128x1xf32>, vector<512x1xf32> -> vector<512x1xf32>
    %add3A_621 = arith.addf %add3A_591, %dot_general3A_620 : vector<512x1xf32>
    %get3A_622 = arith.constant 2432 : index
    %get3A_623 = arith.constant 0 : index
    %get3A_624 = vector.load %arg3[%get3A_622, %get3A_623] : memref<5120x1xf32, #tpu.memory_space<vmem>>, vector<128x1xf32>
    %dot_general3A_625 = arith.constant dense<0.000000e+00> : vector<512x1xf32>
    %dot_general3A_626 = tpu.matmul %select_n3A_609, %get3A_624, %dot_general3A_625 {dimension_numbers = #tpu.dot_dimension_numbers<[1], [0], [0], [1], [0, 0, 1, 1], [], []>, precision = #tpu.contract_precision<fp32>, transpose_lhs_hint = false} : vector<512x128xf32>, vector<128x1xf32>, vector<512x1xf32> -> vector<512x1xf32>
    %add3A_627 = arith.addf %add3A_597, %dot_general3A_626 : vector<512x1xf32>
    %slice3A_628 = vector.extract_strided_slice %add3A_13 {offsets = [20, 0], sizes = [1, 128], strides = [1, 1]} : vector<40x128xf32> to vector<1x128xf32>
    %eq3A_629 = vector.broadcast %slice3A_628 : vector<1x128xf32> to vector<512x128xf32>
    %eq3A_630 = vector.broadcast %convert_element_type3A_25 : vector<512x1xf32> to vector<512x128xf32>
    %eq3A_631 = arith.cmpf oeq, %eq3A_629, %eq3A_630 : vector<512x128xf32>
    %slice3A_632 = vector.extract_strided_slice %and3A {offsets = [20, 0], sizes = [1, 128], strides = [1, 1]} : vector<40x128xi1> to vector<1x128xi1>
    %and3A_633 = vector.broadcast %slice3A_632 : vector<1x128xi1> to vector<512x128xi1>
    %and3A_634 = arith.andi %eq3A_631, %and3A_633 : vector<512x128xi1>
    %jit3A_635 = arith.constant 1.000000e+00 : f32
    %jit3A_636 = arith.constant 0.000000e+00 : f32
    %broadcast_in_dim3A_637 = vector.broadcast %jit3A_635 : f32 to vector<512x128xf32>
    %broadcast_in_dim3A_638 = vector.broadcast %jit3A_636 : f32 to vector<512x128xf32>
    %select_n3A_639 = arith.select %and3A_634, %broadcast_in_dim3A_637, %broadcast_in_dim3A_638 : vector<512x128xi1>, vector<512x128xf32>
    %get3A_640 = arith.constant 2560 : index
    %get3A_641 = arith.constant 0 : index
    %get3A_642 = vector.load %arg1[%get3A_640, %get3A_641] : memref<5120x1xf32, #tpu.memory_space<vmem>>, vector<128x1xf32>
    %dot_general3A_643 = arith.constant dense<0.000000e+00> : vector<512x1xf32>
    %dot_general3A_644 = tpu.matmul %select_n3A_639, %get3A_642, %dot_general3A_643 {dimension_numbers = #tpu.dot_dimension_numbers<[1], [0], [0], [1], [0, 0, 1, 1], [], []>, precision = #tpu.contract_precision<fp32>, transpose_lhs_hint = false} : vector<512x128xf32>, vector<128x1xf32>, vector<512x1xf32> -> vector<512x1xf32>
    %add3A_645 = arith.addf %add3A_615, %dot_general3A_644 : vector<512x1xf32>
    %get3A_646 = arith.constant 2560 : index
    %get3A_647 = arith.constant 0 : index
    %get3A_648 = vector.load %arg2[%get3A_646, %get3A_647] : memref<5120x1xf32, #tpu.memory_space<vmem>>, vector<128x1xf32>
    %dot_general3A_649 = arith.constant dense<0.000000e+00> : vector<512x1xf32>
    %dot_general3A_650 = tpu.matmul %select_n3A_639, %get3A_648, %dot_general3A_649 {dimension_numbers = #tpu.dot_dimension_numbers<[1], [0], [0], [1], [0, 0, 1, 1], [], []>, precision = #tpu.contract_precision<fp32>, transpose_lhs_hint = false} : vector<512x128xf32>, vector<128x1xf32>, vector<512x1xf32> -> vector<512x1xf32>
    %add3A_651 = arith.addf %add3A_621, %dot_general3A_650 : vector<512x1xf32>
    %get3A_652 = arith.constant 2560 : index
    %get3A_653 = arith.constant 0 : index
    %get3A_654 = vector.load %arg3[%get3A_652, %get3A_653] : memref<5120x1xf32, #tpu.memory_space<vmem>>, vector<128x1xf32>
    %dot_general3A_655 = arith.constant dense<0.000000e+00> : vector<512x1xf32>
    %dot_general3A_656 = tpu.matmul %select_n3A_639, %get3A_654, %dot_general3A_655 {dimension_numbers = #tpu.dot_dimension_numbers<[1], [0], [0], [1], [0, 0, 1, 1], [], []>, precision = #tpu.contract_precision<fp32>, transpose_lhs_hint = false} : vector<512x128xf32>, vector<128x1xf32>, vector<512x1xf32> -> vector<512x1xf32>
    %add3A_657 = arith.addf %add3A_627, %dot_general3A_656 : vector<512x1xf32>
    %slice3A_658 = vector.extract_strided_slice %add3A_13 {offsets = [21, 0], sizes = [1, 128], strides = [1, 1]} : vector<40x128xf32> to vector<1x128xf32>
    %eq3A_659 = vector.broadcast %slice3A_658 : vector<1x128xf32> to vector<512x128xf32>
    %eq3A_660 = vector.broadcast %convert_element_type3A_25 : vector<512x1xf32> to vector<512x128xf32>
    %eq3A_661 = arith.cmpf oeq, %eq3A_659, %eq3A_660 : vector<512x128xf32>
    %slice3A_662 = vector.extract_strided_slice %and3A {offsets = [21, 0], sizes = [1, 128], strides = [1, 1]} : vector<40x128xi1> to vector<1x128xi1>
    %and3A_663 = vector.broadcast %slice3A_662 : vector<1x128xi1> to vector<512x128xi1>
    %and3A_664 = arith.andi %eq3A_661, %and3A_663 : vector<512x128xi1>
    %jit3A_665 = arith.constant 1.000000e+00 : f32
    %jit3A_666 = arith.constant 0.000000e+00 : f32
    %broadcast_in_dim3A_667 = vector.broadcast %jit3A_665 : f32 to vector<512x128xf32>
    %broadcast_in_dim3A_668 = vector.broadcast %jit3A_666 : f32 to vector<512x128xf32>
    %select_n3A_669 = arith.select %and3A_664, %broadcast_in_dim3A_667, %broadcast_in_dim3A_668 : vector<512x128xi1>, vector<512x128xf32>
    %get3A_670 = arith.constant 2688 : index
    %get3A_671 = arith.constant 0 : index
    %get3A_672 = vector.load %arg1[%get3A_670, %get3A_671] : memref<5120x1xf32, #tpu.memory_space<vmem>>, vector<128x1xf32>
    %dot_general3A_673 = arith.constant dense<0.000000e+00> : vector<512x1xf32>
    %dot_general3A_674 = tpu.matmul %select_n3A_669, %get3A_672, %dot_general3A_673 {dimension_numbers = #tpu.dot_dimension_numbers<[1], [0], [0], [1], [0, 0, 1, 1], [], []>, precision = #tpu.contract_precision<fp32>, transpose_lhs_hint = false} : vector<512x128xf32>, vector<128x1xf32>, vector<512x1xf32> -> vector<512x1xf32>
    %add3A_675 = arith.addf %add3A_645, %dot_general3A_674 : vector<512x1xf32>
    %get3A_676 = arith.constant 2688 : index
    %get3A_677 = arith.constant 0 : index
    %get3A_678 = vector.load %arg2[%get3A_676, %get3A_677] : memref<5120x1xf32, #tpu.memory_space<vmem>>, vector<128x1xf32>
    %dot_general3A_679 = arith.constant dense<0.000000e+00> : vector<512x1xf32>
    %dot_general3A_680 = tpu.matmul %select_n3A_669, %get3A_678, %dot_general3A_679 {dimension_numbers = #tpu.dot_dimension_numbers<[1], [0], [0], [1], [0, 0, 1, 1], [], []>, precision = #tpu.contract_precision<fp32>, transpose_lhs_hint = false} : vector<512x128xf32>, vector<128x1xf32>, vector<512x1xf32> -> vector<512x1xf32>
    %add3A_681 = arith.addf %add3A_651, %dot_general3A_680 : vector<512x1xf32>
    %get3A_682 = arith.constant 2688 : index
    %get3A_683 = arith.constant 0 : index
    %get3A_684 = vector.load %arg3[%get3A_682, %get3A_683] : memref<5120x1xf32, #tpu.memory_space<vmem>>, vector<128x1xf32>
    %dot_general3A_685 = arith.constant dense<0.000000e+00> : vector<512x1xf32>
    %dot_general3A_686 = tpu.matmul %select_n3A_669, %get3A_684, %dot_general3A_685 {dimension_numbers = #tpu.dot_dimension_numbers<[1], [0], [0], [1], [0, 0, 1, 1], [], []>, precision = #tpu.contract_precision<fp32>, transpose_lhs_hint = false} : vector<512x128xf32>, vector<128x1xf32>, vector<512x1xf32> -> vector<512x1xf32>
    %add3A_687 = arith.addf %add3A_657, %dot_general3A_686 : vector<512x1xf32>
    %slice3A_688 = vector.extract_strided_slice %add3A_13 {offsets = [22, 0], sizes = [1, 128], strides = [1, 1]} : vector<40x128xf32> to vector<1x128xf32>
    %eq3A_689 = vector.broadcast %slice3A_688 : vector<1x128xf32> to vector<512x128xf32>
    %eq3A_690 = vector.broadcast %convert_element_type3A_25 : vector<512x1xf32> to vector<512x128xf32>
    %eq3A_691 = arith.cmpf oeq, %eq3A_689, %eq3A_690 : vector<512x128xf32>
    %slice3A_692 = vector.extract_strided_slice %and3A {offsets = [22, 0], sizes = [1, 128], strides = [1, 1]} : vector<40x128xi1> to vector<1x128xi1>
    %and3A_693 = vector.broadcast %slice3A_692 : vector<1x128xi1> to vector<512x128xi1>
    %and3A_694 = arith.andi %eq3A_691, %and3A_693 : vector<512x128xi1>
    %jit3A_695 = arith.constant 1.000000e+00 : f32
    %jit3A_696 = arith.constant 0.000000e+00 : f32
    %broadcast_in_dim3A_697 = vector.broadcast %jit3A_695 : f32 to vector<512x128xf32>
    %broadcast_in_dim3A_698 = vector.broadcast %jit3A_696 : f32 to vector<512x128xf32>
    %select_n3A_699 = arith.select %and3A_694, %broadcast_in_dim3A_697, %broadcast_in_dim3A_698 : vector<512x128xi1>, vector<512x128xf32>
    %get3A_700 = arith.constant 2816 : index
    %get3A_701 = arith.constant 0 : index
    %get3A_702 = vector.load %arg1[%get3A_700, %get3A_701] : memref<5120x1xf32, #tpu.memory_space<vmem>>, vector<128x1xf32>
    %dot_general3A_703 = arith.constant dense<0.000000e+00> : vector<512x1xf32>
    %dot_general3A_704 = tpu.matmul %select_n3A_699, %get3A_702, %dot_general3A_703 {dimension_numbers = #tpu.dot_dimension_numbers<[1], [0], [0], [1], [0, 0, 1, 1], [], []>, precision = #tpu.contract_precision<fp32>, transpose_lhs_hint = false} : vector<512x128xf32>, vector<128x1xf32>, vector<512x1xf32> -> vector<512x1xf32>
    %add3A_705 = arith.addf %add3A_675, %dot_general3A_704 : vector<512x1xf32>
    %get3A_706 = arith.constant 2816 : index
    %get3A_707 = arith.constant 0 : index
    %get3A_708 = vector.load %arg2[%get3A_706, %get3A_707] : memref<5120x1xf32, #tpu.memory_space<vmem>>, vector<128x1xf32>
    %dot_general3A_709 = arith.constant dense<0.000000e+00> : vector<512x1xf32>
    %dot_general3A_710 = tpu.matmul %select_n3A_699, %get3A_708, %dot_general3A_709 {dimension_numbers = #tpu.dot_dimension_numbers<[1], [0], [0], [1], [0, 0, 1, 1], [], []>, precision = #tpu.contract_precision<fp32>, transpose_lhs_hint = false} : vector<512x128xf32>, vector<128x1xf32>, vector<512x1xf32> -> vector<512x1xf32>
    %add3A_711 = arith.addf %add3A_681, %dot_general3A_710 : vector<512x1xf32>
    %get3A_712 = arith.constant 2816 : index
    %get3A_713 = arith.constant 0 : index
    %get3A_714 = vector.load %arg3[%get3A_712, %get3A_713] : memref<5120x1xf32, #tpu.memory_space<vmem>>, vector<128x1xf32>
    %dot_general3A_715 = arith.constant dense<0.000000e+00> : vector<512x1xf32>
    %dot_general3A_716 = tpu.matmul %select_n3A_699, %get3A_714, %dot_general3A_715 {dimension_numbers = #tpu.dot_dimension_numbers<[1], [0], [0], [1], [0, 0, 1, 1], [], []>, precision = #tpu.contract_precision<fp32>, transpose_lhs_hint = false} : vector<512x128xf32>, vector<128x1xf32>, vector<512x1xf32> -> vector<512x1xf32>
    %add3A_717 = arith.addf %add3A_687, %dot_general3A_716 : vector<512x1xf32>
    %slice3A_718 = vector.extract_strided_slice %add3A_13 {offsets = [23, 0], sizes = [1, 128], strides = [1, 1]} : vector<40x128xf32> to vector<1x128xf32>
    %eq3A_719 = vector.broadcast %slice3A_718 : vector<1x128xf32> to vector<512x128xf32>
    %eq3A_720 = vector.broadcast %convert_element_type3A_25 : vector<512x1xf32> to vector<512x128xf32>
    %eq3A_721 = arith.cmpf oeq, %eq3A_719, %eq3A_720 : vector<512x128xf32>
    %slice3A_722 = vector.extract_strided_slice %and3A {offsets = [23, 0], sizes = [1, 128], strides = [1, 1]} : vector<40x128xi1> to vector<1x128xi1>
    %and3A_723 = vector.broadcast %slice3A_722 : vector<1x128xi1> to vector<512x128xi1>
    %and3A_724 = arith.andi %eq3A_721, %and3A_723 : vector<512x128xi1>
    %jit3A_725 = arith.constant 1.000000e+00 : f32
    %jit3A_726 = arith.constant 0.000000e+00 : f32
    %broadcast_in_dim3A_727 = vector.broadcast %jit3A_725 : f32 to vector<512x128xf32>
    %broadcast_in_dim3A_728 = vector.broadcast %jit3A_726 : f32 to vector<512x128xf32>
    %select_n3A_729 = arith.select %and3A_724, %broadcast_in_dim3A_727, %broadcast_in_dim3A_728 : vector<512x128xi1>, vector<512x128xf32>
    %get3A_730 = arith.constant 2944 : index
    %get3A_731 = arith.constant 0 : index
    %get3A_732 = vector.load %arg1[%get3A_730, %get3A_731] : memref<5120x1xf32, #tpu.memory_space<vmem>>, vector<128x1xf32>
    %dot_general3A_733 = arith.constant dense<0.000000e+00> : vector<512x1xf32>
    %dot_general3A_734 = tpu.matmul %select_n3A_729, %get3A_732, %dot_general3A_733 {dimension_numbers = #tpu.dot_dimension_numbers<[1], [0], [0], [1], [0, 0, 1, 1], [], []>, precision = #tpu.contract_precision<fp32>, transpose_lhs_hint = false} : vector<512x128xf32>, vector<128x1xf32>, vector<512x1xf32> -> vector<512x1xf32>
    %add3A_735 = arith.addf %add3A_705, %dot_general3A_734 : vector<512x1xf32>
    %get3A_736 = arith.constant 2944 : index
    %get3A_737 = arith.constant 0 : index
    %get3A_738 = vector.load %arg2[%get3A_736, %get3A_737] : memref<5120x1xf32, #tpu.memory_space<vmem>>, vector<128x1xf32>
    %dot_general3A_739 = arith.constant dense<0.000000e+00> : vector<512x1xf32>
    %dot_general3A_740 = tpu.matmul %select_n3A_729, %get3A_738, %dot_general3A_739 {dimension_numbers = #tpu.dot_dimension_numbers<[1], [0], [0], [1], [0, 0, 1, 1], [], []>, precision = #tpu.contract_precision<fp32>, transpose_lhs_hint = false} : vector<512x128xf32>, vector<128x1xf32>, vector<512x1xf32> -> vector<512x1xf32>
    %add3A_741 = arith.addf %add3A_711, %dot_general3A_740 : vector<512x1xf32>
    %get3A_742 = arith.constant 2944 : index
    %get3A_743 = arith.constant 0 : index
    %get3A_744 = vector.load %arg3[%get3A_742, %get3A_743] : memref<5120x1xf32, #tpu.memory_space<vmem>>, vector<128x1xf32>
    %dot_general3A_745 = arith.constant dense<0.000000e+00> : vector<512x1xf32>
    %dot_general3A_746 = tpu.matmul %select_n3A_729, %get3A_744, %dot_general3A_745 {dimension_numbers = #tpu.dot_dimension_numbers<[1], [0], [0], [1], [0, 0, 1, 1], [], []>, precision = #tpu.contract_precision<fp32>, transpose_lhs_hint = false} : vector<512x128xf32>, vector<128x1xf32>, vector<512x1xf32> -> vector<512x1xf32>
    %add3A_747 = arith.addf %add3A_717, %dot_general3A_746 : vector<512x1xf32>
    %slice3A_748 = vector.extract_strided_slice %add3A_13 {offsets = [24, 0], sizes = [1, 128], strides = [1, 1]} : vector<40x128xf32> to vector<1x128xf32>
    %eq3A_749 = vector.broadcast %slice3A_748 : vector<1x128xf32> to vector<512x128xf32>
    %eq3A_750 = vector.broadcast %convert_element_type3A_25 : vector<512x1xf32> to vector<512x128xf32>
    %eq3A_751 = arith.cmpf oeq, %eq3A_749, %eq3A_750 : vector<512x128xf32>
    %slice3A_752 = vector.extract_strided_slice %and3A {offsets = [24, 0], sizes = [1, 128], strides = [1, 1]} : vector<40x128xi1> to vector<1x128xi1>
    %and3A_753 = vector.broadcast %slice3A_752 : vector<1x128xi1> to vector<512x128xi1>
    %and3A_754 = arith.andi %eq3A_751, %and3A_753 : vector<512x128xi1>
    %jit3A_755 = arith.constant 1.000000e+00 : f32
    %jit3A_756 = arith.constant 0.000000e+00 : f32
    %broadcast_in_dim3A_757 = vector.broadcast %jit3A_755 : f32 to vector<512x128xf32>
    %broadcast_in_dim3A_758 = vector.broadcast %jit3A_756 : f32 to vector<512x128xf32>
    %select_n3A_759 = arith.select %and3A_754, %broadcast_in_dim3A_757, %broadcast_in_dim3A_758 : vector<512x128xi1>, vector<512x128xf32>
    %get3A_760 = arith.constant 3072 : index
    %get3A_761 = arith.constant 0 : index
    %get3A_762 = vector.load %arg1[%get3A_760, %get3A_761] : memref<5120x1xf32, #tpu.memory_space<vmem>>, vector<128x1xf32>
    %dot_general3A_763 = arith.constant dense<0.000000e+00> : vector<512x1xf32>
    %dot_general3A_764 = tpu.matmul %select_n3A_759, %get3A_762, %dot_general3A_763 {dimension_numbers = #tpu.dot_dimension_numbers<[1], [0], [0], [1], [0, 0, 1, 1], [], []>, precision = #tpu.contract_precision<fp32>, transpose_lhs_hint = false} : vector<512x128xf32>, vector<128x1xf32>, vector<512x1xf32> -> vector<512x1xf32>
    %add3A_765 = arith.addf %add3A_735, %dot_general3A_764 : vector<512x1xf32>
    %get3A_766 = arith.constant 3072 : index
    %get3A_767 = arith.constant 0 : index
    %get3A_768 = vector.load %arg2[%get3A_766, %get3A_767] : memref<5120x1xf32, #tpu.memory_space<vmem>>, vector<128x1xf32>
    %dot_general3A_769 = arith.constant dense<0.000000e+00> : vector<512x1xf32>
    %dot_general3A_770 = tpu.matmul %select_n3A_759, %get3A_768, %dot_general3A_769 {dimension_numbers = #tpu.dot_dimension_numbers<[1], [0], [0], [1], [0, 0, 1, 1], [], []>, precision = #tpu.contract_precision<fp32>, transpose_lhs_hint = false} : vector<512x128xf32>, vector<128x1xf32>, vector<512x1xf32> -> vector<512x1xf32>
    %add3A_771 = arith.addf %add3A_741, %dot_general3A_770 : vector<512x1xf32>
    %get3A_772 = arith.constant 3072 : index
    %get3A_773 = arith.constant 0 : index
    %get3A_774 = vector.load %arg3[%get3A_772, %get3A_773] : memref<5120x1xf32, #tpu.memory_space<vmem>>, vector<128x1xf32>
    %dot_general3A_775 = arith.constant dense<0.000000e+00> : vector<512x1xf32>
    %dot_general3A_776 = tpu.matmul %select_n3A_759, %get3A_774, %dot_general3A_775 {dimension_numbers = #tpu.dot_dimension_numbers<[1], [0], [0], [1], [0, 0, 1, 1], [], []>, precision = #tpu.contract_precision<fp32>, transpose_lhs_hint = false} : vector<512x128xf32>, vector<128x1xf32>, vector<512x1xf32> -> vector<512x1xf32>
    %add3A_777 = arith.addf %add3A_747, %dot_general3A_776 : vector<512x1xf32>
    %slice3A_778 = vector.extract_strided_slice %add3A_13 {offsets = [25, 0], sizes = [1, 128], strides = [1, 1]} : vector<40x128xf32> to vector<1x128xf32>
    %eq3A_779 = vector.broadcast %slice3A_778 : vector<1x128xf32> to vector<512x128xf32>
    %eq3A_780 = vector.broadcast %convert_element_type3A_25 : vector<512x1xf32> to vector<512x128xf32>
    %eq3A_781 = arith.cmpf oeq, %eq3A_779, %eq3A_780 : vector<512x128xf32>
    %slice3A_782 = vector.extract_strided_slice %and3A {offsets = [25, 0], sizes = [1, 128], strides = [1, 1]} : vector<40x128xi1> to vector<1x128xi1>
    %and3A_783 = vector.broadcast %slice3A_782 : vector<1x128xi1> to vector<512x128xi1>
    %and3A_784 = arith.andi %eq3A_781, %and3A_783 : vector<512x128xi1>
    %jit3A_785 = arith.constant 1.000000e+00 : f32
    %jit3A_786 = arith.constant 0.000000e+00 : f32
    %broadcast_in_dim3A_787 = vector.broadcast %jit3A_785 : f32 to vector<512x128xf32>
    %broadcast_in_dim3A_788 = vector.broadcast %jit3A_786 : f32 to vector<512x128xf32>
    %select_n3A_789 = arith.select %and3A_784, %broadcast_in_dim3A_787, %broadcast_in_dim3A_788 : vector<512x128xi1>, vector<512x128xf32>
    %get3A_790 = arith.constant 3200 : index
    %get3A_791 = arith.constant 0 : index
    %get3A_792 = vector.load %arg1[%get3A_790, %get3A_791] : memref<5120x1xf32, #tpu.memory_space<vmem>>, vector<128x1xf32>
    %dot_general3A_793 = arith.constant dense<0.000000e+00> : vector<512x1xf32>
    %dot_general3A_794 = tpu.matmul %select_n3A_789, %get3A_792, %dot_general3A_793 {dimension_numbers = #tpu.dot_dimension_numbers<[1], [0], [0], [1], [0, 0, 1, 1], [], []>, precision = #tpu.contract_precision<fp32>, transpose_lhs_hint = false} : vector<512x128xf32>, vector<128x1xf32>, vector<512x1xf32> -> vector<512x1xf32>
    %add3A_795 = arith.addf %add3A_765, %dot_general3A_794 : vector<512x1xf32>
    %get3A_796 = arith.constant 3200 : index
    %get3A_797 = arith.constant 0 : index
    %get3A_798 = vector.load %arg2[%get3A_796, %get3A_797] : memref<5120x1xf32, #tpu.memory_space<vmem>>, vector<128x1xf32>
    %dot_general3A_799 = arith.constant dense<0.000000e+00> : vector<512x1xf32>
    %dot_general3A_800 = tpu.matmul %select_n3A_789, %get3A_798, %dot_general3A_799 {dimension_numbers = #tpu.dot_dimension_numbers<[1], [0], [0], [1], [0, 0, 1, 1], [], []>, precision = #tpu.contract_precision<fp32>, transpose_lhs_hint = false} : vector<512x128xf32>, vector<128x1xf32>, vector<512x1xf32> -> vector<512x1xf32>
    %add3A_801 = arith.addf %add3A_771, %dot_general3A_800 : vector<512x1xf32>
    %get3A_802 = arith.constant 3200 : index
    %get3A_803 = arith.constant 0 : index
    %get3A_804 = vector.load %arg3[%get3A_802, %get3A_803] : memref<5120x1xf32, #tpu.memory_space<vmem>>, vector<128x1xf32>
    %dot_general3A_805 = arith.constant dense<0.000000e+00> : vector<512x1xf32>
    %dot_general3A_806 = tpu.matmul %select_n3A_789, %get3A_804, %dot_general3A_805 {dimension_numbers = #tpu.dot_dimension_numbers<[1], [0], [0], [1], [0, 0, 1, 1], [], []>, precision = #tpu.contract_precision<fp32>, transpose_lhs_hint = false} : vector<512x128xf32>, vector<128x1xf32>, vector<512x1xf32> -> vector<512x1xf32>
    %add3A_807 = arith.addf %add3A_777, %dot_general3A_806 : vector<512x1xf32>
    %slice3A_808 = vector.extract_strided_slice %add3A_13 {offsets = [26, 0], sizes = [1, 128], strides = [1, 1]} : vector<40x128xf32> to vector<1x128xf32>
    %eq3A_809 = vector.broadcast %slice3A_808 : vector<1x128xf32> to vector<512x128xf32>
    %eq3A_810 = vector.broadcast %convert_element_type3A_25 : vector<512x1xf32> to vector<512x128xf32>
    %eq3A_811 = arith.cmpf oeq, %eq3A_809, %eq3A_810 : vector<512x128xf32>
    %slice3A_812 = vector.extract_strided_slice %and3A {offsets = [26, 0], sizes = [1, 128], strides = [1, 1]} : vector<40x128xi1> to vector<1x128xi1>
    %and3A_813 = vector.broadcast %slice3A_812 : vector<1x128xi1> to vector<512x128xi1>
    %and3A_814 = arith.andi %eq3A_811, %and3A_813 : vector<512x128xi1>
    %jit3A_815 = arith.constant 1.000000e+00 : f32
    %jit3A_816 = arith.constant 0.000000e+00 : f32
    %broadcast_in_dim3A_817 = vector.broadcast %jit3A_815 : f32 to vector<512x128xf32>
    %broadcast_in_dim3A_818 = vector.broadcast %jit3A_816 : f32 to vector<512x128xf32>
    %select_n3A_819 = arith.select %and3A_814, %broadcast_in_dim3A_817, %broadcast_in_dim3A_818 : vector<512x128xi1>, vector<512x128xf32>
    %get3A_820 = arith.constant 3328 : index
    %get3A_821 = arith.constant 0 : index
    %get3A_822 = vector.load %arg1[%get3A_820, %get3A_821] : memref<5120x1xf32, #tpu.memory_space<vmem>>, vector<128x1xf32>
    %dot_general3A_823 = arith.constant dense<0.000000e+00> : vector<512x1xf32>
    %dot_general3A_824 = tpu.matmul %select_n3A_819, %get3A_822, %dot_general3A_823 {dimension_numbers = #tpu.dot_dimension_numbers<[1], [0], [0], [1], [0, 0, 1, 1], [], []>, precision = #tpu.contract_precision<fp32>, transpose_lhs_hint = false} : vector<512x128xf32>, vector<128x1xf32>, vector<512x1xf32> -> vector<512x1xf32>
    %add3A_825 = arith.addf %add3A_795, %dot_general3A_824 : vector<512x1xf32>
    %get3A_826 = arith.constant 3328 : index
    %get3A_827 = arith.constant 0 : index
    %get3A_828 = vector.load %arg2[%get3A_826, %get3A_827] : memref<5120x1xf32, #tpu.memory_space<vmem>>, vector<128x1xf32>
    %dot_general3A_829 = arith.constant dense<0.000000e+00> : vector<512x1xf32>
    %dot_general3A_830 = tpu.matmul %select_n3A_819, %get3A_828, %dot_general3A_829 {dimension_numbers = #tpu.dot_dimension_numbers<[1], [0], [0], [1], [0, 0, 1, 1], [], []>, precision = #tpu.contract_precision<fp32>, transpose_lhs_hint = false} : vector<512x128xf32>, vector<128x1xf32>, vector<512x1xf32> -> vector<512x1xf32>
    %add3A_831 = arith.addf %add3A_801, %dot_general3A_830 : vector<512x1xf32>
    %get3A_832 = arith.constant 3328 : index
    %get3A_833 = arith.constant 0 : index
    %get3A_834 = vector.load %arg3[%get3A_832, %get3A_833] : memref<5120x1xf32, #tpu.memory_space<vmem>>, vector<128x1xf32>
    %dot_general3A_835 = arith.constant dense<0.000000e+00> : vector<512x1xf32>
    %dot_general3A_836 = tpu.matmul %select_n3A_819, %get3A_834, %dot_general3A_835 {dimension_numbers = #tpu.dot_dimension_numbers<[1], [0], [0], [1], [0, 0, 1, 1], [], []>, precision = #tpu.contract_precision<fp32>, transpose_lhs_hint = false} : vector<512x128xf32>, vector<128x1xf32>, vector<512x1xf32> -> vector<512x1xf32>
    %add3A_837 = arith.addf %add3A_807, %dot_general3A_836 : vector<512x1xf32>
    %slice3A_838 = vector.extract_strided_slice %add3A_13 {offsets = [27, 0], sizes = [1, 128], strides = [1, 1]} : vector<40x128xf32> to vector<1x128xf32>
    %eq3A_839 = vector.broadcast %slice3A_838 : vector<1x128xf32> to vector<512x128xf32>
    %eq3A_840 = vector.broadcast %convert_element_type3A_25 : vector<512x1xf32> to vector<512x128xf32>
    %eq3A_841 = arith.cmpf oeq, %eq3A_839, %eq3A_840 : vector<512x128xf32>
    %slice3A_842 = vector.extract_strided_slice %and3A {offsets = [27, 0], sizes = [1, 128], strides = [1, 1]} : vector<40x128xi1> to vector<1x128xi1>
    %and3A_843 = vector.broadcast %slice3A_842 : vector<1x128xi1> to vector<512x128xi1>
    %and3A_844 = arith.andi %eq3A_841, %and3A_843 : vector<512x128xi1>
    %jit3A_845 = arith.constant 1.000000e+00 : f32
    %jit3A_846 = arith.constant 0.000000e+00 : f32
    %broadcast_in_dim3A_847 = vector.broadcast %jit3A_845 : f32 to vector<512x128xf32>
    %broadcast_in_dim3A_848 = vector.broadcast %jit3A_846 : f32 to vector<512x128xf32>
    %select_n3A_849 = arith.select %and3A_844, %broadcast_in_dim3A_847, %broadcast_in_dim3A_848 : vector<512x128xi1>, vector<512x128xf32>
    %get3A_850 = arith.constant 3456 : index
    %get3A_851 = arith.constant 0 : index
    %get3A_852 = vector.load %arg1[%get3A_850, %get3A_851] : memref<5120x1xf32, #tpu.memory_space<vmem>>, vector<128x1xf32>
    %dot_general3A_853 = arith.constant dense<0.000000e+00> : vector<512x1xf32>
    %dot_general3A_854 = tpu.matmul %select_n3A_849, %get3A_852, %dot_general3A_853 {dimension_numbers = #tpu.dot_dimension_numbers<[1], [0], [0], [1], [0, 0, 1, 1], [], []>, precision = #tpu.contract_precision<fp32>, transpose_lhs_hint = false} : vector<512x128xf32>, vector<128x1xf32>, vector<512x1xf32> -> vector<512x1xf32>
    %add3A_855 = arith.addf %add3A_825, %dot_general3A_854 : vector<512x1xf32>
    %get3A_856 = arith.constant 3456 : index
    %get3A_857 = arith.constant 0 : index
    %get3A_858 = vector.load %arg2[%get3A_856, %get3A_857] : memref<5120x1xf32, #tpu.memory_space<vmem>>, vector<128x1xf32>
    %dot_general3A_859 = arith.constant dense<0.000000e+00> : vector<512x1xf32>
    %dot_general3A_860 = tpu.matmul %select_n3A_849, %get3A_858, %dot_general3A_859 {dimension_numbers = #tpu.dot_dimension_numbers<[1], [0], [0], [1], [0, 0, 1, 1], [], []>, precision = #tpu.contract_precision<fp32>, transpose_lhs_hint = false} : vector<512x128xf32>, vector<128x1xf32>, vector<512x1xf32> -> vector<512x1xf32>
    %add3A_861 = arith.addf %add3A_831, %dot_general3A_860 : vector<512x1xf32>
    %get3A_862 = arith.constant 3456 : index
    %get3A_863 = arith.constant 0 : index
    %get3A_864 = vector.load %arg3[%get3A_862, %get3A_863] : memref<5120x1xf32, #tpu.memory_space<vmem>>, vector<128x1xf32>
    %dot_general3A_865 = arith.constant dense<0.000000e+00> : vector<512x1xf32>
    %dot_general3A_866 = tpu.matmul %select_n3A_849, %get3A_864, %dot_general3A_865 {dimension_numbers = #tpu.dot_dimension_numbers<[1], [0], [0], [1], [0, 0, 1, 1], [], []>, precision = #tpu.contract_precision<fp32>, transpose_lhs_hint = false} : vector<512x128xf32>, vector<128x1xf32>, vector<512x1xf32> -> vector<512x1xf32>
    %add3A_867 = arith.addf %add3A_837, %dot_general3A_866 : vector<512x1xf32>
    %slice3A_868 = vector.extract_strided_slice %add3A_13 {offsets = [28, 0], sizes = [1, 128], strides = [1, 1]} : vector<40x128xf32> to vector<1x128xf32>
    %eq3A_869 = vector.broadcast %slice3A_868 : vector<1x128xf32> to vector<512x128xf32>
    %eq3A_870 = vector.broadcast %convert_element_type3A_25 : vector<512x1xf32> to vector<512x128xf32>
    %eq3A_871 = arith.cmpf oeq, %eq3A_869, %eq3A_870 : vector<512x128xf32>
    %slice3A_872 = vector.extract_strided_slice %and3A {offsets = [28, 0], sizes = [1, 128], strides = [1, 1]} : vector<40x128xi1> to vector<1x128xi1>
    %and3A_873 = vector.broadcast %slice3A_872 : vector<1x128xi1> to vector<512x128xi1>
    %and3A_874 = arith.andi %eq3A_871, %and3A_873 : vector<512x128xi1>
    %jit3A_875 = arith.constant 1.000000e+00 : f32
    %jit3A_876 = arith.constant 0.000000e+00 : f32
    %broadcast_in_dim3A_877 = vector.broadcast %jit3A_875 : f32 to vector<512x128xf32>
    %broadcast_in_dim3A_878 = vector.broadcast %jit3A_876 : f32 to vector<512x128xf32>
    %select_n3A_879 = arith.select %and3A_874, %broadcast_in_dim3A_877, %broadcast_in_dim3A_878 : vector<512x128xi1>, vector<512x128xf32>
    %get3A_880 = arith.constant 3584 : index
    %get3A_881 = arith.constant 0 : index
    %get3A_882 = vector.load %arg1[%get3A_880, %get3A_881] : memref<5120x1xf32, #tpu.memory_space<vmem>>, vector<128x1xf32>
    %dot_general3A_883 = arith.constant dense<0.000000e+00> : vector<512x1xf32>
    %dot_general3A_884 = tpu.matmul %select_n3A_879, %get3A_882, %dot_general3A_883 {dimension_numbers = #tpu.dot_dimension_numbers<[1], [0], [0], [1], [0, 0, 1, 1], [], []>, precision = #tpu.contract_precision<fp32>, transpose_lhs_hint = false} : vector<512x128xf32>, vector<128x1xf32>, vector<512x1xf32> -> vector<512x1xf32>
    %add3A_885 = arith.addf %add3A_855, %dot_general3A_884 : vector<512x1xf32>
    %get3A_886 = arith.constant 3584 : index
    %get3A_887 = arith.constant 0 : index
    %get3A_888 = vector.load %arg2[%get3A_886, %get3A_887] : memref<5120x1xf32, #tpu.memory_space<vmem>>, vector<128x1xf32>
    %dot_general3A_889 = arith.constant dense<0.000000e+00> : vector<512x1xf32>
    %dot_general3A_890 = tpu.matmul %select_n3A_879, %get3A_888, %dot_general3A_889 {dimension_numbers = #tpu.dot_dimension_numbers<[1], [0], [0], [1], [0, 0, 1, 1], [], []>, precision = #tpu.contract_precision<fp32>, transpose_lhs_hint = false} : vector<512x128xf32>, vector<128x1xf32>, vector<512x1xf32> -> vector<512x1xf32>
    %add3A_891 = arith.addf %add3A_861, %dot_general3A_890 : vector<512x1xf32>
    %get3A_892 = arith.constant 3584 : index
    %get3A_893 = arith.constant 0 : index
    %get3A_894 = vector.load %arg3[%get3A_892, %get3A_893] : memref<5120x1xf32, #tpu.memory_space<vmem>>, vector<128x1xf32>
    %dot_general3A_895 = arith.constant dense<0.000000e+00> : vector<512x1xf32>
    %dot_general3A_896 = tpu.matmul %select_n3A_879, %get3A_894, %dot_general3A_895 {dimension_numbers = #tpu.dot_dimension_numbers<[1], [0], [0], [1], [0, 0, 1, 1], [], []>, precision = #tpu.contract_precision<fp32>, transpose_lhs_hint = false} : vector<512x128xf32>, vector<128x1xf32>, vector<512x1xf32> -> vector<512x1xf32>
    %add3A_897 = arith.addf %add3A_867, %dot_general3A_896 : vector<512x1xf32>
    %slice3A_898 = vector.extract_strided_slice %add3A_13 {offsets = [29, 0], sizes = [1, 128], strides = [1, 1]} : vector<40x128xf32> to vector<1x128xf32>
    %eq3A_899 = vector.broadcast %slice3A_898 : vector<1x128xf32> to vector<512x128xf32>
    %eq3A_900 = vector.broadcast %convert_element_type3A_25 : vector<512x1xf32> to vector<512x128xf32>
    %eq3A_901 = arith.cmpf oeq, %eq3A_899, %eq3A_900 : vector<512x128xf32>
    %slice3A_902 = vector.extract_strided_slice %and3A {offsets = [29, 0], sizes = [1, 128], strides = [1, 1]} : vector<40x128xi1> to vector<1x128xi1>
    %and3A_903 = vector.broadcast %slice3A_902 : vector<1x128xi1> to vector<512x128xi1>
    %and3A_904 = arith.andi %eq3A_901, %and3A_903 : vector<512x128xi1>
    %jit3A_905 = arith.constant 1.000000e+00 : f32
    %jit3A_906 = arith.constant 0.000000e+00 : f32
    %broadcast_in_dim3A_907 = vector.broadcast %jit3A_905 : f32 to vector<512x128xf32>
    %broadcast_in_dim3A_908 = vector.broadcast %jit3A_906 : f32 to vector<512x128xf32>
    %select_n3A_909 = arith.select %and3A_904, %broadcast_in_dim3A_907, %broadcast_in_dim3A_908 : vector<512x128xi1>, vector<512x128xf32>
    %get3A_910 = arith.constant 3712 : index
    %get3A_911 = arith.constant 0 : index
    %get3A_912 = vector.load %arg1[%get3A_910, %get3A_911] : memref<5120x1xf32, #tpu.memory_space<vmem>>, vector<128x1xf32>
    %dot_general3A_913 = arith.constant dense<0.000000e+00> : vector<512x1xf32>
    %dot_general3A_914 = tpu.matmul %select_n3A_909, %get3A_912, %dot_general3A_913 {dimension_numbers = #tpu.dot_dimension_numbers<[1], [0], [0], [1], [0, 0, 1, 1], [], []>, precision = #tpu.contract_precision<fp32>, transpose_lhs_hint = false} : vector<512x128xf32>, vector<128x1xf32>, vector<512x1xf32> -> vector<512x1xf32>
    %add3A_915 = arith.addf %add3A_885, %dot_general3A_914 : vector<512x1xf32>
    %get3A_916 = arith.constant 3712 : index
    %get3A_917 = arith.constant 0 : index
    %get3A_918 = vector.load %arg2[%get3A_916, %get3A_917] : memref<5120x1xf32, #tpu.memory_space<vmem>>, vector<128x1xf32>
    %dot_general3A_919 = arith.constant dense<0.000000e+00> : vector<512x1xf32>
    %dot_general3A_920 = tpu.matmul %select_n3A_909, %get3A_918, %dot_general3A_919 {dimension_numbers = #tpu.dot_dimension_numbers<[1], [0], [0], [1], [0, 0, 1, 1], [], []>, precision = #tpu.contract_precision<fp32>, transpose_lhs_hint = false} : vector<512x128xf32>, vector<128x1xf32>, vector<512x1xf32> -> vector<512x1xf32>
    %add3A_921 = arith.addf %add3A_891, %dot_general3A_920 : vector<512x1xf32>
    %get3A_922 = arith.constant 3712 : index
    %get3A_923 = arith.constant 0 : index
    %get3A_924 = vector.load %arg3[%get3A_922, %get3A_923] : memref<5120x1xf32, #tpu.memory_space<vmem>>, vector<128x1xf32>
    %dot_general3A_925 = arith.constant dense<0.000000e+00> : vector<512x1xf32>
    %dot_general3A_926 = tpu.matmul %select_n3A_909, %get3A_924, %dot_general3A_925 {dimension_numbers = #tpu.dot_dimension_numbers<[1], [0], [0], [1], [0, 0, 1, 1], [], []>, precision = #tpu.contract_precision<fp32>, transpose_lhs_hint = false} : vector<512x128xf32>, vector<128x1xf32>, vector<512x1xf32> -> vector<512x1xf32>
    %add3A_927 = arith.addf %add3A_897, %dot_general3A_926 : vector<512x1xf32>
    %slice3A_928 = vector.extract_strided_slice %add3A_13 {offsets = [30, 0], sizes = [1, 128], strides = [1, 1]} : vector<40x128xf32> to vector<1x128xf32>
    %eq3A_929 = vector.broadcast %slice3A_928 : vector<1x128xf32> to vector<512x128xf32>
    %eq3A_930 = vector.broadcast %convert_element_type3A_25 : vector<512x1xf32> to vector<512x128xf32>
    %eq3A_931 = arith.cmpf oeq, %eq3A_929, %eq3A_930 : vector<512x128xf32>
    %slice3A_932 = vector.extract_strided_slice %and3A {offsets = [30, 0], sizes = [1, 128], strides = [1, 1]} : vector<40x128xi1> to vector<1x128xi1>
    %and3A_933 = vector.broadcast %slice3A_932 : vector<1x128xi1> to vector<512x128xi1>
    %and3A_934 = arith.andi %eq3A_931, %and3A_933 : vector<512x128xi1>
    %jit3A_935 = arith.constant 1.000000e+00 : f32
    %jit3A_936 = arith.constant 0.000000e+00 : f32
    %broadcast_in_dim3A_937 = vector.broadcast %jit3A_935 : f32 to vector<512x128xf32>
    %broadcast_in_dim3A_938 = vector.broadcast %jit3A_936 : f32 to vector<512x128xf32>
    %select_n3A_939 = arith.select %and3A_934, %broadcast_in_dim3A_937, %broadcast_in_dim3A_938 : vector<512x128xi1>, vector<512x128xf32>
    %get3A_940 = arith.constant 3840 : index
    %get3A_941 = arith.constant 0 : index
    %get3A_942 = vector.load %arg1[%get3A_940, %get3A_941] : memref<5120x1xf32, #tpu.memory_space<vmem>>, vector<128x1xf32>
    %dot_general3A_943 = arith.constant dense<0.000000e+00> : vector<512x1xf32>
    %dot_general3A_944 = tpu.matmul %select_n3A_939, %get3A_942, %dot_general3A_943 {dimension_numbers = #tpu.dot_dimension_numbers<[1], [0], [0], [1], [0, 0, 1, 1], [], []>, precision = #tpu.contract_precision<fp32>, transpose_lhs_hint = false} : vector<512x128xf32>, vector<128x1xf32>, vector<512x1xf32> -> vector<512x1xf32>
    %add3A_945 = arith.addf %add3A_915, %dot_general3A_944 : vector<512x1xf32>
    %get3A_946 = arith.constant 3840 : index
    %get3A_947 = arith.constant 0 : index
    %get3A_948 = vector.load %arg2[%get3A_946, %get3A_947] : memref<5120x1xf32, #tpu.memory_space<vmem>>, vector<128x1xf32>
    %dot_general3A_949 = arith.constant dense<0.000000e+00> : vector<512x1xf32>
    %dot_general3A_950 = tpu.matmul %select_n3A_939, %get3A_948, %dot_general3A_949 {dimension_numbers = #tpu.dot_dimension_numbers<[1], [0], [0], [1], [0, 0, 1, 1], [], []>, precision = #tpu.contract_precision<fp32>, transpose_lhs_hint = false} : vector<512x128xf32>, vector<128x1xf32>, vector<512x1xf32> -> vector<512x1xf32>
    %add3A_951 = arith.addf %add3A_921, %dot_general3A_950 : vector<512x1xf32>
    %get3A_952 = arith.constant 3840 : index
    %get3A_953 = arith.constant 0 : index
    %get3A_954 = vector.load %arg3[%get3A_952, %get3A_953] : memref<5120x1xf32, #tpu.memory_space<vmem>>, vector<128x1xf32>
    %dot_general3A_955 = arith.constant dense<0.000000e+00> : vector<512x1xf32>
    %dot_general3A_956 = tpu.matmul %select_n3A_939, %get3A_954, %dot_general3A_955 {dimension_numbers = #tpu.dot_dimension_numbers<[1], [0], [0], [1], [0, 0, 1, 1], [], []>, precision = #tpu.contract_precision<fp32>, transpose_lhs_hint = false} : vector<512x128xf32>, vector<128x1xf32>, vector<512x1xf32> -> vector<512x1xf32>
    %add3A_957 = arith.addf %add3A_927, %dot_general3A_956 : vector<512x1xf32>
    %slice3A_958 = vector.extract_strided_slice %add3A_13 {offsets = [31, 0], sizes = [1, 128], strides = [1, 1]} : vector<40x128xf32> to vector<1x128xf32>
    %eq3A_959 = vector.broadcast %slice3A_958 : vector<1x128xf32> to vector<512x128xf32>
    %eq3A_960 = vector.broadcast %convert_element_type3A_25 : vector<512x1xf32> to vector<512x128xf32>
    %eq3A_961 = arith.cmpf oeq, %eq3A_959, %eq3A_960 : vector<512x128xf32>
    %slice3A_962 = vector.extract_strided_slice %and3A {offsets = [31, 0], sizes = [1, 128], strides = [1, 1]} : vector<40x128xi1> to vector<1x128xi1>
    %and3A_963 = vector.broadcast %slice3A_962 : vector<1x128xi1> to vector<512x128xi1>
    %and3A_964 = arith.andi %eq3A_961, %and3A_963 : vector<512x128xi1>
    %jit3A_965 = arith.constant 1.000000e+00 : f32
    %jit3A_966 = arith.constant 0.000000e+00 : f32
    %broadcast_in_dim3A_967 = vector.broadcast %jit3A_965 : f32 to vector<512x128xf32>
    %broadcast_in_dim3A_968 = vector.broadcast %jit3A_966 : f32 to vector<512x128xf32>
    %select_n3A_969 = arith.select %and3A_964, %broadcast_in_dim3A_967, %broadcast_in_dim3A_968 : vector<512x128xi1>, vector<512x128xf32>
    %get3A_970 = arith.constant 3968 : index
    %get3A_971 = arith.constant 0 : index
    %get3A_972 = vector.load %arg1[%get3A_970, %get3A_971] : memref<5120x1xf32, #tpu.memory_space<vmem>>, vector<128x1xf32>
    %dot_general3A_973 = arith.constant dense<0.000000e+00> : vector<512x1xf32>
    %dot_general3A_974 = tpu.matmul %select_n3A_969, %get3A_972, %dot_general3A_973 {dimension_numbers = #tpu.dot_dimension_numbers<[1], [0], [0], [1], [0, 0, 1, 1], [], []>, precision = #tpu.contract_precision<fp32>, transpose_lhs_hint = false} : vector<512x128xf32>, vector<128x1xf32>, vector<512x1xf32> -> vector<512x1xf32>
    %add3A_975 = arith.addf %add3A_945, %dot_general3A_974 : vector<512x1xf32>
    %get3A_976 = arith.constant 3968 : index
    %get3A_977 = arith.constant 0 : index
    %get3A_978 = vector.load %arg2[%get3A_976, %get3A_977] : memref<5120x1xf32, #tpu.memory_space<vmem>>, vector<128x1xf32>
    %dot_general3A_979 = arith.constant dense<0.000000e+00> : vector<512x1xf32>
    %dot_general3A_980 = tpu.matmul %select_n3A_969, %get3A_978, %dot_general3A_979 {dimension_numbers = #tpu.dot_dimension_numbers<[1], [0], [0], [1], [0, 0, 1, 1], [], []>, precision = #tpu.contract_precision<fp32>, transpose_lhs_hint = false} : vector<512x128xf32>, vector<128x1xf32>, vector<512x1xf32> -> vector<512x1xf32>
    %add3A_981 = arith.addf %add3A_951, %dot_general3A_980 : vector<512x1xf32>
    %get3A_982 = arith.constant 3968 : index
    %get3A_983 = arith.constant 0 : index
    %get3A_984 = vector.load %arg3[%get3A_982, %get3A_983] : memref<5120x1xf32, #tpu.memory_space<vmem>>, vector<128x1xf32>
    %dot_general3A_985 = arith.constant dense<0.000000e+00> : vector<512x1xf32>
    %dot_general3A_986 = tpu.matmul %select_n3A_969, %get3A_984, %dot_general3A_985 {dimension_numbers = #tpu.dot_dimension_numbers<[1], [0], [0], [1], [0, 0, 1, 1], [], []>, precision = #tpu.contract_precision<fp32>, transpose_lhs_hint = false} : vector<512x128xf32>, vector<128x1xf32>, vector<512x1xf32> -> vector<512x1xf32>
    %add3A_987 = arith.addf %add3A_957, %dot_general3A_986 : vector<512x1xf32>
    %slice3A_988 = vector.extract_strided_slice %add3A_13 {offsets = [32, 0], sizes = [1, 128], strides = [1, 1]} : vector<40x128xf32> to vector<1x128xf32>
    %eq3A_989 = vector.broadcast %slice3A_988 : vector<1x128xf32> to vector<512x128xf32>
    %eq3A_990 = vector.broadcast %convert_element_type3A_25 : vector<512x1xf32> to vector<512x128xf32>
    %eq3A_991 = arith.cmpf oeq, %eq3A_989, %eq3A_990 : vector<512x128xf32>
    %slice3A_992 = vector.extract_strided_slice %and3A {offsets = [32, 0], sizes = [1, 128], strides = [1, 1]} : vector<40x128xi1> to vector<1x128xi1>
    %and3A_993 = vector.broadcast %slice3A_992 : vector<1x128xi1> to vector<512x128xi1>
    %and3A_994 = arith.andi %eq3A_991, %and3A_993 : vector<512x128xi1>
    %jit3A_995 = arith.constant 1.000000e+00 : f32
    %jit3A_996 = arith.constant 0.000000e+00 : f32
    %broadcast_in_dim3A_997 = vector.broadcast %jit3A_995 : f32 to vector<512x128xf32>
    %broadcast_in_dim3A_998 = vector.broadcast %jit3A_996 : f32 to vector<512x128xf32>
    %select_n3A_999 = arith.select %and3A_994, %broadcast_in_dim3A_997, %broadcast_in_dim3A_998 : vector<512x128xi1>, vector<512x128xf32>
    %get3A_1000 = arith.constant 4096 : index
    %get3A_1001 = arith.constant 0 : index
    %get3A_1002 = vector.load %arg1[%get3A_1000, %get3A_1001] : memref<5120x1xf32, #tpu.memory_space<vmem>>, vector<128x1xf32>
    %dot_general3A_1003 = arith.constant dense<0.000000e+00> : vector<512x1xf32>
    %dot_general3A_1004 = tpu.matmul %select_n3A_999, %get3A_1002, %dot_general3A_1003 {dimension_numbers = #tpu.dot_dimension_numbers<[1], [0], [0], [1], [0, 0, 1, 1], [], []>, precision = #tpu.contract_precision<fp32>, transpose_lhs_hint = false} : vector<512x128xf32>, vector<128x1xf32>, vector<512x1xf32> -> vector<512x1xf32>
    %add3A_1005 = arith.addf %add3A_975, %dot_general3A_1004 : vector<512x1xf32>
    %get3A_1006 = arith.constant 4096 : index
    %get3A_1007 = arith.constant 0 : index
    %get3A_1008 = vector.load %arg2[%get3A_1006, %get3A_1007] : memref<5120x1xf32, #tpu.memory_space<vmem>>, vector<128x1xf32>
    %dot_general3A_1009 = arith.constant dense<0.000000e+00> : vector<512x1xf32>
    %dot_general3A_1010 = tpu.matmul %select_n3A_999, %get3A_1008, %dot_general3A_1009 {dimension_numbers = #tpu.dot_dimension_numbers<[1], [0], [0], [1], [0, 0, 1, 1], [], []>, precision = #tpu.contract_precision<fp32>, transpose_lhs_hint = false} : vector<512x128xf32>, vector<128x1xf32>, vector<512x1xf32> -> vector<512x1xf32>
    %add3A_1011 = arith.addf %add3A_981, %dot_general3A_1010 : vector<512x1xf32>
    %get3A_1012 = arith.constant 4096 : index
    %get3A_1013 = arith.constant 0 : index
    %get3A_1014 = vector.load %arg3[%get3A_1012, %get3A_1013] : memref<5120x1xf32, #tpu.memory_space<vmem>>, vector<128x1xf32>
    %dot_general3A_1015 = arith.constant dense<0.000000e+00> : vector<512x1xf32>
    %dot_general3A_1016 = tpu.matmul %select_n3A_999, %get3A_1014, %dot_general3A_1015 {dimension_numbers = #tpu.dot_dimension_numbers<[1], [0], [0], [1], [0, 0, 1, 1], [], []>, precision = #tpu.contract_precision<fp32>, transpose_lhs_hint = false} : vector<512x128xf32>, vector<128x1xf32>, vector<512x1xf32> -> vector<512x1xf32>
    %add3A_1017 = arith.addf %add3A_987, %dot_general3A_1016 : vector<512x1xf32>
    %slice3A_1018 = vector.extract_strided_slice %add3A_13 {offsets = [33, 0], sizes = [1, 128], strides = [1, 1]} : vector<40x128xf32> to vector<1x128xf32>
    %eq3A_1019 = vector.broadcast %slice3A_1018 : vector<1x128xf32> to vector<512x128xf32>
    %eq3A_1020 = vector.broadcast %convert_element_type3A_25 : vector<512x1xf32> to vector<512x128xf32>
    %eq3A_1021 = arith.cmpf oeq, %eq3A_1019, %eq3A_1020 : vector<512x128xf32>
    %slice3A_1022 = vector.extract_strided_slice %and3A {offsets = [33, 0], sizes = [1, 128], strides = [1, 1]} : vector<40x128xi1> to vector<1x128xi1>
    %and3A_1023 = vector.broadcast %slice3A_1022 : vector<1x128xi1> to vector<512x128xi1>
    %and3A_1024 = arith.andi %eq3A_1021, %and3A_1023 : vector<512x128xi1>
    %jit3A_1025 = arith.constant 1.000000e+00 : f32
    %jit3A_1026 = arith.constant 0.000000e+00 : f32
    %broadcast_in_dim3A_1027 = vector.broadcast %jit3A_1025 : f32 to vector<512x128xf32>
    %broadcast_in_dim3A_1028 = vector.broadcast %jit3A_1026 : f32 to vector<512x128xf32>
    %select_n3A_1029 = arith.select %and3A_1024, %broadcast_in_dim3A_1027, %broadcast_in_dim3A_1028 : vector<512x128xi1>, vector<512x128xf32>
    %get3A_1030 = arith.constant 4224 : index
    %get3A_1031 = arith.constant 0 : index
    %get3A_1032 = vector.load %arg1[%get3A_1030, %get3A_1031] : memref<5120x1xf32, #tpu.memory_space<vmem>>, vector<128x1xf32>
    %dot_general3A_1033 = arith.constant dense<0.000000e+00> : vector<512x1xf32>
    %dot_general3A_1034 = tpu.matmul %select_n3A_1029, %get3A_1032, %dot_general3A_1033 {dimension_numbers = #tpu.dot_dimension_numbers<[1], [0], [0], [1], [0, 0, 1, 1], [], []>, precision = #tpu.contract_precision<fp32>, transpose_lhs_hint = false} : vector<512x128xf32>, vector<128x1xf32>, vector<512x1xf32> -> vector<512x1xf32>
    %add3A_1035 = arith.addf %add3A_1005, %dot_general3A_1034 : vector<512x1xf32>
    %get3A_1036 = arith.constant 4224 : index
    %get3A_1037 = arith.constant 0 : index
    %get3A_1038 = vector.load %arg2[%get3A_1036, %get3A_1037] : memref<5120x1xf32, #tpu.memory_space<vmem>>, vector<128x1xf32>
    %dot_general3A_1039 = arith.constant dense<0.000000e+00> : vector<512x1xf32>
    %dot_general3A_1040 = tpu.matmul %select_n3A_1029, %get3A_1038, %dot_general3A_1039 {dimension_numbers = #tpu.dot_dimension_numbers<[1], [0], [0], [1], [0, 0, 1, 1], [], []>, precision = #tpu.contract_precision<fp32>, transpose_lhs_hint = false} : vector<512x128xf32>, vector<128x1xf32>, vector<512x1xf32> -> vector<512x1xf32>
    %add3A_1041 = arith.addf %add3A_1011, %dot_general3A_1040 : vector<512x1xf32>
    %get3A_1042 = arith.constant 4224 : index
    %get3A_1043 = arith.constant 0 : index
    %get3A_1044 = vector.load %arg3[%get3A_1042, %get3A_1043] : memref<5120x1xf32, #tpu.memory_space<vmem>>, vector<128x1xf32>
    %dot_general3A_1045 = arith.constant dense<0.000000e+00> : vector<512x1xf32>
    %dot_general3A_1046 = tpu.matmul %select_n3A_1029, %get3A_1044, %dot_general3A_1045 {dimension_numbers = #tpu.dot_dimension_numbers<[1], [0], [0], [1], [0, 0, 1, 1], [], []>, precision = #tpu.contract_precision<fp32>, transpose_lhs_hint = false} : vector<512x128xf32>, vector<128x1xf32>, vector<512x1xf32> -> vector<512x1xf32>
    %add3A_1047 = arith.addf %add3A_1017, %dot_general3A_1046 : vector<512x1xf32>
    %slice3A_1048 = vector.extract_strided_slice %add3A_13 {offsets = [34, 0], sizes = [1, 128], strides = [1, 1]} : vector<40x128xf32> to vector<1x128xf32>
    %eq3A_1049 = vector.broadcast %slice3A_1048 : vector<1x128xf32> to vector<512x128xf32>
    %eq3A_1050 = vector.broadcast %convert_element_type3A_25 : vector<512x1xf32> to vector<512x128xf32>
    %eq3A_1051 = arith.cmpf oeq, %eq3A_1049, %eq3A_1050 : vector<512x128xf32>
    %slice3A_1052 = vector.extract_strided_slice %and3A {offsets = [34, 0], sizes = [1, 128], strides = [1, 1]} : vector<40x128xi1> to vector<1x128xi1>
    %and3A_1053 = vector.broadcast %slice3A_1052 : vector<1x128xi1> to vector<512x128xi1>
    %and3A_1054 = arith.andi %eq3A_1051, %and3A_1053 : vector<512x128xi1>
    %jit3A_1055 = arith.constant 1.000000e+00 : f32
    %jit3A_1056 = arith.constant 0.000000e+00 : f32
    %broadcast_in_dim3A_1057 = vector.broadcast %jit3A_1055 : f32 to vector<512x128xf32>
    %broadcast_in_dim3A_1058 = vector.broadcast %jit3A_1056 : f32 to vector<512x128xf32>
    %select_n3A_1059 = arith.select %and3A_1054, %broadcast_in_dim3A_1057, %broadcast_in_dim3A_1058 : vector<512x128xi1>, vector<512x128xf32>
    %get3A_1060 = arith.constant 4352 : index
    %get3A_1061 = arith.constant 0 : index
    %get3A_1062 = vector.load %arg1[%get3A_1060, %get3A_1061] : memref<5120x1xf32, #tpu.memory_space<vmem>>, vector<128x1xf32>
    %dot_general3A_1063 = arith.constant dense<0.000000e+00> : vector<512x1xf32>
    %dot_general3A_1064 = tpu.matmul %select_n3A_1059, %get3A_1062, %dot_general3A_1063 {dimension_numbers = #tpu.dot_dimension_numbers<[1], [0], [0], [1], [0, 0, 1, 1], [], []>, precision = #tpu.contract_precision<fp32>, transpose_lhs_hint = false} : vector<512x128xf32>, vector<128x1xf32>, vector<512x1xf32> -> vector<512x1xf32>
    %add3A_1065 = arith.addf %add3A_1035, %dot_general3A_1064 : vector<512x1xf32>
    %get3A_1066 = arith.constant 4352 : index
    %get3A_1067 = arith.constant 0 : index
    %get3A_1068 = vector.load %arg2[%get3A_1066, %get3A_1067] : memref<5120x1xf32, #tpu.memory_space<vmem>>, vector<128x1xf32>
    %dot_general3A_1069 = arith.constant dense<0.000000e+00> : vector<512x1xf32>
    %dot_general3A_1070 = tpu.matmul %select_n3A_1059, %get3A_1068, %dot_general3A_1069 {dimension_numbers = #tpu.dot_dimension_numbers<[1], [0], [0], [1], [0, 0, 1, 1], [], []>, precision = #tpu.contract_precision<fp32>, transpose_lhs_hint = false} : vector<512x128xf32>, vector<128x1xf32>, vector<512x1xf32> -> vector<512x1xf32>
    %add3A_1071 = arith.addf %add3A_1041, %dot_general3A_1070 : vector<512x1xf32>
    %get3A_1072 = arith.constant 4352 : index
    %get3A_1073 = arith.constant 0 : index
    %get3A_1074 = vector.load %arg3[%get3A_1072, %get3A_1073] : memref<5120x1xf32, #tpu.memory_space<vmem>>, vector<128x1xf32>
    %dot_general3A_1075 = arith.constant dense<0.000000e+00> : vector<512x1xf32>
    %dot_general3A_1076 = tpu.matmul %select_n3A_1059, %get3A_1074, %dot_general3A_1075 {dimension_numbers = #tpu.dot_dimension_numbers<[1], [0], [0], [1], [0, 0, 1, 1], [], []>, precision = #tpu.contract_precision<fp32>, transpose_lhs_hint = false} : vector<512x128xf32>, vector<128x1xf32>, vector<512x1xf32> -> vector<512x1xf32>
    %add3A_1077 = arith.addf %add3A_1047, %dot_general3A_1076 : vector<512x1xf32>
    %slice3A_1078 = vector.extract_strided_slice %add3A_13 {offsets = [35, 0], sizes = [1, 128], strides = [1, 1]} : vector<40x128xf32> to vector<1x128xf32>
    %eq3A_1079 = vector.broadcast %slice3A_1078 : vector<1x128xf32> to vector<512x128xf32>
    %eq3A_1080 = vector.broadcast %convert_element_type3A_25 : vector<512x1xf32> to vector<512x128xf32>
    %eq3A_1081 = arith.cmpf oeq, %eq3A_1079, %eq3A_1080 : vector<512x128xf32>
    %slice3A_1082 = vector.extract_strided_slice %and3A {offsets = [35, 0], sizes = [1, 128], strides = [1, 1]} : vector<40x128xi1> to vector<1x128xi1>
    %and3A_1083 = vector.broadcast %slice3A_1082 : vector<1x128xi1> to vector<512x128xi1>
    %and3A_1084 = arith.andi %eq3A_1081, %and3A_1083 : vector<512x128xi1>
    %jit3A_1085 = arith.constant 1.000000e+00 : f32
    %jit3A_1086 = arith.constant 0.000000e+00 : f32
    %broadcast_in_dim3A_1087 = vector.broadcast %jit3A_1085 : f32 to vector<512x128xf32>
    %broadcast_in_dim3A_1088 = vector.broadcast %jit3A_1086 : f32 to vector<512x128xf32>
    %select_n3A_1089 = arith.select %and3A_1084, %broadcast_in_dim3A_1087, %broadcast_in_dim3A_1088 : vector<512x128xi1>, vector<512x128xf32>
    %get3A_1090 = arith.constant 4480 : index
    %get3A_1091 = arith.constant 0 : index
    %get3A_1092 = vector.load %arg1[%get3A_1090, %get3A_1091] : memref<5120x1xf32, #tpu.memory_space<vmem>>, vector<128x1xf32>
    %dot_general3A_1093 = arith.constant dense<0.000000e+00> : vector<512x1xf32>
    %dot_general3A_1094 = tpu.matmul %select_n3A_1089, %get3A_1092, %dot_general3A_1093 {dimension_numbers = #tpu.dot_dimension_numbers<[1], [0], [0], [1], [0, 0, 1, 1], [], []>, precision = #tpu.contract_precision<fp32>, transpose_lhs_hint = false} : vector<512x128xf32>, vector<128x1xf32>, vector<512x1xf32> -> vector<512x1xf32>
    %add3A_1095 = arith.addf %add3A_1065, %dot_general3A_1094 : vector<512x1xf32>
    %get3A_1096 = arith.constant 4480 : index
    %get3A_1097 = arith.constant 0 : index
    %get3A_1098 = vector.load %arg2[%get3A_1096, %get3A_1097] : memref<5120x1xf32, #tpu.memory_space<vmem>>, vector<128x1xf32>
    %dot_general3A_1099 = arith.constant dense<0.000000e+00> : vector<512x1xf32>
    %dot_general3A_1100 = tpu.matmul %select_n3A_1089, %get3A_1098, %dot_general3A_1099 {dimension_numbers = #tpu.dot_dimension_numbers<[1], [0], [0], [1], [0, 0, 1, 1], [], []>, precision = #tpu.contract_precision<fp32>, transpose_lhs_hint = false} : vector<512x128xf32>, vector<128x1xf32>, vector<512x1xf32> -> vector<512x1xf32>
    %add3A_1101 = arith.addf %add3A_1071, %dot_general3A_1100 : vector<512x1xf32>
    %get3A_1102 = arith.constant 4480 : index
    %get3A_1103 = arith.constant 0 : index
    %get3A_1104 = vector.load %arg3[%get3A_1102, %get3A_1103] : memref<5120x1xf32, #tpu.memory_space<vmem>>, vector<128x1xf32>
    %dot_general3A_1105 = arith.constant dense<0.000000e+00> : vector<512x1xf32>
    %dot_general3A_1106 = tpu.matmul %select_n3A_1089, %get3A_1104, %dot_general3A_1105 {dimension_numbers = #tpu.dot_dimension_numbers<[1], [0], [0], [1], [0, 0, 1, 1], [], []>, precision = #tpu.contract_precision<fp32>, transpose_lhs_hint = false} : vector<512x128xf32>, vector<128x1xf32>, vector<512x1xf32> -> vector<512x1xf32>
    %add3A_1107 = arith.addf %add3A_1077, %dot_general3A_1106 : vector<512x1xf32>
    %slice3A_1108 = vector.extract_strided_slice %add3A_13 {offsets = [36, 0], sizes = [1, 128], strides = [1, 1]} : vector<40x128xf32> to vector<1x128xf32>
    %eq3A_1109 = vector.broadcast %slice3A_1108 : vector<1x128xf32> to vector<512x128xf32>
    %eq3A_1110 = vector.broadcast %convert_element_type3A_25 : vector<512x1xf32> to vector<512x128xf32>
    %eq3A_1111 = arith.cmpf oeq, %eq3A_1109, %eq3A_1110 : vector<512x128xf32>
    %slice3A_1112 = vector.extract_strided_slice %and3A {offsets = [36, 0], sizes = [1, 128], strides = [1, 1]} : vector<40x128xi1> to vector<1x128xi1>
    %and3A_1113 = vector.broadcast %slice3A_1112 : vector<1x128xi1> to vector<512x128xi1>
    %and3A_1114 = arith.andi %eq3A_1111, %and3A_1113 : vector<512x128xi1>
    %jit3A_1115 = arith.constant 1.000000e+00 : f32
    %jit3A_1116 = arith.constant 0.000000e+00 : f32
    %broadcast_in_dim3A_1117 = vector.broadcast %jit3A_1115 : f32 to vector<512x128xf32>
    %broadcast_in_dim3A_1118 = vector.broadcast %jit3A_1116 : f32 to vector<512x128xf32>
    %select_n3A_1119 = arith.select %and3A_1114, %broadcast_in_dim3A_1117, %broadcast_in_dim3A_1118 : vector<512x128xi1>, vector<512x128xf32>
    %get3A_1120 = arith.constant 4608 : index
    %get3A_1121 = arith.constant 0 : index
    %get3A_1122 = vector.load %arg1[%get3A_1120, %get3A_1121] : memref<5120x1xf32, #tpu.memory_space<vmem>>, vector<128x1xf32>
    %dot_general3A_1123 = arith.constant dense<0.000000e+00> : vector<512x1xf32>
    %dot_general3A_1124 = tpu.matmul %select_n3A_1119, %get3A_1122, %dot_general3A_1123 {dimension_numbers = #tpu.dot_dimension_numbers<[1], [0], [0], [1], [0, 0, 1, 1], [], []>, precision = #tpu.contract_precision<fp32>, transpose_lhs_hint = false} : vector<512x128xf32>, vector<128x1xf32>, vector<512x1xf32> -> vector<512x1xf32>
    %add3A_1125 = arith.addf %add3A_1095, %dot_general3A_1124 : vector<512x1xf32>
    %get3A_1126 = arith.constant 4608 : index
    %get3A_1127 = arith.constant 0 : index
    %get3A_1128 = vector.load %arg2[%get3A_1126, %get3A_1127] : memref<5120x1xf32, #tpu.memory_space<vmem>>, vector<128x1xf32>
    %dot_general3A_1129 = arith.constant dense<0.000000e+00> : vector<512x1xf32>
    %dot_general3A_1130 = tpu.matmul %select_n3A_1119, %get3A_1128, %dot_general3A_1129 {dimension_numbers = #tpu.dot_dimension_numbers<[1], [0], [0], [1], [0, 0, 1, 1], [], []>, precision = #tpu.contract_precision<fp32>, transpose_lhs_hint = false} : vector<512x128xf32>, vector<128x1xf32>, vector<512x1xf32> -> vector<512x1xf32>
    %add3A_1131 = arith.addf %add3A_1101, %dot_general3A_1130 : vector<512x1xf32>
    %get3A_1132 = arith.constant 4608 : index
    %get3A_1133 = arith.constant 0 : index
    %get3A_1134 = vector.load %arg3[%get3A_1132, %get3A_1133] : memref<5120x1xf32, #tpu.memory_space<vmem>>, vector<128x1xf32>
    %dot_general3A_1135 = arith.constant dense<0.000000e+00> : vector<512x1xf32>
    %dot_general3A_1136 = tpu.matmul %select_n3A_1119, %get3A_1134, %dot_general3A_1135 {dimension_numbers = #tpu.dot_dimension_numbers<[1], [0], [0], [1], [0, 0, 1, 1], [], []>, precision = #tpu.contract_precision<fp32>, transpose_lhs_hint = false} : vector<512x128xf32>, vector<128x1xf32>, vector<512x1xf32> -> vector<512x1xf32>
    %add3A_1137 = arith.addf %add3A_1107, %dot_general3A_1136 : vector<512x1xf32>
    %slice3A_1138 = vector.extract_strided_slice %add3A_13 {offsets = [37, 0], sizes = [1, 128], strides = [1, 1]} : vector<40x128xf32> to vector<1x128xf32>
    %eq3A_1139 = vector.broadcast %slice3A_1138 : vector<1x128xf32> to vector<512x128xf32>
    %eq3A_1140 = vector.broadcast %convert_element_type3A_25 : vector<512x1xf32> to vector<512x128xf32>
    %eq3A_1141 = arith.cmpf oeq, %eq3A_1139, %eq3A_1140 : vector<512x128xf32>
    %slice3A_1142 = vector.extract_strided_slice %and3A {offsets = [37, 0], sizes = [1, 128], strides = [1, 1]} : vector<40x128xi1> to vector<1x128xi1>
    %and3A_1143 = vector.broadcast %slice3A_1142 : vector<1x128xi1> to vector<512x128xi1>
    %and3A_1144 = arith.andi %eq3A_1141, %and3A_1143 : vector<512x128xi1>
    %jit3A_1145 = arith.constant 1.000000e+00 : f32
    %jit3A_1146 = arith.constant 0.000000e+00 : f32
    %broadcast_in_dim3A_1147 = vector.broadcast %jit3A_1145 : f32 to vector<512x128xf32>
    %broadcast_in_dim3A_1148 = vector.broadcast %jit3A_1146 : f32 to vector<512x128xf32>
    %select_n3A_1149 = arith.select %and3A_1144, %broadcast_in_dim3A_1147, %broadcast_in_dim3A_1148 : vector<512x128xi1>, vector<512x128xf32>
    %get3A_1150 = arith.constant 4736 : index
    %get3A_1151 = arith.constant 0 : index
    %get3A_1152 = vector.load %arg1[%get3A_1150, %get3A_1151] : memref<5120x1xf32, #tpu.memory_space<vmem>>, vector<128x1xf32>
    %dot_general3A_1153 = arith.constant dense<0.000000e+00> : vector<512x1xf32>
    %dot_general3A_1154 = tpu.matmul %select_n3A_1149, %get3A_1152, %dot_general3A_1153 {dimension_numbers = #tpu.dot_dimension_numbers<[1], [0], [0], [1], [0, 0, 1, 1], [], []>, precision = #tpu.contract_precision<fp32>, transpose_lhs_hint = false} : vector<512x128xf32>, vector<128x1xf32>, vector<512x1xf32> -> vector<512x1xf32>
    %add3A_1155 = arith.addf %add3A_1125, %dot_general3A_1154 : vector<512x1xf32>
    %get3A_1156 = arith.constant 4736 : index
    %get3A_1157 = arith.constant 0 : index
    %get3A_1158 = vector.load %arg2[%get3A_1156, %get3A_1157] : memref<5120x1xf32, #tpu.memory_space<vmem>>, vector<128x1xf32>
    %dot_general3A_1159 = arith.constant dense<0.000000e+00> : vector<512x1xf32>
    %dot_general3A_1160 = tpu.matmul %select_n3A_1149, %get3A_1158, %dot_general3A_1159 {dimension_numbers = #tpu.dot_dimension_numbers<[1], [0], [0], [1], [0, 0, 1, 1], [], []>, precision = #tpu.contract_precision<fp32>, transpose_lhs_hint = false} : vector<512x128xf32>, vector<128x1xf32>, vector<512x1xf32> -> vector<512x1xf32>
    %add3A_1161 = arith.addf %add3A_1131, %dot_general3A_1160 : vector<512x1xf32>
    %get3A_1162 = arith.constant 4736 : index
    %get3A_1163 = arith.constant 0 : index
    %get3A_1164 = vector.load %arg3[%get3A_1162, %get3A_1163] : memref<5120x1xf32, #tpu.memory_space<vmem>>, vector<128x1xf32>
    %dot_general3A_1165 = arith.constant dense<0.000000e+00> : vector<512x1xf32>
    %dot_general3A_1166 = tpu.matmul %select_n3A_1149, %get3A_1164, %dot_general3A_1165 {dimension_numbers = #tpu.dot_dimension_numbers<[1], [0], [0], [1], [0, 0, 1, 1], [], []>, precision = #tpu.contract_precision<fp32>, transpose_lhs_hint = false} : vector<512x128xf32>, vector<128x1xf32>, vector<512x1xf32> -> vector<512x1xf32>
    %add3A_1167 = arith.addf %add3A_1137, %dot_general3A_1166 : vector<512x1xf32>
    %slice3A_1168 = vector.extract_strided_slice %add3A_13 {offsets = [38, 0], sizes = [1, 128], strides = [1, 1]} : vector<40x128xf32> to vector<1x128xf32>
    %eq3A_1169 = vector.broadcast %slice3A_1168 : vector<1x128xf32> to vector<512x128xf32>
    %eq3A_1170 = vector.broadcast %convert_element_type3A_25 : vector<512x1xf32> to vector<512x128xf32>
    %eq3A_1171 = arith.cmpf oeq, %eq3A_1169, %eq3A_1170 : vector<512x128xf32>
    %slice3A_1172 = vector.extract_strided_slice %and3A {offsets = [38, 0], sizes = [1, 128], strides = [1, 1]} : vector<40x128xi1> to vector<1x128xi1>
    %and3A_1173 = vector.broadcast %slice3A_1172 : vector<1x128xi1> to vector<512x128xi1>
    %and3A_1174 = arith.andi %eq3A_1171, %and3A_1173 : vector<512x128xi1>
    %jit3A_1175 = arith.constant 1.000000e+00 : f32
    %jit3A_1176 = arith.constant 0.000000e+00 : f32
    %broadcast_in_dim3A_1177 = vector.broadcast %jit3A_1175 : f32 to vector<512x128xf32>
    %broadcast_in_dim3A_1178 = vector.broadcast %jit3A_1176 : f32 to vector<512x128xf32>
    %select_n3A_1179 = arith.select %and3A_1174, %broadcast_in_dim3A_1177, %broadcast_in_dim3A_1178 : vector<512x128xi1>, vector<512x128xf32>
    %get3A_1180 = arith.constant 4864 : index
    %get3A_1181 = arith.constant 0 : index
    %get3A_1182 = vector.load %arg1[%get3A_1180, %get3A_1181] : memref<5120x1xf32, #tpu.memory_space<vmem>>, vector<128x1xf32>
    %dot_general3A_1183 = arith.constant dense<0.000000e+00> : vector<512x1xf32>
    %dot_general3A_1184 = tpu.matmul %select_n3A_1179, %get3A_1182, %dot_general3A_1183 {dimension_numbers = #tpu.dot_dimension_numbers<[1], [0], [0], [1], [0, 0, 1, 1], [], []>, precision = #tpu.contract_precision<fp32>, transpose_lhs_hint = false} : vector<512x128xf32>, vector<128x1xf32>, vector<512x1xf32> -> vector<512x1xf32>
    %add3A_1185 = arith.addf %add3A_1155, %dot_general3A_1184 : vector<512x1xf32>
    %get3A_1186 = arith.constant 4864 : index
    %get3A_1187 = arith.constant 0 : index
    %get3A_1188 = vector.load %arg2[%get3A_1186, %get3A_1187] : memref<5120x1xf32, #tpu.memory_space<vmem>>, vector<128x1xf32>
    %dot_general3A_1189 = arith.constant dense<0.000000e+00> : vector<512x1xf32>
    %dot_general3A_1190 = tpu.matmul %select_n3A_1179, %get3A_1188, %dot_general3A_1189 {dimension_numbers = #tpu.dot_dimension_numbers<[1], [0], [0], [1], [0, 0, 1, 1], [], []>, precision = #tpu.contract_precision<fp32>, transpose_lhs_hint = false} : vector<512x128xf32>, vector<128x1xf32>, vector<512x1xf32> -> vector<512x1xf32>
    %add3A_1191 = arith.addf %add3A_1161, %dot_general3A_1190 : vector<512x1xf32>
    %get3A_1192 = arith.constant 4864 : index
    %get3A_1193 = arith.constant 0 : index
    %get3A_1194 = vector.load %arg3[%get3A_1192, %get3A_1193] : memref<5120x1xf32, #tpu.memory_space<vmem>>, vector<128x1xf32>
    %dot_general3A_1195 = arith.constant dense<0.000000e+00> : vector<512x1xf32>
    %dot_general3A_1196 = tpu.matmul %select_n3A_1179, %get3A_1194, %dot_general3A_1195 {dimension_numbers = #tpu.dot_dimension_numbers<[1], [0], [0], [1], [0, 0, 1, 1], [], []>, precision = #tpu.contract_precision<fp32>, transpose_lhs_hint = false} : vector<512x128xf32>, vector<128x1xf32>, vector<512x1xf32> -> vector<512x1xf32>
    %add3A_1197 = arith.addf %add3A_1167, %dot_general3A_1196 : vector<512x1xf32>
    %slice3A_1198 = vector.extract_strided_slice %add3A_13 {offsets = [39, 0], sizes = [1, 128], strides = [1, 1]} : vector<40x128xf32> to vector<1x128xf32>
    %eq3A_1199 = vector.broadcast %slice3A_1198 : vector<1x128xf32> to vector<512x128xf32>
    %eq3A_1200 = vector.broadcast %convert_element_type3A_25 : vector<512x1xf32> to vector<512x128xf32>
    %eq3A_1201 = arith.cmpf oeq, %eq3A_1199, %eq3A_1200 : vector<512x128xf32>
    %slice3A_1202 = vector.extract_strided_slice %and3A {offsets = [39, 0], sizes = [1, 128], strides = [1, 1]} : vector<40x128xi1> to vector<1x128xi1>
    %and3A_1203 = vector.broadcast %slice3A_1202 : vector<1x128xi1> to vector<512x128xi1>
    %and3A_1204 = arith.andi %eq3A_1201, %and3A_1203 : vector<512x128xi1>
    %jit3A_1205 = arith.constant 1.000000e+00 : f32
    %jit3A_1206 = arith.constant 0.000000e+00 : f32
    %broadcast_in_dim3A_1207 = vector.broadcast %jit3A_1205 : f32 to vector<512x128xf32>
    %broadcast_in_dim3A_1208 = vector.broadcast %jit3A_1206 : f32 to vector<512x128xf32>
    %select_n3A_1209 = arith.select %and3A_1204, %broadcast_in_dim3A_1207, %broadcast_in_dim3A_1208 : vector<512x128xi1>, vector<512x128xf32>
    %get3A_1210 = arith.constant 4992 : index
    %get3A_1211 = arith.constant 0 : index
    %get3A_1212 = vector.load %arg1[%get3A_1210, %get3A_1211] : memref<5120x1xf32, #tpu.memory_space<vmem>>, vector<128x1xf32>
    %dot_general3A_1213 = arith.constant dense<0.000000e+00> : vector<512x1xf32>
    %dot_general3A_1214 = tpu.matmul %select_n3A_1209, %get3A_1212, %dot_general3A_1213 {dimension_numbers = #tpu.dot_dimension_numbers<[1], [0], [0], [1], [0, 0, 1, 1], [], []>, precision = #tpu.contract_precision<fp32>, transpose_lhs_hint = false} : vector<512x128xf32>, vector<128x1xf32>, vector<512x1xf32> -> vector<512x1xf32>
    %add3A_1215 = arith.addf %add3A_1185, %dot_general3A_1214 : vector<512x1xf32>
    %get3A_1216 = arith.constant 4992 : index
    %get3A_1217 = arith.constant 0 : index
    %get3A_1218 = vector.load %arg2[%get3A_1216, %get3A_1217] : memref<5120x1xf32, #tpu.memory_space<vmem>>, vector<128x1xf32>
    %dot_general3A_1219 = arith.constant dense<0.000000e+00> : vector<512x1xf32>
    %dot_general3A_1220 = tpu.matmul %select_n3A_1209, %get3A_1218, %dot_general3A_1219 {dimension_numbers = #tpu.dot_dimension_numbers<[1], [0], [0], [1], [0, 0, 1, 1], [], []>, precision = #tpu.contract_precision<fp32>, transpose_lhs_hint = false} : vector<512x128xf32>, vector<128x1xf32>, vector<512x1xf32> -> vector<512x1xf32>
    %add3A_1221 = arith.addf %add3A_1191, %dot_general3A_1220 : vector<512x1xf32>
    %get3A_1222 = arith.constant 4992 : index
    %get3A_1223 = arith.constant 0 : index
    %get3A_1224 = vector.load %arg3[%get3A_1222, %get3A_1223] : memref<5120x1xf32, #tpu.memory_space<vmem>>, vector<128x1xf32>
    %dot_general3A_1225 = arith.constant dense<0.000000e+00> : vector<512x1xf32>
    %dot_general3A_1226 = tpu.matmul %select_n3A_1209, %get3A_1224, %dot_general3A_1225 {dimension_numbers = #tpu.dot_dimension_numbers<[1], [0], [0], [1], [0, 0, 1, 1], [], []>, precision = #tpu.contract_precision<fp32>, transpose_lhs_hint = false} : vector<512x128xf32>, vector<128x1xf32>, vector<512x1xf32> -> vector<512x1xf32>
    %add3A_1227 = arith.addf %add3A_1197, %dot_general3A_1226 : vector<512x1xf32>
    %lt3A_1228 = vector.broadcast %reduce_sum3A_23 : f32 to vector<512x1xf32>
    %lt3A_1229 = arith.cmpf olt, %convert_element_type3A_25, %lt3A_1228 : vector<512x1xf32>
    %jit3A_1230 = arith.constant -1.000000e+00 : f32
    %broadcast_in_dim3A_1231 = vector.broadcast %jit3A_1230 : f32 to vector<512x1xf32>
    %select_n3A_1232 = arith.select %lt3A_1229, %add3A_1215, %broadcast_in_dim3A_1231 : vector<512x1xi1>, vector<512x1xf32>
    %swap3A = arith.constant 0 : index
    %swap3A_1233 = arith.constant 0 : index
    %swap3A_1234 = vector.load %arg4[%swap3A, %swap3A_1233] : memref<512x1xf32, #tpu.memory_space<vmem>>, vector<512x1xf32>
    tpu.vector_store %arg4[%swap3A, %swap3A_1233], %select_n3A_1232 {strides = array<i32>} : memref<512x1xf32, #tpu.memory_space<vmem>>, vector<512x1xf32>,
    %jit3A_1235 = arith.constant -1.000000e+00 : f32
    %broadcast_in_dim3A_1236 = vector.broadcast %jit3A_1235 : f32 to vector<512x1xf32>
    %select_n3A_1237 = arith.select %lt3A_1229, %add3A_1221, %broadcast_in_dim3A_1236 : vector<512x1xi1>, vector<512x1xf32>
    %swap3A_1238 = arith.constant 0 : index
    %swap3A_1239 = arith.constant 0 : index
    %swap3A_1240 = vector.load %arg5[%swap3A_1238, %swap3A_1239] : memref<512x1xf32, #tpu.memory_space<vmem>>, vector<512x1xf32>
    tpu.vector_store %arg5[%swap3A_1238, %swap3A_1239], %select_n3A_1237 {strides = array<i32>} : memref<512x1xf32, #tpu.memory_space<vmem>>, vector<512x1xf32>,
    %jit3A_1241 = arith.constant -1.000000e+00 : f32
    %broadcast_in_dim3A_1242 = vector.broadcast %jit3A_1241 : f32 to vector<512x1xf32>
    %select_n3A_1243 = arith.select %lt3A_1229, %add3A_1227, %broadcast_in_dim3A_1242 : vector<512x1xi1>, vector<512x1xf32>
    %swap3A_1244 = arith.constant 0 : index
    %swap3A_1245 = arith.constant 0 : index
    %swap3A_1246 = vector.load %arg6[%swap3A_1244, %swap3A_1245] : memref<512x1xf32, #tpu.memory_space<vmem>>, vector<512x1xf32>
    tpu.vector_store %arg6[%swap3A_1244, %swap3A_1245], %select_n3A_1243 {strides = array<i32>} : memref<512x1xf32, #tpu.memory_space<vmem>>, vector<512x1xf32>,
    return
  }
}

</mosaic_0001>

<sc_bundles>
// kernel: kernel.7.cloned.1.call-start
scs
__scs_entry_jumppad:
0x0: {  	(pc) =	sbr.rel $0x88, $3  }
0x1: {  	(tag) =	ssettag $0x0;
	lr =	simm.s32 $0x1  }
0x2: {  	[smem:$0x3F9C] =	sst lr;
	_ =	strace $0xD0000000  }
0x3: {  	_ = 	snop  }
0x4: {  	_ = 	snop  }
0x5: {  	_ = 	snop  }
0x6: {  	_ = 	snop  }
0x7: {  	_ = 	snop  }
__scs_overlays_trampoline_lowered:
0x8: {  	[smem:$0x3FAB] =	sst s0  }
0x9: {  	[smem:$0x3FAC] =	sst s1  }
0xa: {  	[smem:$0x3FAD] =	sst s2  }
0xb: {  	[smem:$0x3FAE] =	sst s3  }
0xc: {  	[smem:$0x3FAF] =	sst s4  }
0xd: {  	[smem:$0x3FB0] =	sst s5  }
0xe: {  	[smem:$0x3FB1] =	sst s6  }
0xf: {  	[smem:$0x3FB2] =	sst s7  }
0x10: {  	[smem:$0x3FB3] =	sst s8  }
0x11: {  	[smem:$0x3FB4] =	sst s9;
	s0 =	simm.s32 @!p0 $0x0  }
0x12: {  	s1 =	sld [smem:$0x3F9A];
	s0 =	simm.s32 @p0 $0x1  }
0x13: {  	[smem:$0x3FB5] =	sst s0;
	s0 =	simm.s32 @!p1 $0x0  }
0x14: {  	s2 =	sld [smem:$0x3F99];
	s0 =	simm.s32 @p1 $0x1  }
0x15: {  	[smem:$0x3FB6] =	sst s0;
	s0 =	simm.s32 @!p2 $0x0  }
0x16: {  	s3 =	sld [smem:$0x3FDB];
	s0 =	simm.s32 @p2 $0x1  }
0x17: {  	s4 =	simm.s32 $0x1BF5;
	[smem:$0x3FB8] =	sst s0  }
0x18: {  	s0 =	sld [smem:$0x3F9B];
	_ =	swait.ge [sflag:s4], $0x0  }
0x19: {  	s7 =	sld [smem:$0x3F9C]  }
0x1a: {  	s8 =	sadd.s32 $0xFFFFE003, lr  }
0x1b: {  	s9 =	sadd.s32 $0xFFFFFEF7, lr;
	s5 =	simm.s32 $0xFFFFFFFF;
	p2 =	slt.u32 s8, $0xFFFFF086  }
0x1c: {  	p1 =	slt.u32 s9, $0xF7A;
	s5 =	simm.s32 @!p2 $0x0  }
0x1d: {  	s5 =	simm.s32 @p1 $0x1;
	p0 =	seq.s32 s7, s2  }
0x1e: {  	s7 =	smul.u32 @!p0 $0xF7A, s2;
	p2 =	seq.s32 @!p0 s5, $0x0  }
0x1f: {  	s9 =	smul.u32 $0xF7A, s1;
	s8 =	simm.s32 @!p0 $0x1BF5;
	p2 =	por !p2, p0  }
0x20: {  	[sflag:s8] =	ssyncset.s32 @!p0 $0xFFFFF086;
	s6 =	sadd.s32 @!p0 s3, s7;
	s7 =	simm.s32 @!p0 $0x108  }
0x21: {  	s3 =	sadd.s32 s3, s9;
	s6 =	sadd.s32 @!p0 $0x88, s6;
	s7 =	simm.s32 @p2 $0x1082  }
0x22: {  	[simem:s7], [sflag:s8] =	dma.local @!p0 [hbm:s6], $0xF7A  }
0x23: {  	s9 =	sor.u32 $0xD0000000, s2;
	s6 =	simm.s32 $0x108;
	_ =	swait.ge @!p0 [sflag:s8], $0x0  }
0x24: {  	s3 =	sadd.s32 $0x88, s3;
	s6 =	simm.s32 @!p1 $0x1082;
	[sflag:s4] =	ssyncset.s32 $0xFFFFF086  }
0x25: {  	[simem:s6], [sflag:s4] =	dma.local [hbm:s3], $0xF7A  }
0x26: {  	[smem:$0x3F9C] =	sst s1;
	(tag) =	ssettag s2;
	_ =	strace s9  }
0x27: {  	s1 =	sld [smem:$0x3FAC]  }
0x28: {  	s2 =	sld [smem:$0x3FAD]  }
0x29: {  	s4 =	sld [smem:$0x3FAF]  }
0x2a: {  	p0 =	seq.s32 s5, $0x0;
	s5 =	sld [smem:$0x3FB0]  }
0x2b: {  	s6 =	sld [smem:$0x3FB1]  }
0x2c: {  	s7 =	sld [smem:$0x3FB2]  }
0x2d: {  	s3 =	simm.s32 $0x108;
	s8 =	sld [smem:$0x3FB3]  }
0x2e: {  	s3 =	simm.s32 @!p0 $0x1082;
	s9 =	sld [smem:$0x3FB4]  }
0x2f: {  	lr =	sadd.s32 s0, s3;
	s0 =	sld [smem:$0x3FAB]  }
0x30: {  	s3 =	sld [smem:$0x3FAE]  }
0x31: {  	[smem:$0x3FB7] =	sst s10  }
0x32: {  	s10 =	sld [smem:$0x3FB5];
	_ =	sdelay $0x3  }
0x33: {  	p0 =	seq.s32 s10, $0x1;
	s10 =	sld [smem:$0x3FB7];
	_ =	sdelay $0x3  }
0x34: {  	[smem:$0x3FB7] =	sst s10  }
0x35: {  	s10 =	sld [smem:$0x3FB6];
	_ =	sdelay $0x3  }
0x36: {  	p1 =	seq.s32 s10, $0x1;
	s10 =	sld [smem:$0x3FB7];
	_ =	sdelay $0x3  }
0x37: {  	[smem:$0x3FB7] =	sst s10  }
0x38: {  	s10 =	sld [smem:$0x3FB8]  }
0x39: {  	_ = 	snop;
	(pc) =	sbr.ind lr, $3  }
0x3a: {  	_ = 	snop  }
0x3b: {  	_ = 	snop  }
0x3c: {  	p2 =	seq.s32 s10, $0x1;
	s10 =	sld [smem:$0x3FB7]  }
0x3d: {  	_ =	shalt  }
0x3e: {  	_ =	shalt  }
0x3f: {  	_ =	shalt  }
0x40: {  	_ =	shalt  }
0x41: {  	_ =	shalt  }
0x42: {  	_ =	shalt  }
0x43: {  	_ =	shalt  }
0x44: {  	_ =	shalt  }
0x45: {  	_ =	shalt  }
0x46: {  	_ =	shalt  }
0x47: {  	_ =	shalt  }
0x48: {  	_ =	shalt  }
0x49: {  	_ =	shalt  }
0x4a: {  	_ =	shalt  }
0x4b: {  	_ =	shalt  }
0x4c: {  	_ =	shalt  }
0x4d: {  	_ =	shalt  }
0x4e: {  	_ =	shalt  }
0x4f: {  	_ =	shalt  }
0x50: {  	_ =	shalt  }
0x51: {  	_ =	shalt  }
0x52: {  	_ =	shalt  }
0x53: {  	_ =	shalt  }
0x54: {  	_ =	shalt  }
0x55: {  	_ =	shalt  }
0x56: {  	_ =	shalt  }
0x57: {  	_ =	shalt  }
0x58: {  	_ =	shalt  }
0x59: {  	_ =	shalt  }
0x5a: {  	_ =	shalt  }
0x5b: {  	_ =	shalt  }
0x5c: {  	_ =	shalt  }
0x5d: {  	_ =	shalt  }
0x5e: {  	_ =	shalt  }
0x5f: {  	_ =	shalt  }
0x60: {  	_ =	shalt  }
0x61: {  	_ =	shalt  }
0x62: {  	_ =	shalt  }
0x63: {  	_ =	shalt  }
0x64: {  	_ =	shalt  }
0x65: {  	_ =	shalt  }
0x66: {  	_ =	shalt  }
0x67: {  	_ =	shalt  }
0x68: {  	_ =	shalt  }
0x69: {  	_ =	shalt  }
0x6a: {  	_ =	shalt  }
0x6b: {  	_ =	shalt  }
0x6c: {  	_ =	shalt  }
0x6d: {  	_ =	shalt  }
0x6e: {  	_ =	shalt  }
0x6f: {  	_ =	shalt  }
0x70: {  	_ =	shalt  }
0x71: {  	_ =	shalt  }
0x72: {  	_ =	shalt  }
0x73: {  	_ =	shalt  }
0x74: {  	_ =	shalt  }
0x75: {  	_ =	shalt  }
0x76: {  	_ =	shalt  }
0x77: {  	_ =	shalt  }
0x78: {  	_ =	shalt  }
0x79: {  	_ =	shalt  }
0x7a: {  	_ =	shalt  }
0x7b: {  	_ =	shalt  }
0x7c: {  	_ =	shalt  }
0x7d: {  	_ =	shalt  }
0x7e: {  	_ =	shalt  }
0x7f: {  	_ =	shalt  }
0x80: {  	_ =	shalt  }
0x81: {  	_ =	shalt  }
0x82: {  	_ =	shalt  }
0x83: {  	_ =	shalt  }
0x84: {  	_ =	shalt  }
0x85: {  	_ =	shalt  }
0x86: {  	_ =	shalt  }
0x87: {  	_ =	shalt  }
.Lfunc_end0:
.L_simem_size_0:
called_computation_lowered:
.L_overlay_start_0:
0x88: {  	s2 =	sld [smem:$0x3FD9]  }
0x89: {  	s3 =	sld [smem:$0x3FFE];
	_ =	sdelay $0x1  }
0x8a: {  	s1 =	srdreg.scid  }
0x8b: {  	s0 =	sand.u32 $0x1, s1  }
0x8c: {  	s16 =	sshll.u32 s0, $0xA;
	s2 =	sadd.s32 s3, s2  }
0x8d: {  	s2 =	sadd.s32 s2, s16  }
0x8e: {  	[smem:$0x3FC3] =	sst s2  }
0x8f: {  	_ = 	snop  }
0x90: {  	(tm) =	ssettm $0x1  }
0x91: {  	s17 =	sld [smem:$0x3FFB];
	_ =	sdelay $0x3  }
0x92: {  	_ =	strace s17  }
0x93: {  	s2 =	sld [smem:$0x3FFC];
	_ =	sdelay $0x3  }
0x94: {  	_ =	strace s2  }
0x95: {  	s2 =	sld [smem:$0x3FFD];
	_ =	sdelay $0x3  }
0x96: {  	_ =	strace s2  }
0x97: {  	_ =	strace $0x8FFFFFFF  }
0x98: {  	s18 =	sld [smem:$0x3FDB];
	_ =	sdelay $0x1  }
0x99: {  	s19 =	simm.s32 $_scs_section_size  }
0x9a: {  	s4 =	simm.s32 $_size__tile_overlayer_lowered;
	s5 =	simm.s32 $_tile_overlayer_lowered  }
0x9b: {  	s22 =	simm.s32 $0x1BFF;
	s21 =	sshll.u32 s5, $0x1;
	s2 =	sadd.s32 s19, s18  }
0x9c: {  	s6 =	simm.s32 $0x0;
	s20 =	sshll.u32 s4, $0x1;
	s4 =	sadd.s32 s21, s2  }
0x9d: {  	[timem:s6], [sflag:s22] =	dma.local [hbm:s4], s20  }
0x9e: {  	_ =	swait.ge [sflag:s22], s20  }
0x9f: {  	s3 =	ssub.s32 $0x0, s20;
	[sflag:s22] =	ssyncset.done $0x0  }
0xa0: {  	[sflag:s22] =	ssyncadd.s32 s3;
	_ =	sdelay $0x1  }
0xa1: {  	s23 =	simm.s32 $0x1B8B  }
0xa2: {  	_ =	swait.ge [sflag:s23], $0x1  }
0xa3: {  	[sflag:s23] =	ssyncset.done $0x0  }
0xa4: {  	s25 =	simm.s32 $0x1B8E;
	s24 =	sld [smem:$0x3FFE];
	[sflag:s23] =	ssyncadd.s32 $0xFFFFFFFF  }
0xa5: {  	s26 =	simm.s32 $execute0_lowered;
	[smem:$0x3FD2] =	sst s25  }
0xa6: {  	s4 =	sshll.u32 s26, $0x1;
	_ =	strace $0x80000046;
	[dreg:$0x1] =	wrdreg $0xFFFFFFFF  }
0xa7: {  	s28 =	simm.s32 $_size_execute0_lowered;
	s2 =	sadd.s32 s2, s4;
	[dreg:$0x0] =	wrdreg $0x0  }
0xa8: {  	s4 =	sshll.u32 s28, $0x1;
	[dreg:$0x2] =	wrdreg s2  }
0xa9: {  	[dreg:$0x3] =	wrdreg s4  }
0xaa: {  	[dreg:$0x4] =	wrdreg $0xC0  }
0xab: {  	_ =	task [dreg:s6], $0x5FFFF  }
0xac: {  	[dreg:$0x1] =	wrdreg $0xFFFFFFFF  }
0xad: {  	[dreg:$0x0] =	wrdreg $0x60  }
0xae: {  	[dreg:$0x2] =	wrdreg s24  }
0xaf: {  	[dreg:$0x3] =	wrdreg $0x9  }
0xb0: {  	_ =	task.clear_ibuf [dreg:s6], $0x4FFFF;
	_ =	strace $0x90000046  }
0xb1: {  	s29 =	simm.s32 $0x9;
	_ =	strace $0x80000048  }
0xb2: {  	_ =	swait.ge [sflag:s29], $0x1  }
0xb3: {  	[sflag:s29] =	ssyncadd.s32 $0xFFFFFFFF  }
0xb4: {  	_ =	strace $0x90000048  }
0xb5: {  	_ =	sfence  }
0xb6: {  	s30 =	sld [smem:$0x0];
	_ =	sdelay $0x2  }
0xb7: {  	s31 =	sshll.u32 s1, $0xD;
	s1 =	sshrl.u32 s1, $0x2  }
0xb8: {  	s3 =	sand.u32 $0x4000, s31;
	s1 =	sadd.s32 s1, s30  }
0xb9: {  	s0 =	sor.u32 s3, s0;
	s1 =	sshll.u32 s1, $0x11  }
0xba: {  	s0 =	sor.u32 s1, s0  }
0xbb: {  	s0 =	sadd.s32 $0x8F2B, s0  }
0xbc: {  	[sflag:s0] =	ssyncadd.remote.s32 $0x1  }
0xbd: {  	_ =	sfence.sel $0xFFFF  }
0xbe: {  	[dreg:$0x0] =	wrdreg $0xFFFFFFFF;
	(pc) =	sbr.abs _section_cstart, $3  }
0xbf: {  	[dreg:$0x1] =	wrdreg $0xFFFFFFFF  }
0xc0: {  	_ =	task.clear_ibuf [dreg:s6], $0x2FFFF;
	_ =	strace $0x9FFFFFFF  }
0xc1: {  	(tm) =	ssettm $0x7FFFFFFF  }
tec
execute0_lowered:
.L_overlay_start_1:
0x0: {  	(tag) =	ssettag $0x1  }
0x1: {  	s1 =	srdreg.scid  }
0x2: {  	s0 =	stileid.u32;
	s28 =	sand.u32 $0x1, s1  }
0x3: {  	s3 =	sshll.u32 s0, $0x7;
	s4 =	sshll.u32 s28, $0x6  }
0x4: {  	s14 =	rddreg [dreg:$0x0];
	s2 =	simm.s32 $0x0;
	s3 =	sor.u32 s4, s3  }
0x5: {  	s5 =	simm.s32 $0x2;
	[smem:$0x7FF] =	sst s2;
	s3 =	sadd.s32 s14, s3  }
0x6: {  	s1 =	rddreg [dreg:$0x1];
	_ =	strace $0x80000047;
	s4 =	sadd.s32 $0x1800, s3  }
0x7: {  	[tilespmem:s2], [sflag:$0x2] =	stream.linear.gather [hbm4b:s4+s2], $0x200, $0x38;
	[tilespmem:$0x800] =	vst v63  }
0x8: {  	_ =	swait.ge [sflag:s5], $0x200  }
0x9: {  	[sflag:s5] =	ssyncset.done $0x0  }
0xa: {  	s7 =	simm.s32 $0x200;
	s6 =	sadd.s32 $0x1000, s3;
	[sflag:s5] =	ssyncadd.s32 $0xFFFFFE00  }
0xb: {  	[tilespmem:s7], [sflag:$0x2] =	stream.linear.gather [hbm4b:s6+s2], $0x200, $0x38;
	[tilespmem:$0x800] =	vst v63  }
0xc: {  	_ =	swait.ge [sflag:s5], $0x200  }
0xd: {  	[sflag:s5] =	ssyncset.done $0x0  }
0xe: {  	s9 =	simm.s32 $0x400;
	s8 =	sadd.s32 $0x800, s3;
	[sflag:s5] =	ssyncadd.s32 $0xFFFFFE00  }
0xf: {  	[tilespmem:s9], [sflag:$0x2] =	stream.linear.gather [hbm4b:s8+s2], $0x200, $0x38;
	[tilespmem:$0x800] =	vst v63  }
0x10: {  	_ =	swait.ge [sflag:s5], $0x200  }
0x11: {  	[sflag:s5] =	ssyncset.done $0x0  }
0x12: {  	s10 =	simm.s32 $0x600;
	[sflag:s5] =	ssyncadd.s32 $0xFFFFFE00  }
0x13: {  	[tilespmem:s10], [sflag:$0x2] =	stream.linear.gather [hbm4b:s3+s2], $0x200, $0x38;
	[tilespmem:$0x800] =	vst v63  }
0x14: {  	_ =	swait.ge [sflag:s5], $0x200  }
0x15: {  	[sflag:s5] =	ssyncset.done $0x0  }
0x16: {  	s12 =	simm.s32 $0x80;
	s11 =	sadd.s32 $0x2000, s14;
	[sflag:s5] =	ssyncadd.s32 $0xFFFFFE00  }
0x17: {  	[hbm4b:s11+s12] =	stream.indirect.scatter [tilespmem:s7], [sflag:$0x1], $0x1, s2, s12, $0xb8;
	[tilespmem:$0x800] =	vst v63  }
0x18: {  	s13 =	sadd.s32 $0x2800, s14  }
0x19: {  	[hbm4b:s13+s12] =	stream.indirect.scatter [tilespmem:s9], [sflag:$0x1], $0x1, s2, s12, $0xb8;
	[tilespmem:$0x800] =	vst v63  }
0x1a: {  	s14 =	sadd.s32 $0x3000, s14  }
0x1b: {  	[hbm4b:s14+s12] =	stream.indirect.scatter [tilespmem:s10], [sflag:$0x1], $0x1, s2, s12, $0xb8;
	[tilespmem:$0x800] =	vst v63  }
0x1c: {  	s15 =	simm.s32 $0x280  }
0x1d: {  	[hbm4b:s11+s12] =	stream.indirect.scatter [tilespmem:s15], [sflag:$0x1], $0x1, s12, s12, $0xb8;
	[tilespmem:$0x800] =	vst v63  }
0x1e: {  	s16 =	simm.s32 $0x480  }
0x1f: {  	[hbm4b:s13+s12] =	stream.indirect.scatter [tilespmem:s16], [sflag:$0x1], $0x1, s12, s12, $0xb8;
	[tilespmem:$0x800] =	vst v63  }
0x20: {  	s17 =	simm.s32 $0x680  }
0x21: {  	[hbm4b:s14+s12] =	stream.indirect.scatter [tilespmem:s17], [sflag:$0x1], $0x1, s12, s12, $0xb8;
	[tilespmem:$0x800] =	vst v63  }
0x22: {  	s18 =	simm.s32 $0x100;
	s19 =	simm.s32 $0x300  }
0x23: {  	[hbm4b:s11+s12] =	stream.indirect.scatter [tilespmem:s19], [sflag:$0x1], $0x1, s18, s12, $0xb8;
	[tilespmem:$0x800] =	vst v63  }
0x24: {  	s20 =	simm.s32 $0x500  }
0x25: {  	[hbm4b:s13+s12] =	stream.indirect.scatter [tilespmem:s20], [sflag:$0x1], $0x1, s18, s12, $0xb8;
	[tilespmem:$0x800] =	vst v63  }
0x26: {  	s21 =	simm.s32 $0x700  }
0x27: {  	[hbm4b:s14+s12] =	stream.indirect.scatter [tilespmem:s21], [sflag:$0x1], $0x1, s18, s12, $0xb8;
	[tilespmem:$0x800] =	vst v63  }
0x28: {  	s22 =	simm.s32 $0x180;
	s23 =	simm.s32 $0x380  }
0x29: {  	[hbm4b:s11+s12] =	stream.indirect.scatter [tilespmem:s23], [sflag:$0x1], $0x1, s22, s12, $0xb8;
	[tilespmem:$0x800] =	vst v63  }
0x2a: {  	s24 =	simm.s32 $0x580  }
0x2b: {  	[hbm4b:s13+s12] =	stream.indirect.scatter [tilespmem:s24], [sflag:$0x1], $0x1, s22, s12, $0xb8;
	[tilespmem:$0x800] =	vst v63  }
0x2c: {  	s25 =	simm.s32 $0x780;
	s26 =	simm.s32 $0x1  }
0x2d: {  	[hbm4b:s14+s12] =	stream.indirect.scatter [tilespmem:s25], [sflag:$0x1], $0x1, s22, s12, $0xb8;
	[tilespmem:$0x800] =	vst v63  }
0x2e: {  	_ =	swait.ge [sflag:s26], $0x80  }
0x2f: {  	[sflag:s26] =	ssyncset.done $0x0  }
0x30: {  	[sflag:s26] =	ssyncadd.s32 $0xFFFFFF80  }
0x31: {  	_ =	swait.ge [sflag:s26], $0x80  }
0x32: {  	[sflag:s26] =	ssyncset.done $0x0  }
0x33: {  	[sflag:s26] =	ssyncadd.s32 $0xFFFFFF80  }
0x34: {  	_ =	swait.ge [sflag:s26], $0x80  }
0x35: {  	[sflag:s26] =	ssyncset.done $0x0  }
0x36: {  	[sflag:s26] =	ssyncadd.s32 $0xFFFFFF80  }
0x37: {  	_ =	swait.ge [sflag:s26], $0x80  }
0x38: {  	[sflag:s26] =	ssyncset.done $0x0  }
0x39: {  	[sflag:s26] =	ssyncadd.s32 $0xFFFFFF80  }
0x3a: {  	_ =	swait.ge [sflag:s26], $0x80  }
0x3b: {  	[sflag:s26] =	ssyncset.done $0x0  }
0x3c: {  	[sflag:s26] =	ssyncadd.s32 $0xFFFFFF80  }
0x3d: {  	_ =	swait.ge [sflag:s26], $0x80  }
0x3e: {  	[sflag:s26] =	ssyncset.done $0x0  }
0x3f: {  	[sflag:s26] =	ssyncadd.s32 $0xFFFFFF80  }
0x40: {  	_ =	swait.ge [sflag:s26], $0x80  }
0x41: {  	[sflag:s26] =	ssyncset.done $0x0  }
0x42: {  	[sflag:s26] =	ssyncadd.s32 $0xFFFFFF80  }
0x43: {  	_ =	swait.ge [sflag:s26], $0x80  }
0x44: {  	[sflag:s26] =	ssyncset.done $0x0  }
0x45: {  	[sflag:s26] =	ssyncadd.s32 $0xFFFFFF80  }
0x46: {  	_ =	swait.ge [sflag:s26], $0x80  }
0x47: {  	s28 =	ssub.s32 $0x2, s28;
	[sflag:s26] =	ssyncset.done $0x0  }
0x48: {  	s29 =	sshrl.u32 s28, $0x1;
	[sflag:s26] =	ssyncadd.s32 $0xFFFFFF80  }
0x49: {  	s28 =	ssub.s32 s28, s29;
	_ =	swait.ge [sflag:s26], $0x80  }
0x4a: {  	s28 =	smax.u32 s28, $0x1;
	[sflag:s26] =	ssyncset.done $0x0  }
0x4b: {  	p0 =	sne.s32 s28, $0x1;
	[sflag:s26] =	ssyncadd.s32 $0xFFFFFF80  }
.Ltmp0:
0x4c: {  	_ =	swait.ge [sflag:s26], $0x80;
	(pc) =	sbr.rel @!p0 .LBB2_2-.Ltmp0, $4  }
0x4d: {  	[sflag:s26] =	ssyncset.done $0x0  }
0x4e: {  	[sflag:s26] =	ssyncadd.s32 $0xFFFFFF80  }
0x4f: {  	_ =	swait.ge [sflag:s26], $0x80  }
0x50: {  	s28 =	sadd.s32 $0xFFFFFFFF, s28;
	[sflag:s26] =	ssyncset.done $0x0  }
.LBB2_1:
0x51: {  	p0 =	sne.s32 s28, $0x1;
	s28 =	sadd.s32 $0xFFFFFFFF, s28;
	[sflag:s26] =	ssyncadd.s32 $0xFFFFFF80  }
0x52: {  	[tilespmem:s2], [sflag:$0x2] =	stream.linear.gather [hbm4b:s4+s2], $0x200, $0x38;
	[tilespmem:$0x800] =	vst v63  }
0x53: {  	_ =	swait.ge [sflag:s5], $0x200  }
0x54: {  	[sflag:s5] =	ssyncset.done $0x0  }
0x55: {  	[sflag:s5] =	ssyncadd.s32 $0xFFFFFE00  }
0x56: {  	[tilespmem:s7], [sflag:$0x2] =	stream.linear.gather [hbm4b:s6+s2], $0x200, $0x38;
	[tilespmem:$0x800] =	vst v63  }
0x57: {  	_ =	swait.ge [sflag:s5], $0x200  }
0x58: {  	[sflag:s5] =	ssyncset.done $0x0  }
0x59: {  	[sflag:s5] =	ssyncadd.s32 $0xFFFFFE00  }
0x5a: {  	[tilespmem:s9], [sflag:$0x2] =	stream.linear.gather [hbm4b:s8+s2], $0x200, $0x38;
	[tilespmem:$0x800] =	vst v63  }
0x5b: {  	_ =	swait.ge [sflag:s5], $0x200  }
0x5c: {  	[sflag:s5] =	ssyncset.done $0x0  }
0x5d: {  	[sflag:s5] =	ssyncadd.s32 $0xFFFFFE00  }
0x5e: {  	[tilespmem:s10], [sflag:$0x2] =	stream.linear.gather [hbm4b:s3+s2], $0x200, $0x38;
	[tilespmem:$0x800] =	vst v63  }
0x5f: {  	_ =	swait.ge [sflag:s5], $0x200  }
0x60: {  	[sflag:s5] =	ssyncset.done $0x0  }
0x61: {  	[sflag:s5] =	ssyncadd.s32 $0xFFFFFE00  }
0x62: {  	[hbm4b:s11+s12] =	stream.indirect.scatter [tilespmem:s7], [sflag:$0x1], $0x1, s2, s12, $0xb8;
	[tilespmem:$0x800] =	vst v63  }
0x63: {  	_ = 	snop  }
0x64: {  	[hbm4b:s13+s12] =	stream.indirect.scatter [tilespmem:s9], [sflag:$0x1], $0x1, s2, s12, $0xb8;
	[tilespmem:$0x800] =	vst v63  }
0x65: {  	_ = 	snop  }
0x66: {  	[hbm4b:s14+s12] =	stream.indirect.scatter [tilespmem:s10], [sflag:$0x1], $0x1, s2, s12, $0xb8;
	[tilespmem:$0x800] =	vst v63  }
0x67: {  	_ = 	snop  }
0x68: {  	[hbm4b:s11+s12] =	stream.indirect.scatter [tilespmem:s15], [sflag:$0x1], $0x1, s12, s12, $0xb8;
	[tilespmem:$0x800] =	vst v63  }
0x69: {  	_ = 	snop  }
0x6a: {  	[hbm4b:s13+s12] =	stream.indirect.scatter [tilespmem:s16], [sflag:$0x1], $0x1, s12, s12, $0xb8;
	[tilespmem:$0x800] =	vst v63  }
0x6b: {  	_ = 	snop  }
0x6c: {  	[hbm4b:s14+s12] =	stream.indirect.scatter [tilespmem:s17], [sflag:$0x1], $0x1, s12, s12, $0xb8;
	[tilespmem:$0x800] =	vst v63  }
0x6d: {  	_ = 	snop  }
0x6e: {  	[hbm4b:s11+s12] =	stream.indirect.scatter [tilespmem:s19], [sflag:$0x1], $0x1, s18, s12, $0xb8;
	[tilespmem:$0x800] =	vst v63  }
0x6f: {  	_ = 	snop  }
0x70: {  	[hbm4b:s13+s12] =	stream.indirect.scatter [tilespmem:s20], [sflag:$0x1], $0x1, s18, s12, $0xb8;
	[tilespmem:$0x800] =	vst v63  }
0x71: {  	_ = 	snop  }
0x72: {  	[hbm4b:s14+s12] =	stream.indirect.scatter [tilespmem:s21], [sflag:$0x1], $0x1, s18, s12, $0xb8;
	[tilespmem:$0x800] =	vst v63  }
0x73: {  	_ = 	snop  }
0x74: {  	[hbm4b:s11+s12] =	stream.indirect.scatter [tilespmem:s23], [sflag:$0x1], $0x1, s22, s12, $0xb8;
	[tilespmem:$0x800] =	vst v63  }
0x75: {  	_ = 	snop  }
0x76: {  	[hbm4b:s13+s12] =	stream.indirect.scatter [tilespmem:s24], [sflag:$0x1], $0x1, s22, s12, $0xb8;
	[tilespmem:$0x800] =	vst v63  }
0x77: {  	_ = 	snop  }
0x78: {  	[hbm4b:s14+s12] =	stream.indirect.scatter [tilespmem:s25], [sflag:$0x1], $0x1, s22, s12, $0xb8;
	[tilespmem:$0x800] =	vst v63  }
0x79: {  	_ =	swait.ge [sflag:s26], $0x80  }
0x7a: {  	[sflag:s26] =	ssyncset.done $0x0  }
0x7b: {  	[sflag:s26] =	ssyncadd.s32 $0xFFFFFF80  }
0x7c: {  	_ =	swait.ge [sflag:s26], $0x80  }
0x7d: {  	[sflag:s26] =	ssyncset.done $0x0  }
0x7e: {  	[sflag:s26] =	ssyncadd.s32 $0xFFFFFF80  }
0x7f: {  	_ =	swait.ge [sflag:s26], $0x80  }
0x80: {  	[sflag:s26] =	ssyncset.done $0x0  }
0x81: {  	[sflag:s26] =	ssyncadd.s32 $0xFFFFFF80  }
0x82: {  	_ =	swait.ge [sflag:s26], $0x80  }
0x83: {  	[sflag:s26] =	ssyncset.done $0x0  }
0x84: {  	[sflag:s26] =	ssyncadd.s32 $0xFFFFFF80  }
0x85: {  	_ =	swait.ge [sflag:s26], $0x80  }
0x86: {  	[sflag:s26] =	ssyncset.done $0x0  }
0x87: {  	[sflag:s26] =	ssyncadd.s32 $0xFFFFFF80  }
0x88: {  	_ =	swait.ge [sflag:s26], $0x80  }
0x89: {  	[sflag:s26] =	ssyncset.done $0x0  }
0x8a: {  	[sflag:s26] =	ssyncadd.s32 $0xFFFFFF80  }
0x8b: {  	_ =	swait.ge [sflag:s26], $0x80  }
0x8c: {  	[sflag:s26] =	ssyncset.done $0x0  }
0x8d: {  	[sflag:s26] =	ssyncadd.s32 $0xFFFFFF80  }
0x8e: {  	_ =	swait.ge [sflag:s26], $0x80  }
0x8f: {  	[sflag:s26] =	ssyncset.done $0x0  }
0x90: {  	[sflag:s26] =	ssyncadd.s32 $0xFFFFFF80  }
0x91: {  	_ =	swait.ge [sflag:s26], $0x80  }
0x92: {  	[sflag:s26] =	ssyncset.done $0x0  }
0x93: {  	[sflag:s26] =	ssyncadd.s32 $0xFFFFFF80  }
0x94: {  	_ =	swait.ge [sflag:s26], $0x80  }
0x95: {  	[sflag:s26] =	ssyncset.done $0x0  }
0x96: {  	[sflag:s26] =	ssyncadd.s32 $0xFFFFFF80  }
.Ltmp1:
0x97: {  	_ =	swait.ge [sflag:s26], $0x80;
	(pc) =	sbr.rel @p0 .LBB2_1-.Ltmp1, $4  }
0x98: {  	[sflag:s26] =	ssyncset.done $0x0  }
0x99: {  	[sflag:s26] =	ssyncadd.s32 $0xFFFFFF80  }
0x9a: {  	_ =	swait.ge [sflag:s26], $0x80  }
0x9b: {  	[sflag:s26] =	ssyncset.done $0x0  }
.LBB2_2:
0x9c: {  	[sflag:s26] =	ssyncadd.s32 $0xFFFFFF80  }
0x9d: {  	_ =	sfence.sel $0x180000  }
0x9e: {  	[bflag:$0x0] =	sbarrier.arrive $0xFFFF  }
0x9f: {  	p0 =	sne.s32 s0, $0x0;
	_ =	strace $0x90000047  }
0xa0: {  	s0 =	sadd.s32 @!p0 $0x100000, s1;
	[bflag:$0x2] =	sbarrier.arrive $0xFFFF  }
0xa1: {  	[sflag:s0] =	ssyncadd.tile.s32 @!p0 $0x1;
	_ =	shalt  }
.Lfunc_end2:
_tile_overlayer_lowered:
.L_overlay_start_2:
0xa2: {  	(tag) =	ssettag $0x2  }
0xa3: {  	s0 =	rddreg [dreg:$0x0];
	s2 =	stileid.u32  }
0xa4: {  	s1 =	rddreg [dreg:$0x1];
	p0 =	sne.s32 s2, $0x0  }
0xa5: {  	s3 =	rddreg [dreg:$0x2];
	[bflag:$0x3] =	sbarrier.arrive $0xFFFF;
	s2 =	simm.s32 @!p0 $0x1C02  }
0xa6: {  	[timem:s3], [sflag:s2] =	dma.local @!p0 [hbm:s0], s1  }
0xa7: {  	s0 =	simm.s32 @!p0 $0x2  }
0xa8: {  	_ =	swait.ge @!p0 [sflag:s0], s1  }
0xa9: {  	s1 =	ssub.s32 @!p0 $0x0, s1;
	[sflag:s0] =	ssyncset.done @!p0 $0x0  }
0xaa: {  	[sflag:s0] =	ssyncadd.s32 @!p0 s1  }
0xab: {  	[bflag:$0x3] =	sbarrier.arrive $0xFFFF  }
0xac: {  	_ =	shalt  }

</sc_bundles>
